<compile_context>
chip_gen: v7x
topology: tpu7x:2x2x1
jax: 0.10.2.dev20260603
libtpu: 0.0.44.dev20260713+nightly
codegen_flags: <defaults>
</compile_context>

<pallas_src>
import functools

import jax
import jax.numpy as jnp
from jax import lax
from jax.experimental import pallas as pl
from jax.experimental.pallas import tpu as pltpu
from jax.experimental.pallas import tpu_sc as plsc

N = 10000
IN = 128
HID = 16
HEADS = 8
OUT = 64
D1 = HEADS * HID

NC = 2
NS = 16
NW = NC * NS
L = 16

NP = 10112
RPT = NP // NS
E_TOT = 320000 + N

B1, B2 = 96, 96


def _nblk(b):
    return 4 * (-(-E_TOT // (4 * NW * b)))


NBLK1 = _nblk(B1)
NBLK2 = _nblk(B2)
EP_ARR = max(NBLK1 * NW * B1 + 2 * B1, NBLK2 * NW * B2 + 2 * B2)
BN = 1000



def _tc1_body(x_ref, w1_ref, as_ref, ad_ref, h_ref, a_s_ref, a_d_ref):
    h = jnp.dot(x_ref[...], w1_ref[...], preferred_element_type=jnp.float32)
    h_ref[...] = h
    a_s_ref[...] = jnp.dot(h, as_ref[...], preferred_element_type=jnp.float32)
    a_d_ref[...] = jnp.dot(h, ad_ref[...], preferred_element_type=jnp.float32)


def _tc1(x, W1, AS16, AD16):
    return pl.pallas_call(
        _tc1_body,
        grid=(N // BN,),
        in_specs=[
            pl.BlockSpec((BN, IN), lambda i: (i, 0)),
            pl.BlockSpec((IN, D1), lambda i: (0, 0)),
            pl.BlockSpec((D1, 16), lambda i: (0, 0)),
            pl.BlockSpec((D1, 16), lambda i: (0, 0)),
        ],
        out_specs=[
            pl.BlockSpec((BN, D1), lambda i: (i, 0)),
            pl.BlockSpec((BN, 16), lambda i: (i, 0)),
            pl.BlockSpec((BN, 16), lambda i: (i, 0)),
        ],
        out_shape=[
            jax.ShapeDtypeStruct((NP, D1), jnp.float32),
            jax.ShapeDtypeStruct((NP, 16), jnp.float32),
            jax.ShapeDtypeStruct((NP, 16), jnp.float32),
        ],
    )(x, W1, AS16, AD16)


def _tc2_body(acc_ref, den_ref, r_ref, b1_ref, w2_ref,
              ps_ref, pd_ref, h2_ref, a_s_ref, a_d_ref):
    den = den_ref[0] + den_ref[1]
    dfull = jnp.dot(den, r_ref[...], preferred_element_type=jnp.float32)
    g = (acc_ref[0] + acc_ref[1]) / (dfull + 1e-16) + b1_ref[...]
    hcur = jnp.where(g > 0.0, g, jnp.exp(g) - 1.0)
    h2 = jnp.dot(hcur, w2_ref[...], preferred_element_type=jnp.float32)
    h2_ref[...] = h2
    a_s_ref[...] = jnp.dot(h2, ps_ref[...], preferred_element_type=jnp.float32)
    a_d_ref[...] = jnp.dot(h2, pd_ref[...], preferred_element_type=jnp.float32)


def _tc2(acc, den, R, b1, W2, PS, PD):
    return pl.pallas_call(
        _tc2_body,
        grid=(N // BN,),
        in_specs=[
            pl.BlockSpec((NC, BN, D1), lambda i: (0, i, 0)),
            pl.BlockSpec((NC, BN, 16), lambda i: (0, i, 0)),
            pl.BlockSpec((16, D1), lambda i: (0, 0)),
            pl.BlockSpec((1, D1), lambda i: (0, 0)),
            pl.BlockSpec((D1, OUT), lambda i: (0, 0)),
            pl.BlockSpec((OUT, 16), lambda i: (0, 0)),
            pl.BlockSpec((OUT, 16), lambda i: (0, 0)),
        ],
        out_specs=[
            pl.BlockSpec((BN, OUT), lambda i: (i, 0)),
            pl.BlockSpec((BN, 16), lambda i: (i, 0)),
            pl.BlockSpec((BN, 16), lambda i: (i, 0)),
        ],
        out_shape=[
            jax.ShapeDtypeStruct((NP, OUT), jnp.float32),
            jax.ShapeDtypeStruct((NP, 16), jnp.float32),
            jax.ShapeDtypeStruct((NP, 16), jnp.float32),
        ],
    )(acc, den, R, b1, W2, PS, PD)


def _tc3_body(acc_ref, den_ref, q_ref, b2_ref, out_ref):
    den = jnp.dot(den_ref[0] + den_ref[1], q_ref[...],
                  preferred_element_type=jnp.float32)
    t = (acc_ref[0] + acc_ref[1]) / (den + 1e-16) + b2_ref[...]
    m = jnp.max(t, axis=1, keepdims=True)
    ex = jnp.exp(t - m)
    lse = jnp.log(jnp.sum(ex, axis=1, keepdims=True))
    out_ref[...] = t - m - lse


def _tc3(acc, den, Q, b2):
    return pl.pallas_call(
        _tc3_body,
        grid=(N // BN,),
        in_specs=[
            pl.BlockSpec((NC, BN, OUT), lambda i: (0, i, 0)),
            pl.BlockSpec((NC, BN, 16), lambda i: (0, i, 0)),
            pl.BlockSpec((16, OUT), lambda i: (0, 0)),
            pl.BlockSpec((1, OUT), lambda i: (0, 0)),
        ],
        out_specs=pl.BlockSpec((BN, OUT), lambda i: (i, 0)),
        out_shape=jax.ShapeDtypeStruct((N, OUT), jnp.float32),
    )(acc, den, Q, b2)



def _make_sc_edge(D, H, B, NBLK, name):
    CH = D // H
    mesh = plsc.VectorSubcoreMesh(
        core_axis_name="c", subcore_axis_name="s",
        num_cores=NC, num_subcores=NS)

    def body(h_hbm, as_hbm, ad_hbm, src_hbm, dst_hbm, zD_hbm, z16_hbm,
             acc_out, den_out, *rest):
        sidx = rest[0:4]
        didx = rest[4:8]
        gs = rest[8:10]
        gd = rest[10:12]
        hb = rest[12:14]
        exb = rest[14:16]
        acc_sh, den_sh = rest[16:18]
        gsem = (rest[18:21], rest[21:24])
        isem = rest[24:28]

        c = lax.axis_index("c")
        s = lax.axis_index("s")
        r0 = s * RPT
        wid = c * NS + s
        base0 = wid * (NBLK * B)
        lane = lax.broadcasted_iota(jnp.int32, (L,), 0)

        def idx_issue(b, q):
            base = base0 + b * B
            pltpu.async_copy(src_hbm.at[pl.ds(base, B)], sidx[q], isem[q])
            pltpu.async_copy(dst_hbm.at[pl.ds(base, B)], didx[q], isem[q])

        def idx_wait(b, q):
            base = base0 + b * B
            pltpu.make_async_copy(src_hbm.at[pl.ds(base, B)], sidx[q], isem[q]).wait()
            pltpu.make_async_copy(dst_hbm.at[pl.ds(base, B)], didx[q], isem[q]).wait()

        def g_issue(d, q):
            pltpu.async_copy(as_hbm.at[sidx[q]], gs[d], gsem[d][0])
            pltpu.async_copy(ad_hbm.at[didx[q]], gd[d], gsem[d][1])
            pltpu.async_copy(h_hbm.at[sidx[q]], hb[d], gsem[d][2])

        def g_wait(d, q):
            pltpu.make_async_copy(as_hbm.at[sidx[q]], gs[d], gsem[d][0]).wait()
            pltpu.make_async_copy(ad_hbm.at[didx[q]], gd[d], gsem[d][1]).wait()
            pltpu.make_async_copy(h_hbm.at[sidx[q]], hb[d], gsem[d][2]).wait()

        def compute(d):
            gs_d, gd_d, hb_d, exb_d = gs[d], gd[d], hb[d], exb[d]

            @plsc.parallel_loop(0, B, unroll=4)
            def edge(e):
                u = gs_d[e, :] + gd_d[e, :]
                a = jnp.where(u >= 0.0, u, 0.2 * u)
                exm = jnp.where(lane < H, jnp.exp(a), 0.0)
                exb_d[e, :] = exm
                for hd in range(H):
                    scv = jnp.full((L,), exm[hd], dtype=jnp.float32)
                    for v in range(CH // L):
                        col = hd * CH + v * L
                        hb_d[e, pl.ds(col, L)] = hb_d[e, pl.ds(col, L)] * scv

        def do_block(b, d, q, qn, qnn):
            g_wait(d, q)
            idx_wait(b + 1, qn)
            g_issue((d + 1) % 2, qn)
            idx_issue(b + 2, qnn)
            compute(d)
            pltpu.sync_copy(exb[d], den_sh.at[didx[q]], add=True)
            pltpu.sync_copy(hb[d], acc_sh.at[didx[q]], add=True)

        idx_issue(0, 0)
        idx_issue(1, 1)
        idx_wait(0, 0)
        g_issue(0, 0)
        pltpu.sync_copy(zD_hbm.at[pl.ds(r0, RPT)], acc_sh.at[pl.ds(r0, RPT)])
        pltpu.sync_copy(z16_hbm.at[pl.ds(r0, RPT)], den_sh.at[pl.ds(r0, RPT)])
        plsc.subcore_barrier()

        def quad(bb, carry):
            for p in range(4):
                b = bb * 4 + p
                do_block(b, p % 2, p, (p + 1) % 4, (p + 2) % 4)
            return carry

        lax.fori_loop(0, NBLK // 4, quad, 0)
        g_wait(0, 0)
        idx_wait(NBLK + 1, 1)
        plsc.subcore_barrier()
        pltpu.sync_copy(acc_sh.at[pl.ds(r0, RPT)], acc_out.at[c, pl.ds(r0, RPT)])
        pltpu.sync_copy(den_sh.at[pl.ds(r0, RPT)], den_out.at[c, pl.ds(r0, RPT)])

    return pl.kernel(
        body,
        out_type=(jax.ShapeDtypeStruct((NC, NP, D), jnp.float32),
                  jax.ShapeDtypeStruct((NC, NP, 16), jnp.float32)),
        mesh=mesh,
        scratch_types=(
            [pltpu.VMEM((B,), jnp.int32) for _ in range(8)]
            + [pltpu.VMEM((B, 16), jnp.float32) for _ in range(4)]
            + [pltpu.VMEM((B, D), jnp.float32) for _ in range(2)]
            + [pltpu.VMEM((B, 16), jnp.float32) for _ in range(2)]
            + [pltpu.VMEM_SHARED((NP, D), jnp.float32),
               pltpu.VMEM_SHARED((NP, 16), jnp.float32)]
            + [pltpu.SemaphoreType.DMA for _ in range(10)]
        ),
        compiler_params=pltpu.CompilerParams(use_tc_tiling_on_sc=False),
        name=name,
    )


_sc_edge1 = _make_sc_edge(D1, HEADS, B1, NBLK1, "gat_edge_l1")
_sc_edge2 = _make_sc_edge(OUT, 1, B2, NBLK2, "gat_edge_l2")



def kernel(x, edge_index, W1, att_src1, att_dst1, bias1,
           W2, att_src2, att_dst2, bias2):
    f32 = jnp.float32
    loop = jnp.arange(N, dtype=jnp.int32)
    padv = N + jnp.arange(EP_ARR - E_TOT, dtype=jnp.int32) % (NP - N)
    src = jnp.concatenate([edge_index[0], loop, padv])
    dst = jnp.concatenate([edge_index[1], loop, padv])

    af_s = att_src1.reshape(-1)
    af_d = att_dst1.reshape(-1)
    colh = jnp.arange(16)[None, :]
    rowh = (jnp.arange(D1) // HID)[:, None]
    AS16 = jnp.where(colh == rowh, af_s[:, None], 0.0).astype(f32)
    AD16 = jnp.where(colh == rowh, af_d[:, None], 0.0).astype(f32)
    R = jnp.where((jnp.arange(D1)[None, :] // HID) == jnp.arange(16)[:, None],
                  1.0, 0.0).astype(f32)
    PS = jnp.where(colh[:, :16] == 0, att_src2.reshape(-1)[:, None], 0.0).astype(f32)
    PD = jnp.where(colh[:, :16] == 0, att_dst2.reshape(-1)[:, None], 0.0).astype(f32)
    Q = jnp.where(jnp.arange(16)[:, None] == 0, jnp.ones((16, OUT), f32), 0.0)

    zD1 = jnp.zeros((NP, D1), f32)
    zD2 = jnp.zeros((NP, OUT), f32)
    z16 = jnp.zeros((NP, 16), f32)

    h1, a_s1, a_d1 = _tc1(x, W1, AS16, AD16)
    acc1, den1 = _sc_edge1(h1, a_s1, a_d1, src, dst, zD1, z16)

    h2, a_s2, a_d2 = _tc2(acc1, den1, R, bias1.reshape(1, D1), W2, PS, PD)
    acc2, den2 = _sc_edge2(h2, a_s2, a_d2, src, dst, zD2, z16)

    return _tc3(acc2, den2, Q, bias2.reshape(1, OUT))

# --- scband reference (transcript-rebuilt; emitter-appended) ---
"""Pipeline reference for scband-gat-22548578304736 (READ-ONLY COPY).

The authoritative reference and input builder live on the scoring server;
editing this copy changes nothing except your own understanding.
"""

import jax, jax.numpy as jnp
import numpy as np

N = 10000
E = 320000
IN = 128
HID = 16
HEADS = 8
OUT = 64


def setup_inputs(seed: int = 0) -> dict:
    key = jax.random.key(seed)
    ks = jax.random.split(key, 12)
    inp = {}
    inp["x"] = jax.random.normal(ks[0], (N, IN), dtype=jnp.float32)
    inp["edge_index"] = jax.random.randint(ks[1], (2, E), 0, N, dtype=jnp.int32)
    # conv1 params (GATConv(IN, HID, heads=HEADS, concat=True))
    inp["W1"] = jax.random.normal(ks[2], (IN, HEADS * HID), dtype=jnp.float32) * (1.0 / np.sqrt(IN))
    inp["att_src1"] = jax.random.normal(ks[3], (1, HEADS, HID), dtype=jnp.float32) * (1.0 / np.sqrt(HID))
    inp["att_dst1"] = jax.random.normal(ks[4], (1, HEADS, HID), dtype=jnp.float32) * (1.0 / np.sqrt(HID))
    inp["bias1"] = jnp.zeros((HEADS * HID,), dtype=jnp.float32)
    # conv2 params (GATConv(HEADS*HID, OUT, heads=1, concat=False))
    inp["W2"] = jax.random.normal(ks[5], (HEADS * HID, OUT), dtype=jnp.float32) * (1.0 / np.sqrt(HEADS * HID))
    inp["att_src2"] = jax.random.normal(ks[6], (1, 1, OUT), dtype=jnp.float32) * (1.0 / np.sqrt(OUT))
    inp["att_dst2"] = jax.random.normal(ks[7], (1, 1, OUT), dtype=jnp.float32) * (1.0 / np.sqrt(OUT))
    inp["bias2"] = jnp.zeros((OUT,), dtype=jnp.float32)
    return inp


def gat_conv(x, edge_index, W, att_src, att_dst, bias, heads, out_ch, concat):
    n = x.shape[0]
    # PyG GATConv adds self-loops by default
    loop = jnp.arange(n, dtype=edge_index.dtype)
    src = jnp.concatenate([edge_index[0], loop])
    dst = jnp.concatenate([edge_index[1], loop])
    h = (x @ W).reshape(n, heads, out_ch)
    alpha_src = (h * att_src).sum(axis=-1)  # [N, heads]
    alpha_dst = (h * att_dst).sum(axis=-1)  # [N, heads]
    alpha = alpha_src[src] + alpha_dst[dst]  # [E+N, heads]
    alpha = jax.nn.leaky_relu(alpha, negative_slope=0.2)
    # numerically-stable softmax over incoming edges of each dst node
    amax = jax.ops.segment_max(alpha, dst, num_segments=n)
    amax = jnp.where(jnp.isfinite(amax), amax, 0.0)
    amax = jax.lax.stop_gradient(amax)
    ex = jnp.exp(alpha - amax[dst])
    denom = jax.ops.segment_sum(ex, dst, num_segments=n)
    attn = ex / (denom[dst] + 1e-16)
    # dropout p=0.6 on attn in training; eval mode -> identity
    msg = h[src] * attn[:, :, None]
    out = jax.ops.segment_sum(msg, dst, num_segments=n)
    if concat:
        out = out.reshape(n, heads * out_ch)
    else:
        out = out.mean(axis=1)
    return out + bias


def reference(x, edge_index, W1, att_src1, att_dst1, bias1, W2, att_src2, att_dst2, bias2):
    # F.dropout(p=0.6) is identity in eval mode
    h = gat_conv(x, edge_index, W1, att_src1, att_dst1, bias1, HEADS, HID, True)
    h = jax.nn.elu(h)
    h = gat_conv(h, edge_index, W2, att_src2, att_dst2, bias2, 1, OUT, False)
    return jax.nn.log_softmax(h, axis=1)

if __name__ == "__main__":
    import jax
    _d = setup_inputs()
    print(jax.jit(kernel)(*tuple(_d.values())))

</pallas_src>

<mosaic_0001>
#map = affine_map<(d0, d1) -> (0, 0)>
#map1 = affine_map<(d0, d1) -> (0)>
#map2 = affine_map<(d0, d1) -> (0, 0, 0)>
module attributes {stable_mosaic.version = 14 : i64} {
  func.func @gat_edge_l1(%arg0: i32, %arg1: i32, %arg2: memref<10112x128xf32, #tpu.memory_space<hbm>>, %arg3: memref<10112x16xf32, #tpu.memory_space<hbm>>, %arg4: memref<10112x16xf32, #tpu.memory_space<hbm>>, %arg5: memref<331968xi32, #tpu.memory_space<hbm>>, %arg6: memref<331968xi32, #tpu.memory_space<hbm>>, %arg7: memref<10112x128xf32, #tpu.memory_space<hbm>>, %arg8: memref<10112x16xf32, #tpu.memory_space<hbm>>, %arg9: memref<2x10112x128xf32, #tpu.memory_space<hbm>>, %arg10: memref<2x10112x16xf32, #tpu.memory_space<hbm>>, %arg11: memref<96xi32, #tpu.memory_space<vmem>>, %arg12: memref<96xi32, #tpu.memory_space<vmem>>, %arg13: memref<96xi32, #tpu.memory_space<vmem>>, %arg14: memref<96xi32, #tpu.memory_space<vmem>>, %arg15: memref<96xi32, #tpu.memory_space<vmem>>, %arg16: memref<96xi32, #tpu.memory_space<vmem>>, %arg17: memref<96xi32, #tpu.memory_space<vmem>>, %arg18: memref<96xi32, #tpu.memory_space<vmem>>, %arg19: memref<96x16xf32, #tpu.memory_space<vmem>>, %arg20: memref<96x16xf32, #tpu.memory_space<vmem>>, %arg21: memref<96x16xf32, #tpu.memory_space<vmem>>, %arg22: memref<96x16xf32, #tpu.memory_space<vmem>>, %arg23: memref<96x128xf32, #tpu.memory_space<vmem>>, %arg24: memref<96x128xf32, #tpu.memory_space<vmem>>, %arg25: memref<96x16xf32, #tpu.memory_space<vmem>>, %arg26: memref<96x16xf32, #tpu.memory_space<vmem>>, %arg27: memref<10112x128xf32, #tpu.memory_space<vmem_shared>>, %arg28: memref<10112x16xf32, #tpu.memory_space<vmem_shared>>, %arg29: memref<!tpu.dma_semaphore, #tpu.memory_space<semaphore_mem>>, %arg30: memref<!tpu.dma_semaphore, #tpu.memory_space<semaphore_mem>>, %arg31: memref<!tpu.dma_semaphore, #tpu.memory_space<semaphore_mem>>, %arg32: memref<!tpu.dma_semaphore, #tpu.memory_space<semaphore_mem>>, %arg33: memref<!tpu.dma_semaphore, #tpu.memory_space<semaphore_mem>>, %arg34: memref<!tpu.dma_semaphore, #tpu.memory_space<semaphore_mem>>, %arg35: memref<!tpu.dma_semaphore, #tpu.memory_space<semaphore_mem>>, %arg36: memref<!tpu.dma_semaphore, #tpu.memory_space<semaphore_mem>>, %arg37: memref<!tpu.dma_semaphore, #tpu.memory_space<semaphore_mem>>, %arg38: memref<!tpu.dma_semaphore, #tpu.memory_space<semaphore_mem>>) attributes {dimension_semantics = [#tpu.dimension_semantics<core_parallel>, #tpu.dimension_semantics<subcore_parallel>], iteration_bounds = array<i64: 2, 16>, scalar_prefetch = 0 : i64, scratch_operands = 28 : i64, tpu.core_type = #tpu.core_type<sc_vector_subcore>, window_params = [{transform_indices = #map}, {transform_indices = #map}, {transform_indices = #map}, {transform_indices = #map1}, {transform_indices = #map1}, {transform_indices = #map}, {transform_indices = #map}, {transform_indices = #map2}, {transform_indices = #map2}]} {
    %mul3A = arith.constant 632 : i32
    %mul3A_0 = arith.muli %arg1, %mul3A : i32
    %mul3A_1 = arith.constant 16 : i32
    %mul3A_2 = arith.muli %arg0, %mul3A_1 : i32
    %add3A = arith.addi %mul3A_2, %arg1 : i32
    %mul3A_3 = arith.constant 10368 : i32
    %mul3A_4 = arith.muli %add3A, %mul3A_3 : i32
    %iota3A = tpu.iota {dimensions = array<i32: 0>} : vector<16xi32>
    %add3A_5 = arith.constant 0 : i32
    %add3A_6 = arith.addi %mul3A_4, %add3A_5 : i32
    %dma_start3A = tpu.memref_slice %arg5[%add3A_6] : memref<331968xi32, #tpu.memory_space<hbm>> -> memref<96xi32, #tpu.memory_space<hbm>>
    %dma_start3A_7 = tpu.memref_slice %arg5[%add3A_6] : memref<331968xi32, #tpu.memory_space<hbm>> -> memref<96xi32, #tpu.memory_space<hbm>>
    tpu.enqueue_dma source(%dma_start3A_7 : memref<96xi32, #tpu.memory_space<hbm>>) target(%arg11 : memref<96xi32, #tpu.memory_space<vmem>>) target_semaphore(%arg35 : memref<!tpu.dma_semaphore, #tpu.memory_space<semaphore_mem>>)
    %dma_start3A_8 = tpu.memref_slice %arg6[%add3A_6] : memref<331968xi32, #tpu.memory_space<hbm>> -> memref<96xi32, #tpu.memory_space<hbm>>
    %dma_start3A_9 = tpu.memref_slice %arg6[%add3A_6] : memref<331968xi32, #tpu.memory_space<hbm>> -> memref<96xi32, #tpu.memory_space<hbm>>
    tpu.enqueue_dma source(%dma_start3A_9 : memref<96xi32, #tpu.memory_space<hbm>>) target(%arg15 : memref<96xi32, #tpu.memory_space<vmem>>) target_semaphore(%arg35 : memref<!tpu.dma_semaphore, #tpu.memory_space<semaphore_mem>>)
    %add3A_10 = arith.constant 96 : i32
    %add3A_11 = arith.addi %mul3A_4, %add3A_10 : i32
    %dma_start3A_12 = tpu.memref_slice %arg5[%add3A_11] : memref<331968xi32, #tpu.memory_space<hbm>> -> memref<96xi32, #tpu.memory_space<hbm>>
    %dma_start3A_13 = tpu.memref_slice %arg5[%add3A_11] : memref<331968xi32, #tpu.memory_space<hbm>> -> memref<96xi32, #tpu.memory_space<hbm>>
    tpu.enqueue_dma source(%dma_start3A_13 : memref<96xi32, #tpu.memory_space<hbm>>) target(%arg12 : memref<96xi32, #tpu.memory_space<vmem>>) target_semaphore(%arg36 : memref<!tpu.dma_semaphore, #tpu.memory_space<semaphore_mem>>)
    %dma_start3A_14 = tpu.memref_slice %arg6[%add3A_11] : memref<331968xi32, #tpu.memory_space<hbm>> -> memref<96xi32, #tpu.memory_space<hbm>>
    %dma_start3A_15 = tpu.memref_slice %arg6[%add3A_11] : memref<331968xi32, #tpu.memory_space<hbm>> -> memref<96xi32, #tpu.memory_space<hbm>>
    tpu.enqueue_dma source(%dma_start3A_15 : memref<96xi32, #tpu.memory_space<hbm>>) target(%arg16 : memref<96xi32, #tpu.memory_space<vmem>>) target_semaphore(%arg36 : memref<!tpu.dma_semaphore, #tpu.memory_space<semaphore_mem>>)
    %add3A_16 = arith.constant 0 : i32
    %add3A_17 = arith.addi %mul3A_4, %add3A_16 : i32
    %dma_wait3A = tpu.memref_slice %arg5[%add3A_17] : memref<331968xi32, #tpu.memory_space<hbm>> -> memref<96xi32, #tpu.memory_space<hbm>>
    %dma_wait3A_18 = tpu.memref_slice %arg5[%add3A_17] : memref<331968xi32, #tpu.memory_space<hbm>> -> memref<96xi32, #tpu.memory_space<hbm>>
    tpu.wait_dma2 semaphore(%arg35 : memref<!tpu.dma_semaphore, #tpu.memory_space<semaphore_mem>>) src(%dma_wait3A_18 : memref<96xi32, #tpu.memory_space<hbm>>) dst(%arg11 : memref<96xi32, #tpu.memory_space<vmem>>)
    %dma_wait3A_19 = tpu.memref_slice %arg6[%add3A_17] : memref<331968xi32, #tpu.memory_space<hbm>> -> memref<96xi32, #tpu.memory_space<hbm>>
    %dma_wait3A_20 = tpu.memref_slice %arg6[%add3A_17] : memref<331968xi32, #tpu.memory_space<hbm>> -> memref<96xi32, #tpu.memory_space<hbm>>
    tpu.wait_dma2 semaphore(%arg35 : memref<!tpu.dma_semaphore, #tpu.memory_space<semaphore_mem>>) src(%dma_wait3A_20 : memref<96xi32, #tpu.memory_space<hbm>>) dst(%arg15 : memref<96xi32, #tpu.memory_space<vmem>>)
    %dma_start3A_21 = arith.constant 0 : i32
    %dma_start3A_22 = arith.constant 0 : i32
    %dma_start3A_23 = tpu.memref_slice %arg3[%dma_start3A_21, %dma_start3A_22] : memref<10112x16xf32, #tpu.memory_space<hbm>> -> memref<10112x16xf32, #tpu.memory_space<hbm>>
    tpu.enqueue_indirect_dma source(%dma_start3A_23 : memref<10112x16xf32, #tpu.memory_space<hbm>>) target(%arg19 : memref<96x16xf32, #tpu.memory_space<vmem>>) offsets(%arg11 : memref<96xi32, #tpu.memory_space<vmem>>) semaphore(%arg29 : memref<!tpu.dma_semaphore, #tpu.memory_space<semaphore_mem>>)
    %dma_start3A_24 = arith.constant 0 : i32
    %dma_start3A_25 = arith.constant 0 : i32
    %dma_start3A_26 = tpu.memref_slice %arg4[%dma_start3A_24, %dma_start3A_25] : memref<10112x16xf32, #tpu.memory_space<hbm>> -> memref<10112x16xf32, #tpu.memory_space<hbm>>
    tpu.enqueue_indirect_dma source(%dma_start3A_26 : memref<10112x16xf32, #tpu.memory_space<hbm>>) target(%arg21 : memref<96x16xf32, #tpu.memory_space<vmem>>) offsets(%arg15 : memref<96xi32, #tpu.memory_space<vmem>>) semaphore(%arg30 : memref<!tpu.dma_semaphore, #tpu.memory_space<semaphore_mem>>)
    %dma_start3A_27 = arith.constant 0 : i32
    %dma_start3A_28 = arith.constant 0 : i32
    %dma_start3A_29 = tpu.memref_slice %arg2[%dma_start3A_27, %dma_start3A_28] : memref<10112x128xf32, #tpu.memory_space<hbm>> -> memref<10112x128xf32, #tpu.memory_space<hbm>>
    tpu.enqueue_indirect_dma source(%dma_start3A_29 : memref<10112x128xf32, #tpu.memory_space<hbm>>) target(%arg23 : memref<96x128xf32, #tpu.memory_space<vmem>>) offsets(%arg11 : memref<96xi32, #tpu.memory_space<vmem>>) semaphore(%arg31 : memref<!tpu.dma_semaphore, #tpu.memory_space<semaphore_mem>>)
    "tpu.region"() ({
      %run_scoped3A = tpu.sem_alloc : memref<!tpu.dma_semaphore, #tpu.memory_space<semaphore_mem>>
      %dma_start3A_51 = arith.constant 0 : i32
      %dma_start3A_52 = tpu.memref_slice %arg27[%mul3A_0, %dma_start3A_51] : memref<10112x128xf32, #tpu.memory_space<vmem_shared>> -> memref<632x128xf32, #tpu.memory_space<vmem_shared>>
      %dma_start3A_53 = arith.constant 0 : i32
      %dma_start3A_54 = tpu.memref_slice %arg7[%mul3A_0, %dma_start3A_53] : memref<10112x128xf32, #tpu.memory_space<hbm>> -> memref<632x128xf32, #tpu.memory_space<hbm>>
      tpu.enqueue_dma source(%dma_start3A_54 : memref<632x128xf32, #tpu.memory_space<hbm>>) target(%dma_start3A_52 : memref<632x128xf32, #tpu.memory_space<vmem_shared>>) target_semaphore(%run_scoped3A : memref<!tpu.dma_semaphore, #tpu.memory_space<semaphore_mem>>)
      %dma_wait3A_55 = arith.constant 0 : i32
      %dma_wait3A_56 = tpu.memref_slice %arg27[%mul3A_0, %dma_wait3A_55] : memref<10112x128xf32, #tpu.memory_space<vmem_shared>> -> memref<632x128xf32, #tpu.memory_space<vmem_shared>>
      %dma_wait3A_57 = arith.constant 0 : i32
      %dma_wait3A_58 = tpu.memref_slice %arg7[%mul3A_0, %dma_wait3A_57] : memref<10112x128xf32, #tpu.memory_space<hbm>> -> memref<632x128xf32, #tpu.memory_space<hbm>>
      tpu.wait_dma2 semaphore(%run_scoped3A : memref<!tpu.dma_semaphore, #tpu.memory_space<semaphore_mem>>) src(%dma_wait3A_58 : memref<632x128xf32, #tpu.memory_space<hbm>>) dst(%dma_wait3A_56 : memref<632x128xf32, #tpu.memory_space<vmem_shared>>)
      tpu.yield
    }) : () -> ()
    "tpu.region"() ({
      %run_scoped3A = tpu.sem_alloc : memref<!tpu.dma_semaphore, #tpu.memory_space<semaphore_mem>>
      %dma_start3A_51 = arith.constant 0 : i32
      %dma_start3A_52 = tpu.memref_slice %arg28[%mul3A_0, %dma_start3A_51] : memref<10112x16xf32, #tpu.memory_space<vmem_shared>> -> memref<632x16xf32, #tpu.memory_space<vmem_shared>>
      %dma_start3A_53 = arith.constant 0 : i32
      %dma_start3A_54 = tpu.memref_slice %arg8[%mul3A_0, %dma_start3A_53] : memref<10112x16xf32, #tpu.memory_space<hbm>> -> memref<632x16xf32, #tpu.memory_space<hbm>>
      tpu.enqueue_dma source(%dma_start3A_54 : memref<632x16xf32, #tpu.memory_space<hbm>>) target(%dma_start3A_52 : memref<632x16xf32, #tpu.memory_space<vmem_shared>>) target_semaphore(%run_scoped3A : memref<!tpu.dma_semaphore, #tpu.memory_space<semaphore_mem>>)
      %dma_wait3A_55 = arith.constant 0 : i32
      %dma_wait3A_56 = tpu.memref_slice %arg28[%mul3A_0, %dma_wait3A_55] : memref<10112x16xf32, #tpu.memory_space<vmem_shared>> -> memref<632x16xf32, #tpu.memory_space<vmem_shared>>
      %dma_wait3A_57 = arith.constant 0 : i32
      %dma_wait3A_58 = tpu.memref_slice %arg8[%mul3A_0, %dma_wait3A_57] : memref<10112x16xf32, #tpu.memory_space<hbm>> -> memref<632x16xf32, #tpu.memory_space<hbm>>
      tpu.wait_dma2 semaphore(%run_scoped3A : memref<!tpu.dma_semaphore, #tpu.memory_space<semaphore_mem>>) src(%dma_wait3A_58 : memref<632x16xf32, #tpu.memory_space<hbm>>) dst(%dma_wait3A_56 : memref<632x16xf32, #tpu.memory_space<vmem_shared>>)
      tpu.yield
    }) : () -> ()
    %barrier3A = arith.constant 0 : index
    tpu.barrier barrier_id(%barrier3A)
    %scan3A = arith.constant 0 : i32
    %scan3A_30 = arith.constant 0 : i32
    %scan3A_31 = arith.constant 27 : i32
    %scan3A_32 = arith.addi %scan3A_30, %scan3A_31 : i32
    %scan3A_33 = arith.constant 1 : i32
    scf.for %scan3A_51 = %scan3A_30 to %scan3A_32 step %scan3A_33  : i32 {
      %mul3A_52 = arith.constant 4 : i32
      %mul3A_53 = arith.muli %scan3A_51, %mul3A_52 : i32
      %add3A_54 = arith.constant 0 : i32
      %add3A_55 = arith.addi %mul3A_53, %add3A_54 : i32
      %dma_wait3A_56 = arith.constant 0 : i32
      %dma_wait3A_57 = arith.constant 0 : i32
      %dma_wait3A_58 = tpu.memref_slice %arg3[%dma_wait3A_56, %dma_wait3A_57] : memref<10112x16xf32, #tpu.memory_space<hbm>> -> memref<10112x16xf32, #tpu.memory_space<hbm>>
      tpu.wait_indirect_dma semaphore(%arg29 : memref<!tpu.dma_semaphore, #tpu.memory_space<semaphore_mem>>) src(%dma_wait3A_58 : memref<10112x16xf32, #tpu.memory_space<hbm>>) dst(%arg19 : memref<96x16xf32, #tpu.memory_space<vmem>>)
      %dma_wait3A_59 = arith.constant 0 : i32
      %dma_wait3A_60 = arith.constant 0 : i32
      %dma_wait3A_61 = tpu.memref_slice %arg4[%dma_wait3A_59, %dma_wait3A_60] : memref<10112x16xf32, #tpu.memory_space<hbm>> -> memref<10112x16xf32, #tpu.memory_space<hbm>>
      tpu.wait_indirect_dma semaphore(%arg30 : memref<!tpu.dma_semaphore, #tpu.memory_space<semaphore_mem>>) src(%dma_wait3A_61 : memref<10112x16xf32, #tpu.memory_space<hbm>>) dst(%arg21 : memref<96x16xf32, #tpu.memory_space<vmem>>)
      %dma_wait3A_62 = arith.constant 0 : i32
      %dma_wait3A_63 = arith.constant 0 : i32
      %dma_wait3A_64 = tpu.memref_slice %arg2[%dma_wait3A_62, %dma_wait3A_63] : memref<10112x128xf32, #tpu.memory_space<hbm>> -> memref<10112x128xf32, #tpu.memory_space<hbm>>
      tpu.wait_indirect_dma semaphore(%arg31 : memref<!tpu.dma_semaphore, #tpu.memory_space<semaphore_mem>>) src(%dma_wait3A_64 : memref<10112x128xf32, #tpu.memory_space<hbm>>) dst(%arg23 : memref<96x128xf32, #tpu.memory_space<vmem>>)
      %add3A_65 = arith.constant 1 : i32
      %add3A_66 = arith.addi %add3A_55, %add3A_65 : i32
      %mul3A_67 = arith.constant 96 : i32
      %mul3A_68 = arith.muli %add3A_66, %mul3A_67 : i32
      %add3A_69 = arith.addi %mul3A_4, %mul3A_68 : i32
      %dma_wait3A_70 = tpu.memref_slice %arg5[%add3A_69] : memref<331968xi32, #tpu.memory_space<hbm>> -> memref<96xi32, #tpu.memory_space<hbm>>
      %dma_wait3A_71 = tpu.memref_slice %arg5[%add3A_69] : memref<331968xi32, #tpu.memory_space<hbm>> -> memref<96xi32, #tpu.memory_space<hbm>>
      tpu.wait_dma2 semaphore(%arg36 : memref<!tpu.dma_semaphore, #tpu.memory_space<semaphore_mem>>) src(%dma_wait3A_71 : memref<96xi32, #tpu.memory_space<hbm>>) dst(%arg12 : memref<96xi32, #tpu.memory_space<vmem>>)
      %dma_wait3A_72 = tpu.memref_slice %arg6[%add3A_69] : memref<331968xi32, #tpu.memory_space<hbm>> -> memref<96xi32, #tpu.memory_space<hbm>>
      %dma_wait3A_73 = tpu.memref_slice %arg6[%add3A_69] : memref<331968xi32, #tpu.memory_space<hbm>> -> memref<96xi32, #tpu.memory_space<hbm>>
      tpu.wait_dma2 semaphore(%arg36 : memref<!tpu.dma_semaphore, #tpu.memory_space<semaphore_mem>>) src(%dma_wait3A_73 : memref<96xi32, #tpu.memory_space<hbm>>) dst(%arg16 : memref<96xi32, #tpu.memory_space<vmem>>)
      %dma_start3A_74 = arith.constant 0 : i32
      %dma_start3A_75 = arith.constant 0 : i32
      %dma_start3A_76 = tpu.memref_slice %arg3[%dma_start3A_74, %dma_start3A_75] : memref<10112x16xf32, #tpu.memory_space<hbm>> -> memref<10112x16xf32, #tpu.memory_space<hbm>>
      tpu.enqueue_indirect_dma source(%dma_start3A_76 : memref<10112x16xf32, #tpu.memory_space<hbm>>) target(%arg20 : memref<96x16xf32, #tpu.memory_space<vmem>>) offsets(%arg12 : memref<96xi32, #tpu.memory_space<vmem>>) semaphore(%arg32 : memref<!tpu.dma_semaphore, #tpu.memory_space<semaphore_mem>>)
      %dma_start3A_77 = arith.constant 0 : i32
      %dma_start3A_78 = arith.constant 0 : i32
      %dma_start3A_79 = tpu.memref_slice %arg4[%dma_start3A_77, %dma_start3A_78] : memref<10112x16xf32, #tpu.memory_space<hbm>> -> memref<10112x16xf32, #tpu.memory_space<hbm>>
      tpu.enqueue_indirect_dma source(%dma_start3A_79 : memref<10112x16xf32, #tpu.memory_space<hbm>>) target(%arg22 : memref<96x16xf32, #tpu.memory_space<vmem>>) offsets(%arg16 : memref<96xi32, #tpu.memory_space<vmem>>) semaphore(%arg33 : memref<!tpu.dma_semaphore, #tpu.memory_space<semaphore_mem>>)
      %dma_start3A_80 = arith.constant 0 : i32
      %dma_start3A_81 = arith.constant 0 : i32
      %dma_start3A_82 = tpu.memref_slice %arg2[%dma_start3A_80, %dma_start3A_81] : memref<10112x128xf32, #tpu.memory_space<hbm>> -> memref<10112x128xf32, #tpu.memory_space<hbm>>
      tpu.enqueue_indirect_dma source(%dma_start3A_82 : memref<10112x128xf32, #tpu.memory_space<hbm>>) target(%arg24 : memref<96x128xf32, #tpu.memory_space<vmem>>) offsets(%arg12 : memref<96xi32, #tpu.memory_space<vmem>>) semaphore(%arg34 : memref<!tpu.dma_semaphore, #tpu.memory_space<semaphore_mem>>)
      %add3A_83 = arith.constant 2 : i32
      %add3A_84 = arith.addi %add3A_55, %add3A_83 : i32
      %mul3A_85 = arith.constant 96 : i32
      %mul3A_86 = arith.muli %add3A_84, %mul3A_85 : i32
      %add3A_87 = arith.addi %mul3A_4, %mul3A_86 : i32
      %dma_start3A_88 = tpu.memref_slice %arg5[%add3A_87] : memref<331968xi32, #tpu.memory_space<hbm>> -> memref<96xi32, #tpu.memory_space<hbm>>
      %dma_start3A_89 = tpu.memref_slice %arg5[%add3A_87] : memref<331968xi32, #tpu.memory_space<hbm>> -> memref<96xi32, #tpu.memory_space<hbm>>
      tpu.enqueue_dma source(%dma_start3A_89 : memref<96xi32, #tpu.memory_space<hbm>>) target(%arg13 : memref<96xi32, #tpu.memory_space<vmem>>) target_semaphore(%arg37 : memref<!tpu.dma_semaphore, #tpu.memory_space<semaphore_mem>>)
      %dma_start3A_90 = tpu.memref_slice %arg6[%add3A_87] : memref<331968xi32, #tpu.memory_space<hbm>> -> memref<96xi32, #tpu.memory_space<hbm>>
      %dma_start3A_91 = tpu.memref_slice %arg6[%add3A_87] : memref<331968xi32, #tpu.memory_space<hbm>> -> memref<96xi32, #tpu.memory_space<hbm>>
      tpu.enqueue_dma source(%dma_start3A_91 : memref<96xi32, #tpu.memory_space<hbm>>) target(%arg17 : memref<96xi32, #tpu.memory_space<vmem>>) target_semaphore(%arg37 : memref<!tpu.dma_semaphore, #tpu.memory_space<semaphore_mem>>)
      %parallel_loop3A = arith.constant 0 : i32
      %parallel_loop3A_92 = arith.constant 96 : i32
      %parallel_loop3A_93 = arith.constant 1 : i32
      scf.for %parallel_loop3A_223 = %parallel_loop3A to %parallel_loop3A_92 step %parallel_loop3A_93  : i32 {
        %parallel_loop3A_224 = arith.index_cast %parallel_loop3A_223 : i32 to index
        %parallel_loop3A_225 = arith.constant 0 : index
        %parallel_loop3A_226 = tpu.vector_load %arg19[%parallel_loop3A_224, %parallel_loop3A_225] {strides = array<i32>} : memref<96x16xf32, #tpu.memory_space<vmem>>, vector<1x16xf32>,
        %parallel_loop3A_227 = vector.shape_cast %parallel_loop3A_226 : vector<1x16xf32> to vector<16xf32>
        %parallel_loop3A_228 = arith.index_cast %parallel_loop3A_223 : i32 to index
        %parallel_loop3A_229 = arith.constant 0 : index
        %parallel_loop3A_230 = tpu.vector_load %arg21[%parallel_loop3A_228, %parallel_loop3A_229] {strides = array<i32>} : memref<96x16xf32, #tpu.memory_space<vmem>>, vector<1x16xf32>,
        %parallel_loop3A_231 = vector.shape_cast %parallel_loop3A_230 : vector<1x16xf32> to vector<16xf32>
        %parallel_loop3A_232 = arith.addf %parallel_loop3A_227, %parallel_loop3A_231 : vector<16xf32>
        %parallel_loop3A_233 = arith.constant 0.000000e+00 : f32
        %parallel_loop3A_234 = vector.broadcast %parallel_loop3A_233 : f32 to vector<16xf32>
        %parallel_loop3A_235 = arith.cmpf oge, %parallel_loop3A_232, %parallel_loop3A_234 : vector<16xf32>
        %parallel_loop3A_236 = arith.constant 2.000000e-01 : f32
        %parallel_loop3A_237 = vector.broadcast %parallel_loop3A_236 : f32 to vector<16xf32>
        %parallel_loop3A_238 = arith.mulf %parallel_loop3A_237, %parallel_loop3A_232 : vector<16xf32>
        %parallel_loop3A_239 = arith.select %parallel_loop3A_235, %parallel_loop3A_232, %parallel_loop3A_238 : vector<16xi1>, vector<16xf32>
        %parallel_loop3A_240 = arith.constant 8 : i32
        %parallel_loop3A_241 = vector.broadcast %parallel_loop3A_240 : i32 to vector<16xi32>
        %parallel_loop3A_242 = arith.cmpi slt, %iota3A, %parallel_loop3A_241 : vector<16xi32>
        %parallel_loop3A_243 = math.exp %parallel_loop3A_239 : vector<16xf32>
        %parallel_loop3A_244 = arith.constant 0.000000e+00 : f32
        %parallel_loop3A_245 = vector.broadcast %parallel_loop3A_244 : f32 to vector<16xf32>
        %parallel_loop3A_246 = arith.select %parallel_loop3A_242, %parallel_loop3A_243, %parallel_loop3A_245 : vector<16xi1>, vector<16xf32>
        %parallel_loop3A_247 = arith.index_cast %parallel_loop3A_223 : i32 to index
        %parallel_loop3A_248 = arith.constant 0 : index
        %parallel_loop3A_249 = tpu.vector_load %arg25[%parallel_loop3A_247, %parallel_loop3A_248] {strides = array<i32>} : memref<96x16xf32, #tpu.memory_space<vmem>>, vector<1x16xf32>,
        %parallel_loop3A_250 = vector.shape_cast %parallel_loop3A_249 : vector<1x16xf32> to vector<16xf32>
        %parallel_loop3A_251 = vector.shape_cast %parallel_loop3A_246 : vector<16xf32> to vector<1x16xf32>
        tpu.vector_store %arg25[%parallel_loop3A_247, %parallel_loop3A_248], %parallel_loop3A_251 {strides = array<i32>} : memref<96x16xf32, #tpu.memory_space<vmem>>, vector<1x16xf32>,
        %parallel_loop3A_252 = vector.extract_strided_slice %parallel_loop3A_246 {offsets = [0], sizes = [1], strides = [1]} : vector<16xf32> to vector<1xf32>
        %parallel_loop3A_253 = vector.extract %parallel_loop3A_252[0] : f32 from vector<1xf32>
        %parallel_loop3A_254 = vector.broadcast %parallel_loop3A_253 : f32 to vector<16xf32>
        %parallel_loop3A_255 = arith.index_cast %parallel_loop3A_223 : i32 to index
        %parallel_loop3A_256 = arith.constant 0 : index
        %parallel_loop3A_257 = tpu.vector_load %arg23[%parallel_loop3A_255, %parallel_loop3A_256] {strides = array<i32>} : memref<96x128xf32, #tpu.memory_space<vmem>>, vector<1x16xf32>,
        %parallel_loop3A_258 = vector.shape_cast %parallel_loop3A_257 : vector<1x16xf32> to vector<16xf32>
        %parallel_loop3A_259 = arith.mulf %parallel_loop3A_258, %parallel_loop3A_254 : vector<16xf32>
        %parallel_loop3A_260 = arith.index_cast %parallel_loop3A_223 : i32 to index
        %parallel_loop3A_261 = arith.constant 0 : index
        %parallel_loop3A_262 = tpu.vector_load %arg23[%parallel_loop3A_260, %parallel_loop3A_261] {strides = array<i32>} : memref<96x128xf32, #tpu.memory_space<vmem>>, vector<1x16xf32>,
        %parallel_loop3A_263 = vector.shape_cast %parallel_loop3A_262 : vector<1x16xf32> to vector<16xf32>
        %parallel_loop3A_264 = vector.shape_cast %parallel_loop3A_259 : vector<16xf32> to vector<1x16xf32>
        tpu.vector_store %arg23[%parallel_loop3A_260, %parallel_loop3A_261], %parallel_loop3A_264 {strides = array<i32>} : memref<96x128xf32, #tpu.memory_space<vmem>>, vector<1x16xf32>,
        %parallel_loop3A_265 = vector.extract_strided_slice %parallel_loop3A_246 {offsets = [1], sizes = [1], strides = [1]} : vector<16xf32> to vector<1xf32>
        %parallel_loop3A_266 = vector.extract %parallel_loop3A_265[0] : f32 from vector<1xf32>
        %parallel_loop3A_267 = vector.broadcast %parallel_loop3A_266 : f32 to vector<16xf32>
        %parallel_loop3A_268 = arith.index_cast %parallel_loop3A_223 : i32 to index
        %parallel_loop3A_269 = arith.constant 16 : index
        %parallel_loop3A_270 = tpu.vector_load %arg23[%parallel_loop3A_268, %parallel_loop3A_269] {strides = array<i32>} : memref<96x128xf32, #tpu.memory_space<vmem>>, vector<1x16xf32>,
        %parallel_loop3A_271 = vector.shape_cast %parallel_loop3A_270 : vector<1x16xf32> to vector<16xf32>
        %parallel_loop3A_272 = arith.mulf %parallel_loop3A_271, %parallel_loop3A_267 : vector<16xf32>
        %parallel_loop3A_273 = arith.index_cast %parallel_loop3A_223 : i32 to index
        %parallel_loop3A_274 = arith.constant 16 : index
        %parallel_loop3A_275 = tpu.vector_load %arg23[%parallel_loop3A_273, %parallel_loop3A_274] {strides = array<i32>} : memref<96x128xf32, #tpu.memory_space<vmem>>, vector<1x16xf32>,
        %parallel_loop3A_276 = vector.shape_cast %parallel_loop3A_275 : vector<1x16xf32> to vector<16xf32>
        %parallel_loop3A_277 = vector.shape_cast %parallel_loop3A_272 : vector<16xf32> to vector<1x16xf32>
        tpu.vector_store %arg23[%parallel_loop3A_273, %parallel_loop3A_274], %parallel_loop3A_277 {strides = array<i32>} : memref<96x128xf32, #tpu.memory_space<vmem>>, vector<1x16xf32>,
        %parallel_loop3A_278 = vector.extract_strided_slice %parallel_loop3A_246 {offsets = [2], sizes = [1], strides = [1]} : vector<16xf32> to vector<1xf32>
        %parallel_loop3A_279 = vector.extract %parallel_loop3A_278[0] : f32 from vector<1xf32>
        %parallel_loop3A_280 = vector.broadcast %parallel_loop3A_279 : f32 to vector<16xf32>
        %parallel_loop3A_281 = arith.index_cast %parallel_loop3A_223 : i32 to index
        %parallel_loop3A_282 = arith.constant 32 : index
        %parallel_loop3A_283 = tpu.vector_load %arg23[%parallel_loop3A_281, %parallel_loop3A_282] {strides = array<i32>} : memref<96x128xf32, #tpu.memory_space<vmem>>, vector<1x16xf32>,
        %parallel_loop3A_284 = vector.shape_cast %parallel_loop3A_283 : vector<1x16xf32> to vector<16xf32>
        %parallel_loop3A_285 = arith.mulf %parallel_loop3A_284, %parallel_loop3A_280 : vector<16xf32>
        %parallel_loop3A_286 = arith.index_cast %parallel_loop3A_223 : i32 to index
        %parallel_loop3A_287 = arith.constant 32 : index
        %parallel_loop3A_288 = tpu.vector_load %arg23[%parallel_loop3A_286, %parallel_loop3A_287] {strides = array<i32>} : memref<96x128xf32, #tpu.memory_space<vmem>>, vector<1x16xf32>,
        %parallel_loop3A_289 = vector.shape_cast %parallel_loop3A_288 : vector<1x16xf32> to vector<16xf32>
        %parallel_loop3A_290 = vector.shape_cast %parallel_loop3A_285 : vector<16xf32> to vector<1x16xf32>
        tpu.vector_store %arg23[%parallel_loop3A_286, %parallel_loop3A_287], %parallel_loop3A_290 {strides = array<i32>} : memref<96x128xf32, #tpu.memory_space<vmem>>, vector<1x16xf32>,
        %parallel_loop3A_291 = vector.extract_strided_slice %parallel_loop3A_246 {offsets = [3], sizes = [1], strides = [1]} : vector<16xf32> to vector<1xf32>
        %parallel_loop3A_292 = vector.extract %parallel_loop3A_291[0] : f32 from vector<1xf32>
        %parallel_loop3A_293 = vector.broadcast %parallel_loop3A_292 : f32 to vector<16xf32>
        %parallel_loop3A_294 = arith.index_cast %parallel_loop3A_223 : i32 to index
        %parallel_loop3A_295 = arith.constant 48 : index
        %parallel_loop3A_296 = tpu.vector_load %arg23[%parallel_loop3A_294, %parallel_loop3A_295] {strides = array<i32>} : memref<96x128xf32, #tpu.memory_space<vmem>>, vector<1x16xf32>,
        %parallel_loop3A_297 = vector.shape_cast %parallel_loop3A_296 : vector<1x16xf32> to vector<16xf32>
        %parallel_loop3A_298 = arith.mulf %parallel_loop3A_297, %parallel_loop3A_293 : vector<16xf32>
        %parallel_loop3A_299 = arith.index_cast %parallel_loop3A_223 : i32 to index
        %parallel_loop3A_300 = arith.constant 48 : index
        %parallel_loop3A_301 = tpu.vector_load %arg23[%parallel_loop3A_299, %parallel_loop3A_300] {strides = array<i32>} : memref<96x128xf32, #tpu.memory_space<vmem>>, vector<1x16xf32>,
        %parallel_loop3A_302 = vector.shape_cast %parallel_loop3A_301 : vector<1x16xf32> to vector<16xf32>
        %parallel_loop3A_303 = vector.shape_cast %parallel_loop3A_298 : vector<16xf32> to vector<1x16xf32>
        tpu.vector_store %arg23[%parallel_loop3A_299, %parallel_loop3A_300], %parallel_loop3A_303 {strides = array<i32>} : memref<96x128xf32, #tpu.memory_space<vmem>>, vector<1x16xf32>,
        %parallel_loop3A_304 = vector.extract_strided_slice %parallel_loop3A_246 {offsets = [4], sizes = [1], strides = [1]} : vector<16xf32> to vector<1xf32>
        %parallel_loop3A_305 = vector.extract %parallel_loop3A_304[0] : f32 from vector<1xf32>
        %parallel_loop3A_306 = vector.broadcast %parallel_loop3A_305 : f32 to vector<16xf32>
        %parallel_loop3A_307 = arith.index_cast %parallel_loop3A_223 : i32 to index
        %parallel_loop3A_308 = arith.constant 64 : index
        %parallel_loop3A_309 = tpu.vector_load %arg23[%parallel_loop3A_307, %parallel_loop3A_308] {strides = array<i32>} : memref<96x128xf32, #tpu.memory_space<vmem>>, vector<1x16xf32>,
        %parallel_loop3A_310 = vector.shape_cast %parallel_loop3A_309 : vector<1x16xf32> to vector<16xf32>
        %parallel_loop3A_311 = arith.mulf %parallel_loop3A_310, %parallel_loop3A_306 : vector<16xf32>
        %parallel_loop3A_312 = arith.index_cast %parallel_loop3A_223 : i32 to index
        %parallel_loop3A_313 = arith.constant 64 : index
        %parallel_loop3A_314 = tpu.vector_load %arg23[%parallel_loop3A_312, %parallel_loop3A_313] {strides = array<i32>} : memref<96x128xf32, #tpu.memory_space<vmem>>, vector<1x16xf32>,
        %parallel_loop3A_315 = vector.shape_cast %parallel_loop3A_314 : vector<1x16xf32> to vector<16xf32>
        %parallel_loop3A_316 = vector.shape_cast %parallel_loop3A_311 : vector<16xf32> to vector<1x16xf32>
        tpu.vector_store %arg23[%parallel_loop3A_312, %parallel_loop3A_313], %parallel_loop3A_316 {strides = array<i32>} : memref<96x128xf32, #tpu.memory_space<vmem>>, vector<1x16xf32>,
        %parallel_loop3A_317 = vector.extract_strided_slice %parallel_loop3A_246 {offsets = [5], sizes = [1], strides = [1]} : vector<16xf32> to vector<1xf32>
        %parallel_loop3A_318 = vector.extract %parallel_loop3A_317[0] : f32 from vector<1xf32>
        %parallel_loop3A_319 = vector.broadcast %parallel_loop3A_318 : f32 to vector<16xf32>
        %parallel_loop3A_320 = arith.index_cast %parallel_loop3A_223 : i32 to index
        %parallel_loop3A_321 = arith.constant 80 : index
        %parallel_loop3A_322 = tpu.vector_load %arg23[%parallel_loop3A_320, %parallel_loop3A_321] {strides = array<i32>} : memref<96x128xf32, #tpu.memory_space<vmem>>, vector<1x16xf32>,
        %parallel_loop3A_323 = vector.shape_cast %parallel_loop3A_322 : vector<1x16xf32> to vector<16xf32>
        %parallel_loop3A_324 = arith.mulf %parallel_loop3A_323, %parallel_loop3A_319 : vector<16xf32>
        %parallel_loop3A_325 = arith.index_cast %parallel_loop3A_223 : i32 to index
        %parallel_loop3A_326 = arith.constant 80 : index
        %parallel_loop3A_327 = tpu.vector_load %arg23[%parallel_loop3A_325, %parallel_loop3A_326] {strides = array<i32>} : memref<96x128xf32, #tpu.memory_space<vmem>>, vector<1x16xf32>,
        %parallel_loop3A_328 = vector.shape_cast %parallel_loop3A_327 : vector<1x16xf32> to vector<16xf32>
        %parallel_loop3A_329 = vector.shape_cast %parallel_loop3A_324 : vector<16xf32> to vector<1x16xf32>
        tpu.vector_store %arg23[%parallel_loop3A_325, %parallel_loop3A_326], %parallel_loop3A_329 {strides = array<i32>} : memref<96x128xf32, #tpu.memory_space<vmem>>, vector<1x16xf32>,
        %parallel_loop3A_330 = vector.extract_strided_slice %parallel_loop3A_246 {offsets = [6], sizes = [1], strides = [1]} : vector<16xf32> to vector<1xf32>
        %parallel_loop3A_331 = vector.extract %parallel_loop3A_330[0] : f32 from vector<1xf32>
        %parallel_loop3A_332 = vector.broadcast %parallel_loop3A_331 : f32 to vector<16xf32>
        %parallel_loop3A_333 = arith.index_cast %parallel_loop3A_223 : i32 to index
        %parallel_loop3A_334 = arith.constant 96 : index
        %parallel_loop3A_335 = tpu.vector_load %arg23[%parallel_loop3A_333, %parallel_loop3A_334] {strides = array<i32>} : memref<96x128xf32, #tpu.memory_space<vmem>>, vector<1x16xf32>,
        %parallel_loop3A_336 = vector.shape_cast %parallel_loop3A_335 : vector<1x16xf32> to vector<16xf32>
        %parallel_loop3A_337 = arith.mulf %parallel_loop3A_336, %parallel_loop3A_332 : vector<16xf32>
        %parallel_loop3A_338 = arith.index_cast %parallel_loop3A_223 : i32 to index
        %parallel_loop3A_339 = arith.constant 96 : index
        %parallel_loop3A_340 = tpu.vector_load %arg23[%parallel_loop3A_338, %parallel_loop3A_339] {strides = array<i32>} : memref<96x128xf32, #tpu.memory_space<vmem>>, vector<1x16xf32>,
        %parallel_loop3A_341 = vector.shape_cast %parallel_loop3A_340 : vector<1x16xf32> to vector<16xf32>
        %parallel_loop3A_342 = vector.shape_cast %parallel_loop3A_337 : vector<16xf32> to vector<1x16xf32>
        tpu.vector_store %arg23[%parallel_loop3A_338, %parallel_loop3A_339], %parallel_loop3A_342 {strides = array<i32>} : memref<96x128xf32, #tpu.memory_space<vmem>>, vector<1x16xf32>,
        %parallel_loop3A_343 = vector.extract_strided_slice %parallel_loop3A_246 {offsets = [7], sizes = [1], strides = [1]} : vector<16xf32> to vector<1xf32>
        %parallel_loop3A_344 = vector.extract %parallel_loop3A_343[0] : f32 from vector<1xf32>
        %parallel_loop3A_345 = vector.broadcast %parallel_loop3A_344 : f32 to vector<16xf32>
        %parallel_loop3A_346 = arith.index_cast %parallel_loop3A_223 : i32 to index
        %parallel_loop3A_347 = arith.constant 112 : index
        %parallel_loop3A_348 = tpu.vector_load %arg23[%parallel_loop3A_346, %parallel_loop3A_347] {strides = array<i32>} : memref<96x128xf32, #tpu.memory_space<vmem>>, vector<1x16xf32>,
        %parallel_loop3A_349 = vector.shape_cast %parallel_loop3A_348 : vector<1x16xf32> to vector<16xf32>
        %parallel_loop3A_350 = arith.mulf %parallel_loop3A_349, %parallel_loop3A_345 : vector<16xf32>
        %parallel_loop3A_351 = arith.index_cast %parallel_loop3A_223 : i32 to index
        %parallel_loop3A_352 = arith.constant 112 : index
        %parallel_loop3A_353 = tpu.vector_load %arg23[%parallel_loop3A_351, %parallel_loop3A_352] {strides = array<i32>} : memref<96x128xf32, #tpu.memory_space<vmem>>, vector<1x16xf32>,
        %parallel_loop3A_354 = vector.shape_cast %parallel_loop3A_353 : vector<1x16xf32> to vector<16xf32>
        %parallel_loop3A_355 = vector.shape_cast %parallel_loop3A_350 : vector<16xf32> to vector<1x16xf32>
        tpu.vector_store %arg23[%parallel_loop3A_351, %parallel_loop3A_352], %parallel_loop3A_355 {strides = array<i32>} : memref<96x128xf32, #tpu.memory_space<vmem>>, vector<1x16xf32>,
      } {sc.loop_unroll_factor = 4 : i64, sc.parallel_access}
      "tpu.region"() ({
        %run_scoped3A = tpu.sem_alloc : memref<!tpu.dma_semaphore, #tpu.memory_space<semaphore_mem>>
        %dma_start3A_223 = arith.constant 0 : i32
        %dma_start3A_224 = arith.constant 0 : i32
        %dma_start3A_225 = tpu.memref_slice %arg28[%dma_start3A_223, %dma_start3A_224] : memref<10112x16xf32, #tpu.memory_space<vmem_shared>> -> memref<10112x16xf32, #tpu.memory_space<vmem_shared>>
        tpu.enqueue_indirect_dma source(%arg25 : memref<96x16xf32, #tpu.memory_space<vmem>>) target(%dma_start3A_225 : memref<10112x16xf32, #tpu.memory_space<vmem_shared>>) offsets(%arg15 : memref<96xi32, #tpu.memory_space<vmem>>) semaphore(%run_scoped3A : memref<!tpu.dma_semaphore, #tpu.memory_space<semaphore_mem>>) {add = true}
        %dma_wait3A_226 = arith.constant 0 : i32
        %dma_wait3A_227 = arith.constant 0 : i32
        %dma_wait3A_228 = tpu.memref_slice %arg28[%dma_wait3A_226, %dma_wait3A_227] : memref<10112x16xf32, #tpu.memory_space<vmem_shared>> -> memref<10112x16xf32, #tpu.memory_space<vmem_shared>>
        tpu.wait_indirect_dma semaphore(%run_scoped3A : memref<!tpu.dma_semaphore, #tpu.memory_space<semaphore_mem>>) src(%arg25 : memref<96x16xf32, #tpu.memory_space<vmem>>) dst(%dma_wait3A_228 : memref<10112x16xf32, #tpu.memory_space<vmem_shared>>)
        tpu.yield
      }) : () -> ()
      "tpu.region"() ({
        %run_scoped3A = tpu.sem_alloc : memref<!tpu.dma_semaphore, #tpu.memory_space<semaphore_mem>>
        %dma_start3A_223 = arith.constant 0 : i32
        %dma_start3A_224 = arith.constant 0 : i32
        %dma_start3A_225 = tpu.memref_slice %arg27[%dma_start3A_223, %dma_start3A_224] : memref<10112x128xf32, #tpu.memory_space<vmem_shared>> -> memref<10112x128xf32, #tpu.memory_space<vmem_shared>>
        tpu.enqueue_indirect_dma source(%arg23 : memref<96x128xf32, #tpu.memory_space<vmem>>) target(%dma_start3A_225 : memref<10112x128xf32, #tpu.memory_space<vmem_shared>>) offsets(%arg15 : memref<96xi32, #tpu.memory_space<vmem>>) semaphore(%run_scoped3A : memref<!tpu.dma_semaphore, #tpu.memory_space<semaphore_mem>>) {add = true}
        %dma_wait3A_226 = arith.constant 0 : i32
        %dma_wait3A_227 = arith.constant 0 : i32
        %dma_wait3A_228 = tpu.memref_slice %arg27[%dma_wait3A_226, %dma_wait3A_227] : memref<10112x128xf32, #tpu.memory_space<vmem_shared>> -> memref<10112x128xf32, #tpu.memory_space<vmem_shared>>
        tpu.wait_indirect_dma semaphore(%run_scoped3A : memref<!tpu.dma_semaphore, #tpu.memory_space<semaphore_mem>>) src(%arg23 : memref<96x128xf32, #tpu.memory_space<vmem>>) dst(%dma_wait3A_228 : memref<10112x128xf32, #tpu.memory_space<vmem_shared>>)
        tpu.yield
      }) : () -> ()
      %mul3A_94 = arith.constant 4 : i32
      %mul3A_95 = arith.muli %scan3A_51, %mul3A_94 : i32
      %add3A_96 = arith.constant 1 : i32
      %add3A_97 = arith.addi %mul3A_95, %add3A_96 : i32
      %dma_wait3A_98 = arith.constant 0 : i32
      %dma_wait3A_99 = arith.constant 0 : i32
      %dma_wait3A_100 = tpu.memref_slice %arg3[%dma_wait3A_98, %dma_wait3A_99] : memref<10112x16xf32, #tpu.memory_space<hbm>> -> memref<10112x16xf32, #tpu.memory_space<hbm>>
      tpu.wait_indirect_dma semaphore(%arg32 : memref<!tpu.dma_semaphore, #tpu.memory_space<semaphore_mem>>) src(%dma_wait3A_100 : memref<10112x16xf32, #tpu.memory_space<hbm>>) dst(%arg20 : memref<96x16xf32, #tpu.memory_space<vmem>>)
      %dma_wait3A_101 = arith.constant 0 : i32
      %dma_wait3A_102 = arith.constant 0 : i32
      %dma_wait3A_103 = tpu.memref_slice %arg4[%dma_wait3A_101, %dma_wait3A_102] : memref<10112x16xf32, #tpu.memory_space<hbm>> -> memref<10112x16xf32, #tpu.memory_space<hbm>>
      tpu.wait_indirect_dma semaphore(%arg33 : memref<!tpu.dma_semaphore, #tpu.memory_space<semaphore_mem>>) src(%dma_wait3A_103 : memref<10112x16xf32, #tpu.memory_space<hbm>>) dst(%arg22 : memref<96x16xf32, #tpu.memory_space<vmem>>)
      %dma_wait3A_104 = arith.constant 0 : i32
      %dma_wait3A_105 = arith.constant 0 : i32
      %dma_wait3A_106 = tpu.memref_slice %arg2[%dma_wait3A_104, %dma_wait3A_105] : memref<10112x128xf32, #tpu.memory_space<hbm>> -> memref<10112x128xf32, #tpu.memory_space<hbm>>
      tpu.wait_indirect_dma semaphore(%arg34 : memref<!tpu.dma_semaphore, #tpu.memory_space<semaphore_mem>>) src(%dma_wait3A_106 : memref<10112x128xf32, #tpu.memory_space<hbm>>) dst(%arg24 : memref<96x128xf32, #tpu.memory_space<vmem>>)
      %add3A_107 = arith.constant 1 : i32
      %add3A_108 = arith.addi %add3A_97, %add3A_107 : i32
      %mul3A_109 = arith.constant 96 : i32
      %mul3A_110 = arith.muli %add3A_108, %mul3A_109 : i32
      %add3A_111 = arith.addi %mul3A_4, %mul3A_110 : i32
      %dma_wait3A_112 = tpu.memref_slice %arg5[%add3A_111] : memref<331968xi32, #tpu.memory_space<hbm>> -> memref<96xi32, #tpu.memory_space<hbm>>
      %dma_wait3A_113 = tpu.memref_slice %arg5[%add3A_111] : memref<331968xi32, #tpu.memory_space<hbm>> -> memref<96xi32, #tpu.memory_space<hbm>>
      tpu.wait_dma2 semaphore(%arg37 : memref<!tpu.dma_semaphore, #tpu.memory_space<semaphore_mem>>) src(%dma_wait3A_113 : memref<96xi32, #tpu.memory_space<hbm>>) dst(%arg13 : memref<96xi32, #tpu.memory_space<vmem>>)
      %dma_wait3A_114 = tpu.memref_slice %arg6[%add3A_111] : memref<331968xi32, #tpu.memory_space<hbm>> -> memref<96xi32, #tpu.memory_space<hbm>>
      %dma_wait3A_115 = tpu.memref_slice %arg6[%add3A_111] : memref<331968xi32, #tpu.memory_space<hbm>> -> memref<96xi32, #tpu.memory_space<hbm>>
      tpu.wait_dma2 semaphore(%arg37 : memref<!tpu.dma_semaphore, #tpu.memory_space<semaphore_mem>>) src(%dma_wait3A_115 : memref<96xi32, #tpu.memory_space<hbm>>) dst(%arg17 : memref<96xi32, #tpu.memory_space<vmem>>)
      %dma_start3A_116 = arith.constant 0 : i32
      %dma_start3A_117 = arith.constant 0 : i32
      %dma_start3A_118 = tpu.memref_slice %arg3[%dma_start3A_116, %dma_start3A_117] : memref<10112x16xf32, #tpu.memory_space<hbm>> -> memref<10112x16xf32, #tpu.memory_space<hbm>>
      tpu.enqueue_indirect_dma source(%dma_start3A_118 : memref<10112x16xf32, #tpu.memory_space<hbm>>) target(%arg19 : memref<96x16xf32, #tpu.memory_space<vmem>>) offsets(%arg13 : memref<96xi32, #tpu.memory_space<vmem>>) semaphore(%arg29 : memref<!tpu.dma_semaphore, #tpu.memory_space<semaphore_mem>>)
      %dma_start3A_119 = arith.constant 0 : i32
      %dma_start3A_120 = arith.constant 0 : i32
      %dma_start3A_121 = tpu.memref_slice %arg4[%dma_start3A_119, %dma_start3A_120] : memref<10112x16xf32, #tpu.memory_space<hbm>> -> memref<10112x16xf32, #tpu.memory_space<hbm>>
      tpu.enqueue_indirect_dma source(%dma_start3A_121 : memref<10112x16xf32, #tpu.memory_space<hbm>>) target(%arg21 : memref<96x16xf32, #tpu.memory_space<vmem>>) offsets(%arg17 : memref<96xi32, #tpu.memory_space<vmem>>) semaphore(%arg30 : memref<!tpu.dma_semaphore, #tpu.memory_space<semaphore_mem>>)
      %dma_start3A_122 = arith.constant 0 : i32
      %dma_start3A_123 = arith.constant 0 : i32
      %dma_start3A_124 = tpu.memref_slice %arg2[%dma_start3A_122, %dma_start3A_123] : memref<10112x128xf32, #tpu.memory_space<hbm>> -> memref<10112x128xf32, #tpu.memory_space<hbm>>
      tpu.enqueue_indirect_dma source(%dma_start3A_124 : memref<10112x128xf32, #tpu.memory_space<hbm>>) target(%arg23 : memref<96x128xf32, #tpu.memory_space<vmem>>) offsets(%arg13 : memref<96xi32, #tpu.memory_space<vmem>>) semaphore(%arg31 : memref<!tpu.dma_semaphore, #tpu.memory_space<semaphore_mem>>)
      %add3A_125 = arith.constant 2 : i32
      %add3A_126 = arith.addi %add3A_97, %add3A_125 : i32
      %mul3A_127 = arith.constant 96 : i32
      %mul3A_128 = arith.muli %add3A_126, %mul3A_127 : i32
      %add3A_129 = arith.addi %mul3A_4, %mul3A_128 : i32
      %dma_start3A_130 = tpu.memref_slice %arg5[%add3A_129] : memref<331968xi32, #tpu.memory_space<hbm>> -> memref<96xi32, #tpu.memory_space<hbm>>
      %dma_start3A_131 = tpu.memref_slice %arg5[%add3A_129] : memref<331968xi32, #tpu.memory_space<hbm>> -> memref<96xi32, #tpu.memory_space<hbm>>
      tpu.enqueue_dma source(%dma_start3A_131 : memref<96xi32, #tpu.memory_space<hbm>>) target(%arg14 : memref<96xi32, #tpu.memory_space<vmem>>) target_semaphore(%arg38 : memref<!tpu.dma_semaphore, #tpu.memory_space<semaphore_mem>>)
      %dma_start3A_132 = tpu.memref_slice %arg6[%add3A_129] : memref<331968xi32, #tpu.memory_space<hbm>> -> memref<96xi32, #tpu.memory_space<hbm>>
      %dma_start3A_133 = tpu.memref_slice %arg6[%add3A_129] : memref<331968xi32, #tpu.memory_space<hbm>> -> memref<96xi32, #tpu.memory_space<hbm>>
      tpu.enqueue_dma source(%dma_start3A_133 : memref<96xi32, #tpu.memory_space<hbm>>) target(%arg18 : memref<96xi32, #tpu.memory_space<vmem>>) target_semaphore(%arg38 : memref<!tpu.dma_semaphore, #tpu.memory_space<semaphore_mem>>)
      %parallel_loop3A_134 = arith.constant 0 : i32
      %parallel_loop3A_135 = arith.constant 96 : i32
      %parallel_loop3A_136 = arith.constant 1 : i32
      scf.for %parallel_loop3A_223 = %parallel_loop3A_134 to %parallel_loop3A_135 step %parallel_loop3A_136  : i32 {
        %parallel_loop3A_224 = arith.index_cast %parallel_loop3A_223 : i32 to index
        %parallel_loop3A_225 = arith.constant 0 : index
        %parallel_loop3A_226 = tpu.vector_load %arg20[%parallel_loop3A_224, %parallel_loop3A_225] {strides = array<i32>} : memref<96x16xf32, #tpu.memory_space<vmem>>, vector<1x16xf32>,
        %parallel_loop3A_227 = vector.shape_cast %parallel_loop3A_226 : vector<1x16xf32> to vector<16xf32>
        %parallel_loop3A_228 = arith.index_cast %parallel_loop3A_223 : i32 to index
        %parallel_loop3A_229 = arith.constant 0 : index
        %parallel_loop3A_230 = tpu.vector_load %arg22[%parallel_loop3A_228, %parallel_loop3A_229] {strides = array<i32>} : memref<96x16xf32, #tpu.memory_space<vmem>>, vector<1x16xf32>,
        %parallel_loop3A_231 = vector.shape_cast %parallel_loop3A_230 : vector<1x16xf32> to vector<16xf32>
        %parallel_loop3A_232 = arith.addf %parallel_loop3A_227, %parallel_loop3A_231 : vector<16xf32>
        %parallel_loop3A_233 = arith.constant 0.000000e+00 : f32
        %parallel_loop3A_234 = vector.broadcast %parallel_loop3A_233 : f32 to vector<16xf32>
        %parallel_loop3A_235 = arith.cmpf oge, %parallel_loop3A_232, %parallel_loop3A_234 : vector<16xf32>
        %parallel_loop3A_236 = arith.constant 2.000000e-01 : f32
        %parallel_loop3A_237 = vector.broadcast %parallel_loop3A_236 : f32 to vector<16xf32>
        %parallel_loop3A_238 = arith.mulf %parallel_loop3A_237, %parallel_loop3A_232 : vector<16xf32>
        %parallel_loop3A_239 = arith.select %parallel_loop3A_235, %parallel_loop3A_232, %parallel_loop3A_238 : vector<16xi1>, vector<16xf32>
        %parallel_loop3A_240 = arith.constant 8 : i32
        %parallel_loop3A_241 = vector.broadcast %parallel_loop3A_240 : i32 to vector<16xi32>
        %parallel_loop3A_242 = arith.cmpi slt, %iota3A, %parallel_loop3A_241 : vector<16xi32>
        %parallel_loop3A_243 = math.exp %parallel_loop3A_239 : vector<16xf32>
        %parallel_loop3A_244 = arith.constant 0.000000e+00 : f32
        %parallel_loop3A_245 = vector.broadcast %parallel_loop3A_244 : f32 to vector<16xf32>
        %parallel_loop3A_246 = arith.select %parallel_loop3A_242, %parallel_loop3A_243, %parallel_loop3A_245 : vector<16xi1>, vector<16xf32>
        %parallel_loop3A_247 = arith.index_cast %parallel_loop3A_223 : i32 to index
        %parallel_loop3A_248 = arith.constant 0 : index
        %parallel_loop3A_249 = tpu.vector_load %arg26[%parallel_loop3A_247, %parallel_loop3A_248] {strides = array<i32>} : memref<96x16xf32, #tpu.memory_space<vmem>>, vector<1x16xf32>,
        %parallel_loop3A_250 = vector.shape_cast %parallel_loop3A_249 : vector<1x16xf32> to vector<16xf32>
        %parallel_loop3A_251 = vector.shape_cast %parallel_loop3A_246 : vector<16xf32> to vector<1x16xf32>
        tpu.vector_store %arg26[%parallel_loop3A_247, %parallel_loop3A_248], %parallel_loop3A_251 {strides = array<i32>} : memref<96x16xf32, #tpu.memory_space<vmem>>, vector<1x16xf32>,
        %parallel_loop3A_252 = vector.extract_strided_slice %parallel_loop3A_246 {offsets = [0], sizes = [1], strides = [1]} : vector<16xf32> to vector<1xf32>
        %parallel_loop3A_253 = vector.extract %parallel_loop3A_252[0] : f32 from vector<1xf32>
        %parallel_loop3A_254 = vector.broadcast %parallel_loop3A_253 : f32 to vector<16xf32>
        %parallel_loop3A_255 = arith.index_cast %parallel_loop3A_223 : i32 to index
        %parallel_loop3A_256 = arith.constant 0 : index
        %parallel_loop3A_257 = tpu.vector_load %arg24[%parallel_loop3A_255, %parallel_loop3A_256] {strides = array<i32>} : memref<96x128xf32, #tpu.memory_space<vmem>>, vector<1x16xf32>,
        %parallel_loop3A_258 = vector.shape_cast %parallel_loop3A_257 : vector<1x16xf32> to vector<16xf32>
        %parallel_loop3A_259 = arith.mulf %parallel_loop3A_258, %parallel_loop3A_254 : vector<16xf32>
        %parallel_loop3A_260 = arith.index_cast %parallel_loop3A_223 : i32 to index
        %parallel_loop3A_261 = arith.constant 0 : index
        %parallel_loop3A_262 = tpu.vector_load %arg24[%parallel_loop3A_260, %parallel_loop3A_261] {strides = array<i32>} : memref<96x128xf32, #tpu.memory_space<vmem>>, vector<1x16xf32>,
        %parallel_loop3A_263 = vector.shape_cast %parallel_loop3A_262 : vector<1x16xf32> to vector<16xf32>
        %parallel_loop3A_264 = vector.shape_cast %parallel_loop3A_259 : vector<16xf32> to vector<1x16xf32>
        tpu.vector_store %arg24[%parallel_loop3A_260, %parallel_loop3A_261], %parallel_loop3A_264 {strides = array<i32>} : memref<96x128xf32, #tpu.memory_space<vmem>>, vector<1x16xf32>,
        %parallel_loop3A_265 = vector.extract_strided_slice %parallel_loop3A_246 {offsets = [1], sizes = [1], strides = [1]} : vector<16xf32> to vector<1xf32>
        %parallel_loop3A_266 = vector.extract %parallel_loop3A_265[0] : f32 from vector<1xf32>
        %parallel_loop3A_267 = vector.broadcast %parallel_loop3A_266 : f32 to vector<16xf32>
        %parallel_loop3A_268 = arith.index_cast %parallel_loop3A_223 : i32 to index
        %parallel_loop3A_269 = arith.constant 16 : index
        %parallel_loop3A_270 = tpu.vector_load %arg24[%parallel_loop3A_268, %parallel_loop3A_269] {strides = array<i32>} : memref<96x128xf32, #tpu.memory_space<vmem>>, vector<1x16xf32>,
        %parallel_loop3A_271 = vector.shape_cast %parallel_loop3A_270 : vector<1x16xf32> to vector<16xf32>
        %parallel_loop3A_272 = arith.mulf %parallel_loop3A_271, %parallel_loop3A_267 : vector<16xf32>
        %parallel_loop3A_273 = arith.index_cast %parallel_loop3A_223 : i32 to index
        %parallel_loop3A_274 = arith.constant 16 : index
        %parallel_loop3A_275 = tpu.vector_load %arg24[%parallel_loop3A_273, %parallel_loop3A_274] {strides = array<i32>} : memref<96x128xf32, #tpu.memory_space<vmem>>, vector<1x16xf32>,
        %parallel_loop3A_276 = vector.shape_cast %parallel_loop3A_275 : vector<1x16xf32> to vector<16xf32>
        %parallel_loop3A_277 = vector.shape_cast %parallel_loop3A_272 : vector<16xf32> to vector<1x16xf32>
        tpu.vector_store %arg24[%parallel_loop3A_273, %parallel_loop3A_274], %parallel_loop3A_277 {strides = array<i32>} : memref<96x128xf32, #tpu.memory_space<vmem>>, vector<1x16xf32>,
        %parallel_loop3A_278 = vector.extract_strided_slice %parallel_loop3A_246 {offsets = [2], sizes = [1], strides = [1]} : vector<16xf32> to vector<1xf32>
        %parallel_loop3A_279 = vector.extract %parallel_loop3A_278[0] : f32 from vector<1xf32>
        %parallel_loop3A_280 = vector.broadcast %parallel_loop3A_279 : f32 to vector<16xf32>
        %parallel_loop3A_281 = arith.index_cast %parallel_loop3A_223 : i32 to index
        %parallel_loop3A_282 = arith.constant 32 : index
        %parallel_loop3A_283 = tpu.vector_load %arg24[%parallel_loop3A_281, %parallel_loop3A_282] {strides = array<i32>} : memref<96x128xf32, #tpu.memory_space<vmem>>, vector<1x16xf32>,
        %parallel_loop3A_284 = vector.shape_cast %parallel_loop3A_283 : vector<1x16xf32> to vector<16xf32>
        %parallel_loop3A_285 = arith.mulf %parallel_loop3A_284, %parallel_loop3A_280 : vector<16xf32>
        %parallel_loop3A_286 = arith.index_cast %parallel_loop3A_223 : i32 to index
        %parallel_loop3A_287 = arith.constant 32 : index
        %parallel_loop3A_288 = tpu.vector_load %arg24[%parallel_loop3A_286, %parallel_loop3A_287] {strides = array<i32>} : memref<96x128xf32, #tpu.memory_space<vmem>>, vector<1x16xf32>,
        %parallel_loop3A_289 = vector.shape_cast %parallel_loop3A_288 : vector<1x16xf32> to vector<16xf32>
        %parallel_loop3A_290 = vector.shape_cast %parallel_loop3A_285 : vector<16xf32> to vector<1x16xf32>
        tpu.vector_store %arg24[%parallel_loop3A_286, %parallel_loop3A_287], %parallel_loop3A_290 {strides = array<i32>} : memref<96x128xf32, #tpu.memory_space<vmem>>, vector<1x16xf32>,
        %parallel_loop3A_291 = vector.extract_strided_slice %parallel_loop3A_246 {offsets = [3], sizes = [1], strides = [1]} : vector<16xf32> to vector<1xf32>
        %parallel_loop3A_292 = vector.extract %parallel_loop3A_291[0] : f32 from vector<1xf32>
        %parallel_loop3A_293 = vector.broadcast %parallel_loop3A_292 : f32 to vector<16xf32>
        %parallel_loop3A_294 = arith.index_cast %parallel_loop3A_223 : i32 to index
        %parallel_loop3A_295 = arith.constant 48 : index
        %parallel_loop3A_296 = tpu.vector_load %arg24[%parallel_loop3A_294, %parallel_loop3A_295] {strides = array<i32>} : memref<96x128xf32, #tpu.memory_space<vmem>>, vector<1x16xf32>,
        %parallel_loop3A_297 = vector.shape_cast %parallel_loop3A_296 : vector<1x16xf32> to vector<16xf32>
        %parallel_loop3A_298 = arith.mulf %parallel_loop3A_297, %parallel_loop3A_293 : vector<16xf32>
        %parallel_loop3A_299 = arith.index_cast %parallel_loop3A_223 : i32 to index
        %parallel_loop3A_300 = arith.constant 48 : index
        %parallel_loop3A_301 = tpu.vector_load %arg24[%parallel_loop3A_299, %parallel_loop3A_300] {strides = array<i32>} : memref<96x128xf32, #tpu.memory_space<vmem>>, vector<1x16xf32>,
        %parallel_loop3A_302 = vector.shape_cast %parallel_loop3A_301 : vector<1x16xf32> to vector<16xf32>
        %parallel_loop3A_303 = vector.shape_cast %parallel_loop3A_298 : vector<16xf32> to vector<1x16xf32>
        tpu.vector_store %arg24[%parallel_loop3A_299, %parallel_loop3A_300], %parallel_loop3A_303 {strides = array<i32>} : memref<96x128xf32, #tpu.memory_space<vmem>>, vector<1x16xf32>,
        %parallel_loop3A_304 = vector.extract_strided_slice %parallel_loop3A_246 {offsets = [4], sizes = [1], strides = [1]} : vector<16xf32> to vector<1xf32>
        %parallel_loop3A_305 = vector.extract %parallel_loop3A_304[0] : f32 from vector<1xf32>
        %parallel_loop3A_306 = vector.broadcast %parallel_loop3A_305 : f32 to vector<16xf32>
        %parallel_loop3A_307 = arith.index_cast %parallel_loop3A_223 : i32 to index
        %parallel_loop3A_308 = arith.constant 64 : index
        %parallel_loop3A_309 = tpu.vector_load %arg24[%parallel_loop3A_307, %parallel_loop3A_308] {strides = array<i32>} : memref<96x128xf32, #tpu.memory_space<vmem>>, vector<1x16xf32>,
        %parallel_loop3A_310 = vector.shape_cast %parallel_loop3A_309 : vector<1x16xf32> to vector<16xf32>
        %parallel_loop3A_311 = arith.mulf %parallel_loop3A_310, %parallel_loop3A_306 : vector<16xf32>
        %parallel_loop3A_312 = arith.index_cast %parallel_loop3A_223 : i32 to index
        %parallel_loop3A_313 = arith.constant 64 : index
        %parallel_loop3A_314 = tpu.vector_load %arg24[%parallel_loop3A_312, %parallel_loop3A_313] {strides = array<i32>} : memref<96x128xf32, #tpu.memory_space<vmem>>, vector<1x16xf32>,
        %parallel_loop3A_315 = vector.shape_cast %parallel_loop3A_314 : vector<1x16xf32> to vector<16xf32>
        %parallel_loop3A_316 = vector.shape_cast %parallel_loop3A_311 : vector<16xf32> to vector<1x16xf32>
        tpu.vector_store %arg24[%parallel_loop3A_312, %parallel_loop3A_313], %parallel_loop3A_316 {strides = array<i32>} : memref<96x128xf32, #tpu.memory_space<vmem>>, vector<1x16xf32>,
        %parallel_loop3A_317 = vector.extract_strided_slice %parallel_loop3A_246 {offsets = [5], sizes = [1], strides = [1]} : vector<16xf32> to vector<1xf32>
        %parallel_loop3A_318 = vector.extract %parallel_loop3A_317[0] : f32 from vector<1xf32>
        %parallel_loop3A_319 = vector.broadcast %parallel_loop3A_318 : f32 to vector<16xf32>
        %parallel_loop3A_320 = arith.index_cast %parallel_loop3A_223 : i32 to index
        %parallel_loop3A_321 = arith.constant 80 : index
        %parallel_loop3A_322 = tpu.vector_load %arg24[%parallel_loop3A_320, %parallel_loop3A_321] {strides = array<i32>} : memref<96x128xf32, #tpu.memory_space<vmem>>, vector<1x16xf32>,
        %parallel_loop3A_323 = vector.shape_cast %parallel_loop3A_322 : vector<1x16xf32> to vector<16xf32>
        %parallel_loop3A_324 = arith.mulf %parallel_loop3A_323, %parallel_loop3A_319 : vector<16xf32>
        %parallel_loop3A_325 = arith.index_cast %parallel_loop3A_223 : i32 to index
        %parallel_loop3A_326 = arith.constant 80 : index
        %parallel_loop3A_327 = tpu.vector_load %arg24[%parallel_loop3A_325, %parallel_loop3A_326] {strides = array<i32>} : memref<96x128xf32, #tpu.memory_space<vmem>>, vector<1x16xf32>,
        %parallel_loop3A_328 = vector.shape_cast %parallel_loop3A_327 : vector<1x16xf32> to vector<16xf32>
        %parallel_loop3A_329 = vector.shape_cast %parallel_loop3A_324 : vector<16xf32> to vector<1x16xf32>
        tpu.vector_store %arg24[%parallel_loop3A_325, %parallel_loop3A_326], %parallel_loop3A_329 {strides = array<i32>} : memref<96x128xf32, #tpu.memory_space<vmem>>, vector<1x16xf32>,
        %parallel_loop3A_330 = vector.extract_strided_slice %parallel_loop3A_246 {offsets = [6], sizes = [1], strides = [1]} : vector<16xf32> to vector<1xf32>
        %parallel_loop3A_331 = vector.extract %parallel_loop3A_330[0] : f32 from vector<1xf32>
        %parallel_loop3A_332 = vector.broadcast %parallel_loop3A_331 : f32 to vector<16xf32>
        %parallel_loop3A_333 = arith.index_cast %parallel_loop3A_223 : i32 to index
        %parallel_loop3A_334 = arith.constant 96 : index
        %parallel_loop3A_335 = tpu.vector_load %arg24[%parallel_loop3A_333, %parallel_loop3A_334] {strides = array<i32>} : memref<96x128xf32, #tpu.memory_space<vmem>>, vector<1x16xf32>,
        %parallel_loop3A_336 = vector.shape_cast %parallel_loop3A_335 : vector<1x16xf32> to vector<16xf32>
        %parallel_loop3A_337 = arith.mulf %parallel_loop3A_336, %parallel_loop3A_332 : vector<16xf32>
        %parallel_loop3A_338 = arith.index_cast %parallel_loop3A_223 : i32 to index
        %parallel_loop3A_339 = arith.constant 96 : index
        %parallel_loop3A_340 = tpu.vector_load %arg24[%parallel_loop3A_338, %parallel_loop3A_339] {strides = array<i32>} : memref<96x128xf32, #tpu.memory_space<vmem>>, vector<1x16xf32>,
        %parallel_loop3A_341 = vector.shape_cast %parallel_loop3A_340 : vector<1x16xf32> to vector<16xf32>
        %parallel_loop3A_342 = vector.shape_cast %parallel_loop3A_337 : vector<16xf32> to vector<1x16xf32>
        tpu.vector_store %arg24[%parallel_loop3A_338, %parallel_loop3A_339], %parallel_loop3A_342 {strides = array<i32>} : memref<96x128xf32, #tpu.memory_space<vmem>>, vector<1x16xf32>,
        %parallel_loop3A_343 = vector.extract_strided_slice %parallel_loop3A_246 {offsets = [7], sizes = [1], strides = [1]} : vector<16xf32> to vector<1xf32>
        %parallel_loop3A_344 = vector.extract %parallel_loop3A_343[0] : f32 from vector<1xf32>
        %parallel_loop3A_345 = vector.broadcast %parallel_loop3A_344 : f32 to vector<16xf32>
        %parallel_loop3A_346 = arith.index_cast %parallel_loop3A_223 : i32 to index
        %parallel_loop3A_347 = arith.constant 112 : index
        %parallel_loop3A_348 = tpu.vector_load %arg24[%parallel_loop3A_346, %parallel_loop3A_347] {strides = array<i32>} : memref<96x128xf32, #tpu.memory_space<vmem>>, vector<1x16xf32>,
        %parallel_loop3A_349 = vector.shape_cast %parallel_loop3A_348 : vector<1x16xf32> to vector<16xf32>
        %parallel_loop3A_350 = arith.mulf %parallel_loop3A_349, %parallel_loop3A_345 : vector<16xf32>
        %parallel_loop3A_351 = arith.index_cast %parallel_loop3A_223 : i32 to index
        %parallel_loop3A_352 = arith.constant 112 : index
        %parallel_loop3A_353 = tpu.vector_load %arg24[%parallel_loop3A_351, %parallel_loop3A_352] {strides = array<i32>} : memref<96x128xf32, #tpu.memory_space<vmem>>, vector<1x16xf32>,
        %parallel_loop3A_354 = vector.shape_cast %parallel_loop3A_353 : vector<1x16xf32> to vector<16xf32>
        %parallel_loop3A_355 = vector.shape_cast %parallel_loop3A_350 : vector<16xf32> to vector<1x16xf32>
        tpu.vector_store %arg24[%parallel_loop3A_351, %parallel_loop3A_352], %parallel_loop3A_355 {strides = array<i32>} : memref<96x128xf32, #tpu.memory_space<vmem>>, vector<1x16xf32>,
      } {sc.loop_unroll_factor = 4 : i64, sc.parallel_access}
      "tpu.region"() ({
        %run_scoped3A = tpu.sem_alloc : memref<!tpu.dma_semaphore, #tpu.memory_space<semaphore_mem>>
        %dma_start3A_223 = arith.constant 0 : i32
        %dma_start3A_224 = arith.constant 0 : i32
        %dma_start3A_225 = tpu.memref_slice %arg28[%dma_start3A_223, %dma_start3A_224] : memref<10112x16xf32, #tpu.memory_space<vmem_shared>> -> memref<10112x16xf32, #tpu.memory_space<vmem_shared>>
        tpu.enqueue_indirect_dma source(%arg26 : memref<96x16xf32, #tpu.memory_space<vmem>>) target(%dma_start3A_225 : memref<10112x16xf32, #tpu.memory_space<vmem_shared>>) offsets(%arg16 : memref<96xi32, #tpu.memory_space<vmem>>) semaphore(%run_scoped3A : memref<!tpu.dma_semaphore, #tpu.memory_space<semaphore_mem>>) {add = true}
        %dma_wait3A_226 = arith.constant 0 : i32
        %dma_wait3A_227 = arith.constant 0 : i32
        %dma_wait3A_228 = tpu.memref_slice %arg28[%dma_wait3A_226, %dma_wait3A_227] : memref<10112x16xf32, #tpu.memory_space<vmem_shared>> -> memref<10112x16xf32, #tpu.memory_space<vmem_shared>>
        tpu.wait_indirect_dma semaphore(%run_scoped3A : memref<!tpu.dma_semaphore, #tpu.memory_space<semaphore_mem>>) src(%arg26 : memref<96x16xf32, #tpu.memory_space<vmem>>) dst(%dma_wait3A_228 : memref<10112x16xf32, #tpu.memory_space<vmem_shared>>)
        tpu.yield
      }) : () -> ()
      "tpu.region"() ({
        %run_scoped3A = tpu.sem_alloc : memref<!tpu.dma_semaphore, #tpu.memory_space<semaphore_mem>>
        %dma_start3A_223 = arith.constant 0 : i32
        %dma_start3A_224 = arith.constant 0 : i32
        %dma_start3A_225 = tpu.memref_slice %arg27[%dma_start3A_223, %dma_start3A_224] : memref<10112x128xf32, #tpu.memory_space<vmem_shared>> -> memref<10112x128xf32, #tpu.memory_space<vmem_shared>>
        tpu.enqueue_indirect_dma source(%arg24 : memref<96x128xf32, #tpu.memory_space<vmem>>) target(%dma_start3A_225 : memref<10112x128xf32, #tpu.memory_space<vmem_shared>>) offsets(%arg16 : memref<96xi32, #tpu.memory_space<vmem>>) semaphore(%run_scoped3A : memref<!tpu.dma_semaphore, #tpu.memory_space<semaphore_mem>>) {add = true}
        %dma_wait3A_226 = arith.constant 0 : i32
        %dma_wait3A_227 = arith.constant 0 : i32
        %dma_wait3A_228 = tpu.memref_slice %arg27[%dma_wait3A_226, %dma_wait3A_227] : memref<10112x128xf32, #tpu.memory_space<vmem_shared>> -> memref<10112x128xf32, #tpu.memory_space<vmem_shared>>
        tpu.wait_indirect_dma semaphore(%run_scoped3A : memref<!tpu.dma_semaphore, #tpu.memory_space<semaphore_mem>>) src(%arg24 : memref<96x128xf32, #tpu.memory_space<vmem>>) dst(%dma_wait3A_228 : memref<10112x128xf32, #tpu.memory_space<vmem_shared>>)
        tpu.yield
      }) : () -> ()
      %mul3A_137 = arith.constant 4 : i32
      %mul3A_138 = arith.muli %scan3A_51, %mul3A_137 : i32
      %add3A_139 = arith.constant 2 : i32
      %add3A_140 = arith.addi %mul3A_138, %add3A_139 : i32
      %dma_wait3A_141 = arith.constant 0 : i32
      %dma_wait3A_142 = arith.constant 0 : i32
      %dma_wait3A_143 = tpu.memref_slice %arg3[%dma_wait3A_141, %dma_wait3A_142] : memref<10112x16xf32, #tpu.memory_space<hbm>> -> memref<10112x16xf32, #tpu.memory_space<hbm>>
      tpu.wait_indirect_dma semaphore(%arg29 : memref<!tpu.dma_semaphore, #tpu.memory_space<semaphore_mem>>) src(%dma_wait3A_143 : memref<10112x16xf32, #tpu.memory_space<hbm>>) dst(%arg19 : memref<96x16xf32, #tpu.memory_space<vmem>>)
      %dma_wait3A_144 = arith.constant 0 : i32
      %dma_wait3A_145 = arith.constant 0 : i32
      %dma_wait3A_146 = tpu.memref_slice %arg4[%dma_wait3A_144, %dma_wait3A_145] : memref<10112x16xf32, #tpu.memory_space<hbm>> -> memref<10112x16xf32, #tpu.memory_space<hbm>>
      tpu.wait_indirect_dma semaphore(%arg30 : memref<!tpu.dma_semaphore, #tpu.memory_space<semaphore_mem>>) src(%dma_wait3A_146 : memref<10112x16xf32, #tpu.memory_space<hbm>>) dst(%arg21 : memref<96x16xf32, #tpu.memory_space<vmem>>)
      %dma_wait3A_147 = arith.constant 0 : i32
      %dma_wait3A_148 = arith.constant 0 : i32
      %dma_wait3A_149 = tpu.memref_slice %arg2[%dma_wait3A_147, %dma_wait3A_148] : memref<10112x128xf32, #tpu.memory_space<hbm>> -> memref<10112x128xf32, #tpu.memory_space<hbm>>
      tpu.wait_indirect_dma semaphore(%arg31 : memref<!tpu.dma_semaphore, #tpu.memory_space<semaphore_mem>>) src(%dma_wait3A_149 : memref<10112x128xf32, #tpu.memory_space<hbm>>) dst(%arg23 : memref<96x128xf32, #tpu.memory_space<vmem>>)
      %add3A_150 = arith.constant 1 : i32
      %add3A_151 = arith.addi %add3A_140, %add3A_150 : i32
      %mul3A_152 = arith.constant 96 : i32
      %mul3A_153 = arith.muli %add3A_151, %mul3A_152 : i32
      %add3A_154 = arith.addi %mul3A_4, %mul3A_153 : i32
      %dma_wait3A_155 = tpu.memref_slice %arg5[%add3A_154] : memref<331968xi32, #tpu.memory_space<hbm>> -> memref<96xi32, #tpu.memory_space<hbm>>
      %dma_wait3A_156 = tpu.memref_slice %arg5[%add3A_154] : memref<331968xi32, #tpu.memory_space<hbm>> -> memref<96xi32, #tpu.memory_space<hbm>>
      tpu.wait_dma2 semaphore(%arg38 : memref<!tpu.dma_semaphore, #tpu.memory_space<semaphore_mem>>) src(%dma_wait3A_156 : memref<96xi32, #tpu.memory_space<hbm>>) dst(%arg14 : memref<96xi32, #tpu.memory_space<vmem>>)
      %dma_wait3A_157 = tpu.memref_slice %arg6[%add3A_154] : memref<331968xi32, #tpu.memory_space<hbm>> -> memref<96xi32, #tpu.memory_space<hbm>>
      %dma_wait3A_158 = tpu.memref_slice %arg6[%add3A_154] : memref<331968xi32, #tpu.memory_space<hbm>> -> memref<96xi32, #tpu.memory_space<hbm>>
      tpu.wait_dma2 semaphore(%arg38 : memref<!tpu.dma_semaphore, #tpu.memory_space<semaphore_mem>>) src(%dma_wait3A_158 : memref<96xi32, #tpu.memory_space<hbm>>) dst(%arg18 : memref<96xi32, #tpu.memory_space<vmem>>)
      %dma_start3A_159 = arith.constant 0 : i32
      %dma_start3A_160 = arith.constant 0 : i32
      %dma_start3A_161 = tpu.memref_slice %arg3[%dma_start3A_159, %dma_start3A_160] : memref<10112x16xf32, #tpu.memory_space<hbm>> -> memref<10112x16xf32, #tpu.memory_space<hbm>>
      tpu.enqueue_indirect_dma source(%dma_start3A_161 : memref<10112x16xf32, #tpu.memory_space<hbm>>) target(%arg20 : memref<96x16xf32, #tpu.memory_space<vmem>>) offsets(%arg14 : memref<96xi32, #tpu.memory_space<vmem>>) semaphore(%arg32 : memref<!tpu.dma_semaphore, #tpu.memory_space<semaphore_mem>>)
      %dma_start3A_162 = arith.constant 0 : i32
      %dma_start3A_163 = arith.constant 0 : i32
      %dma_start3A_164 = tpu.memref_slice %arg4[%dma_start3A_162, %dma_start3A_163] : memref<10112x16xf32, #tpu.memory_space<hbm>> -> memref<10112x16xf32, #tpu.memory_space<hbm>>
      tpu.enqueue_indirect_dma source(%dma_start3A_164 : memref<10112x16xf32, #tpu.memory_space<hbm>>) target(%arg22 : memref<96x16xf32, #tpu.memory_space<vmem>>) offsets(%arg18 : memref<96xi32, #tpu.memory_space<vmem>>) semaphore(%arg33 : memref<!tpu.dma_semaphore, #tpu.memory_space<semaphore_mem>>)
      %dma_start3A_165 = arith.constant 0 : i32
      %dma_start3A_166 = arith.constant 0 : i32
      %dma_start3A_167 = tpu.memref_slice %arg2[%dma_start3A_165, %dma_start3A_166] : memref<10112x128xf32, #tpu.memory_space<hbm>> -> memref<10112x128xf32, #tpu.memory_space<hbm>>
      tpu.enqueue_indirect_dma source(%dma_start3A_167 : memref<10112x128xf32, #tpu.memory_space<hbm>>) target(%arg24 : memref<96x128xf32, #tpu.memory_space<vmem>>) offsets(%arg14 : memref<96xi32, #tpu.memory_space<vmem>>) semaphore(%arg34 : memref<!tpu.dma_semaphore, #tpu.memory_space<semaphore_mem>>)
      %add3A_168 = arith.constant 2 : i32
      %add3A_169 = arith.addi %add3A_140, %add3A_168 : i32
      %mul3A_170 = arith.constant 96 : i32
      %mul3A_171 = arith.muli %add3A_169, %mul3A_170 : i32
      %add3A_172 = arith.addi %mul3A_4, %mul3A_171 : i32
      %dma_start3A_173 = tpu.memref_slice %arg5[%add3A_172] : memref<331968xi32, #tpu.memory_space<hbm>> -> memref<96xi32, #tpu.memory_space<hbm>>
      %dma_start3A_174 = tpu.memref_slice %arg5[%add3A_172] : memref<331968xi32, #tpu.memory_space<hbm>> -> memref<96xi32, #tpu.memory_space<hbm>>
      tpu.enqueue_dma source(%dma_start3A_174 : memref<96xi32, #tpu.memory_space<hbm>>) target(%arg11 : memref<96xi32, #tpu.memory_space<vmem>>) target_semaphore(%arg35 : memref<!tpu.dma_semaphore, #tpu.memory_space<semaphore_mem>>)
      %dma_start3A_175 = tpu.memref_slice %arg6[%add3A_172] : memref<331968xi32, #tpu.memory_space<hbm>> -> memref<96xi32, #tpu.memory_space<hbm>>
      %dma_start3A_176 = tpu.memref_slice %arg6[%add3A_172] : memref<331968xi32, #tpu.memory_space<hbm>> -> memref<96xi32, #tpu.memory_space<hbm>>
      tpu.enqueue_dma source(%dma_start3A_176 : memref<96xi32, #tpu.memory_space<hbm>>) target(%arg15 : memref<96xi32, #tpu.memory_space<vmem>>) target_semaphore(%arg35 : memref<!tpu.dma_semaphore, #tpu.memory_space<semaphore_mem>>)
      %parallel_loop3A_177 = arith.constant 0 : i32
      %parallel_loop3A_178 = arith.constant 96 : i32
      %parallel_loop3A_179 = arith.constant 1 : i32
      scf.for %parallel_loop3A_223 = %parallel_loop3A_177 to %parallel_loop3A_178 step %parallel_loop3A_179  : i32 {
        %parallel_loop3A_224 = arith.index_cast %parallel_loop3A_223 : i32 to index
        %parallel_loop3A_225 = arith.constant 0 : index
        %parallel_loop3A_226 = tpu.vector_load %arg19[%parallel_loop3A_224, %parallel_loop3A_225] {strides = array<i32>} : memref<96x16xf32, #tpu.memory_space<vmem>>, vector<1x16xf32>,
        %parallel_loop3A_227 = vector.shape_cast %parallel_loop3A_226 : vector<1x16xf32> to vector<16xf32>
        %parallel_loop3A_228 = arith.index_cast %parallel_loop3A_223 : i32 to index
        %parallel_loop3A_229 = arith.constant 0 : index
        %parallel_loop3A_230 = tpu.vector_load %arg21[%parallel_loop3A_228, %parallel_loop3A_229] {strides = array<i32>} : memref<96x16xf32, #tpu.memory_space<vmem>>, vector<1x16xf32>,
        %parallel_loop3A_231 = vector.shape_cast %parallel_loop3A_230 : vector<1x16xf32> to vector<16xf32>
        %parallel_loop3A_232 = arith.addf %parallel_loop3A_227, %parallel_loop3A_231 : vector<16xf32>
        %parallel_loop3A_233 = arith.constant 0.000000e+00 : f32
        %parallel_loop3A_234 = vector.broadcast %parallel_loop3A_233 : f32 to vector<16xf32>
        %parallel_loop3A_235 = arith.cmpf oge, %parallel_loop3A_232, %parallel_loop3A_234 : vector<16xf32>
        %parallel_loop3A_236 = arith.constant 2.000000e-01 : f32
        %parallel_loop3A_237 = vector.broadcast %parallel_loop3A_236 : f32 to vector<16xf32>
        %parallel_loop3A_238 = arith.mulf %parallel_loop3A_237, %parallel_loop3A_232 : vector<16xf32>
        %parallel_loop3A_239 = arith.select %parallel_loop3A_235, %parallel_loop3A_232, %parallel_loop3A_238 : vector<16xi1>, vector<16xf32>
        %parallel_loop3A_240 = arith.constant 8 : i32
        %parallel_loop3A_241 = vector.broadcast %parallel_loop3A_240 : i32 to vector<16xi32>
        %parallel_loop3A_242 = arith.cmpi slt, %iota3A, %parallel_loop3A_241 : vector<16xi32>
        %parallel_loop3A_243 = math.exp %parallel_loop3A_239 : vector<16xf32>
        %parallel_loop3A_244 = arith.constant 0.000000e+00 : f32
        %parallel_loop3A_245 = vector.broadcast %parallel_loop3A_244 : f32 to vector<16xf32>
        %parallel_loop3A_246 = arith.select %parallel_loop3A_242, %parallel_loop3A_243, %parallel_loop3A_245 : vector<16xi1>, vector<16xf32>
        %parallel_loop3A_247 = arith.index_cast %parallel_loop3A_223 : i32 to index
        %parallel_loop3A_248 = arith.constant 0 : index
        %parallel_loop3A_249 = tpu.vector_load %arg25[%parallel_loop3A_247, %parallel_loop3A_248] {strides = array<i32>} : memref<96x16xf32, #tpu.memory_space<vmem>>, vector<1x16xf32>,
        %parallel_loop3A_250 = vector.shape_cast %parallel_loop3A_249 : vector<1x16xf32> to vector<16xf32>
        %parallel_loop3A_251 = vector.shape_cast %parallel_loop3A_246 : vector<16xf32> to vector<1x16xf32>
        tpu.vector_store %arg25[%parallel_loop3A_247, %parallel_loop3A_248], %parallel_loop3A_251 {strides = array<i32>} : memref<96x16xf32, #tpu.memory_space<vmem>>, vector<1x16xf32>,
        %parallel_loop3A_252 = vector.extract_strided_slice %parallel_loop3A_246 {offsets = [0], sizes = [1], strides = [1]} : vector<16xf32> to vector<1xf32>
        %parallel_loop3A_253 = vector.extract %parallel_loop3A_252[0] : f32 from vector<1xf32>
        %parallel_loop3A_254 = vector.broadcast %parallel_loop3A_253 : f32 to vector<16xf32>
        %parallel_loop3A_255 = arith.index_cast %parallel_loop3A_223 : i32 to index
        %parallel_loop3A_256 = arith.constant 0 : index
        %parallel_loop3A_257 = tpu.vector_load %arg23[%parallel_loop3A_255, %parallel_loop3A_256] {strides = array<i32>} : memref<96x128xf32, #tpu.memory_space<vmem>>, vector<1x16xf32>,
        %parallel_loop3A_258 = vector.shape_cast %parallel_loop3A_257 : vector<1x16xf32> to vector<16xf32>
        %parallel_loop3A_259 = arith.mulf %parallel_loop3A_258, %parallel_loop3A_254 : vector<16xf32>
        %parallel_loop3A_260 = arith.index_cast %parallel_loop3A_223 : i32 to index
        %parallel_loop3A_261 = arith.constant 0 : index
        %parallel_loop3A_262 = tpu.vector_load %arg23[%parallel_loop3A_260, %parallel_loop3A_261] {strides = array<i32>} : memref<96x128xf32, #tpu.memory_space<vmem>>, vector<1x16xf32>,
        %parallel_loop3A_263 = vector.shape_cast %parallel_loop3A_262 : vector<1x16xf32> to vector<16xf32>
        %parallel_loop3A_264 = vector.shape_cast %parallel_loop3A_259 : vector<16xf32> to vector<1x16xf32>
        tpu.vector_store %arg23[%parallel_loop3A_260, %parallel_loop3A_261], %parallel_loop3A_264 {strides = array<i32>} : memref<96x128xf32, #tpu.memory_space<vmem>>, vector<1x16xf32>,
        %parallel_loop3A_265 = vector.extract_strided_slice %parallel_loop3A_246 {offsets = [1], sizes = [1], strides = [1]} : vector<16xf32> to vector<1xf32>
        %parallel_loop3A_266 = vector.extract %parallel_loop3A_265[0] : f32 from vector<1xf32>
        %parallel_loop3A_267 = vector.broadcast %parallel_loop3A_266 : f32 to vector<16xf32>
        %parallel_loop3A_268 = arith.index_cast %parallel_loop3A_223 : i32 to index
        %parallel_loop3A_269 = arith.constant 16 : index
        %parallel_loop3A_270 = tpu.vector_load %arg23[%parallel_loop3A_268, %parallel_loop3A_269] {strides = array<i32>} : memref<96x128xf32, #tpu.memory_space<vmem>>, vector<1x16xf32>,
        %parallel_loop3A_271 = vector.shape_cast %parallel_loop3A_270 : vector<1x16xf32> to vector<16xf32>
        %parallel_loop3A_272 = arith.mulf %parallel_loop3A_271, %parallel_loop3A_267 : vector<16xf32>
        %parallel_loop3A_273 = arith.index_cast %parallel_loop3A_223 : i32 to index
        %parallel_loop3A_274 = arith.constant 16 : index
        %parallel_loop3A_275 = tpu.vector_load %arg23[%parallel_loop3A_273, %parallel_loop3A_274] {strides = array<i32>} : memref<96x128xf32, #tpu.memory_space<vmem>>, vector<1x16xf32>,
        %parallel_loop3A_276 = vector.shape_cast %parallel_loop3A_275 : vector<1x16xf32> to vector<16xf32>
        %parallel_loop3A_277 = vector.shape_cast %parallel_loop3A_272 : vector<16xf32> to vector<1x16xf32>
        tpu.vector_store %arg23[%parallel_loop3A_273, %parallel_loop3A_274], %parallel_loop3A_277 {strides = array<i32>} : memref<96x128xf32, #tpu.memory_space<vmem>>, vector<1x16xf32>,
        %parallel_loop3A_278 = vector.extract_strided_slice %parallel_loop3A_246 {offsets = [2], sizes = [1], strides = [1]} : vector<16xf32> to vector<1xf32>
        %parallel_loop3A_279 = vector.extract %parallel_loop3A_278[0] : f32 from vector<1xf32>
        %parallel_loop3A_280 = vector.broadcast %parallel_loop3A_279 : f32 to vector<16xf32>
        %parallel_loop3A_281 = arith.index_cast %parallel_loop3A_223 : i32 to index
        %parallel_loop3A_282 = arith.constant 32 : index
        %parallel_loop3A_283 = tpu.vector_load %arg23[%parallel_loop3A_281, %parallel_loop3A_282] {strides = array<i32>} : memref<96x128xf32, #tpu.memory_space<vmem>>, vector<1x16xf32>,
        %parallel_loop3A_284 = vector.shape_cast %parallel_loop3A_283 : vector<1x16xf32> to vector<16xf32>
        %parallel_loop3A_285 = arith.mulf %parallel_loop3A_284, %parallel_loop3A_280 : vector<16xf32>
        %parallel_loop3A_286 = arith.index_cast %parallel_loop3A_223 : i32 to index
        %parallel_loop3A_287 = arith.constant 32 : index
        %parallel_loop3A_288 = tpu.vector_load %arg23[%parallel_loop3A_286, %parallel_loop3A_287] {strides = array<i32>} : memref<96x128xf32, #tpu.memory_space<vmem>>, vector<1x16xf32>,
        %parallel_loop3A_289 = vector.shape_cast %parallel_loop3A_288 : vector<1x16xf32> to vector<16xf32>
        %parallel_loop3A_290 = vector.shape_cast %parallel_loop3A_285 : vector<16xf32> to vector<1x16xf32>
        tpu.vector_store %arg23[%parallel_loop3A_286, %parallel_loop3A_287], %parallel_loop3A_290 {strides = array<i32>} : memref<96x128xf32, #tpu.memory_space<vmem>>, vector<1x16xf32>,
        %parallel_loop3A_291 = vector.extract_strided_slice %parallel_loop3A_246 {offsets = [3], sizes = [1], strides = [1]} : vector<16xf32> to vector<1xf32>
        %parallel_loop3A_292 = vector.extract %parallel_loop3A_291[0] : f32 from vector<1xf32>
        %parallel_loop3A_293 = vector.broadcast %parallel_loop3A_292 : f32 to vector<16xf32>
        %parallel_loop3A_294 = arith.index_cast %parallel_loop3A_223 : i32 to index
        %parallel_loop3A_295 = arith.constant 48 : index
        %parallel_loop3A_296 = tpu.vector_load %arg23[%parallel_loop3A_294, %parallel_loop3A_295] {strides = array<i32>} : memref<96x128xf32, #tpu.memory_space<vmem>>, vector<1x16xf32>,
        %parallel_loop3A_297 = vector.shape_cast %parallel_loop3A_296 : vector<1x16xf32> to vector<16xf32>
        %parallel_loop3A_298 = arith.mulf %parallel_loop3A_297, %parallel_loop3A_293 : vector<16xf32>
        %parallel_loop3A_299 = arith.index_cast %parallel_loop3A_223 : i32 to index
        %parallel_loop3A_300 = arith.constant 48 : index
        %parallel_loop3A_301 = tpu.vector_load %arg23[%parallel_loop3A_299, %parallel_loop3A_300] {strides = array<i32>} : memref<96x128xf32, #tpu.memory_space<vmem>>, vector<1x16xf32>,
        %parallel_loop3A_302 = vector.shape_cast %parallel_loop3A_301 : vector<1x16xf32> to vector<16xf32>
        %parallel_loop3A_303 = vector.shape_cast %parallel_loop3A_298 : vector<16xf32> to vector<1x16xf32>
        tpu.vector_store %arg23[%parallel_loop3A_299, %parallel_loop3A_300], %parallel_loop3A_303 {strides = array<i32>} : memref<96x128xf32, #tpu.memory_space<vmem>>, vector<1x16xf32>,
        %parallel_loop3A_304 = vector.extract_strided_slice %parallel_loop3A_246 {offsets = [4], sizes = [1], strides = [1]} : vector<16xf32> to vector<1xf32>
        %parallel_loop3A_305 = vector.extract %parallel_loop3A_304[0] : f32 from vector<1xf32>
        %parallel_loop3A_306 = vector.broadcast %parallel_loop3A_305 : f32 to vector<16xf32>
        %parallel_loop3A_307 = arith.index_cast %parallel_loop3A_223 : i32 to index
        %parallel_loop3A_308 = arith.constant 64 : index
        %parallel_loop3A_309 = tpu.vector_load %arg23[%parallel_loop3A_307, %parallel_loop3A_308] {strides = array<i32>} : memref<96x128xf32, #tpu.memory_space<vmem>>, vector<1x16xf32>,
        %parallel_loop3A_310 = vector.shape_cast %parallel_loop3A_309 : vector<1x16xf32> to vector<16xf32>
        %parallel_loop3A_311 = arith.mulf %parallel_loop3A_310, %parallel_loop3A_306 : vector<16xf32>
        %parallel_loop3A_312 = arith.index_cast %parallel_loop3A_223 : i32 to index
        %parallel_loop3A_313 = arith.constant 64 : index
        %parallel_loop3A_314 = tpu.vector_load %arg23[%parallel_loop3A_312, %parallel_loop3A_313] {strides = array<i32>} : memref<96x128xf32, #tpu.memory_space<vmem>>, vector<1x16xf32>,
        %parallel_loop3A_315 = vector.shape_cast %parallel_loop3A_314 : vector<1x16xf32> to vector<16xf32>
        %parallel_loop3A_316 = vector.shape_cast %parallel_loop3A_311 : vector<16xf32> to vector<1x16xf32>
        tpu.vector_store %arg23[%parallel_loop3A_312, %parallel_loop3A_313], %parallel_loop3A_316 {strides = array<i32>} : memref<96x128xf32, #tpu.memory_space<vmem>>, vector<1x16xf32>,
        %parallel_loop3A_317 = vector.extract_strided_slice %parallel_loop3A_246 {offsets = [5], sizes = [1], strides = [1]} : vector<16xf32> to vector<1xf32>
        %parallel_loop3A_318 = vector.extract %parallel_loop3A_317[0] : f32 from vector<1xf32>
        %parallel_loop3A_319 = vector.broadcast %parallel_loop3A_318 : f32 to vector<16xf32>
        %parallel_loop3A_320 = arith.index_cast %parallel_loop3A_223 : i32 to index
        %parallel_loop3A_321 = arith.constant 80 : index
        %parallel_loop3A_322 = tpu.vector_load %arg23[%parallel_loop3A_320, %parallel_loop3A_321] {strides = array<i32>} : memref<96x128xf32, #tpu.memory_space<vmem>>, vector<1x16xf32>,
        %parallel_loop3A_323 = vector.shape_cast %parallel_loop3A_322 : vector<1x16xf32> to vector<16xf32>
        %parallel_loop3A_324 = arith.mulf %parallel_loop3A_323, %parallel_loop3A_319 : vector<16xf32>
        %parallel_loop3A_325 = arith.index_cast %parallel_loop3A_223 : i32 to index
        %parallel_loop3A_326 = arith.constant 80 : index
        %parallel_loop3A_327 = tpu.vector_load %arg23[%parallel_loop3A_325, %parallel_loop3A_326] {strides = array<i32>} : memref<96x128xf32, #tpu.memory_space<vmem>>, vector<1x16xf32>,
        %parallel_loop3A_328 = vector.shape_cast %parallel_loop3A_327 : vector<1x16xf32> to vector<16xf32>
        %parallel_loop3A_329 = vector.shape_cast %parallel_loop3A_324 : vector<16xf32> to vector<1x16xf32>
        tpu.vector_store %arg23[%parallel_loop3A_325, %parallel_loop3A_326], %parallel_loop3A_329 {strides = array<i32>} : memref<96x128xf32, #tpu.memory_space<vmem>>, vector<1x16xf32>,
        %parallel_loop3A_330 = vector.extract_strided_slice %parallel_loop3A_246 {offsets = [6], sizes = [1], strides = [1]} : vector<16xf32> to vector<1xf32>
        %parallel_loop3A_331 = vector.extract %parallel_loop3A_330[0] : f32 from vector<1xf32>
        %parallel_loop3A_332 = vector.broadcast %parallel_loop3A_331 : f32 to vector<16xf32>
        %parallel_loop3A_333 = arith.index_cast %parallel_loop3A_223 : i32 to index
        %parallel_loop3A_334 = arith.constant 96 : index
        %parallel_loop3A_335 = tpu.vector_load %arg23[%parallel_loop3A_333, %parallel_loop3A_334] {strides = array<i32>} : memref<96x128xf32, #tpu.memory_space<vmem>>, vector<1x16xf32>,
        %parallel_loop3A_336 = vector.shape_cast %parallel_loop3A_335 : vector<1x16xf32> to vector<16xf32>
        %parallel_loop3A_337 = arith.mulf %parallel_loop3A_336, %parallel_loop3A_332 : vector<16xf32>
        %parallel_loop3A_338 = arith.index_cast %parallel_loop3A_223 : i32 to index
        %parallel_loop3A_339 = arith.constant 96 : index
        %parallel_loop3A_340 = tpu.vector_load %arg23[%parallel_loop3A_338, %parallel_loop3A_339] {strides = array<i32>} : memref<96x128xf32, #tpu.memory_space<vmem>>, vector<1x16xf32>,
        %parallel_loop3A_341 = vector.shape_cast %parallel_loop3A_340 : vector<1x16xf32> to vector<16xf32>
        %parallel_loop3A_342 = vector.shape_cast %parallel_loop3A_337 : vector<16xf32> to vector<1x16xf32>
        tpu.vector_store %arg23[%parallel_loop3A_338, %parallel_loop3A_339], %parallel_loop3A_342 {strides = array<i32>} : memref<96x128xf32, #tpu.memory_space<vmem>>, vector<1x16xf32>,
        %parallel_loop3A_343 = vector.extract_strided_slice %parallel_loop3A_246 {offsets = [7], sizes = [1], strides = [1]} : vector<16xf32> to vector<1xf32>
        %parallel_loop3A_344 = vector.extract %parallel_loop3A_343[0] : f32 from vector<1xf32>
        %parallel_loop3A_345 = vector.broadcast %parallel_loop3A_344 : f32 to vector<16xf32>
        %parallel_loop3A_346 = arith.index_cast %parallel_loop3A_223 : i32 to index
        %parallel_loop3A_347 = arith.constant 112 : index
        %parallel_loop3A_348 = tpu.vector_load %arg23[%parallel_loop3A_346, %parallel_loop3A_347] {strides = array<i32>} : memref<96x128xf32, #tpu.memory_space<vmem>>, vector<1x16xf32>,
        %parallel_loop3A_349 = vector.shape_cast %parallel_loop3A_348 : vector<1x16xf32> to vector<16xf32>
        %parallel_loop3A_350 = arith.mulf %parallel_loop3A_349, %parallel_loop3A_345 : vector<16xf32>
        %parallel_loop3A_351 = arith.index_cast %parallel_loop3A_223 : i32 to index
        %parallel_loop3A_352 = arith.constant 112 : index
        %parallel_loop3A_353 = tpu.vector_load %arg23[%parallel_loop3A_351, %parallel_loop3A_352] {strides = array<i32>} : memref<96x128xf32, #tpu.memory_space<vmem>>, vector<1x16xf32>,
        %parallel_loop3A_354 = vector.shape_cast %parallel_loop3A_353 : vector<1x16xf32> to vector<16xf32>
        %parallel_loop3A_355 = vector.shape_cast %parallel_loop3A_350 : vector<16xf32> to vector<1x16xf32>
        tpu.vector_store %arg23[%parallel_loop3A_351, %parallel_loop3A_352], %parallel_loop3A_355 {strides = array<i32>} : memref<96x128xf32, #tpu.memory_space<vmem>>, vector<1x16xf32>,
      } {sc.loop_unroll_factor = 4 : i64, sc.parallel_access}
      "tpu.region"() ({
        %run_scoped3A = tpu.sem_alloc : memref<!tpu.dma_semaphore, #tpu.memory_space<semaphore_mem>>
        %dma_start3A_223 = arith.constant 0 : i32
        %dma_start3A_224 = arith.constant 0 : i32
        %dma_start3A_225 = tpu.memref_slice %arg28[%dma_start3A_223, %dma_start3A_224] : memref<10112x16xf32, #tpu.memory_space<vmem_shared>> -> memref<10112x16xf32, #tpu.memory_space<vmem_shared>>
        tpu.enqueue_indirect_dma source(%arg25 : memref<96x16xf32, #tpu.memory_space<vmem>>) target(%dma_start3A_225 : memref<10112x16xf32, #tpu.memory_space<vmem_shared>>) offsets(%arg17 : memref<96xi32, #tpu.memory_space<vmem>>) semaphore(%run_scoped3A : memref<!tpu.dma_semaphore, #tpu.memory_space<semaphore_mem>>) {add = true}
        %dma_wait3A_226 = arith.constant 0 : i32
        %dma_wait3A_227 = arith.constant 0 : i32
        %dma_wait3A_228 = tpu.memref_slice %arg28[%dma_wait3A_226, %dma_wait3A_227] : memref<10112x16xf32, #tpu.memory_space<vmem_shared>> -> memref<10112x16xf32, #tpu.memory_space<vmem_shared>>
        tpu.wait_indirect_dma semaphore(%run_scoped3A : memref<!tpu.dma_semaphore, #tpu.memory_space<semaphore_mem>>) src(%arg25 : memref<96x16xf32, #tpu.memory_space<vmem>>) dst(%dma_wait3A_228 : memref<10112x16xf32, #tpu.memory_space<vmem_shared>>)
        tpu.yield
      }) : () -> ()
      "tpu.region"() ({
        %run_scoped3A = tpu.sem_alloc : memref<!tpu.dma_semaphore, #tpu.memory_space<semaphore_mem>>
        %dma_start3A_223 = arith.constant 0 : i32
        %dma_start3A_224 = arith.constant 0 : i32
        %dma_start3A_225 = tpu.memref_slice %arg27[%dma_start3A_223, %dma_start3A_224] : memref<10112x128xf32, #tpu.memory_space<vmem_shared>> -> memref<10112x128xf32, #tpu.memory_space<vmem_shared>>
        tpu.enqueue_indirect_dma source(%arg23 : memref<96x128xf32, #tpu.memory_space<vmem>>) target(%dma_start3A_225 : memref<10112x128xf32, #tpu.memory_space<vmem_shared>>) offsets(%arg17 : memref<96xi32, #tpu.memory_space<vmem>>) semaphore(%run_scoped3A : memref<!tpu.dma_semaphore, #tpu.memory_space<semaphore_mem>>) {add = true}
        %dma_wait3A_226 = arith.constant 0 : i32
        %dma_wait3A_227 = arith.constant 0 : i32
        %dma_wait3A_228 = tpu.memref_slice %arg27[%dma_wait3A_226, %dma_wait3A_227] : memref<10112x128xf32, #tpu.memory_space<vmem_shared>> -> memref<10112x128xf32, #tpu.memory_space<vmem_shared>>
        tpu.wait_indirect_dma semaphore(%run_scoped3A : memref<!tpu.dma_semaphore, #tpu.memory_space<semaphore_mem>>) src(%arg23 : memref<96x128xf32, #tpu.memory_space<vmem>>) dst(%dma_wait3A_228 : memref<10112x128xf32, #tpu.memory_space<vmem_shared>>)
        tpu.yield
      }) : () -> ()
      %mul3A_180 = arith.constant 4 : i32
      %mul3A_181 = arith.muli %scan3A_51, %mul3A_180 : i32
      %add3A_182 = arith.constant 3 : i32
      %add3A_183 = arith.addi %mul3A_181, %add3A_182 : i32
      %dma_wait3A_184 = arith.constant 0 : i32
      %dma_wait3A_185 = arith.constant 0 : i32
      %dma_wait3A_186 = tpu.memref_slice %arg3[%dma_wait3A_184, %dma_wait3A_185] : memref<10112x16xf32, #tpu.memory_space<hbm>> -> memref<10112x16xf32, #tpu.memory_space<hbm>>
      tpu.wait_indirect_dma semaphore(%arg32 : memref<!tpu.dma_semaphore, #tpu.memory_space<semaphore_mem>>) src(%dma_wait3A_186 : memref<10112x16xf32, #tpu.memory_space<hbm>>) dst(%arg20 : memref<96x16xf32, #tpu.memory_space<vmem>>)
      %dma_wait3A_187 = arith.constant 0 : i32
      %dma_wait3A_188 = arith.constant 0 : i32
      %dma_wait3A_189 = tpu.memref_slice %arg4[%dma_wait3A_187, %dma_wait3A_188] : memref<10112x16xf32, #tpu.memory_space<hbm>> -> memref<10112x16xf32, #tpu.memory_space<hbm>>
      tpu.wait_indirect_dma semaphore(%arg33 : memref<!tpu.dma_semaphore, #tpu.memory_space<semaphore_mem>>) src(%dma_wait3A_189 : memref<10112x16xf32, #tpu.memory_space<hbm>>) dst(%arg22 : memref<96x16xf32, #tpu.memory_space<vmem>>)
      %dma_wait3A_190 = arith.constant 0 : i32
      %dma_wait3A_191 = arith.constant 0 : i32
      %dma_wait3A_192 = tpu.memref_slice %arg2[%dma_wait3A_190, %dma_wait3A_191] : memref<10112x128xf32, #tpu.memory_space<hbm>> -> memref<10112x128xf32, #tpu.memory_space<hbm>>
      tpu.wait_indirect_dma semaphore(%arg34 : memref<!tpu.dma_semaphore, #tpu.memory_space<semaphore_mem>>) src(%dma_wait3A_192 : memref<10112x128xf32, #tpu.memory_space<hbm>>) dst(%arg24 : memref<96x128xf32, #tpu.memory_space<vmem>>)
      %add3A_193 = arith.constant 1 : i32
      %add3A_194 = arith.addi %add3A_183, %add3A_193 : i32
      %mul3A_195 = arith.constant 96 : i32
      %mul3A_196 = arith.muli %add3A_194, %mul3A_195 : i32
      %add3A_197 = arith.addi %mul3A_4, %mul3A_196 : i32
      %dma_wait3A_198 = tpu.memref_slice %arg5[%add3A_197] : memref<331968xi32, #tpu.memory_space<hbm>> -> memref<96xi32, #tpu.memory_space<hbm>>
      %dma_wait3A_199 = tpu.memref_slice %arg5[%add3A_197] : memref<331968xi32, #tpu.memory_space<hbm>> -> memref<96xi32, #tpu.memory_space<hbm>>
      tpu.wait_dma2 semaphore(%arg35 : memref<!tpu.dma_semaphore, #tpu.memory_space<semaphore_mem>>) src(%dma_wait3A_199 : memref<96xi32, #tpu.memory_space<hbm>>) dst(%arg11 : memref<96xi32, #tpu.memory_space<vmem>>)
      %dma_wait3A_200 = tpu.memref_slice %arg6[%add3A_197] : memref<331968xi32, #tpu.memory_space<hbm>> -> memref<96xi32, #tpu.memory_space<hbm>>
      %dma_wait3A_201 = tpu.memref_slice %arg6[%add3A_197] : memref<331968xi32, #tpu.memory_space<hbm>> -> memref<96xi32, #tpu.memory_space<hbm>>
      tpu.wait_dma2 semaphore(%arg35 : memref<!tpu.dma_semaphore, #tpu.memory_space<semaphore_mem>>) src(%dma_wait3A_201 : memref<96xi32, #tpu.memory_space<hbm>>) dst(%arg15 : memref<96xi32, #tpu.memory_space<vmem>>)
      %dma_start3A_202 = arith.constant 0 : i32
      %dma_start3A_203 = arith.constant 0 : i32
      %dma_start3A_204 = tpu.memref_slice %arg3[%dma_start3A_202, %dma_start3A_203] : memref<10112x16xf32, #tpu.memory_space<hbm>> -> memref<10112x16xf32, #tpu.memory_space<hbm>>
      tpu.enqueue_indirect_dma source(%dma_start3A_204 : memref<10112x16xf32, #tpu.memory_space<hbm>>) target(%arg19 : memref<96x16xf32, #tpu.memory_space<vmem>>) offsets(%arg11 : memref<96xi32, #tpu.memory_space<vmem>>) semaphore(%arg29 : memref<!tpu.dma_semaphore, #tpu.memory_space<semaphore_mem>>)
      %dma_start3A_205 = arith.constant 0 : i32
      %dma_start3A_206 = arith.constant 0 : i32
      %dma_start3A_207 = tpu.memref_slice %arg4[%dma_start3A_205, %dma_start3A_206] : memref<10112x16xf32, #tpu.memory_space<hbm>> -> memref<10112x16xf32, #tpu.memory_space<hbm>>
      tpu.enqueue_indirect_dma source(%dma_start3A_207 : memref<10112x16xf32, #tpu.memory_space<hbm>>) target(%arg21 : memref<96x16xf32, #tpu.memory_space<vmem>>) offsets(%arg15 : memref<96xi32, #tpu.memory_space<vmem>>) semaphore(%arg30 : memref<!tpu.dma_semaphore, #tpu.memory_space<semaphore_mem>>)
      %dma_start3A_208 = arith.constant 0 : i32
      %dma_start3A_209 = arith.constant 0 : i32
      %dma_start3A_210 = tpu.memref_slice %arg2[%dma_start3A_208, %dma_start3A_209] : memref<10112x128xf32, #tpu.memory_space<hbm>> -> memref<10112x128xf32, #tpu.memory_space<hbm>>
      tpu.enqueue_indirect_dma source(%dma_start3A_210 : memref<10112x128xf32, #tpu.memory_space<hbm>>) target(%arg23 : memref<96x128xf32, #tpu.memory_space<vmem>>) offsets(%arg11 : memref<96xi32, #tpu.memory_space<vmem>>) semaphore(%arg31 : memref<!tpu.dma_semaphore, #tpu.memory_space<semaphore_mem>>)
      %add3A_211 = arith.constant 2 : i32
      %add3A_212 = arith.addi %add3A_183, %add3A_211 : i32
      %mul3A_213 = arith.constant 96 : i32
      %mul3A_214 = arith.muli %add3A_212, %mul3A_213 : i32
      %add3A_215 = arith.addi %mul3A_4, %mul3A_214 : i32
      %dma_start3A_216 = tpu.memref_slice %arg5[%add3A_215] : memref<331968xi32, #tpu.memory_space<hbm>> -> memref<96xi32, #tpu.memory_space<hbm>>
      %dma_start3A_217 = tpu.memref_slice %arg5[%add3A_215] : memref<331968xi32, #tpu.memory_space<hbm>> -> memref<96xi32, #tpu.memory_space<hbm>>
      tpu.enqueue_dma source(%dma_start3A_217 : memref<96xi32, #tpu.memory_space<hbm>>) target(%arg12 : memref<96xi32, #tpu.memory_space<vmem>>) target_semaphore(%arg36 : memref<!tpu.dma_semaphore, #tpu.memory_space<semaphore_mem>>)
      %dma_start3A_218 = tpu.memref_slice %arg6[%add3A_215] : memref<331968xi32, #tpu.memory_space<hbm>> -> memref<96xi32, #tpu.memory_space<hbm>>
      %dma_start3A_219 = tpu.memref_slice %arg6[%add3A_215] : memref<331968xi32, #tpu.memory_space<hbm>> -> memref<96xi32, #tpu.memory_space<hbm>>
      tpu.enqueue_dma source(%dma_start3A_219 : memref<96xi32, #tpu.memory_space<hbm>>) target(%arg16 : memref<96xi32, #tpu.memory_space<vmem>>) target_semaphore(%arg36 : memref<!tpu.dma_semaphore, #tpu.memory_space<semaphore_mem>>)
      %parallel_loop3A_220 = arith.constant 0 : i32
      %parallel_loop3A_221 = arith.constant 96 : i32
      %parallel_loop3A_222 = arith.constant 1 : i32
      scf.for %parallel_loop3A_223 = %parallel_loop3A_220 to %parallel_loop3A_221 step %parallel_loop3A_222  : i32 {
        %parallel_loop3A_224 = arith.index_cast %parallel_loop3A_223 : i32 to index
        %parallel_loop3A_225 = arith.constant 0 : index
        %parallel_loop3A_226 = tpu.vector_load %arg20[%parallel_loop3A_224, %parallel_loop3A_225] {strides = array<i32>} : memref<96x16xf32, #tpu.memory_space<vmem>>, vector<1x16xf32>,
        %parallel_loop3A_227 = vector.shape_cast %parallel_loop3A_226 : vector<1x16xf32> to vector<16xf32>
        %parallel_loop3A_228 = arith.index_cast %parallel_loop3A_223 : i32 to index
        %parallel_loop3A_229 = arith.constant 0 : index
        %parallel_loop3A_230 = tpu.vector_load %arg22[%parallel_loop3A_228, %parallel_loop3A_229] {strides = array<i32>} : memref<96x16xf32, #tpu.memory_space<vmem>>, vector<1x16xf32>,
        %parallel_loop3A_231 = vector.shape_cast %parallel_loop3A_230 : vector<1x16xf32> to vector<16xf32>
        %parallel_loop3A_232 = arith.addf %parallel_loop3A_227, %parallel_loop3A_231 : vector<16xf32>
        %parallel_loop3A_233 = arith.constant 0.000000e+00 : f32
        %parallel_loop3A_234 = vector.broadcast %parallel_loop3A_233 : f32 to vector<16xf32>
        %parallel_loop3A_235 = arith.cmpf oge, %parallel_loop3A_232, %parallel_loop3A_234 : vector<16xf32>
        %parallel_loop3A_236 = arith.constant 2.000000e-01 : f32
        %parallel_loop3A_237 = vector.broadcast %parallel_loop3A_236 : f32 to vector<16xf32>
        %parallel_loop3A_238 = arith.mulf %parallel_loop3A_237, %parallel_loop3A_232 : vector<16xf32>
        %parallel_loop3A_239 = arith.select %parallel_loop3A_235, %parallel_loop3A_232, %parallel_loop3A_238 : vector<16xi1>, vector<16xf32>
        %parallel_loop3A_240 = arith.constant 8 : i32
        %parallel_loop3A_241 = vector.broadcast %parallel_loop3A_240 : i32 to vector<16xi32>
        %parallel_loop3A_242 = arith.cmpi slt, %iota3A, %parallel_loop3A_241 : vector<16xi32>
        %parallel_loop3A_243 = math.exp %parallel_loop3A_239 : vector<16xf32>
        %parallel_loop3A_244 = arith.constant 0.000000e+00 : f32
        %parallel_loop3A_245 = vector.broadcast %parallel_loop3A_244 : f32 to vector<16xf32>
        %parallel_loop3A_246 = arith.select %parallel_loop3A_242, %parallel_loop3A_243, %parallel_loop3A_245 : vector<16xi1>, vector<16xf32>
        %parallel_loop3A_247 = arith.index_cast %parallel_loop3A_223 : i32 to index
        %parallel_loop3A_248 = arith.constant 0 : index
        %parallel_loop3A_249 = tpu.vector_load %arg26[%parallel_loop3A_247, %parallel_loop3A_248] {strides = array<i32>} : memref<96x16xf32, #tpu.memory_space<vmem>>, vector<1x16xf32>,
        %parallel_loop3A_250 = vector.shape_cast %parallel_loop3A_249 : vector<1x16xf32> to vector<16xf32>
        %parallel_loop3A_251 = vector.shape_cast %parallel_loop3A_246 : vector<16xf32> to vector<1x16xf32>
        tpu.vector_store %arg26[%parallel_loop3A_247, %parallel_loop3A_248], %parallel_loop3A_251 {strides = array<i32>} : memref<96x16xf32, #tpu.memory_space<vmem>>, vector<1x16xf32>,
        %parallel_loop3A_252 = vector.extract_strided_slice %parallel_loop3A_246 {offsets = [0], sizes = [1], strides = [1]} : vector<16xf32> to vector<1xf32>
        %parallel_loop3A_253 = vector.extract %parallel_loop3A_252[0] : f32 from vector<1xf32>
        %parallel_loop3A_254 = vector.broadcast %parallel_loop3A_253 : f32 to vector<16xf32>
        %parallel_loop3A_255 = arith.index_cast %parallel_loop3A_223 : i32 to index
        %parallel_loop3A_256 = arith.constant 0 : index
        %parallel_loop3A_257 = tpu.vector_load %arg24[%parallel_loop3A_255, %parallel_loop3A_256] {strides = array<i32>} : memref<96x128xf32, #tpu.memory_space<vmem>>, vector<1x16xf32>,
        %parallel_loop3A_258 = vector.shape_cast %parallel_loop3A_257 : vector<1x16xf32> to vector<16xf32>
        %parallel_loop3A_259 = arith.mulf %parallel_loop3A_258, %parallel_loop3A_254 : vector<16xf32>
        %parallel_loop3A_260 = arith.index_cast %parallel_loop3A_223 : i32 to index
        %parallel_loop3A_261 = arith.constant 0 : index
        %parallel_loop3A_262 = tpu.vector_load %arg24[%parallel_loop3A_260, %parallel_loop3A_261] {strides = array<i32>} : memref<96x128xf32, #tpu.memory_space<vmem>>, vector<1x16xf32>,
        %parallel_loop3A_263 = vector.shape_cast %parallel_loop3A_262 : vector<1x16xf32> to vector<16xf32>
        %parallel_loop3A_264 = vector.shape_cast %parallel_loop3A_259 : vector<16xf32> to vector<1x16xf32>
        tpu.vector_store %arg24[%parallel_loop3A_260, %parallel_loop3A_261], %parallel_loop3A_264 {strides = array<i32>} : memref<96x128xf32, #tpu.memory_space<vmem>>, vector<1x16xf32>,
        %parallel_loop3A_265 = vector.extract_strided_slice %parallel_loop3A_246 {offsets = [1], sizes = [1], strides = [1]} : vector<16xf32> to vector<1xf32>
        %parallel_loop3A_266 = vector.extract %parallel_loop3A_265[0] : f32 from vector<1xf32>
        %parallel_loop3A_267 = vector.broadcast %parallel_loop3A_266 : f32 to vector<16xf32>
        %parallel_loop3A_268 = arith.index_cast %parallel_loop3A_223 : i32 to index
        %parallel_loop3A_269 = arith.constant 16 : index
        %parallel_loop3A_270 = tpu.vector_load %arg24[%parallel_loop3A_268, %parallel_loop3A_269] {strides = array<i32>} : memref<96x128xf32, #tpu.memory_space<vmem>>, vector<1x16xf32>,
        %parallel_loop3A_271 = vector.shape_cast %parallel_loop3A_270 : vector<1x16xf32> to vector<16xf32>
        %parallel_loop3A_272 = arith.mulf %parallel_loop3A_271, %parallel_loop3A_267 : vector<16xf32>
        %parallel_loop3A_273 = arith.index_cast %parallel_loop3A_223 : i32 to index
        %parallel_loop3A_274 = arith.constant 16 : index
        %parallel_loop3A_275 = tpu.vector_load %arg24[%parallel_loop3A_273, %parallel_loop3A_274] {strides = array<i32>} : memref<96x128xf32, #tpu.memory_space<vmem>>, vector<1x16xf32>,
        %parallel_loop3A_276 = vector.shape_cast %parallel_loop3A_275 : vector<1x16xf32> to vector<16xf32>
        %parallel_loop3A_277 = vector.shape_cast %parallel_loop3A_272 : vector<16xf32> to vector<1x16xf32>
        tpu.vector_store %arg24[%parallel_loop3A_273, %parallel_loop3A_274], %parallel_loop3A_277 {strides = array<i32>} : memref<96x128xf32, #tpu.memory_space<vmem>>, vector<1x16xf32>,
        %parallel_loop3A_278 = vector.extract_strided_slice %parallel_loop3A_246 {offsets = [2], sizes = [1], strides = [1]} : vector<16xf32> to vector<1xf32>
        %parallel_loop3A_279 = vector.extract %parallel_loop3A_278[0] : f32 from vector<1xf32>
        %parallel_loop3A_280 = vector.broadcast %parallel_loop3A_279 : f32 to vector<16xf32>
        %parallel_loop3A_281 = arith.index_cast %parallel_loop3A_223 : i32 to index
        %parallel_loop3A_282 = arith.constant 32 : index
        %parallel_loop3A_283 = tpu.vector_load %arg24[%parallel_loop3A_281, %parallel_loop3A_282] {strides = array<i32>} : memref<96x128xf32, #tpu.memory_space<vmem>>, vector<1x16xf32>,
        %parallel_loop3A_284 = vector.shape_cast %parallel_loop3A_283 : vector<1x16xf32> to vector<16xf32>
        %parallel_loop3A_285 = arith.mulf %parallel_loop3A_284, %parallel_loop3A_280 : vector<16xf32>
        %parallel_loop3A_286 = arith.index_cast %parallel_loop3A_223 : i32 to index
        %parallel_loop3A_287 = arith.constant 32 : index
        %parallel_loop3A_288 = tpu.vector_load %arg24[%parallel_loop3A_286, %parallel_loop3A_287] {strides = array<i32>} : memref<96x128xf32, #tpu.memory_space<vmem>>, vector<1x16xf32>,
        %parallel_loop3A_289 = vector.shape_cast %parallel_loop3A_288 : vector<1x16xf32> to vector<16xf32>
        %parallel_loop3A_290 = vector.shape_cast %parallel_loop3A_285 : vector<16xf32> to vector<1x16xf32>
        tpu.vector_store %arg24[%parallel_loop3A_286, %parallel_loop3A_287], %parallel_loop3A_290 {strides = array<i32>} : memref<96x128xf32, #tpu.memory_space<vmem>>, vector<1x16xf32>,
        %parallel_loop3A_291 = vector.extract_strided_slice %parallel_loop3A_246 {offsets = [3], sizes = [1], strides = [1]} : vector<16xf32> to vector<1xf32>
        %parallel_loop3A_292 = vector.extract %parallel_loop3A_291[0] : f32 from vector<1xf32>
        %parallel_loop3A_293 = vector.broadcast %parallel_loop3A_292 : f32 to vector<16xf32>
        %parallel_loop3A_294 = arith.index_cast %parallel_loop3A_223 : i32 to index
        %parallel_loop3A_295 = arith.constant 48 : index
        %parallel_loop3A_296 = tpu.vector_load %arg24[%parallel_loop3A_294, %parallel_loop3A_295] {strides = array<i32>} : memref<96x128xf32, #tpu.memory_space<vmem>>, vector<1x16xf32>,
        %parallel_loop3A_297 = vector.shape_cast %parallel_loop3A_296 : vector<1x16xf32> to vector<16xf32>
        %parallel_loop3A_298 = arith.mulf %parallel_loop3A_297, %parallel_loop3A_293 : vector<16xf32>
        %parallel_loop3A_299 = arith.index_cast %parallel_loop3A_223 : i32 to index
        %parallel_loop3A_300 = arith.constant 48 : index
        %parallel_loop3A_301 = tpu.vector_load %arg24[%parallel_loop3A_299, %parallel_loop3A_300] {strides = array<i32>} : memref<96x128xf32, #tpu.memory_space<vmem>>, vector<1x16xf32>,
        %parallel_loop3A_302 = vector.shape_cast %parallel_loop3A_301 : vector<1x16xf32> to vector<16xf32>
        %parallel_loop3A_303 = vector.shape_cast %parallel_loop3A_298 : vector<16xf32> to vector<1x16xf32>
        tpu.vector_store %arg24[%parallel_loop3A_299, %parallel_loop3A_300], %parallel_loop3A_303 {strides = array<i32>} : memref<96x128xf32, #tpu.memory_space<vmem>>, vector<1x16xf32>,
        %parallel_loop3A_304 = vector.extract_strided_slice %parallel_loop3A_246 {offsets = [4], sizes = [1], strides = [1]} : vector<16xf32> to vector<1xf32>
        %parallel_loop3A_305 = vector.extract %parallel_loop3A_304[0] : f32 from vector<1xf32>
        %parallel_loop3A_306 = vector.broadcast %parallel_loop3A_305 : f32 to vector<16xf32>
        %parallel_loop3A_307 = arith.index_cast %parallel_loop3A_223 : i32 to index
        %parallel_loop3A_308 = arith.constant 64 : index
        %parallel_loop3A_309 = tpu.vector_load %arg24[%parallel_loop3A_307, %parallel_loop3A_308] {strides = array<i32>} : memref<96x128xf32, #tpu.memory_space<vmem>>, vector<1x16xf32>,
        %parallel_loop3A_310 = vector.shape_cast %parallel_loop3A_309 : vector<1x16xf32> to vector<16xf32>
        %parallel_loop3A_311 = arith.mulf %parallel_loop3A_310, %parallel_loop3A_306 : vector<16xf32>
        %parallel_loop3A_312 = arith.index_cast %parallel_loop3A_223 : i32 to index
        %parallel_loop3A_313 = arith.constant 64 : index
        %parallel_loop3A_314 = tpu.vector_load %arg24[%parallel_loop3A_312, %parallel_loop3A_313] {strides = array<i32>} : memref<96x128xf32, #tpu.memory_space<vmem>>, vector<1x16xf32>,
        %parallel_loop3A_315 = vector.shape_cast %parallel_loop3A_314 : vector<1x16xf32> to vector<16xf32>
        %parallel_loop3A_316 = vector.shape_cast %parallel_loop3A_311 : vector<16xf32> to vector<1x16xf32>
        tpu.vector_store %arg24[%parallel_loop3A_312, %parallel_loop3A_313], %parallel_loop3A_316 {strides = array<i32>} : memref<96x128xf32, #tpu.memory_space<vmem>>, vector<1x16xf32>,
        %parallel_loop3A_317 = vector.extract_strided_slice %parallel_loop3A_246 {offsets = [5], sizes = [1], strides = [1]} : vector<16xf32> to vector<1xf32>
        %parallel_loop3A_318 = vector.extract %parallel_loop3A_317[0] : f32 from vector<1xf32>
        %parallel_loop3A_319 = vector.broadcast %parallel_loop3A_318 : f32 to vector<16xf32>
        %parallel_loop3A_320 = arith.index_cast %parallel_loop3A_223 : i32 to index
        %parallel_loop3A_321 = arith.constant 80 : index
        %parallel_loop3A_322 = tpu.vector_load %arg24[%parallel_loop3A_320, %parallel_loop3A_321] {strides = array<i32>} : memref<96x128xf32, #tpu.memory_space<vmem>>, vector<1x16xf32>,
        %parallel_loop3A_323 = vector.shape_cast %parallel_loop3A_322 : vector<1x16xf32> to vector<16xf32>
        %parallel_loop3A_324 = arith.mulf %parallel_loop3A_323, %parallel_loop3A_319 : vector<16xf32>
        %parallel_loop3A_325 = arith.index_cast %parallel_loop3A_223 : i32 to index
        %parallel_loop3A_326 = arith.constant 80 : index
        %parallel_loop3A_327 = tpu.vector_load %arg24[%parallel_loop3A_325, %parallel_loop3A_326] {strides = array<i32>} : memref<96x128xf32, #tpu.memory_space<vmem>>, vector<1x16xf32>,
        %parallel_loop3A_328 = vector.shape_cast %parallel_loop3A_327 : vector<1x16xf32> to vector<16xf32>
        %parallel_loop3A_329 = vector.shape_cast %parallel_loop3A_324 : vector<16xf32> to vector<1x16xf32>
        tpu.vector_store %arg24[%parallel_loop3A_325, %parallel_loop3A_326], %parallel_loop3A_329 {strides = array<i32>} : memref<96x128xf32, #tpu.memory_space<vmem>>, vector<1x16xf32>,
        %parallel_loop3A_330 = vector.extract_strided_slice %parallel_loop3A_246 {offsets = [6], sizes = [1], strides = [1]} : vector<16xf32> to vector<1xf32>
        %parallel_loop3A_331 = vector.extract %parallel_loop3A_330[0] : f32 from vector<1xf32>
        %parallel_loop3A_332 = vector.broadcast %parallel_loop3A_331 : f32 to vector<16xf32>
        %parallel_loop3A_333 = arith.index_cast %parallel_loop3A_223 : i32 to index
        %parallel_loop3A_334 = arith.constant 96 : index
        %parallel_loop3A_335 = tpu.vector_load %arg24[%parallel_loop3A_333, %parallel_loop3A_334] {strides = array<i32>} : memref<96x128xf32, #tpu.memory_space<vmem>>, vector<1x16xf32>,
        %parallel_loop3A_336 = vector.shape_cast %parallel_loop3A_335 : vector<1x16xf32> to vector<16xf32>
        %parallel_loop3A_337 = arith.mulf %parallel_loop3A_336, %parallel_loop3A_332 : vector<16xf32>
        %parallel_loop3A_338 = arith.index_cast %parallel_loop3A_223 : i32 to index
        %parallel_loop3A_339 = arith.constant 96 : index
        %parallel_loop3A_340 = tpu.vector_load %arg24[%parallel_loop3A_338, %parallel_loop3A_339] {strides = array<i32>} : memref<96x128xf32, #tpu.memory_space<vmem>>, vector<1x16xf32>,
        %parallel_loop3A_341 = vector.shape_cast %parallel_loop3A_340 : vector<1x16xf32> to vector<16xf32>
        %parallel_loop3A_342 = vector.shape_cast %parallel_loop3A_337 : vector<16xf32> to vector<1x16xf32>
        tpu.vector_store %arg24[%parallel_loop3A_338, %parallel_loop3A_339], %parallel_loop3A_342 {strides = array<i32>} : memref<96x128xf32, #tpu.memory_space<vmem>>, vector<1x16xf32>,
        %parallel_loop3A_343 = vector.extract_strided_slice %parallel_loop3A_246 {offsets = [7], sizes = [1], strides = [1]} : vector<16xf32> to vector<1xf32>
        %parallel_loop3A_344 = vector.extract %parallel_loop3A_343[0] : f32 from vector<1xf32>
        %parallel_loop3A_345 = vector.broadcast %parallel_loop3A_344 : f32 to vector<16xf32>
        %parallel_loop3A_346 = arith.index_cast %parallel_loop3A_223 : i32 to index
        %parallel_loop3A_347 = arith.constant 112 : index
        %parallel_loop3A_348 = tpu.vector_load %arg24[%parallel_loop3A_346, %parallel_loop3A_347] {strides = array<i32>} : memref<96x128xf32, #tpu.memory_space<vmem>>, vector<1x16xf32>,
        %parallel_loop3A_349 = vector.shape_cast %parallel_loop3A_348 : vector<1x16xf32> to vector<16xf32>
        %parallel_loop3A_350 = arith.mulf %parallel_loop3A_349, %parallel_loop3A_345 : vector<16xf32>
        %parallel_loop3A_351 = arith.index_cast %parallel_loop3A_223 : i32 to index
        %parallel_loop3A_352 = arith.constant 112 : index
        %parallel_loop3A_353 = tpu.vector_load %arg24[%parallel_loop3A_351, %parallel_loop3A_352] {strides = array<i32>} : memref<96x128xf32, #tpu.memory_space<vmem>>, vector<1x16xf32>,
        %parallel_loop3A_354 = vector.shape_cast %parallel_loop3A_353 : vector<1x16xf32> to vector<16xf32>
        %parallel_loop3A_355 = vector.shape_cast %parallel_loop3A_350 : vector<16xf32> to vector<1x16xf32>
        tpu.vector_store %arg24[%parallel_loop3A_351, %parallel_loop3A_352], %parallel_loop3A_355 {strides = array<i32>} : memref<96x128xf32, #tpu.memory_space<vmem>>, vector<1x16xf32>,
      } {sc.loop_unroll_factor = 4 : i64, sc.parallel_access}
      "tpu.region"() ({
        %run_scoped3A = tpu.sem_alloc : memref<!tpu.dma_semaphore, #tpu.memory_space<semaphore_mem>>
        %dma_start3A_223 = arith.constant 0 : i32
        %dma_start3A_224 = arith.constant 0 : i32
        %dma_start3A_225 = tpu.memref_slice %arg28[%dma_start3A_223, %dma_start3A_224] : memref<10112x16xf32, #tpu.memory_space<vmem_shared>> -> memref<10112x16xf32, #tpu.memory_space<vmem_shared>>
        tpu.enqueue_indirect_dma source(%arg26 : memref<96x16xf32, #tpu.memory_space<vmem>>) target(%dma_start3A_225 : memref<10112x16xf32, #tpu.memory_space<vmem_shared>>) offsets(%arg18 : memref<96xi32, #tpu.memory_space<vmem>>) semaphore(%run_scoped3A : memref<!tpu.dma_semaphore, #tpu.memory_space<semaphore_mem>>) {add = true}
        %dma_wait3A_226 = arith.constant 0 : i32
        %dma_wait3A_227 = arith.constant 0 : i32
        %dma_wait3A_228 = tpu.memref_slice %arg28[%dma_wait3A_226, %dma_wait3A_227] : memref<10112x16xf32, #tpu.memory_space<vmem_shared>> -> memref<10112x16xf32, #tpu.memory_space<vmem_shared>>
        tpu.wait_indirect_dma semaphore(%run_scoped3A : memref<!tpu.dma_semaphore, #tpu.memory_space<semaphore_mem>>) src(%arg26 : memref<96x16xf32, #tpu.memory_space<vmem>>) dst(%dma_wait3A_228 : memref<10112x16xf32, #tpu.memory_space<vmem_shared>>)
        tpu.yield
      }) : () -> ()
      "tpu.region"() ({
        %run_scoped3A = tpu.sem_alloc : memref<!tpu.dma_semaphore, #tpu.memory_space<semaphore_mem>>
        %dma_start3A_223 = arith.constant 0 : i32
        %dma_start3A_224 = arith.constant 0 : i32
        %dma_start3A_225 = tpu.memref_slice %arg27[%dma_start3A_223, %dma_start3A_224] : memref<10112x128xf32, #tpu.memory_space<vmem_shared>> -> memref<10112x128xf32, #tpu.memory_space<vmem_shared>>
        tpu.enqueue_indirect_dma source(%arg24 : memref<96x128xf32, #tpu.memory_space<vmem>>) target(%dma_start3A_225 : memref<10112x128xf32, #tpu.memory_space<vmem_shared>>) offsets(%arg18 : memref<96xi32, #tpu.memory_space<vmem>>) semaphore(%run_scoped3A : memref<!tpu.dma_semaphore, #tpu.memory_space<semaphore_mem>>) {add = true}
        %dma_wait3A_226 = arith.constant 0 : i32
        %dma_wait3A_227 = arith.constant 0 : i32
        %dma_wait3A_228 = tpu.memref_slice %arg27[%dma_wait3A_226, %dma_wait3A_227] : memref<10112x128xf32, #tpu.memory_space<vmem_shared>> -> memref<10112x128xf32, #tpu.memory_space<vmem_shared>>
        tpu.wait_indirect_dma semaphore(%run_scoped3A : memref<!tpu.dma_semaphore, #tpu.memory_space<semaphore_mem>>) src(%arg24 : memref<96x128xf32, #tpu.memory_space<vmem>>) dst(%dma_wait3A_228 : memref<10112x128xf32, #tpu.memory_space<vmem_shared>>)
        tpu.yield
      }) : () -> ()
    }
    %scan3A_34 = arith.constant 27 : i32
    %dma_wait3A_35 = arith.constant 0 : i32
    %dma_wait3A_36 = arith.constant 0 : i32
    %dma_wait3A_37 = tpu.memref_slice %arg3[%dma_wait3A_35, %dma_wait3A_36] : memref<10112x16xf32, #tpu.memory_space<hbm>> -> memref<10112x16xf32, #tpu.memory_space<hbm>>
    tpu.wait_indirect_dma semaphore(%arg29 : memref<!tpu.dma_semaphore, #tpu.memory_space<semaphore_mem>>) src(%dma_wait3A_37 : memref<10112x16xf32, #tpu.memory_space<hbm>>) dst(%arg19 : memref<96x16xf32, #tpu.memory_space<vmem>>)
    %dma_wait3A_38 = arith.constant 0 : i32
    %dma_wait3A_39 = arith.constant 0 : i32
    %dma_wait3A_40 = tpu.memref_slice %arg4[%dma_wait3A_38, %dma_wait3A_39] : memref<10112x16xf32, #tpu.memory_space<hbm>> -> memref<10112x16xf32, #tpu.memory_space<hbm>>
    tpu.wait_indirect_dma semaphore(%arg30 : memref<!tpu.dma_semaphore, #tpu.memory_space<semaphore_mem>>) src(%dma_wait3A_40 : memref<10112x16xf32, #tpu.memory_space<hbm>>) dst(%arg21 : memref<96x16xf32, #tpu.memory_space<vmem>>)
    %dma_wait3A_41 = arith.constant 0 : i32
    %dma_wait3A_42 = arith.constant 0 : i32
    %dma_wait3A_43 = tpu.memref_slice %arg2[%dma_wait3A_41, %dma_wait3A_42] : memref<10112x128xf32, #tpu.memory_space<hbm>> -> memref<10112x128xf32, #tpu.memory_space<hbm>>
    tpu.wait_indirect_dma semaphore(%arg31 : memref<!tpu.dma_semaphore, #tpu.memory_space<semaphore_mem>>) src(%dma_wait3A_43 : memref<10112x128xf32, #tpu.memory_space<hbm>>) dst(%arg23 : memref<96x128xf32, #tpu.memory_space<vmem>>)
    %add3A_44 = arith.constant 10464 : i32
    %add3A_45 = arith.addi %mul3A_4, %add3A_44 : i32
    %dma_wait3A_46 = tpu.memref_slice %arg5[%add3A_45] : memref<331968xi32, #tpu.memory_space<hbm>> -> memref<96xi32, #tpu.memory_space<hbm>>
    %dma_wait3A_47 = tpu.memref_slice %arg5[%add3A_45] : memref<331968xi32, #tpu.memory_space<hbm>> -> memref<96xi32, #tpu.memory_space<hbm>>
    tpu.wait_dma2 semaphore(%arg36 : memref<!tpu.dma_semaphore, #tpu.memory_space<semaphore_mem>>) src(%dma_wait3A_47 : memref<96xi32, #tpu.memory_space<hbm>>) dst(%arg12 : memref<96xi32, #tpu.memory_space<vmem>>)
    %dma_wait3A_48 = tpu.memref_slice %arg6[%add3A_45] : memref<331968xi32, #tpu.memory_space<hbm>> -> memref<96xi32, #tpu.memory_space<hbm>>
    %dma_wait3A_49 = tpu.memref_slice %arg6[%add3A_45] : memref<331968xi32, #tpu.memory_space<hbm>> -> memref<96xi32, #tpu.memory_space<hbm>>
    tpu.wait_dma2 semaphore(%arg36 : memref<!tpu.dma_semaphore, #tpu.memory_space<semaphore_mem>>) src(%dma_wait3A_49 : memref<96xi32, #tpu.memory_space<hbm>>) dst(%arg16 : memref<96xi32, #tpu.memory_space<vmem>>)
    %barrier3A_50 = arith.constant 0 : index
    tpu.barrier barrier_id(%barrier3A_50)
    "tpu.region"() ({
      %run_scoped3A = tpu.sem_alloc : memref<!tpu.dma_semaphore, #tpu.memory_space<semaphore_mem>>
      %dma_start3A_51 = arith.constant 0 : i32
      %dma_start3A_52 = tpu.memref_slice %arg9[%arg0, %mul3A_0, %dma_start3A_51] : memref<2x10112x128xf32, #tpu.memory_space<hbm>> -> memref<1x632x128xf32, #tpu.memory_space<hbm>>
      %dma_start3A_53 = tpu.memref_squeeze %dma_start3A_52 : memref<1x632x128xf32, #tpu.memory_space<hbm>> -> memref<632x128xf32, #tpu.memory_space<hbm>>
      %dma_start3A_54 = arith.constant 0 : i32
      %dma_start3A_55 = tpu.memref_slice %arg27[%mul3A_0, %dma_start3A_54] : memref<10112x128xf32, #tpu.memory_space<vmem_shared>> -> memref<632x128xf32, #tpu.memory_space<vmem_shared>>
      tpu.enqueue_dma source(%dma_start3A_55 : memref<632x128xf32, #tpu.memory_space<vmem_shared>>) target(%dma_start3A_53 : memref<632x128xf32, #tpu.memory_space<hbm>>) target_semaphore(%run_scoped3A : memref<!tpu.dma_semaphore, #tpu.memory_space<semaphore_mem>>)
      %dma_wait3A_56 = arith.constant 0 : i32
      %dma_wait3A_57 = tpu.memref_slice %arg9[%arg0, %mul3A_0, %dma_wait3A_56] : memref<2x10112x128xf32, #tpu.memory_space<hbm>> -> memref<1x632x128xf32, #tpu.memory_space<hbm>>
      %dma_wait3A_58 = tpu.memref_squeeze %dma_wait3A_57 : memref<1x632x128xf32, #tpu.memory_space<hbm>> -> memref<632x128xf32, #tpu.memory_space<hbm>>
      %dma_wait3A_59 = arith.constant 0 : i32
      %dma_wait3A_60 = tpu.memref_slice %arg27[%mul3A_0, %dma_wait3A_59] : memref<10112x128xf32, #tpu.memory_space<vmem_shared>> -> memref<632x128xf32, #tpu.memory_space<vmem_shared>>
      tpu.wait_dma2 semaphore(%run_scoped3A : memref<!tpu.dma_semaphore, #tpu.memory_space<semaphore_mem>>) src(%dma_wait3A_60 : memref<632x128xf32, #tpu.memory_space<vmem_shared>>) dst(%dma_wait3A_58 : memref<632x128xf32, #tpu.memory_space<hbm>>)
      tpu.yield
    }) : () -> ()
    "tpu.region"() ({
      %run_scoped3A = tpu.sem_alloc : memref<!tpu.dma_semaphore, #tpu.memory_space<semaphore_mem>>
      %dma_start3A_51 = arith.constant 0 : i32
      %dma_start3A_52 = tpu.memref_slice %arg10[%arg0, %mul3A_0, %dma_start3A_51] : memref<2x10112x16xf32, #tpu.memory_space<hbm>> -> memref<1x632x16xf32, #tpu.memory_space<hbm>>
      %dma_start3A_53 = tpu.memref_squeeze %dma_start3A_52 : memref<1x632x16xf32, #tpu.memory_space<hbm>> -> memref<632x16xf32, #tpu.memory_space<hbm>>
      %dma_start3A_54 = arith.constant 0 : i32
      %dma_start3A_55 = tpu.memref_slice %arg28[%mul3A_0, %dma_start3A_54] : memref<10112x16xf32, #tpu.memory_space<vmem_shared>> -> memref<632x16xf32, #tpu.memory_space<vmem_shared>>
      tpu.enqueue_dma source(%dma_start3A_55 : memref<632x16xf32, #tpu.memory_space<vmem_shared>>) target(%dma_start3A_53 : memref<632x16xf32, #tpu.memory_space<hbm>>) target_semaphore(%run_scoped3A : memref<!tpu.dma_semaphore, #tpu.memory_space<semaphore_mem>>)
      %dma_wait3A_56 = arith.constant 0 : i32
      %dma_wait3A_57 = tpu.memref_slice %arg10[%arg0, %mul3A_0, %dma_wait3A_56] : memref<2x10112x16xf32, #tpu.memory_space<hbm>> -> memref<1x632x16xf32, #tpu.memory_space<hbm>>
      %dma_wait3A_58 = tpu.memref_squeeze %dma_wait3A_57 : memref<1x632x16xf32, #tpu.memory_space<hbm>> -> memref<632x16xf32, #tpu.memory_space<hbm>>
      %dma_wait3A_59 = arith.constant 0 : i32
      %dma_wait3A_60 = tpu.memref_slice %arg28[%mul3A_0, %dma_wait3A_59] : memref<10112x16xf32, #tpu.memory_space<vmem_shared>> -> memref<632x16xf32, #tpu.memory_space<vmem_shared>>
      tpu.wait_dma2 semaphore(%run_scoped3A : memref<!tpu.dma_semaphore, #tpu.memory_space<semaphore_mem>>) src(%dma_wait3A_60 : memref<632x16xf32, #tpu.memory_space<vmem_shared>>) dst(%dma_wait3A_58 : memref<632x16xf32, #tpu.memory_space<hbm>>)
      tpu.yield
    }) : () -> ()
    return
  }
}

#map = affine_map<(d0, d1) -> (0, 0)>
#map1 = affine_map<(d0, d1) -> (0)>
#map2 = affine_map<(d0, d1) -> (0, 0, 0)>
module attributes {stable_mosaic.version = 14 : i64} {
  func.func @gat_edge_l2(%arg0: i32, %arg1: i32, %arg2: memref<10112x64xf32, #tpu.memory_space<hbm>>, %arg3: memref<10112x16xf32, #tpu.memory_space<hbm>>, %arg4: memref<10112x16xf32, #tpu.memory_space<hbm>>, %arg5: memref<331968xi32, #tpu.memory_space<hbm>>, %arg6: memref<331968xi32, #tpu.memory_space<hbm>>, %arg7: memref<10112x64xf32, #tpu.memory_space<hbm>>, %arg8: memref<10112x16xf32, #tpu.memory_space<hbm>>, %arg9: memref<2x10112x64xf32, #tpu.memory_space<hbm>>, %arg10: memref<2x10112x16xf32, #tpu.memory_space<hbm>>, %arg11: memref<96xi32, #tpu.memory_space<vmem>>, %arg12: memref<96xi32, #tpu.memory_space<vmem>>, %arg13: memref<96xi32, #tpu.memory_space<vmem>>, %arg14: memref<96xi32, #tpu.memory_space<vmem>>, %arg15: memref<96xi32, #tpu.memory_space<vmem>>, %arg16: memref<96xi32, #tpu.memory_space<vmem>>, %arg17: memref<96xi32, #tpu.memory_space<vmem>>, %arg18: memref<96xi32, #tpu.memory_space<vmem>>, %arg19: memref<96x16xf32, #tpu.memory_space<vmem>>, %arg20: memref<96x16xf32, #tpu.memory_space<vmem>>, %arg21: memref<96x16xf32, #tpu.memory_space<vmem>>, %arg22: memref<96x16xf32, #tpu.memory_space<vmem>>, %arg23: memref<96x64xf32, #tpu.memory_space<vmem>>, %arg24: memref<96x64xf32, #tpu.memory_space<vmem>>, %arg25: memref<96x16xf32, #tpu.memory_space<vmem>>, %arg26: memref<96x16xf32, #tpu.memory_space<vmem>>, %arg27: memref<10112x64xf32, #tpu.memory_space<vmem_shared>>, %arg28: memref<10112x16xf32, #tpu.memory_space<vmem_shared>>, %arg29: memref<!tpu.dma_semaphore, #tpu.memory_space<semaphore_mem>>, %arg30: memref<!tpu.dma_semaphore, #tpu.memory_space<semaphore_mem>>, %arg31: memref<!tpu.dma_semaphore, #tpu.memory_space<semaphore_mem>>, %arg32: memref<!tpu.dma_semaphore, #tpu.memory_space<semaphore_mem>>, %arg33: memref<!tpu.dma_semaphore, #tpu.memory_space<semaphore_mem>>, %arg34: memref<!tpu.dma_semaphore, #tpu.memory_space<semaphore_mem>>, %arg35: memref<!tpu.dma_semaphore, #tpu.memory_space<semaphore_mem>>, %arg36: memref<!tpu.dma_semaphore, #tpu.memory_space<semaphore_mem>>, %arg37: memref<!tpu.dma_semaphore, #tpu.memory_space<semaphore_mem>>, %arg38: memref<!tpu.dma_semaphore, #tpu.memory_space<semaphore_mem>>) attributes {dimension_semantics = [#tpu.dimension_semantics<core_parallel>, #tpu.dimension_semantics<subcore_parallel>], iteration_bounds = array<i64: 2, 16>, scalar_prefetch = 0 : i64, scratch_operands = 28 : i64, tpu.core_type = #tpu.core_type<sc_vector_subcore>, window_params = [{transform_indices = #map}, {transform_indices = #map}, {transform_indices = #map}, {transform_indices = #map1}, {transform_indices = #map1}, {transform_indices = #map}, {transform_indices = #map}, {transform_indices = #map2}, {transform_indices = #map2}]} {
    %mul3A = arith.constant 632 : i32
    %mul3A_0 = arith.muli %arg1, %mul3A : i32
    %mul3A_1 = arith.constant 16 : i32
    %mul3A_2 = arith.muli %arg0, %mul3A_1 : i32
    %add3A = arith.addi %mul3A_2, %arg1 : i32
    %mul3A_3 = arith.constant 10368 : i32
    %mul3A_4 = arith.muli %add3A, %mul3A_3 : i32
    %iota3A = tpu.iota {dimensions = array<i32: 0>} : vector<16xi32>
    %add3A_5 = arith.constant 0 : i32
    %add3A_6 = arith.addi %mul3A_4, %add3A_5 : i32
    %dma_start3A = tpu.memref_slice %arg5[%add3A_6] : memref<331968xi32, #tpu.memory_space<hbm>> -> memref<96xi32, #tpu.memory_space<hbm>>
    %dma_start3A_7 = tpu.memref_slice %arg5[%add3A_6] : memref<331968xi32, #tpu.memory_space<hbm>> -> memref<96xi32, #tpu.memory_space<hbm>>
    tpu.enqueue_dma source(%dma_start3A_7 : memref<96xi32, #tpu.memory_space<hbm>>) target(%arg11 : memref<96xi32, #tpu.memory_space<vmem>>) target_semaphore(%arg35 : memref<!tpu.dma_semaphore, #tpu.memory_space<semaphore_mem>>)
    %dma_start3A_8 = tpu.memref_slice %arg6[%add3A_6] : memref<331968xi32, #tpu.memory_space<hbm>> -> memref<96xi32, #tpu.memory_space<hbm>>
    %dma_start3A_9 = tpu.memref_slice %arg6[%add3A_6] : memref<331968xi32, #tpu.memory_space<hbm>> -> memref<96xi32, #tpu.memory_space<hbm>>
    tpu.enqueue_dma source(%dma_start3A_9 : memref<96xi32, #tpu.memory_space<hbm>>) target(%arg15 : memref<96xi32, #tpu.memory_space<vmem>>) target_semaphore(%arg35 : memref<!tpu.dma_semaphore, #tpu.memory_space<semaphore_mem>>)
    %add3A_10 = arith.constant 96 : i32
    %add3A_11 = arith.addi %mul3A_4, %add3A_10 : i32
    %dma_start3A_12 = tpu.memref_slice %arg5[%add3A_11] : memref<331968xi32, #tpu.memory_space<hbm>> -> memref<96xi32, #tpu.memory_space<hbm>>
    %dma_start3A_13 = tpu.memref_slice %arg5[%add3A_11] : memref<331968xi32, #tpu.memory_space<hbm>> -> memref<96xi32, #tpu.memory_space<hbm>>
    tpu.enqueue_dma source(%dma_start3A_13 : memref<96xi32, #tpu.memory_space<hbm>>) target(%arg12 : memref<96xi32, #tpu.memory_space<vmem>>) target_semaphore(%arg36 : memref<!tpu.dma_semaphore, #tpu.memory_space<semaphore_mem>>)
    %dma_start3A_14 = tpu.memref_slice %arg6[%add3A_11] : memref<331968xi32, #tpu.memory_space<hbm>> -> memref<96xi32, #tpu.memory_space<hbm>>
    %dma_start3A_15 = tpu.memref_slice %arg6[%add3A_11] : memref<331968xi32, #tpu.memory_space<hbm>> -> memref<96xi32, #tpu.memory_space<hbm>>
    tpu.enqueue_dma source(%dma_start3A_15 : memref<96xi32, #tpu.memory_space<hbm>>) target(%arg16 : memref<96xi32, #tpu.memory_space<vmem>>) target_semaphore(%arg36 : memref<!tpu.dma_semaphore, #tpu.memory_space<semaphore_mem>>)
    %add3A_16 = arith.constant 0 : i32
    %add3A_17 = arith.addi %mul3A_4, %add3A_16 : i32
    %dma_wait3A = tpu.memref_slice %arg5[%add3A_17] : memref<331968xi32, #tpu.memory_space<hbm>> -> memref<96xi32, #tpu.memory_space<hbm>>
    %dma_wait3A_18 = tpu.memref_slice %arg5[%add3A_17] : memref<331968xi32, #tpu.memory_space<hbm>> -> memref<96xi32, #tpu.memory_space<hbm>>
    tpu.wait_dma2 semaphore(%arg35 : memref<!tpu.dma_semaphore, #tpu.memory_space<semaphore_mem>>) src(%dma_wait3A_18 : memref<96xi32, #tpu.memory_space<hbm>>) dst(%arg11 : memref<96xi32, #tpu.memory_space<vmem>>)
    %dma_wait3A_19 = tpu.memref_slice %arg6[%add3A_17] : memref<331968xi32, #tpu.memory_space<hbm>> -> memref<96xi32, #tpu.memory_space<hbm>>
    %dma_wait3A_20 = tpu.memref_slice %arg6[%add3A_17] : memref<331968xi32, #tpu.memory_space<hbm>> -> memref<96xi32, #tpu.memory_space<hbm>>
    tpu.wait_dma2 semaphore(%arg35 : memref<!tpu.dma_semaphore, #tpu.memory_space<semaphore_mem>>) src(%dma_wait3A_20 : memref<96xi32, #tpu.memory_space<hbm>>) dst(%arg15 : memref<96xi32, #tpu.memory_space<vmem>>)
    %dma_start3A_21 = arith.constant 0 : i32
    %dma_start3A_22 = arith.constant 0 : i32
    %dma_start3A_23 = tpu.memref_slice %arg3[%dma_start3A_21, %dma_start3A_22] : memref<10112x16xf32, #tpu.memory_space<hbm>> -> memref<10112x16xf32, #tpu.memory_space<hbm>>
    tpu.enqueue_indirect_dma source(%dma_start3A_23 : memref<10112x16xf32, #tpu.memory_space<hbm>>) target(%arg19 : memref<96x16xf32, #tpu.memory_space<vmem>>) offsets(%arg11 : memref<96xi32, #tpu.memory_space<vmem>>) semaphore(%arg29 : memref<!tpu.dma_semaphore, #tpu.memory_space<semaphore_mem>>)
    %dma_start3A_24 = arith.constant 0 : i32
    %dma_start3A_25 = arith.constant 0 : i32
    %dma_start3A_26 = tpu.memref_slice %arg4[%dma_start3A_24, %dma_start3A_25] : memref<10112x16xf32, #tpu.memory_space<hbm>> -> memref<10112x16xf32, #tpu.memory_space<hbm>>
    tpu.enqueue_indirect_dma source(%dma_start3A_26 : memref<10112x16xf32, #tpu.memory_space<hbm>>) target(%arg21 : memref<96x16xf32, #tpu.memory_space<vmem>>) offsets(%arg15 : memref<96xi32, #tpu.memory_space<vmem>>) semaphore(%arg30 : memref<!tpu.dma_semaphore, #tpu.memory_space<semaphore_mem>>)
    %dma_start3A_27 = arith.constant 0 : i32
    %dma_start3A_28 = arith.constant 0 : i32
    %dma_start3A_29 = tpu.memref_slice %arg2[%dma_start3A_27, %dma_start3A_28] : memref<10112x64xf32, #tpu.memory_space<hbm>> -> memref<10112x64xf32, #tpu.memory_space<hbm>>
    tpu.enqueue_indirect_dma source(%dma_start3A_29 : memref<10112x64xf32, #tpu.memory_space<hbm>>) target(%arg23 : memref<96x64xf32, #tpu.memory_space<vmem>>) offsets(%arg11 : memref<96xi32, #tpu.memory_space<vmem>>) semaphore(%arg31 : memref<!tpu.dma_semaphore, #tpu.memory_space<semaphore_mem>>)
    "tpu.region"() ({
      %run_scoped3A = tpu.sem_alloc : memref<!tpu.dma_semaphore, #tpu.memory_space<semaphore_mem>>
      %dma_start3A_51 = arith.constant 0 : i32
      %dma_start3A_52 = tpu.memref_slice %arg27[%mul3A_0, %dma_start3A_51] : memref<10112x64xf32, #tpu.memory_space<vmem_shared>> -> memref<632x64xf32, #tpu.memory_space<vmem_shared>>
      %dma_start3A_53 = arith.constant 0 : i32
      %dma_start3A_54 = tpu.memref_slice %arg7[%mul3A_0, %dma_start3A_53] : memref<10112x64xf32, #tpu.memory_space<hbm>> -> memref<632x64xf32, #tpu.memory_space<hbm>>
      tpu.enqueue_dma source(%dma_start3A_54 : memref<632x64xf32, #tpu.memory_space<hbm>>) target(%dma_start3A_52 : memref<632x64xf32, #tpu.memory_space<vmem_shared>>) target_semaphore(%run_scoped3A : memref<!tpu.dma_semaphore, #tpu.memory_space<semaphore_mem>>)
      %dma_wait3A_55 = arith.constant 0 : i32
      %dma_wait3A_56 = tpu.memref_slice %arg27[%mul3A_0, %dma_wait3A_55] : memref<10112x64xf32, #tpu.memory_space<vmem_shared>> -> memref<632x64xf32, #tpu.memory_space<vmem_shared>>
      %dma_wait3A_57 = arith.constant 0 : i32
      %dma_wait3A_58 = tpu.memref_slice %arg7[%mul3A_0, %dma_wait3A_57] : memref<10112x64xf32, #tpu.memory_space<hbm>> -> memref<632x64xf32, #tpu.memory_space<hbm>>
      tpu.wait_dma2 semaphore(%run_scoped3A : memref<!tpu.dma_semaphore, #tpu.memory_space<semaphore_mem>>) src(%dma_wait3A_58 : memref<632x64xf32, #tpu.memory_space<hbm>>) dst(%dma_wait3A_56 : memref<632x64xf32, #tpu.memory_space<vmem_shared>>)
      tpu.yield
    }) : () -> ()
    "tpu.region"() ({
      %run_scoped3A = tpu.sem_alloc : memref<!tpu.dma_semaphore, #tpu.memory_space<semaphore_mem>>
      %dma_start3A_51 = arith.constant 0 : i32
      %dma_start3A_52 = tpu.memref_slice %arg28[%mul3A_0, %dma_start3A_51] : memref<10112x16xf32, #tpu.memory_space<vmem_shared>> -> memref<632x16xf32, #tpu.memory_space<vmem_shared>>
      %dma_start3A_53 = arith.constant 0 : i32
      %dma_start3A_54 = tpu.memref_slice %arg8[%mul3A_0, %dma_start3A_53] : memref<10112x16xf32, #tpu.memory_space<hbm>> -> memref<632x16xf32, #tpu.memory_space<hbm>>
      tpu.enqueue_dma source(%dma_start3A_54 : memref<632x16xf32, #tpu.memory_space<hbm>>) target(%dma_start3A_52 : memref<632x16xf32, #tpu.memory_space<vmem_shared>>) target_semaphore(%run_scoped3A : memref<!tpu.dma_semaphore, #tpu.memory_space<semaphore_mem>>)
      %dma_wait3A_55 = arith.constant 0 : i32
      %dma_wait3A_56 = tpu.memref_slice %arg28[%mul3A_0, %dma_wait3A_55] : memref<10112x16xf32, #tpu.memory_space<vmem_shared>> -> memref<632x16xf32, #tpu.memory_space<vmem_shared>>
      %dma_wait3A_57 = arith.constant 0 : i32
      %dma_wait3A_58 = tpu.memref_slice %arg8[%mul3A_0, %dma_wait3A_57] : memref<10112x16xf32, #tpu.memory_space<hbm>> -> memref<632x16xf32, #tpu.memory_space<hbm>>
      tpu.wait_dma2 semaphore(%run_scoped3A : memref<!tpu.dma_semaphore, #tpu.memory_space<semaphore_mem>>) src(%dma_wait3A_58 : memref<632x16xf32, #tpu.memory_space<hbm>>) dst(%dma_wait3A_56 : memref<632x16xf32, #tpu.memory_space<vmem_shared>>)
      tpu.yield
    }) : () -> ()
    %barrier3A = arith.constant 0 : index
    tpu.barrier barrier_id(%barrier3A)
    %scan3A = arith.constant 0 : i32
    %scan3A_30 = arith.constant 0 : i32
    %scan3A_31 = arith.constant 27 : i32
    %scan3A_32 = arith.addi %scan3A_30, %scan3A_31 : i32
    %scan3A_33 = arith.constant 1 : i32
    scf.for %scan3A_51 = %scan3A_30 to %scan3A_32 step %scan3A_33  : i32 {
      %mul3A_52 = arith.constant 4 : i32
      %mul3A_53 = arith.muli %scan3A_51, %mul3A_52 : i32
      %add3A_54 = arith.constant 0 : i32
      %add3A_55 = arith.addi %mul3A_53, %add3A_54 : i32
      %dma_wait3A_56 = arith.constant 0 : i32
      %dma_wait3A_57 = arith.constant 0 : i32
      %dma_wait3A_58 = tpu.memref_slice %arg3[%dma_wait3A_56, %dma_wait3A_57] : memref<10112x16xf32, #tpu.memory_space<hbm>> -> memref<10112x16xf32, #tpu.memory_space<hbm>>
      tpu.wait_indirect_dma semaphore(%arg29 : memref<!tpu.dma_semaphore, #tpu.memory_space<semaphore_mem>>) src(%dma_wait3A_58 : memref<10112x16xf32, #tpu.memory_space<hbm>>) dst(%arg19 : memref<96x16xf32, #tpu.memory_space<vmem>>)
      %dma_wait3A_59 = arith.constant 0 : i32
      %dma_wait3A_60 = arith.constant 0 : i32
      %dma_wait3A_61 = tpu.memref_slice %arg4[%dma_wait3A_59, %dma_wait3A_60] : memref<10112x16xf32, #tpu.memory_space<hbm>> -> memref<10112x16xf32, #tpu.memory_space<hbm>>
      tpu.wait_indirect_dma semaphore(%arg30 : memref<!tpu.dma_semaphore, #tpu.memory_space<semaphore_mem>>) src(%dma_wait3A_61 : memref<10112x16xf32, #tpu.memory_space<hbm>>) dst(%arg21 : memref<96x16xf32, #tpu.memory_space<vmem>>)
      %dma_wait3A_62 = arith.constant 0 : i32
      %dma_wait3A_63 = arith.constant 0 : i32
      %dma_wait3A_64 = tpu.memref_slice %arg2[%dma_wait3A_62, %dma_wait3A_63] : memref<10112x64xf32, #tpu.memory_space<hbm>> -> memref<10112x64xf32, #tpu.memory_space<hbm>>
      tpu.wait_indirect_dma semaphore(%arg31 : memref<!tpu.dma_semaphore, #tpu.memory_space<semaphore_mem>>) src(%dma_wait3A_64 : memref<10112x64xf32, #tpu.memory_space<hbm>>) dst(%arg23 : memref<96x64xf32, #tpu.memory_space<vmem>>)
      %add3A_65 = arith.constant 1 : i32
      %add3A_66 = arith.addi %add3A_55, %add3A_65 : i32
      %mul3A_67 = arith.constant 96 : i32
      %mul3A_68 = arith.muli %add3A_66, %mul3A_67 : i32
      %add3A_69 = arith.addi %mul3A_4, %mul3A_68 : i32
      %dma_wait3A_70 = tpu.memref_slice %arg5[%add3A_69] : memref<331968xi32, #tpu.memory_space<hbm>> -> memref<96xi32, #tpu.memory_space<hbm>>
      %dma_wait3A_71 = tpu.memref_slice %arg5[%add3A_69] : memref<331968xi32, #tpu.memory_space<hbm>> -> memref<96xi32, #tpu.memory_space<hbm>>
      tpu.wait_dma2 semaphore(%arg36 : memref<!tpu.dma_semaphore, #tpu.memory_space<semaphore_mem>>) src(%dma_wait3A_71 : memref<96xi32, #tpu.memory_space<hbm>>) dst(%arg12 : memref<96xi32, #tpu.memory_space<vmem>>)
      %dma_wait3A_72 = tpu.memref_slice %arg6[%add3A_69] : memref<331968xi32, #tpu.memory_space<hbm>> -> memref<96xi32, #tpu.memory_space<hbm>>
      %dma_wait3A_73 = tpu.memref_slice %arg6[%add3A_69] : memref<331968xi32, #tpu.memory_space<hbm>> -> memref<96xi32, #tpu.memory_space<hbm>>
      tpu.wait_dma2 semaphore(%arg36 : memref<!tpu.dma_semaphore, #tpu.memory_space<semaphore_mem>>) src(%dma_wait3A_73 : memref<96xi32, #tpu.memory_space<hbm>>) dst(%arg16 : memref<96xi32, #tpu.memory_space<vmem>>)
      %dma_start3A_74 = arith.constant 0 : i32
      %dma_start3A_75 = arith.constant 0 : i32
      %dma_start3A_76 = tpu.memref_slice %arg3[%dma_start3A_74, %dma_start3A_75] : memref<10112x16xf32, #tpu.memory_space<hbm>> -> memref<10112x16xf32, #tpu.memory_space<hbm>>
      tpu.enqueue_indirect_dma source(%dma_start3A_76 : memref<10112x16xf32, #tpu.memory_space<hbm>>) target(%arg20 : memref<96x16xf32, #tpu.memory_space<vmem>>) offsets(%arg12 : memref<96xi32, #tpu.memory_space<vmem>>) semaphore(%arg32 : memref<!tpu.dma_semaphore, #tpu.memory_space<semaphore_mem>>)
      %dma_start3A_77 = arith.constant 0 : i32
      %dma_start3A_78 = arith.constant 0 : i32
      %dma_start3A_79 = tpu.memref_slice %arg4[%dma_start3A_77, %dma_start3A_78] : memref<10112x16xf32, #tpu.memory_space<hbm>> -> memref<10112x16xf32, #tpu.memory_space<hbm>>
      tpu.enqueue_indirect_dma source(%dma_start3A_79 : memref<10112x16xf32, #tpu.memory_space<hbm>>) target(%arg22 : memref<96x16xf32, #tpu.memory_space<vmem>>) offsets(%arg16 : memref<96xi32, #tpu.memory_space<vmem>>) semaphore(%arg33 : memref<!tpu.dma_semaphore, #tpu.memory_space<semaphore_mem>>)
      %dma_start3A_80 = arith.constant 0 : i32
      %dma_start3A_81 = arith.constant 0 : i32
      %dma_start3A_82 = tpu.memref_slice %arg2[%dma_start3A_80, %dma_start3A_81] : memref<10112x64xf32, #tpu.memory_space<hbm>> -> memref<10112x64xf32, #tpu.memory_space<hbm>>
      tpu.enqueue_indirect_dma source(%dma_start3A_82 : memref<10112x64xf32, #tpu.memory_space<hbm>>) target(%arg24 : memref<96x64xf32, #tpu.memory_space<vmem>>) offsets(%arg12 : memref<96xi32, #tpu.memory_space<vmem>>) semaphore(%arg34 : memref<!tpu.dma_semaphore, #tpu.memory_space<semaphore_mem>>)
      %add3A_83 = arith.constant 2 : i32
      %add3A_84 = arith.addi %add3A_55, %add3A_83 : i32
      %mul3A_85 = arith.constant 96 : i32
      %mul3A_86 = arith.muli %add3A_84, %mul3A_85 : i32
      %add3A_87 = arith.addi %mul3A_4, %mul3A_86 : i32
      %dma_start3A_88 = tpu.memref_slice %arg5[%add3A_87] : memref<331968xi32, #tpu.memory_space<hbm>> -> memref<96xi32, #tpu.memory_space<hbm>>
      %dma_start3A_89 = tpu.memref_slice %arg5[%add3A_87] : memref<331968xi32, #tpu.memory_space<hbm>> -> memref<96xi32, #tpu.memory_space<hbm>>
      tpu.enqueue_dma source(%dma_start3A_89 : memref<96xi32, #tpu.memory_space<hbm>>) target(%arg13 : memref<96xi32, #tpu.memory_space<vmem>>) target_semaphore(%arg37 : memref<!tpu.dma_semaphore, #tpu.memory_space<semaphore_mem>>)
      %dma_start3A_90 = tpu.memref_slice %arg6[%add3A_87] : memref<331968xi32, #tpu.memory_space<hbm>> -> memref<96xi32, #tpu.memory_space<hbm>>
      %dma_start3A_91 = tpu.memref_slice %arg6[%add3A_87] : memref<331968xi32, #tpu.memory_space<hbm>> -> memref<96xi32, #tpu.memory_space<hbm>>
      tpu.enqueue_dma source(%dma_start3A_91 : memref<96xi32, #tpu.memory_space<hbm>>) target(%arg17 : memref<96xi32, #tpu.memory_space<vmem>>) target_semaphore(%arg37 : memref<!tpu.dma_semaphore, #tpu.memory_space<semaphore_mem>>)
      %parallel_loop3A = arith.constant 0 : i32
      %parallel_loop3A_92 = arith.constant 96 : i32
      %parallel_loop3A_93 = arith.constant 1 : i32
      scf.for %parallel_loop3A_223 = %parallel_loop3A to %parallel_loop3A_92 step %parallel_loop3A_93  : i32 {
        %parallel_loop3A_224 = arith.index_cast %parallel_loop3A_223 : i32 to index
        %parallel_loop3A_225 = arith.constant 0 : index
        %parallel_loop3A_226 = tpu.vector_load %arg19[%parallel_loop3A_224, %parallel_loop3A_225] {strides = array<i32>} : memref<96x16xf32, #tpu.memory_space<vmem>>, vector<1x16xf32>,
        %parallel_loop3A_227 = vector.shape_cast %parallel_loop3A_226 : vector<1x16xf32> to vector<16xf32>
        %parallel_loop3A_228 = arith.index_cast %parallel_loop3A_223 : i32 to index
        %parallel_loop3A_229 = arith.constant 0 : index
        %parallel_loop3A_230 = tpu.vector_load %arg21[%parallel_loop3A_228, %parallel_loop3A_229] {strides = array<i32>} : memref<96x16xf32, #tpu.memory_space<vmem>>, vector<1x16xf32>,
        %parallel_loop3A_231 = vector.shape_cast %parallel_loop3A_230 : vector<1x16xf32> to vector<16xf32>
        %parallel_loop3A_232 = arith.addf %parallel_loop3A_227, %parallel_loop3A_231 : vector<16xf32>
        %parallel_loop3A_233 = arith.constant 0.000000e+00 : f32
        %parallel_loop3A_234 = vector.broadcast %parallel_loop3A_233 : f32 to vector<16xf32>
        %parallel_loop3A_235 = arith.cmpf oge, %parallel_loop3A_232, %parallel_loop3A_234 : vector<16xf32>
        %parallel_loop3A_236 = arith.constant 2.000000e-01 : f32
        %parallel_loop3A_237 = vector.broadcast %parallel_loop3A_236 : f32 to vector<16xf32>
        %parallel_loop3A_238 = arith.mulf %parallel_loop3A_237, %parallel_loop3A_232 : vector<16xf32>
        %parallel_loop3A_239 = arith.select %parallel_loop3A_235, %parallel_loop3A_232, %parallel_loop3A_238 : vector<16xi1>, vector<16xf32>
        %parallel_loop3A_240 = arith.constant 1 : i32
        %parallel_loop3A_241 = vector.broadcast %parallel_loop3A_240 : i32 to vector<16xi32>
        %parallel_loop3A_242 = arith.cmpi slt, %iota3A, %parallel_loop3A_241 : vector<16xi32>
        %parallel_loop3A_243 = math.exp %parallel_loop3A_239 : vector<16xf32>
        %parallel_loop3A_244 = arith.constant 0.000000e+00 : f32
        %parallel_loop3A_245 = vector.broadcast %parallel_loop3A_244 : f32 to vector<16xf32>
        %parallel_loop3A_246 = arith.select %parallel_loop3A_242, %parallel_loop3A_243, %parallel_loop3A_245 : vector<16xi1>, vector<16xf32>
        %parallel_loop3A_247 = arith.index_cast %parallel_loop3A_223 : i32 to index
        %parallel_loop3A_248 = arith.constant 0 : index
        %parallel_loop3A_249 = tpu.vector_load %arg25[%parallel_loop3A_247, %parallel_loop3A_248] {strides = array<i32>} : memref<96x16xf32, #tpu.memory_space<vmem>>, vector<1x16xf32>,
        %parallel_loop3A_250 = vector.shape_cast %parallel_loop3A_249 : vector<1x16xf32> to vector<16xf32>
        %parallel_loop3A_251 = vector.shape_cast %parallel_loop3A_246 : vector<16xf32> to vector<1x16xf32>
        tpu.vector_store %arg25[%parallel_loop3A_247, %parallel_loop3A_248], %parallel_loop3A_251 {strides = array<i32>} : memref<96x16xf32, #tpu.memory_space<vmem>>, vector<1x16xf32>,
        %parallel_loop3A_252 = vector.extract_strided_slice %parallel_loop3A_246 {offsets = [0], sizes = [1], strides = [1]} : vector<16xf32> to vector<1xf32>
        %parallel_loop3A_253 = vector.extract %parallel_loop3A_252[0] : f32 from vector<1xf32>
        %parallel_loop3A_254 = vector.broadcast %parallel_loop3A_253 : f32 to vector<16xf32>
        %parallel_loop3A_255 = arith.index_cast %parallel_loop3A_223 : i32 to index
        %parallel_loop3A_256 = arith.constant 0 : index
        %parallel_loop3A_257 = tpu.vector_load %arg23[%parallel_loop3A_255, %parallel_loop3A_256] {strides = array<i32>} : memref<96x64xf32, #tpu.memory_space<vmem>>, vector<1x16xf32>,
        %parallel_loop3A_258 = vector.shape_cast %parallel_loop3A_257 : vector<1x16xf32> to vector<16xf32>
        %parallel_loop3A_259 = arith.mulf %parallel_loop3A_258, %parallel_loop3A_254 : vector<16xf32>
        %parallel_loop3A_260 = arith.index_cast %parallel_loop3A_223 : i32 to index
        %parallel_loop3A_261 = arith.constant 0 : index
        %parallel_loop3A_262 = tpu.vector_load %arg23[%parallel_loop3A_260, %parallel_loop3A_261] {strides = array<i32>} : memref<96x64xf32, #tpu.memory_space<vmem>>, vector<1x16xf32>,
        %parallel_loop3A_263 = vector.shape_cast %parallel_loop3A_262 : vector<1x16xf32> to vector<16xf32>
        %parallel_loop3A_264 = vector.shape_cast %parallel_loop3A_259 : vector<16xf32> to vector<1x16xf32>
        tpu.vector_store %arg23[%parallel_loop3A_260, %parallel_loop3A_261], %parallel_loop3A_264 {strides = array<i32>} : memref<96x64xf32, #tpu.memory_space<vmem>>, vector<1x16xf32>,
        %parallel_loop3A_265 = arith.index_cast %parallel_loop3A_223 : i32 to index
        %parallel_loop3A_266 = arith.constant 16 : index
        %parallel_loop3A_267 = tpu.vector_load %arg23[%parallel_loop3A_265, %parallel_loop3A_266] {strides = array<i32>} : memref<96x64xf32, #tpu.memory_space<vmem>>, vector<1x16xf32>,
        %parallel_loop3A_268 = vector.shape_cast %parallel_loop3A_267 : vector<1x16xf32> to vector<16xf32>
        %parallel_loop3A_269 = arith.mulf %parallel_loop3A_268, %parallel_loop3A_254 : vector<16xf32>
        %parallel_loop3A_270 = arith.index_cast %parallel_loop3A_223 : i32 to index
        %parallel_loop3A_271 = arith.constant 16 : index
        %parallel_loop3A_272 = tpu.vector_load %arg23[%parallel_loop3A_270, %parallel_loop3A_271] {strides = array<i32>} : memref<96x64xf32, #tpu.memory_space<vmem>>, vector<1x16xf32>,
        %parallel_loop3A_273 = vector.shape_cast %parallel_loop3A_272 : vector<1x16xf32> to vector<16xf32>
        %parallel_loop3A_274 = vector.shape_cast %parallel_loop3A_269 : vector<16xf32> to vector<1x16xf32>
        tpu.vector_store %arg23[%parallel_loop3A_270, %parallel_loop3A_271], %parallel_loop3A_274 {strides = array<i32>} : memref<96x64xf32, #tpu.memory_space<vmem>>, vector<1x16xf32>,
        %parallel_loop3A_275 = arith.index_cast %parallel_loop3A_223 : i32 to index
        %parallel_loop3A_276 = arith.constant 32 : index
        %parallel_loop3A_277 = tpu.vector_load %arg23[%parallel_loop3A_275, %parallel_loop3A_276] {strides = array<i32>} : memref<96x64xf32, #tpu.memory_space<vmem>>, vector<1x16xf32>,
        %parallel_loop3A_278 = vector.shape_cast %parallel_loop3A_277 : vector<1x16xf32> to vector<16xf32>
        %parallel_loop3A_279 = arith.mulf %parallel_loop3A_278, %parallel_loop3A_254 : vector<16xf32>
        %parallel_loop3A_280 = arith.index_cast %parallel_loop3A_223 : i32 to index
        %parallel_loop3A_281 = arith.constant 32 : index
        %parallel_loop3A_282 = tpu.vector_load %arg23[%parallel_loop3A_280, %parallel_loop3A_281] {strides = array<i32>} : memref<96x64xf32, #tpu.memory_space<vmem>>, vector<1x16xf32>,
        %parallel_loop3A_283 = vector.shape_cast %parallel_loop3A_282 : vector<1x16xf32> to vector<16xf32>
        %parallel_loop3A_284 = vector.shape_cast %parallel_loop3A_279 : vector<16xf32> to vector<1x16xf32>
        tpu.vector_store %arg23[%parallel_loop3A_280, %parallel_loop3A_281], %parallel_loop3A_284 {strides = array<i32>} : memref<96x64xf32, #tpu.memory_space<vmem>>, vector<1x16xf32>,
        %parallel_loop3A_285 = arith.index_cast %parallel_loop3A_223 : i32 to index
        %parallel_loop3A_286 = arith.constant 48 : index
        %parallel_loop3A_287 = tpu.vector_load %arg23[%parallel_loop3A_285, %parallel_loop3A_286] {strides = array<i32>} : memref<96x64xf32, #tpu.memory_space<vmem>>, vector<1x16xf32>,
        %parallel_loop3A_288 = vector.shape_cast %parallel_loop3A_287 : vector<1x16xf32> to vector<16xf32>
        %parallel_loop3A_289 = arith.mulf %parallel_loop3A_288, %parallel_loop3A_254 : vector<16xf32>
        %parallel_loop3A_290 = arith.index_cast %parallel_loop3A_223 : i32 to index
        %parallel_loop3A_291 = arith.constant 48 : index
        %parallel_loop3A_292 = tpu.vector_load %arg23[%parallel_loop3A_290, %parallel_loop3A_291] {strides = array<i32>} : memref<96x64xf32, #tpu.memory_space<vmem>>, vector<1x16xf32>,
        %parallel_loop3A_293 = vector.shape_cast %parallel_loop3A_292 : vector<1x16xf32> to vector<16xf32>
        %parallel_loop3A_294 = vector.shape_cast %parallel_loop3A_289 : vector<16xf32> to vector<1x16xf32>
        tpu.vector_store %arg23[%parallel_loop3A_290, %parallel_loop3A_291], %parallel_loop3A_294 {strides = array<i32>} : memref<96x64xf32, #tpu.memory_space<vmem>>, vector<1x16xf32>,
      } {sc.loop_unroll_factor = 4 : i64, sc.parallel_access}
      "tpu.region"() ({
        %run_scoped3A = tpu.sem_alloc : memref<!tpu.dma_semaphore, #tpu.memory_space<semaphore_mem>>
        %dma_start3A_223 = arith.constant 0 : i32
        %dma_start3A_224 = arith.constant 0 : i32
        %dma_start3A_225 = tpu.memref_slice %arg28[%dma_start3A_223, %dma_start3A_224] : memref<10112x16xf32, #tpu.memory_space<vmem_shared>> -> memref<10112x16xf32, #tpu.memory_space<vmem_shared>>
        tpu.enqueue_indirect_dma source(%arg25 : memref<96x16xf32, #tpu.memory_space<vmem>>) target(%dma_start3A_225 : memref<10112x16xf32, #tpu.memory_space<vmem_shared>>) offsets(%arg15 : memref<96xi32, #tpu.memory_space<vmem>>) semaphore(%run_scoped3A : memref<!tpu.dma_semaphore, #tpu.memory_space<semaphore_mem>>) {add = true}
        %dma_wait3A_226 = arith.constant 0 : i32
        %dma_wait3A_227 = arith.constant 0 : i32
        %dma_wait3A_228 = tpu.memref_slice %arg28[%dma_wait3A_226, %dma_wait3A_227] : memref<10112x16xf32, #tpu.memory_space<vmem_shared>> -> memref<10112x16xf32, #tpu.memory_space<vmem_shared>>
        tpu.wait_indirect_dma semaphore(%run_scoped3A : memref<!tpu.dma_semaphore, #tpu.memory_space<semaphore_mem>>) src(%arg25 : memref<96x16xf32, #tpu.memory_space<vmem>>) dst(%dma_wait3A_228 : memref<10112x16xf32, #tpu.memory_space<vmem_shared>>)
        tpu.yield
      }) : () -> ()
      "tpu.region"() ({
        %run_scoped3A = tpu.sem_alloc : memref<!tpu.dma_semaphore, #tpu.memory_space<semaphore_mem>>
        %dma_start3A_223 = arith.constant 0 : i32
        %dma_start3A_224 = arith.constant 0 : i32
        %dma_start3A_225 = tpu.memref_slice %arg27[%dma_start3A_223, %dma_start3A_224] : memref<10112x64xf32, #tpu.memory_space<vmem_shared>> -> memref<10112x64xf32, #tpu.memory_space<vmem_shared>>
        tpu.enqueue_indirect_dma source(%arg23 : memref<96x64xf32, #tpu.memory_space<vmem>>) target(%dma_start3A_225 : memref<10112x64xf32, #tpu.memory_space<vmem_shared>>) offsets(%arg15 : memref<96xi32, #tpu.memory_space<vmem>>) semaphore(%run_scoped3A : memref<!tpu.dma_semaphore, #tpu.memory_space<semaphore_mem>>) {add = true}
        %dma_wait3A_226 = arith.constant 0 : i32
        %dma_wait3A_227 = arith.constant 0 : i32
        %dma_wait3A_228 = tpu.memref_slice %arg27[%dma_wait3A_226, %dma_wait3A_227] : memref<10112x64xf32, #tpu.memory_space<vmem_shared>> -> memref<10112x64xf32, #tpu.memory_space<vmem_shared>>
        tpu.wait_indirect_dma semaphore(%run_scoped3A : memref<!tpu.dma_semaphore, #tpu.memory_space<semaphore_mem>>) src(%arg23 : memref<96x64xf32, #tpu.memory_space<vmem>>) dst(%dma_wait3A_228 : memref<10112x64xf32, #tpu.memory_space<vmem_shared>>)
        tpu.yield
      }) : () -> ()
      %mul3A_94 = arith.constant 4 : i32
      %mul3A_95 = arith.muli %scan3A_51, %mul3A_94 : i32
      %add3A_96 = arith.constant 1 : i32
      %add3A_97 = arith.addi %mul3A_95, %add3A_96 : i32
      %dma_wait3A_98 = arith.constant 0 : i32
      %dma_wait3A_99 = arith.constant 0 : i32
      %dma_wait3A_100 = tpu.memref_slice %arg3[%dma_wait3A_98, %dma_wait3A_99] : memref<10112x16xf32, #tpu.memory_space<hbm>> -> memref<10112x16xf32, #tpu.memory_space<hbm>>
      tpu.wait_indirect_dma semaphore(%arg32 : memref<!tpu.dma_semaphore, #tpu.memory_space<semaphore_mem>>) src(%dma_wait3A_100 : memref<10112x16xf32, #tpu.memory_space<hbm>>) dst(%arg20 : memref<96x16xf32, #tpu.memory_space<vmem>>)
      %dma_wait3A_101 = arith.constant 0 : i32
      %dma_wait3A_102 = arith.constant 0 : i32
      %dma_wait3A_103 = tpu.memref_slice %arg4[%dma_wait3A_101, %dma_wait3A_102] : memref<10112x16xf32, #tpu.memory_space<hbm>> -> memref<10112x16xf32, #tpu.memory_space<hbm>>
      tpu.wait_indirect_dma semaphore(%arg33 : memref<!tpu.dma_semaphore, #tpu.memory_space<semaphore_mem>>) src(%dma_wait3A_103 : memref<10112x16xf32, #tpu.memory_space<hbm>>) dst(%arg22 : memref<96x16xf32, #tpu.memory_space<vmem>>)
      %dma_wait3A_104 = arith.constant 0 : i32
      %dma_wait3A_105 = arith.constant 0 : i32
      %dma_wait3A_106 = tpu.memref_slice %arg2[%dma_wait3A_104, %dma_wait3A_105] : memref<10112x64xf32, #tpu.memory_space<hbm>> -> memref<10112x64xf32, #tpu.memory_space<hbm>>
      tpu.wait_indirect_dma semaphore(%arg34 : memref<!tpu.dma_semaphore, #tpu.memory_space<semaphore_mem>>) src(%dma_wait3A_106 : memref<10112x64xf32, #tpu.memory_space<hbm>>) dst(%arg24 : memref<96x64xf32, #tpu.memory_space<vmem>>)
      %add3A_107 = arith.constant 1 : i32
      %add3A_108 = arith.addi %add3A_97, %add3A_107 : i32
      %mul3A_109 = arith.constant 96 : i32
      %mul3A_110 = arith.muli %add3A_108, %mul3A_109 : i32
      %add3A_111 = arith.addi %mul3A_4, %mul3A_110 : i32
      %dma_wait3A_112 = tpu.memref_slice %arg5[%add3A_111] : memref<331968xi32, #tpu.memory_space<hbm>> -> memref<96xi32, #tpu.memory_space<hbm>>
      %dma_wait3A_113 = tpu.memref_slice %arg5[%add3A_111] : memref<331968xi32, #tpu.memory_space<hbm>> -> memref<96xi32, #tpu.memory_space<hbm>>
      tpu.wait_dma2 semaphore(%arg37 : memref<!tpu.dma_semaphore, #tpu.memory_space<semaphore_mem>>) src(%dma_wait3A_113 : memref<96xi32, #tpu.memory_space<hbm>>) dst(%arg13 : memref<96xi32, #tpu.memory_space<vmem>>)
      %dma_wait3A_114 = tpu.memref_slice %arg6[%add3A_111] : memref<331968xi32, #tpu.memory_space<hbm>> -> memref<96xi32, #tpu.memory_space<hbm>>
      %dma_wait3A_115 = tpu.memref_slice %arg6[%add3A_111] : memref<331968xi32, #tpu.memory_space<hbm>> -> memref<96xi32, #tpu.memory_space<hbm>>
      tpu.wait_dma2 semaphore(%arg37 : memref<!tpu.dma_semaphore, #tpu.memory_space<semaphore_mem>>) src(%dma_wait3A_115 : memref<96xi32, #tpu.memory_space<hbm>>) dst(%arg17 : memref<96xi32, #tpu.memory_space<vmem>>)
      %dma_start3A_116 = arith.constant 0 : i32
      %dma_start3A_117 = arith.constant 0 : i32
      %dma_start3A_118 = tpu.memref_slice %arg3[%dma_start3A_116, %dma_start3A_117] : memref<10112x16xf32, #tpu.memory_space<hbm>> -> memref<10112x16xf32, #tpu.memory_space<hbm>>
      tpu.enqueue_indirect_dma source(%dma_start3A_118 : memref<10112x16xf32, #tpu.memory_space<hbm>>) target(%arg19 : memref<96x16xf32, #tpu.memory_space<vmem>>) offsets(%arg13 : memref<96xi32, #tpu.memory_space<vmem>>) semaphore(%arg29 : memref<!tpu.dma_semaphore, #tpu.memory_space<semaphore_mem>>)
      %dma_start3A_119 = arith.constant 0 : i32
      %dma_start3A_120 = arith.constant 0 : i32
      %dma_start3A_121 = tpu.memref_slice %arg4[%dma_start3A_119, %dma_start3A_120] : memref<10112x16xf32, #tpu.memory_space<hbm>> -> memref<10112x16xf32, #tpu.memory_space<hbm>>
      tpu.enqueue_indirect_dma source(%dma_start3A_121 : memref<10112x16xf32, #tpu.memory_space<hbm>>) target(%arg21 : memref<96x16xf32, #tpu.memory_space<vmem>>) offsets(%arg17 : memref<96xi32, #tpu.memory_space<vmem>>) semaphore(%arg30 : memref<!tpu.dma_semaphore, #tpu.memory_space<semaphore_mem>>)
      %dma_start3A_122 = arith.constant 0 : i32
      %dma_start3A_123 = arith.constant 0 : i32
      %dma_start3A_124 = tpu.memref_slice %arg2[%dma_start3A_122, %dma_start3A_123] : memref<10112x64xf32, #tpu.memory_space<hbm>> -> memref<10112x64xf32, #tpu.memory_space<hbm>>
      tpu.enqueue_indirect_dma source(%dma_start3A_124 : memref<10112x64xf32, #tpu.memory_space<hbm>>) target(%arg23 : memref<96x64xf32, #tpu.memory_space<vmem>>) offsets(%arg13 : memref<96xi32, #tpu.memory_space<vmem>>) semaphore(%arg31 : memref<!tpu.dma_semaphore, #tpu.memory_space<semaphore_mem>>)
      %add3A_125 = arith.constant 2 : i32
      %add3A_126 = arith.addi %add3A_97, %add3A_125 : i32
      %mul3A_127 = arith.constant 96 : i32
      %mul3A_128 = arith.muli %add3A_126, %mul3A_127 : i32
      %add3A_129 = arith.addi %mul3A_4, %mul3A_128 : i32
      %dma_start3A_130 = tpu.memref_slice %arg5[%add3A_129] : memref<331968xi32, #tpu.memory_space<hbm>> -> memref<96xi32, #tpu.memory_space<hbm>>
      %dma_start3A_131 = tpu.memref_slice %arg5[%add3A_129] : memref<331968xi32, #tpu.memory_space<hbm>> -> memref<96xi32, #tpu.memory_space<hbm>>
      tpu.enqueue_dma source(%dma_start3A_131 : memref<96xi32, #tpu.memory_space<hbm>>) target(%arg14 : memref<96xi32, #tpu.memory_space<vmem>>) target_semaphore(%arg38 : memref<!tpu.dma_semaphore, #tpu.memory_space<semaphore_mem>>)
      %dma_start3A_132 = tpu.memref_slice %arg6[%add3A_129] : memref<331968xi32, #tpu.memory_space<hbm>> -> memref<96xi32, #tpu.memory_space<hbm>>
      %dma_start3A_133 = tpu.memref_slice %arg6[%add3A_129] : memref<331968xi32, #tpu.memory_space<hbm>> -> memref<96xi32, #tpu.memory_space<hbm>>
      tpu.enqueue_dma source(%dma_start3A_133 : memref<96xi32, #tpu.memory_space<hbm>>) target(%arg18 : memref<96xi32, #tpu.memory_space<vmem>>) target_semaphore(%arg38 : memref<!tpu.dma_semaphore, #tpu.memory_space<semaphore_mem>>)
      %parallel_loop3A_134 = arith.constant 0 : i32
      %parallel_loop3A_135 = arith.constant 96 : i32
      %parallel_loop3A_136 = arith.constant 1 : i32
      scf.for %parallel_loop3A_223 = %parallel_loop3A_134 to %parallel_loop3A_135 step %parallel_loop3A_136  : i32 {
        %parallel_loop3A_224 = arith.index_cast %parallel_loop3A_223 : i32 to index
        %parallel_loop3A_225 = arith.constant 0 : index
        %parallel_loop3A_226 = tpu.vector_load %arg20[%parallel_loop3A_224, %parallel_loop3A_225] {strides = array<i32>} : memref<96x16xf32, #tpu.memory_space<vmem>>, vector<1x16xf32>,
        %parallel_loop3A_227 = vector.shape_cast %parallel_loop3A_226 : vector<1x16xf32> to vector<16xf32>
        %parallel_loop3A_228 = arith.index_cast %parallel_loop3A_223 : i32 to index
        %parallel_loop3A_229 = arith.constant 0 : index
        %parallel_loop3A_230 = tpu.vector_load %arg22[%parallel_loop3A_228, %parallel_loop3A_229] {strides = array<i32>} : memref<96x16xf32, #tpu.memory_space<vmem>>, vector<1x16xf32>,
        %parallel_loop3A_231 = vector.shape_cast %parallel_loop3A_230 : vector<1x16xf32> to vector<16xf32>
        %parallel_loop3A_232 = arith.addf %parallel_loop3A_227, %parallel_loop3A_231 : vector<16xf32>
        %parallel_loop3A_233 = arith.constant 0.000000e+00 : f32
        %parallel_loop3A_234 = vector.broadcast %parallel_loop3A_233 : f32 to vector<16xf32>
        %parallel_loop3A_235 = arith.cmpf oge, %parallel_loop3A_232, %parallel_loop3A_234 : vector<16xf32>
        %parallel_loop3A_236 = arith.constant 2.000000e-01 : f32
        %parallel_loop3A_237 = vector.broadcast %parallel_loop3A_236 : f32 to vector<16xf32>
        %parallel_loop3A_238 = arith.mulf %parallel_loop3A_237, %parallel_loop3A_232 : vector<16xf32>
        %parallel_loop3A_239 = arith.select %parallel_loop3A_235, %parallel_loop3A_232, %parallel_loop3A_238 : vector<16xi1>, vector<16xf32>
        %parallel_loop3A_240 = arith.constant 1 : i32
        %parallel_loop3A_241 = vector.broadcast %parallel_loop3A_240 : i32 to vector<16xi32>
        %parallel_loop3A_242 = arith.cmpi slt, %iota3A, %parallel_loop3A_241 : vector<16xi32>
        %parallel_loop3A_243 = math.exp %parallel_loop3A_239 : vector<16xf32>
        %parallel_loop3A_244 = arith.constant 0.000000e+00 : f32
        %parallel_loop3A_245 = vector.broadcast %parallel_loop3A_244 : f32 to vector<16xf32>
        %parallel_loop3A_246 = arith.select %parallel_loop3A_242, %parallel_loop3A_243, %parallel_loop3A_245 : vector<16xi1>, vector<16xf32>
        %parallel_loop3A_247 = arith.index_cast %parallel_loop3A_223 : i32 to index
        %parallel_loop3A_248 = arith.constant 0 : index
        %parallel_loop3A_249 = tpu.vector_load %arg26[%parallel_loop3A_247, %parallel_loop3A_248] {strides = array<i32>} : memref<96x16xf32, #tpu.memory_space<vmem>>, vector<1x16xf32>,
        %parallel_loop3A_250 = vector.shape_cast %parallel_loop3A_249 : vector<1x16xf32> to vector<16xf32>
        %parallel_loop3A_251 = vector.shape_cast %parallel_loop3A_246 : vector<16xf32> to vector<1x16xf32>
        tpu.vector_store %arg26[%parallel_loop3A_247, %parallel_loop3A_248], %parallel_loop3A_251 {strides = array<i32>} : memref<96x16xf32, #tpu.memory_space<vmem>>, vector<1x16xf32>,
        %parallel_loop3A_252 = vector.extract_strided_slice %parallel_loop3A_246 {offsets = [0], sizes = [1], strides = [1]} : vector<16xf32> to vector<1xf32>
        %parallel_loop3A_253 = vector.extract %parallel_loop3A_252[0] : f32 from vector<1xf32>
        %parallel_loop3A_254 = vector.broadcast %parallel_loop3A_253 : f32 to vector<16xf32>
        %parallel_loop3A_255 = arith.index_cast %parallel_loop3A_223 : i32 to index
        %parallel_loop3A_256 = arith.constant 0 : index
        %parallel_loop3A_257 = tpu.vector_load %arg24[%parallel_loop3A_255, %parallel_loop3A_256] {strides = array<i32>} : memref<96x64xf32, #tpu.memory_space<vmem>>, vector<1x16xf32>,
        %parallel_loop3A_258 = vector.shape_cast %parallel_loop3A_257 : vector<1x16xf32> to vector<16xf32>
        %parallel_loop3A_259 = arith.mulf %parallel_loop3A_258, %parallel_loop3A_254 : vector<16xf32>
        %parallel_loop3A_260 = arith.index_cast %parallel_loop3A_223 : i32 to index
        %parallel_loop3A_261 = arith.constant 0 : index
        %parallel_loop3A_262 = tpu.vector_load %arg24[%parallel_loop3A_260, %parallel_loop3A_261] {strides = array<i32>} : memref<96x64xf32, #tpu.memory_space<vmem>>, vector<1x16xf32>,
        %parallel_loop3A_263 = vector.shape_cast %parallel_loop3A_262 : vector<1x16xf32> to vector<16xf32>
        %parallel_loop3A_264 = vector.shape_cast %parallel_loop3A_259 : vector<16xf32> to vector<1x16xf32>
        tpu.vector_store %arg24[%parallel_loop3A_260, %parallel_loop3A_261], %parallel_loop3A_264 {strides = array<i32>} : memref<96x64xf32, #tpu.memory_space<vmem>>, vector<1x16xf32>,
        %parallel_loop3A_265 = arith.index_cast %parallel_loop3A_223 : i32 to index
        %parallel_loop3A_266 = arith.constant 16 : index
        %parallel_loop3A_267 = tpu.vector_load %arg24[%parallel_loop3A_265, %parallel_loop3A_266] {strides = array<i32>} : memref<96x64xf32, #tpu.memory_space<vmem>>, vector<1x16xf32>,
        %parallel_loop3A_268 = vector.shape_cast %parallel_loop3A_267 : vector<1x16xf32> to vector<16xf32>
        %parallel_loop3A_269 = arith.mulf %parallel_loop3A_268, %parallel_loop3A_254 : vector<16xf32>
        %parallel_loop3A_270 = arith.index_cast %parallel_loop3A_223 : i32 to index
        %parallel_loop3A_271 = arith.constant 16 : index
        %parallel_loop3A_272 = tpu.vector_load %arg24[%parallel_loop3A_270, %parallel_loop3A_271] {strides = array<i32>} : memref<96x64xf32, #tpu.memory_space<vmem>>, vector<1x16xf32>,
        %parallel_loop3A_273 = vector.shape_cast %parallel_loop3A_272 : vector<1x16xf32> to vector<16xf32>
        %parallel_loop3A_274 = vector.shape_cast %parallel_loop3A_269 : vector<16xf32> to vector<1x16xf32>
        tpu.vector_store %arg24[%parallel_loop3A_270, %parallel_loop3A_271], %parallel_loop3A_274 {strides = array<i32>} : memref<96x64xf32, #tpu.memory_space<vmem>>, vector<1x16xf32>,
        %parallel_loop3A_275 = arith.index_cast %parallel_loop3A_223 : i32 to index
        %parallel_loop3A_276 = arith.constant 32 : index
        %parallel_loop3A_277 = tpu.vector_load %arg24[%parallel_loop3A_275, %parallel_loop3A_276] {strides = array<i32>} : memref<96x64xf32, #tpu.memory_space<vmem>>, vector<1x16xf32>,
        %parallel_loop3A_278 = vector.shape_cast %parallel_loop3A_277 : vector<1x16xf32> to vector<16xf32>
        %parallel_loop3A_279 = arith.mulf %parallel_loop3A_278, %parallel_loop3A_254 : vector<16xf32>
        %parallel_loop3A_280 = arith.index_cast %parallel_loop3A_223 : i32 to index
        %parallel_loop3A_281 = arith.constant 32 : index
        %parallel_loop3A_282 = tpu.vector_load %arg24[%parallel_loop3A_280, %parallel_loop3A_281] {strides = array<i32>} : memref<96x64xf32, #tpu.memory_space<vmem>>, vector<1x16xf32>,
        %parallel_loop3A_283 = vector.shape_cast %parallel_loop3A_282 : vector<1x16xf32> to vector<16xf32>
        %parallel_loop3A_284 = vector.shape_cast %parallel_loop3A_279 : vector<16xf32> to vector<1x16xf32>
        tpu.vector_store %arg24[%parallel_loop3A_280, %parallel_loop3A_281], %parallel_loop3A_284 {strides = array<i32>} : memref<96x64xf32, #tpu.memory_space<vmem>>, vector<1x16xf32>,
        %parallel_loop3A_285 = arith.index_cast %parallel_loop3A_223 : i32 to index
        %parallel_loop3A_286 = arith.constant 48 : index
        %parallel_loop3A_287 = tpu.vector_load %arg24[%parallel_loop3A_285, %parallel_loop3A_286] {strides = array<i32>} : memref<96x64xf32, #tpu.memory_space<vmem>>, vector<1x16xf32>,
        %parallel_loop3A_288 = vector.shape_cast %parallel_loop3A_287 : vector<1x16xf32> to vector<16xf32>
        %parallel_loop3A_289 = arith.mulf %parallel_loop3A_288, %parallel_loop3A_254 : vector<16xf32>
        %parallel_loop3A_290 = arith.index_cast %parallel_loop3A_223 : i32 to index
        %parallel_loop3A_291 = arith.constant 48 : index
        %parallel_loop3A_292 = tpu.vector_load %arg24[%parallel_loop3A_290, %parallel_loop3A_291] {strides = array<i32>} : memref<96x64xf32, #tpu.memory_space<vmem>>, vector<1x16xf32>,
        %parallel_loop3A_293 = vector.shape_cast %parallel_loop3A_292 : vector<1x16xf32> to vector<16xf32>
        %parallel_loop3A_294 = vector.shape_cast %parallel_loop3A_289 : vector<16xf32> to vector<1x16xf32>
        tpu.vector_store %arg24[%parallel_loop3A_290, %parallel_loop3A_291], %parallel_loop3A_294 {strides = array<i32>} : memref<96x64xf32, #tpu.memory_space<vmem>>, vector<1x16xf32>,
      } {sc.loop_unroll_factor = 4 : i64, sc.parallel_access}
      "tpu.region"() ({
        %run_scoped3A = tpu.sem_alloc : memref<!tpu.dma_semaphore, #tpu.memory_space<semaphore_mem>>
        %dma_start3A_223 = arith.constant 0 : i32
        %dma_start3A_224 = arith.constant 0 : i32
        %dma_start3A_225 = tpu.memref_slice %arg28[%dma_start3A_223, %dma_start3A_224] : memref<10112x16xf32, #tpu.memory_space<vmem_shared>> -> memref<10112x16xf32, #tpu.memory_space<vmem_shared>>
        tpu.enqueue_indirect_dma source(%arg26 : memref<96x16xf32, #tpu.memory_space<vmem>>) target(%dma_start3A_225 : memref<10112x16xf32, #tpu.memory_space<vmem_shared>>) offsets(%arg16 : memref<96xi32, #tpu.memory_space<vmem>>) semaphore(%run_scoped3A : memref<!tpu.dma_semaphore, #tpu.memory_space<semaphore_mem>>) {add = true}
        %dma_wait3A_226 = arith.constant 0 : i32
        %dma_wait3A_227 = arith.constant 0 : i32
        %dma_wait3A_228 = tpu.memref_slice %arg28[%dma_wait3A_226, %dma_wait3A_227] : memref<10112x16xf32, #tpu.memory_space<vmem_shared>> -> memref<10112x16xf32, #tpu.memory_space<vmem_shared>>
        tpu.wait_indirect_dma semaphore(%run_scoped3A : memref<!tpu.dma_semaphore, #tpu.memory_space<semaphore_mem>>) src(%arg26 : memref<96x16xf32, #tpu.memory_space<vmem>>) dst(%dma_wait3A_228 : memref<10112x16xf32, #tpu.memory_space<vmem_shared>>)
        tpu.yield
      }) : () -> ()
      "tpu.region"() ({
        %run_scoped3A = tpu.sem_alloc : memref<!tpu.dma_semaphore, #tpu.memory_space<semaphore_mem>>
        %dma_start3A_223 = arith.constant 0 : i32
        %dma_start3A_224 = arith.constant 0 : i32
        %dma_start3A_225 = tpu.memref_slice %arg27[%dma_start3A_223, %dma_start3A_224] : memref<10112x64xf32, #tpu.memory_space<vmem_shared>> -> memref<10112x64xf32, #tpu.memory_space<vmem_shared>>
        tpu.enqueue_indirect_dma source(%arg24 : memref<96x64xf32, #tpu.memory_space<vmem>>) target(%dma_start3A_225 : memref<10112x64xf32, #tpu.memory_space<vmem_shared>>) offsets(%arg16 : memref<96xi32, #tpu.memory_space<vmem>>) semaphore(%run_scoped3A : memref<!tpu.dma_semaphore, #tpu.memory_space<semaphore_mem>>) {add = true}
        %dma_wait3A_226 = arith.constant 0 : i32
        %dma_wait3A_227 = arith.constant 0 : i32
        %dma_wait3A_228 = tpu.memref_slice %arg27[%dma_wait3A_226, %dma_wait3A_227] : memref<10112x64xf32, #tpu.memory_space<vmem_shared>> -> memref<10112x64xf32, #tpu.memory_space<vmem_shared>>
        tpu.wait_indirect_dma semaphore(%run_scoped3A : memref<!tpu.dma_semaphore, #tpu.memory_space<semaphore_mem>>) src(%arg24 : memref<96x64xf32, #tpu.memory_space<vmem>>) dst(%dma_wait3A_228 : memref<10112x64xf32, #tpu.memory_space<vmem_shared>>)
        tpu.yield
      }) : () -> ()
      %mul3A_137 = arith.constant 4 : i32
      %mul3A_138 = arith.muli %scan3A_51, %mul3A_137 : i32
      %add3A_139 = arith.constant 2 : i32
      %add3A_140 = arith.addi %mul3A_138, %add3A_139 : i32
      %dma_wait3A_141 = arith.constant 0 : i32
      %dma_wait3A_142 = arith.constant 0 : i32
      %dma_wait3A_143 = tpu.memref_slice %arg3[%dma_wait3A_141, %dma_wait3A_142] : memref<10112x16xf32, #tpu.memory_space<hbm>> -> memref<10112x16xf32, #tpu.memory_space<hbm>>
      tpu.wait_indirect_dma semaphore(%arg29 : memref<!tpu.dma_semaphore, #tpu.memory_space<semaphore_mem>>) src(%dma_wait3A_143 : memref<10112x16xf32, #tpu.memory_space<hbm>>) dst(%arg19 : memref<96x16xf32, #tpu.memory_space<vmem>>)
      %dma_wait3A_144 = arith.constant 0 : i32
      %dma_wait3A_145 = arith.constant 0 : i32
      %dma_wait3A_146 = tpu.memref_slice %arg4[%dma_wait3A_144, %dma_wait3A_145] : memref<10112x16xf32, #tpu.memory_space<hbm>> -> memref<10112x16xf32, #tpu.memory_space<hbm>>
      tpu.wait_indirect_dma semaphore(%arg30 : memref<!tpu.dma_semaphore, #tpu.memory_space<semaphore_mem>>) src(%dma_wait3A_146 : memref<10112x16xf32, #tpu.memory_space<hbm>>) dst(%arg21 : memref<96x16xf32, #tpu.memory_space<vmem>>)
      %dma_wait3A_147 = arith.constant 0 : i32
      %dma_wait3A_148 = arith.constant 0 : i32
      %dma_wait3A_149 = tpu.memref_slice %arg2[%dma_wait3A_147, %dma_wait3A_148] : memref<10112x64xf32, #tpu.memory_space<hbm>> -> memref<10112x64xf32, #tpu.memory_space<hbm>>
      tpu.wait_indirect_dma semaphore(%arg31 : memref<!tpu.dma_semaphore, #tpu.memory_space<semaphore_mem>>) src(%dma_wait3A_149 : memref<10112x64xf32, #tpu.memory_space<hbm>>) dst(%arg23 : memref<96x64xf32, #tpu.memory_space<vmem>>)
      %add3A_150 = arith.constant 1 : i32
      %add3A_151 = arith.addi %add3A_140, %add3A_150 : i32
      %mul3A_152 = arith.constant 96 : i32
      %mul3A_153 = arith.muli %add3A_151, %mul3A_152 : i32
      %add3A_154 = arith.addi %mul3A_4, %mul3A_153 : i32
      %dma_wait3A_155 = tpu.memref_slice %arg5[%add3A_154] : memref<331968xi32, #tpu.memory_space<hbm>> -> memref<96xi32, #tpu.memory_space<hbm>>
      %dma_wait3A_156 = tpu.memref_slice %arg5[%add3A_154] : memref<331968xi32, #tpu.memory_space<hbm>> -> memref<96xi32, #tpu.memory_space<hbm>>
      tpu.wait_dma2 semaphore(%arg38 : memref<!tpu.dma_semaphore, #tpu.memory_space<semaphore_mem>>) src(%dma_wait3A_156 : memref<96xi32, #tpu.memory_space<hbm>>) dst(%arg14 : memref<96xi32, #tpu.memory_space<vmem>>)
      %dma_wait3A_157 = tpu.memref_slice %arg6[%add3A_154] : memref<331968xi32, #tpu.memory_space<hbm>> -> memref<96xi32, #tpu.memory_space<hbm>>
      %dma_wait3A_158 = tpu.memref_slice %arg6[%add3A_154] : memref<331968xi32, #tpu.memory_space<hbm>> -> memref<96xi32, #tpu.memory_space<hbm>>
      tpu.wait_dma2 semaphore(%arg38 : memref<!tpu.dma_semaphore, #tpu.memory_space<semaphore_mem>>) src(%dma_wait3A_158 : memref<96xi32, #tpu.memory_space<hbm>>) dst(%arg18 : memref<96xi32, #tpu.memory_space<vmem>>)
      %dma_start3A_159 = arith.constant 0 : i32
      %dma_start3A_160 = arith.constant 0 : i32
      %dma_start3A_161 = tpu.memref_slice %arg3[%dma_start3A_159, %dma_start3A_160] : memref<10112x16xf32, #tpu.memory_space<hbm>> -> memref<10112x16xf32, #tpu.memory_space<hbm>>
      tpu.enqueue_indirect_dma source(%dma_start3A_161 : memref<10112x16xf32, #tpu.memory_space<hbm>>) target(%arg20 : memref<96x16xf32, #tpu.memory_space<vmem>>) offsets(%arg14 : memref<96xi32, #tpu.memory_space<vmem>>) semaphore(%arg32 : memref<!tpu.dma_semaphore, #tpu.memory_space<semaphore_mem>>)
      %dma_start3A_162 = arith.constant 0 : i32
      %dma_start3A_163 = arith.constant 0 : i32
      %dma_start3A_164 = tpu.memref_slice %arg4[%dma_start3A_162, %dma_start3A_163] : memref<10112x16xf32, #tpu.memory_space<hbm>> -> memref<10112x16xf32, #tpu.memory_space<hbm>>
      tpu.enqueue_indirect_dma source(%dma_start3A_164 : memref<10112x16xf32, #tpu.memory_space<hbm>>) target(%arg22 : memref<96x16xf32, #tpu.memory_space<vmem>>) offsets(%arg18 : memref<96xi32, #tpu.memory_space<vmem>>) semaphore(%arg33 : memref<!tpu.dma_semaphore, #tpu.memory_space<semaphore_mem>>)
      %dma_start3A_165 = arith.constant 0 : i32
      %dma_start3A_166 = arith.constant 0 : i32
      %dma_start3A_167 = tpu.memref_slice %arg2[%dma_start3A_165, %dma_start3A_166] : memref<10112x64xf32, #tpu.memory_space<hbm>> -> memref<10112x64xf32, #tpu.memory_space<hbm>>
      tpu.enqueue_indirect_dma source(%dma_start3A_167 : memref<10112x64xf32, #tpu.memory_space<hbm>>) target(%arg24 : memref<96x64xf32, #tpu.memory_space<vmem>>) offsets(%arg14 : memref<96xi32, #tpu.memory_space<vmem>>) semaphore(%arg34 : memref<!tpu.dma_semaphore, #tpu.memory_space<semaphore_mem>>)
      %add3A_168 = arith.constant 2 : i32
      %add3A_169 = arith.addi %add3A_140, %add3A_168 : i32
      %mul3A_170 = arith.constant 96 : i32
      %mul3A_171 = arith.muli %add3A_169, %mul3A_170 : i32
      %add3A_172 = arith.addi %mul3A_4, %mul3A_171 : i32
      %dma_start3A_173 = tpu.memref_slice %arg5[%add3A_172] : memref<331968xi32, #tpu.memory_space<hbm>> -> memref<96xi32, #tpu.memory_space<hbm>>
      %dma_start3A_174 = tpu.memref_slice %arg5[%add3A_172] : memref<331968xi32, #tpu.memory_space<hbm>> -> memref<96xi32, #tpu.memory_space<hbm>>
      tpu.enqueue_dma source(%dma_start3A_174 : memref<96xi32, #tpu.memory_space<hbm>>) target(%arg11 : memref<96xi32, #tpu.memory_space<vmem>>) target_semaphore(%arg35 : memref<!tpu.dma_semaphore, #tpu.memory_space<semaphore_mem>>)
      %dma_start3A_175 = tpu.memref_slice %arg6[%add3A_172] : memref<331968xi32, #tpu.memory_space<hbm>> -> memref<96xi32, #tpu.memory_space<hbm>>
      %dma_start3A_176 = tpu.memref_slice %arg6[%add3A_172] : memref<331968xi32, #tpu.memory_space<hbm>> -> memref<96xi32, #tpu.memory_space<hbm>>
      tpu.enqueue_dma source(%dma_start3A_176 : memref<96xi32, #tpu.memory_space<hbm>>) target(%arg15 : memref<96xi32, #tpu.memory_space<vmem>>) target_semaphore(%arg35 : memref<!tpu.dma_semaphore, #tpu.memory_space<semaphore_mem>>)
      %parallel_loop3A_177 = arith.constant 0 : i32
      %parallel_loop3A_178 = arith.constant 96 : i32
      %parallel_loop3A_179 = arith.constant 1 : i32
      scf.for %parallel_loop3A_223 = %parallel_loop3A_177 to %parallel_loop3A_178 step %parallel_loop3A_179  : i32 {
        %parallel_loop3A_224 = arith.index_cast %parallel_loop3A_223 : i32 to index
        %parallel_loop3A_225 = arith.constant 0 : index
        %parallel_loop3A_226 = tpu.vector_load %arg19[%parallel_loop3A_224, %parallel_loop3A_225] {strides = array<i32>} : memref<96x16xf32, #tpu.memory_space<vmem>>, vector<1x16xf32>,
        %parallel_loop3A_227 = vector.shape_cast %parallel_loop3A_226 : vector<1x16xf32> to vector<16xf32>
        %parallel_loop3A_228 = arith.index_cast %parallel_loop3A_223 : i32 to index
        %parallel_loop3A_229 = arith.constant 0 : index
        %parallel_loop3A_230 = tpu.vector_load %arg21[%parallel_loop3A_228, %parallel_loop3A_229] {strides = array<i32>} : memref<96x16xf32, #tpu.memory_space<vmem>>, vector<1x16xf32>,
        %parallel_loop3A_231 = vector.shape_cast %parallel_loop3A_230 : vector<1x16xf32> to vector<16xf32>
        %parallel_loop3A_232 = arith.addf %parallel_loop3A_227, %parallel_loop3A_231 : vector<16xf32>
        %parallel_loop3A_233 = arith.constant 0.000000e+00 : f32
        %parallel_loop3A_234 = vector.broadcast %parallel_loop3A_233 : f32 to vector<16xf32>
        %parallel_loop3A_235 = arith.cmpf oge, %parallel_loop3A_232, %parallel_loop3A_234 : vector<16xf32>
        %parallel_loop3A_236 = arith.constant 2.000000e-01 : f32
        %parallel_loop3A_237 = vector.broadcast %parallel_loop3A_236 : f32 to vector<16xf32>
        %parallel_loop3A_238 = arith.mulf %parallel_loop3A_237, %parallel_loop3A_232 : vector<16xf32>
        %parallel_loop3A_239 = arith.select %parallel_loop3A_235, %parallel_loop3A_232, %parallel_loop3A_238 : vector<16xi1>, vector<16xf32>
        %parallel_loop3A_240 = arith.constant 1 : i32
        %parallel_loop3A_241 = vector.broadcast %parallel_loop3A_240 : i32 to vector<16xi32>
        %parallel_loop3A_242 = arith.cmpi slt, %iota3A, %parallel_loop3A_241 : vector<16xi32>
        %parallel_loop3A_243 = math.exp %parallel_loop3A_239 : vector<16xf32>
        %parallel_loop3A_244 = arith.constant 0.000000e+00 : f32
        %parallel_loop3A_245 = vector.broadcast %parallel_loop3A_244 : f32 to vector<16xf32>
        %parallel_loop3A_246 = arith.select %parallel_loop3A_242, %parallel_loop3A_243, %parallel_loop3A_245 : vector<16xi1>, vector<16xf32>
        %parallel_loop3A_247 = arith.index_cast %parallel_loop3A_223 : i32 to index
        %parallel_loop3A_248 = arith.constant 0 : index
        %parallel_loop3A_249 = tpu.vector_load %arg25[%parallel_loop3A_247, %parallel_loop3A_248] {strides = array<i32>} : memref<96x16xf32, #tpu.memory_space<vmem>>, vector<1x16xf32>,
        %parallel_loop3A_250 = vector.shape_cast %parallel_loop3A_249 : vector<1x16xf32> to vector<16xf32>
        %parallel_loop3A_251 = vector.shape_cast %parallel_loop3A_246 : vector<16xf32> to vector<1x16xf32>
        tpu.vector_store %arg25[%parallel_loop3A_247, %parallel_loop3A_248], %parallel_loop3A_251 {strides = array<i32>} : memref<96x16xf32, #tpu.memory_space<vmem>>, vector<1x16xf32>,
        %parallel_loop3A_252 = vector.extract_strided_slice %parallel_loop3A_246 {offsets = [0], sizes = [1], strides = [1]} : vector<16xf32> to vector<1xf32>
        %parallel_loop3A_253 = vector.extract %parallel_loop3A_252[0] : f32 from vector<1xf32>
        %parallel_loop3A_254 = vector.broadcast %parallel_loop3A_253 : f32 to vector<16xf32>
        %parallel_loop3A_255 = arith.index_cast %parallel_loop3A_223 : i32 to index
        %parallel_loop3A_256 = arith.constant 0 : index
        %parallel_loop3A_257 = tpu.vector_load %arg23[%parallel_loop3A_255, %parallel_loop3A_256] {strides = array<i32>} : memref<96x64xf32, #tpu.memory_space<vmem>>, vector<1x16xf32>,
        %parallel_loop3A_258 = vector.shape_cast %parallel_loop3A_257 : vector<1x16xf32> to vector<16xf32>
        %parallel_loop3A_259 = arith.mulf %parallel_loop3A_258, %parallel_loop3A_254 : vector<16xf32>
        %parallel_loop3A_260 = arith.index_cast %parallel_loop3A_223 : i32 to index
        %parallel_loop3A_261 = arith.constant 0 : index
        %parallel_loop3A_262 = tpu.vector_load %arg23[%parallel_loop3A_260, %parallel_loop3A_261] {strides = array<i32>} : memref<96x64xf32, #tpu.memory_space<vmem>>, vector<1x16xf32>,
        %parallel_loop3A_263 = vector.shape_cast %parallel_loop3A_262 : vector<1x16xf32> to vector<16xf32>
        %parallel_loop3A_264 = vector.shape_cast %parallel_loop3A_259 : vector<16xf32> to vector<1x16xf32>
        tpu.vector_store %arg23[%parallel_loop3A_260, %parallel_loop3A_261], %parallel_loop3A_264 {strides = array<i32>} : memref<96x64xf32, #tpu.memory_space<vmem>>, vector<1x16xf32>,
        %parallel_loop3A_265 = arith.index_cast %parallel_loop3A_223 : i32 to index
        %parallel_loop3A_266 = arith.constant 16 : index
        %parallel_loop3A_267 = tpu.vector_load %arg23[%parallel_loop3A_265, %parallel_loop3A_266] {strides = array<i32>} : memref<96x64xf32, #tpu.memory_space<vmem>>, vector<1x16xf32>,
        %parallel_loop3A_268 = vector.shape_cast %parallel_loop3A_267 : vector<1x16xf32> to vector<16xf32>
        %parallel_loop3A_269 = arith.mulf %parallel_loop3A_268, %parallel_loop3A_254 : vector<16xf32>
        %parallel_loop3A_270 = arith.index_cast %parallel_loop3A_223 : i32 to index
        %parallel_loop3A_271 = arith.constant 16 : index
        %parallel_loop3A_272 = tpu.vector_load %arg23[%parallel_loop3A_270, %parallel_loop3A_271] {strides = array<i32>} : memref<96x64xf32, #tpu.memory_space<vmem>>, vector<1x16xf32>,
        %parallel_loop3A_273 = vector.shape_cast %parallel_loop3A_272 : vector<1x16xf32> to vector<16xf32>
        %parallel_loop3A_274 = vector.shape_cast %parallel_loop3A_269 : vector<16xf32> to vector<1x16xf32>
        tpu.vector_store %arg23[%parallel_loop3A_270, %parallel_loop3A_271], %parallel_loop3A_274 {strides = array<i32>} : memref<96x64xf32, #tpu.memory_space<vmem>>, vector<1x16xf32>,
        %parallel_loop3A_275 = arith.index_cast %parallel_loop3A_223 : i32 to index
        %parallel_loop3A_276 = arith.constant 32 : index
        %parallel_loop3A_277 = tpu.vector_load %arg23[%parallel_loop3A_275, %parallel_loop3A_276] {strides = array<i32>} : memref<96x64xf32, #tpu.memory_space<vmem>>, vector<1x16xf32>,
        %parallel_loop3A_278 = vector.shape_cast %parallel_loop3A_277 : vector<1x16xf32> to vector<16xf32>
        %parallel_loop3A_279 = arith.mulf %parallel_loop3A_278, %parallel_loop3A_254 : vector<16xf32>
        %parallel_loop3A_280 = arith.index_cast %parallel_loop3A_223 : i32 to index
        %parallel_loop3A_281 = arith.constant 32 : index
        %parallel_loop3A_282 = tpu.vector_load %arg23[%parallel_loop3A_280, %parallel_loop3A_281] {strides = array<i32>} : memref<96x64xf32, #tpu.memory_space<vmem>>, vector<1x16xf32>,
        %parallel_loop3A_283 = vector.shape_cast %parallel_loop3A_282 : vector<1x16xf32> to vector<16xf32>
        %parallel_loop3A_284 = vector.shape_cast %parallel_loop3A_279 : vector<16xf32> to vector<1x16xf32>
        tpu.vector_store %arg23[%parallel_loop3A_280, %parallel_loop3A_281], %parallel_loop3A_284 {strides = array<i32>} : memref<96x64xf32, #tpu.memory_space<vmem>>, vector<1x16xf32>,
        %parallel_loop3A_285 = arith.index_cast %parallel_loop3A_223 : i32 to index
        %parallel_loop3A_286 = arith.constant 48 : index
        %parallel_loop3A_287 = tpu.vector_load %arg23[%parallel_loop3A_285, %parallel_loop3A_286] {strides = array<i32>} : memref<96x64xf32, #tpu.memory_space<vmem>>, vector<1x16xf32>,
        %parallel_loop3A_288 = vector.shape_cast %parallel_loop3A_287 : vector<1x16xf32> to vector<16xf32>
        %parallel_loop3A_289 = arith.mulf %parallel_loop3A_288, %parallel_loop3A_254 : vector<16xf32>
        %parallel_loop3A_290 = arith.index_cast %parallel_loop3A_223 : i32 to index
        %parallel_loop3A_291 = arith.constant 48 : index
        %parallel_loop3A_292 = tpu.vector_load %arg23[%parallel_loop3A_290, %parallel_loop3A_291] {strides = array<i32>} : memref<96x64xf32, #tpu.memory_space<vmem>>, vector<1x16xf32>,
        %parallel_loop3A_293 = vector.shape_cast %parallel_loop3A_292 : vector<1x16xf32> to vector<16xf32>
        %parallel_loop3A_294 = vector.shape_cast %parallel_loop3A_289 : vector<16xf32> to vector<1x16xf32>
        tpu.vector_store %arg23[%parallel_loop3A_290, %parallel_loop3A_291], %parallel_loop3A_294 {strides = array<i32>} : memref<96x64xf32, #tpu.memory_space<vmem>>, vector<1x16xf32>,
      } {sc.loop_unroll_factor = 4 : i64, sc.parallel_access}
      "tpu.region"() ({
        %run_scoped3A = tpu.sem_alloc : memref<!tpu.dma_semaphore, #tpu.memory_space<semaphore_mem>>
        %dma_start3A_223 = arith.constant 0 : i32
        %dma_start3A_224 = arith.constant 0 : i32
        %dma_start3A_225 = tpu.memref_slice %arg28[%dma_start3A_223, %dma_start3A_224] : memref<10112x16xf32, #tpu.memory_space<vmem_shared>> -> memref<10112x16xf32, #tpu.memory_space<vmem_shared>>
        tpu.enqueue_indirect_dma source(%arg25 : memref<96x16xf32, #tpu.memory_space<vmem>>) target(%dma_start3A_225 : memref<10112x16xf32, #tpu.memory_space<vmem_shared>>) offsets(%arg17 : memref<96xi32, #tpu.memory_space<vmem>>) semaphore(%run_scoped3A : memref<!tpu.dma_semaphore, #tpu.memory_space<semaphore_mem>>) {add = true}
        %dma_wait3A_226 = arith.constant 0 : i32
        %dma_wait3A_227 = arith.constant 0 : i32
        %dma_wait3A_228 = tpu.memref_slice %arg28[%dma_wait3A_226, %dma_wait3A_227] : memref<10112x16xf32, #tpu.memory_space<vmem_shared>> -> memref<10112x16xf32, #tpu.memory_space<vmem_shared>>
        tpu.wait_indirect_dma semaphore(%run_scoped3A : memref<!tpu.dma_semaphore, #tpu.memory_space<semaphore_mem>>) src(%arg25 : memref<96x16xf32, #tpu.memory_space<vmem>>) dst(%dma_wait3A_228 : memref<10112x16xf32, #tpu.memory_space<vmem_shared>>)
        tpu.yield
      }) : () -> ()
      "tpu.region"() ({
        %run_scoped3A = tpu.sem_alloc : memref<!tpu.dma_semaphore, #tpu.memory_space<semaphore_mem>>
        %dma_start3A_223 = arith.constant 0 : i32
        %dma_start3A_224 = arith.constant 0 : i32
        %dma_start3A_225 = tpu.memref_slice %arg27[%dma_start3A_223, %dma_start3A_224] : memref<10112x64xf32, #tpu.memory_space<vmem_shared>> -> memref<10112x64xf32, #tpu.memory_space<vmem_shared>>
        tpu.enqueue_indirect_dma source(%arg23 : memref<96x64xf32, #tpu.memory_space<vmem>>) target(%dma_start3A_225 : memref<10112x64xf32, #tpu.memory_space<vmem_shared>>) offsets(%arg17 : memref<96xi32, #tpu.memory_space<vmem>>) semaphore(%run_scoped3A : memref<!tpu.dma_semaphore, #tpu.memory_space<semaphore_mem>>) {add = true}
        %dma_wait3A_226 = arith.constant 0 : i32
        %dma_wait3A_227 = arith.constant 0 : i32
        %dma_wait3A_228 = tpu.memref_slice %arg27[%dma_wait3A_226, %dma_wait3A_227] : memref<10112x64xf32, #tpu.memory_space<vmem_shared>> -> memref<10112x64xf32, #tpu.memory_space<vmem_shared>>
        tpu.wait_indirect_dma semaphore(%run_scoped3A : memref<!tpu.dma_semaphore, #tpu.memory_space<semaphore_mem>>) src(%arg23 : memref<96x64xf32, #tpu.memory_space<vmem>>) dst(%dma_wait3A_228 : memref<10112x64xf32, #tpu.memory_space<vmem_shared>>)
        tpu.yield
      }) : () -> ()
      %mul3A_180 = arith.constant 4 : i32
      %mul3A_181 = arith.muli %scan3A_51, %mul3A_180 : i32
      %add3A_182 = arith.constant 3 : i32
      %add3A_183 = arith.addi %mul3A_181, %add3A_182 : i32
      %dma_wait3A_184 = arith.constant 0 : i32
      %dma_wait3A_185 = arith.constant 0 : i32
      %dma_wait3A_186 = tpu.memref_slice %arg3[%dma_wait3A_184, %dma_wait3A_185] : memref<10112x16xf32, #tpu.memory_space<hbm>> -> memref<10112x16xf32, #tpu.memory_space<hbm>>
      tpu.wait_indirect_dma semaphore(%arg32 : memref<!tpu.dma_semaphore, #tpu.memory_space<semaphore_mem>>) src(%dma_wait3A_186 : memref<10112x16xf32, #tpu.memory_space<hbm>>) dst(%arg20 : memref<96x16xf32, #tpu.memory_space<vmem>>)
      %dma_wait3A_187 = arith.constant 0 : i32
      %dma_wait3A_188 = arith.constant 0 : i32
      %dma_wait3A_189 = tpu.memref_slice %arg4[%dma_wait3A_187, %dma_wait3A_188] : memref<10112x16xf32, #tpu.memory_space<hbm>> -> memref<10112x16xf32, #tpu.memory_space<hbm>>
      tpu.wait_indirect_dma semaphore(%arg33 : memref<!tpu.dma_semaphore, #tpu.memory_space<semaphore_mem>>) src(%dma_wait3A_189 : memref<10112x16xf32, #tpu.memory_space<hbm>>) dst(%arg22 : memref<96x16xf32, #tpu.memory_space<vmem>>)
      %dma_wait3A_190 = arith.constant 0 : i32
      %dma_wait3A_191 = arith.constant 0 : i32
      %dma_wait3A_192 = tpu.memref_slice %arg2[%dma_wait3A_190, %dma_wait3A_191] : memref<10112x64xf32, #tpu.memory_space<hbm>> -> memref<10112x64xf32, #tpu.memory_space<hbm>>
      tpu.wait_indirect_dma semaphore(%arg34 : memref<!tpu.dma_semaphore, #tpu.memory_space<semaphore_mem>>) src(%dma_wait3A_192 : memref<10112x64xf32, #tpu.memory_space<hbm>>) dst(%arg24 : memref<96x64xf32, #tpu.memory_space<vmem>>)
      %add3A_193 = arith.constant 1 : i32
      %add3A_194 = arith.addi %add3A_183, %add3A_193 : i32
      %mul3A_195 = arith.constant 96 : i32
      %mul3A_196 = arith.muli %add3A_194, %mul3A_195 : i32
      %add3A_197 = arith.addi %mul3A_4, %mul3A_196 : i32
      %dma_wait3A_198 = tpu.memref_slice %arg5[%add3A_197] : memref<331968xi32, #tpu.memory_space<hbm>> -> memref<96xi32, #tpu.memory_space<hbm>>
      %dma_wait3A_199 = tpu.memref_slice %arg5[%add3A_197] : memref<331968xi32, #tpu.memory_space<hbm>> -> memref<96xi32, #tpu.memory_space<hbm>>
      tpu.wait_dma2 semaphore(%arg35 : memref<!tpu.dma_semaphore, #tpu.memory_space<semaphore_mem>>) src(%dma_wait3A_199 : memref<96xi32, #tpu.memory_space<hbm>>) dst(%arg11 : memref<96xi32, #tpu.memory_space<vmem>>)
      %dma_wait3A_200 = tpu.memref_slice %arg6[%add3A_197] : memref<331968xi32, #tpu.memory_space<hbm>> -> memref<96xi32, #tpu.memory_space<hbm>>
      %dma_wait3A_201 = tpu.memref_slice %arg6[%add3A_197] : memref<331968xi32, #tpu.memory_space<hbm>> -> memref<96xi32, #tpu.memory_space<hbm>>
      tpu.wait_dma2 semaphore(%arg35 : memref<!tpu.dma_semaphore, #tpu.memory_space<semaphore_mem>>) src(%dma_wait3A_201 : memref<96xi32, #tpu.memory_space<hbm>>) dst(%arg15 : memref<96xi32, #tpu.memory_space<vmem>>)
      %dma_start3A_202 = arith.constant 0 : i32
      %dma_start3A_203 = arith.constant 0 : i32
      %dma_start3A_204 = tpu.memref_slice %arg3[%dma_start3A_202, %dma_start3A_203] : memref<10112x16xf32, #tpu.memory_space<hbm>> -> memref<10112x16xf32, #tpu.memory_space<hbm>>
      tpu.enqueue_indirect_dma source(%dma_start3A_204 : memref<10112x16xf32, #tpu.memory_space<hbm>>) target(%arg19 : memref<96x16xf32, #tpu.memory_space<vmem>>) offsets(%arg11 : memref<96xi32, #tpu.memory_space<vmem>>) semaphore(%arg29 : memref<!tpu.dma_semaphore, #tpu.memory_space<semaphore_mem>>)
      %dma_start3A_205 = arith.constant 0 : i32
      %dma_start3A_206 = arith.constant 0 : i32
      %dma_start3A_207 = tpu.memref_slice %arg4[%dma_start3A_205, %dma_start3A_206] : memref<10112x16xf32, #tpu.memory_space<hbm>> -> memref<10112x16xf32, #tpu.memory_space<hbm>>
      tpu.enqueue_indirect_dma source(%dma_start3A_207 : memref<10112x16xf32, #tpu.memory_space<hbm>>) target(%arg21 : memref<96x16xf32, #tpu.memory_space<vmem>>) offsets(%arg15 : memref<96xi32, #tpu.memory_space<vmem>>) semaphore(%arg30 : memref<!tpu.dma_semaphore, #tpu.memory_space<semaphore_mem>>)
      %dma_start3A_208 = arith.constant 0 : i32
      %dma_start3A_209 = arith.constant 0 : i32
      %dma_start3A_210 = tpu.memref_slice %arg2[%dma_start3A_208, %dma_start3A_209] : memref<10112x64xf32, #tpu.memory_space<hbm>> -> memref<10112x64xf32, #tpu.memory_space<hbm>>
      tpu.enqueue_indirect_dma source(%dma_start3A_210 : memref<10112x64xf32, #tpu.memory_space<hbm>>) target(%arg23 : memref<96x64xf32, #tpu.memory_space<vmem>>) offsets(%arg11 : memref<96xi32, #tpu.memory_space<vmem>>) semaphore(%arg31 : memref<!tpu.dma_semaphore, #tpu.memory_space<semaphore_mem>>)
      %add3A_211 = arith.constant 2 : i32
      %add3A_212 = arith.addi %add3A_183, %add3A_211 : i32
      %mul3A_213 = arith.constant 96 : i32
      %mul3A_214 = arith.muli %add3A_212, %mul3A_213 : i32
      %add3A_215 = arith.addi %mul3A_4, %mul3A_214 : i32
      %dma_start3A_216 = tpu.memref_slice %arg5[%add3A_215] : memref<331968xi32, #tpu.memory_space<hbm>> -> memref<96xi32, #tpu.memory_space<hbm>>
      %dma_start3A_217 = tpu.memref_slice %arg5[%add3A_215] : memref<331968xi32, #tpu.memory_space<hbm>> -> memref<96xi32, #tpu.memory_space<hbm>>
      tpu.enqueue_dma source(%dma_start3A_217 : memref<96xi32, #tpu.memory_space<hbm>>) target(%arg12 : memref<96xi32, #tpu.memory_space<vmem>>) target_semaphore(%arg36 : memref<!tpu.dma_semaphore, #tpu.memory_space<semaphore_mem>>)
      %dma_start3A_218 = tpu.memref_slice %arg6[%add3A_215] : memref<331968xi32, #tpu.memory_space<hbm>> -> memref<96xi32, #tpu.memory_space<hbm>>
      %dma_start3A_219 = tpu.memref_slice %arg6[%add3A_215] : memref<331968xi32, #tpu.memory_space<hbm>> -> memref<96xi32, #tpu.memory_space<hbm>>
      tpu.enqueue_dma source(%dma_start3A_219 : memref<96xi32, #tpu.memory_space<hbm>>) target(%arg16 : memref<96xi32, #tpu.memory_space<vmem>>) target_semaphore(%arg36 : memref<!tpu.dma_semaphore, #tpu.memory_space<semaphore_mem>>)
      %parallel_loop3A_220 = arith.constant 0 : i32
      %parallel_loop3A_221 = arith.constant 96 : i32
      %parallel_loop3A_222 = arith.constant 1 : i32
      scf.for %parallel_loop3A_223 = %parallel_loop3A_220 to %parallel_loop3A_221 step %parallel_loop3A_222  : i32 {
        %parallel_loop3A_224 = arith.index_cast %parallel_loop3A_223 : i32 to index
        %parallel_loop3A_225 = arith.constant 0 : index
        %parallel_loop3A_226 = tpu.vector_load %arg20[%parallel_loop3A_224, %parallel_loop3A_225] {strides = array<i32>} : memref<96x16xf32, #tpu.memory_space<vmem>>, vector<1x16xf32>,
        %parallel_loop3A_227 = vector.shape_cast %parallel_loop3A_226 : vector<1x16xf32> to vector<16xf32>
        %parallel_loop3A_228 = arith.index_cast %parallel_loop3A_223 : i32 to index
        %parallel_loop3A_229 = arith.constant 0 : index
        %parallel_loop3A_230 = tpu.vector_load %arg22[%parallel_loop3A_228, %parallel_loop3A_229] {strides = array<i32>} : memref<96x16xf32, #tpu.memory_space<vmem>>, vector<1x16xf32>,
        %parallel_loop3A_231 = vector.shape_cast %parallel_loop3A_230 : vector<1x16xf32> to vector<16xf32>
        %parallel_loop3A_232 = arith.addf %parallel_loop3A_227, %parallel_loop3A_231 : vector<16xf32>
        %parallel_loop3A_233 = arith.constant 0.000000e+00 : f32
        %parallel_loop3A_234 = vector.broadcast %parallel_loop3A_233 : f32 to vector<16xf32>
        %parallel_loop3A_235 = arith.cmpf oge, %parallel_loop3A_232, %parallel_loop3A_234 : vector<16xf32>
        %parallel_loop3A_236 = arith.constant 2.000000e-01 : f32
        %parallel_loop3A_237 = vector.broadcast %parallel_loop3A_236 : f32 to vector<16xf32>
        %parallel_loop3A_238 = arith.mulf %parallel_loop3A_237, %parallel_loop3A_232 : vector<16xf32>
        %parallel_loop3A_239 = arith.select %parallel_loop3A_235, %parallel_loop3A_232, %parallel_loop3A_238 : vector<16xi1>, vector<16xf32>
        %parallel_loop3A_240 = arith.constant 1 : i32
        %parallel_loop3A_241 = vector.broadcast %parallel_loop3A_240 : i32 to vector<16xi32>
        %parallel_loop3A_242 = arith.cmpi slt, %iota3A, %parallel_loop3A_241 : vector<16xi32>
        %parallel_loop3A_243 = math.exp %parallel_loop3A_239 : vector<16xf32>
        %parallel_loop3A_244 = arith.constant 0.000000e+00 : f32
        %parallel_loop3A_245 = vector.broadcast %parallel_loop3A_244 : f32 to vector<16xf32>
        %parallel_loop3A_246 = arith.select %parallel_loop3A_242, %parallel_loop3A_243, %parallel_loop3A_245 : vector<16xi1>, vector<16xf32>
        %parallel_loop3A_247 = arith.index_cast %parallel_loop3A_223 : i32 to index
        %parallel_loop3A_248 = arith.constant 0 : index
        %parallel_loop3A_249 = tpu.vector_load %arg26[%parallel_loop3A_247, %parallel_loop3A_248] {strides = array<i32>} : memref<96x16xf32, #tpu.memory_space<vmem>>, vector<1x16xf32>,
        %parallel_loop3A_250 = vector.shape_cast %parallel_loop3A_249 : vector<1x16xf32> to vector<16xf32>
        %parallel_loop3A_251 = vector.shape_cast %parallel_loop3A_246 : vector<16xf32> to vector<1x16xf32>
        tpu.vector_store %arg26[%parallel_loop3A_247, %parallel_loop3A_248], %parallel_loop3A_251 {strides = array<i32>} : memref<96x16xf32, #tpu.memory_space<vmem>>, vector<1x16xf32>,
        %parallel_loop3A_252 = vector.extract_strided_slice %parallel_loop3A_246 {offsets = [0], sizes = [1], strides = [1]} : vector<16xf32> to vector<1xf32>
        %parallel_loop3A_253 = vector.extract %parallel_loop3A_252[0] : f32 from vector<1xf32>
        %parallel_loop3A_254 = vector.broadcast %parallel_loop3A_253 : f32 to vector<16xf32>
        %parallel_loop3A_255 = arith.index_cast %parallel_loop3A_223 : i32 to index
        %parallel_loop3A_256 = arith.constant 0 : index
        %parallel_loop3A_257 = tpu.vector_load %arg24[%parallel_loop3A_255, %parallel_loop3A_256] {strides = array<i32>} : memref<96x64xf32, #tpu.memory_space<vmem>>, vector<1x16xf32>,
        %parallel_loop3A_258 = vector.shape_cast %parallel_loop3A_257 : vector<1x16xf32> to vector<16xf32>
        %parallel_loop3A_259 = arith.mulf %parallel_loop3A_258, %parallel_loop3A_254 : vector<16xf32>
        %parallel_loop3A_260 = arith.index_cast %parallel_loop3A_223 : i32 to index
        %parallel_loop3A_261 = arith.constant 0 : index
        %parallel_loop3A_262 = tpu.vector_load %arg24[%parallel_loop3A_260, %parallel_loop3A_261] {strides = array<i32>} : memref<96x64xf32, #tpu.memory_space<vmem>>, vector<1x16xf32>,
        %parallel_loop3A_263 = vector.shape_cast %parallel_loop3A_262 : vector<1x16xf32> to vector<16xf32>
        %parallel_loop3A_264 = vector.shape_cast %parallel_loop3A_259 : vector<16xf32> to vector<1x16xf32>
        tpu.vector_store %arg24[%parallel_loop3A_260, %parallel_loop3A_261], %parallel_loop3A_264 {strides = array<i32>} : memref<96x64xf32, #tpu.memory_space<vmem>>, vector<1x16xf32>,
        %parallel_loop3A_265 = arith.index_cast %parallel_loop3A_223 : i32 to index
        %parallel_loop3A_266 = arith.constant 16 : index
        %parallel_loop3A_267 = tpu.vector_load %arg24[%parallel_loop3A_265, %parallel_loop3A_266] {strides = array<i32>} : memref<96x64xf32, #tpu.memory_space<vmem>>, vector<1x16xf32>,
        %parallel_loop3A_268 = vector.shape_cast %parallel_loop3A_267 : vector<1x16xf32> to vector<16xf32>
        %parallel_loop3A_269 = arith.mulf %parallel_loop3A_268, %parallel_loop3A_254 : vector<16xf32>
        %parallel_loop3A_270 = arith.index_cast %parallel_loop3A_223 : i32 to index
        %parallel_loop3A_271 = arith.constant 16 : index
        %parallel_loop3A_272 = tpu.vector_load %arg24[%parallel_loop3A_270, %parallel_loop3A_271] {strides = array<i32>} : memref<96x64xf32, #tpu.memory_space<vmem>>, vector<1x16xf32>,
        %parallel_loop3A_273 = vector.shape_cast %parallel_loop3A_272 : vector<1x16xf32> to vector<16xf32>
        %parallel_loop3A_274 = vector.shape_cast %parallel_loop3A_269 : vector<16xf32> to vector<1x16xf32>
        tpu.vector_store %arg24[%parallel_loop3A_270, %parallel_loop3A_271], %parallel_loop3A_274 {strides = array<i32>} : memref<96x64xf32, #tpu.memory_space<vmem>>, vector<1x16xf32>,
        %parallel_loop3A_275 = arith.index_cast %parallel_loop3A_223 : i32 to index
        %parallel_loop3A_276 = arith.constant 32 : index
        %parallel_loop3A_277 = tpu.vector_load %arg24[%parallel_loop3A_275, %parallel_loop3A_276] {strides = array<i32>} : memref<96x64xf32, #tpu.memory_space<vmem>>, vector<1x16xf32>,
        %parallel_loop3A_278 = vector.shape_cast %parallel_loop3A_277 : vector<1x16xf32> to vector<16xf32>
        %parallel_loop3A_279 = arith.mulf %parallel_loop3A_278, %parallel_loop3A_254 : vector<16xf32>
        %parallel_loop3A_280 = arith.index_cast %parallel_loop3A_223 : i32 to index
        %parallel_loop3A_281 = arith.constant 32 : index
        %parallel_loop3A_282 = tpu.vector_load %arg24[%parallel_loop3A_280, %parallel_loop3A_281] {strides = array<i32>} : memref<96x64xf32, #tpu.memory_space<vmem>>, vector<1x16xf32>,
        %parallel_loop3A_283 = vector.shape_cast %parallel_loop3A_282 : vector<1x16xf32> to vector<16xf32>
        %parallel_loop3A_284 = vector.shape_cast %parallel_loop3A_279 : vector<16xf32> to vector<1x16xf32>
        tpu.vector_store %arg24[%parallel_loop3A_280, %parallel_loop3A_281], %parallel_loop3A_284 {strides = array<i32>} : memref<96x64xf32, #tpu.memory_space<vmem>>, vector<1x16xf32>,
        %parallel_loop3A_285 = arith.index_cast %parallel_loop3A_223 : i32 to index
        %parallel_loop3A_286 = arith.constant 48 : index
        %parallel_loop3A_287 = tpu.vector_load %arg24[%parallel_loop3A_285, %parallel_loop3A_286] {strides = array<i32>} : memref<96x64xf32, #tpu.memory_space<vmem>>, vector<1x16xf32>,
        %parallel_loop3A_288 = vector.shape_cast %parallel_loop3A_287 : vector<1x16xf32> to vector<16xf32>
        %parallel_loop3A_289 = arith.mulf %parallel_loop3A_288, %parallel_loop3A_254 : vector<16xf32>
        %parallel_loop3A_290 = arith.index_cast %parallel_loop3A_223 : i32 to index
        %parallel_loop3A_291 = arith.constant 48 : index
        %parallel_loop3A_292 = tpu.vector_load %arg24[%parallel_loop3A_290, %parallel_loop3A_291] {strides = array<i32>} : memref<96x64xf32, #tpu.memory_space<vmem>>, vector<1x16xf32>,
        %parallel_loop3A_293 = vector.shape_cast %parallel_loop3A_292 : vector<1x16xf32> to vector<16xf32>
        %parallel_loop3A_294 = vector.shape_cast %parallel_loop3A_289 : vector<16xf32> to vector<1x16xf32>
        tpu.vector_store %arg24[%parallel_loop3A_290, %parallel_loop3A_291], %parallel_loop3A_294 {strides = array<i32>} : memref<96x64xf32, #tpu.memory_space<vmem>>, vector<1x16xf32>,
      } {sc.loop_unroll_factor = 4 : i64, sc.parallel_access}
      "tpu.region"() ({
        %run_scoped3A = tpu.sem_alloc : memref<!tpu.dma_semaphore, #tpu.memory_space<semaphore_mem>>
        %dma_start3A_223 = arith.constant 0 : i32
        %dma_start3A_224 = arith.constant 0 : i32
        %dma_start3A_225 = tpu.memref_slice %arg28[%dma_start3A_223, %dma_start3A_224] : memref<10112x16xf32, #tpu.memory_space<vmem_shared>> -> memref<10112x16xf32, #tpu.memory_space<vmem_shared>>
        tpu.enqueue_indirect_dma source(%arg26 : memref<96x16xf32, #tpu.memory_space<vmem>>) target(%dma_start3A_225 : memref<10112x16xf32, #tpu.memory_space<vmem_shared>>) offsets(%arg18 : memref<96xi32, #tpu.memory_space<vmem>>) semaphore(%run_scoped3A : memref<!tpu.dma_semaphore, #tpu.memory_space<semaphore_mem>>) {add = true}
        %dma_wait3A_226 = arith.constant 0 : i32
        %dma_wait3A_227 = arith.constant 0 : i32
        %dma_wait3A_228 = tpu.memref_slice %arg28[%dma_wait3A_226, %dma_wait3A_227] : memref<10112x16xf32, #tpu.memory_space<vmem_shared>> -> memref<10112x16xf32, #tpu.memory_space<vmem_shared>>
        tpu.wait_indirect_dma semaphore(%run_scoped3A : memref<!tpu.dma_semaphore, #tpu.memory_space<semaphore_mem>>) src(%arg26 : memref<96x16xf32, #tpu.memory_space<vmem>>) dst(%dma_wait3A_228 : memref<10112x16xf32, #tpu.memory_space<vmem_shared>>)
        tpu.yield
      }) : () -> ()
      "tpu.region"() ({
        %run_scoped3A = tpu.sem_alloc : memref<!tpu.dma_semaphore, #tpu.memory_space<semaphore_mem>>
        %dma_start3A_223 = arith.constant 0 : i32
        %dma_start3A_224 = arith.constant 0 : i32
        %dma_start3A_225 = tpu.memref_slice %arg27[%dma_start3A_223, %dma_start3A_224] : memref<10112x64xf32, #tpu.memory_space<vmem_shared>> -> memref<10112x64xf32, #tpu.memory_space<vmem_shared>>
        tpu.enqueue_indirect_dma source(%arg24 : memref<96x64xf32, #tpu.memory_space<vmem>>) target(%dma_start3A_225 : memref<10112x64xf32, #tpu.memory_space<vmem_shared>>) offsets(%arg18 : memref<96xi32, #tpu.memory_space<vmem>>) semaphore(%run_scoped3A : memref<!tpu.dma_semaphore, #tpu.memory_space<semaphore_mem>>) {add = true}
        %dma_wait3A_226 = arith.constant 0 : i32
        %dma_wait3A_227 = arith.constant 0 : i32
        %dma_wait3A_228 = tpu.memref_slice %arg27[%dma_wait3A_226, %dma_wait3A_227] : memref<10112x64xf32, #tpu.memory_space<vmem_shared>> -> memref<10112x64xf32, #tpu.memory_space<vmem_shared>>
        tpu.wait_indirect_dma semaphore(%run_scoped3A : memref<!tpu.dma_semaphore, #tpu.memory_space<semaphore_mem>>) src(%arg24 : memref<96x64xf32, #tpu.memory_space<vmem>>) dst(%dma_wait3A_228 : memref<10112x64xf32, #tpu.memory_space<vmem_shared>>)
        tpu.yield
      }) : () -> ()
    }
    %scan3A_34 = arith.constant 27 : i32
    %dma_wait3A_35 = arith.constant 0 : i32
    %dma_wait3A_36 = arith.constant 0 : i32
    %dma_wait3A_37 = tpu.memref_slice %arg3[%dma_wait3A_35, %dma_wait3A_36] : memref<10112x16xf32, #tpu.memory_space<hbm>> -> memref<10112x16xf32, #tpu.memory_space<hbm>>
    tpu.wait_indirect_dma semaphore(%arg29 : memref<!tpu.dma_semaphore, #tpu.memory_space<semaphore_mem>>) src(%dma_wait3A_37 : memref<10112x16xf32, #tpu.memory_space<hbm>>) dst(%arg19 : memref<96x16xf32, #tpu.memory_space<vmem>>)
    %dma_wait3A_38 = arith.constant 0 : i32
    %dma_wait3A_39 = arith.constant 0 : i32
    %dma_wait3A_40 = tpu.memref_slice %arg4[%dma_wait3A_38, %dma_wait3A_39] : memref<10112x16xf32, #tpu.memory_space<hbm>> -> memref<10112x16xf32, #tpu.memory_space<hbm>>
    tpu.wait_indirect_dma semaphore(%arg30 : memref<!tpu.dma_semaphore, #tpu.memory_space<semaphore_mem>>) src(%dma_wait3A_40 : memref<10112x16xf32, #tpu.memory_space<hbm>>) dst(%arg21 : memref<96x16xf32, #tpu.memory_space<vmem>>)
    %dma_wait3A_41 = arith.constant 0 : i32
    %dma_wait3A_42 = arith.constant 0 : i32
    %dma_wait3A_43 = tpu.memref_slice %arg2[%dma_wait3A_41, %dma_wait3A_42] : memref<10112x64xf32, #tpu.memory_space<hbm>> -> memref<10112x64xf32, #tpu.memory_space<hbm>>
    tpu.wait_indirect_dma semaphore(%arg31 : memref<!tpu.dma_semaphore, #tpu.memory_space<semaphore_mem>>) src(%dma_wait3A_43 : memref<10112x64xf32, #tpu.memory_space<hbm>>) dst(%arg23 : memref<96x64xf32, #tpu.memory_space<vmem>>)
    %add3A_44 = arith.constant 10464 : i32
    %add3A_45 = arith.addi %mul3A_4, %add3A_44 : i32
    %dma_wait3A_46 = tpu.memref_slice %arg5[%add3A_45] : memref<331968xi32, #tpu.memory_space<hbm>> -> memref<96xi32, #tpu.memory_space<hbm>>
    %dma_wait3A_47 = tpu.memref_slice %arg5[%add3A_45] : memref<331968xi32, #tpu.memory_space<hbm>> -> memref<96xi32, #tpu.memory_space<hbm>>
    tpu.wait_dma2 semaphore(%arg36 : memref<!tpu.dma_semaphore, #tpu.memory_space<semaphore_mem>>) src(%dma_wait3A_47 : memref<96xi32, #tpu.memory_space<hbm>>) dst(%arg12 : memref<96xi32, #tpu.memory_space<vmem>>)
    %dma_wait3A_48 = tpu.memref_slice %arg6[%add3A_45] : memref<331968xi32, #tpu.memory_space<hbm>> -> memref<96xi32, #tpu.memory_space<hbm>>
    %dma_wait3A_49 = tpu.memref_slice %arg6[%add3A_45] : memref<331968xi32, #tpu.memory_space<hbm>> -> memref<96xi32, #tpu.memory_space<hbm>>
    tpu.wait_dma2 semaphore(%arg36 : memref<!tpu.dma_semaphore, #tpu.memory_space<semaphore_mem>>) src(%dma_wait3A_49 : memref<96xi32, #tpu.memory_space<hbm>>) dst(%arg16 : memref<96xi32, #tpu.memory_space<vmem>>)
    %barrier3A_50 = arith.constant 0 : index
    tpu.barrier barrier_id(%barrier3A_50)
    "tpu.region"() ({
      %run_scoped3A = tpu.sem_alloc : memref<!tpu.dma_semaphore, #tpu.memory_space<semaphore_mem>>
      %dma_start3A_51 = arith.constant 0 : i32
      %dma_start3A_52 = tpu.memref_slice %arg9[%arg0, %mul3A_0, %dma_start3A_51] : memref<2x10112x64xf32, #tpu.memory_space<hbm>> -> memref<1x632x64xf32, #tpu.memory_space<hbm>>
      %dma_start3A_53 = tpu.memref_squeeze %dma_start3A_52 : memref<1x632x64xf32, #tpu.memory_space<hbm>> -> memref<632x64xf32, #tpu.memory_space<hbm>>
      %dma_start3A_54 = arith.constant 0 : i32
      %dma_start3A_55 = tpu.memref_slice %arg27[%mul3A_0, %dma_start3A_54] : memref<10112x64xf32, #tpu.memory_space<vmem_shared>> -> memref<632x64xf32, #tpu.memory_space<vmem_shared>>
      tpu.enqueue_dma source(%dma_start3A_55 : memref<632x64xf32, #tpu.memory_space<vmem_shared>>) target(%dma_start3A_53 : memref<632x64xf32, #tpu.memory_space<hbm>>) target_semaphore(%run_scoped3A : memref<!tpu.dma_semaphore, #tpu.memory_space<semaphore_mem>>)
      %dma_wait3A_56 = arith.constant 0 : i32
      %dma_wait3A_57 = tpu.memref_slice %arg9[%arg0, %mul3A_0, %dma_wait3A_56] : memref<2x10112x64xf32, #tpu.memory_space<hbm>> -> memref<1x632x64xf32, #tpu.memory_space<hbm>>
      %dma_wait3A_58 = tpu.memref_squeeze %dma_wait3A_57 : memref<1x632x64xf32, #tpu.memory_space<hbm>> -> memref<632x64xf32, #tpu.memory_space<hbm>>
      %dma_wait3A_59 = arith.constant 0 : i32
      %dma_wait3A_60 = tpu.memref_slice %arg27[%mul3A_0, %dma_wait3A_59] : memref<10112x64xf32, #tpu.memory_space<vmem_shared>> -> memref<632x64xf32, #tpu.memory_space<vmem_shared>>
      tpu.wait_dma2 semaphore(%run_scoped3A : memref<!tpu.dma_semaphore, #tpu.memory_space<semaphore_mem>>) src(%dma_wait3A_60 : memref<632x64xf32, #tpu.memory_space<vmem_shared>>) dst(%dma_wait3A_58 : memref<632x64xf32, #tpu.memory_space<hbm>>)
      tpu.yield
    }) : () -> ()
    "tpu.region"() ({
      %run_scoped3A = tpu.sem_alloc : memref<!tpu.dma_semaphore, #tpu.memory_space<semaphore_mem>>
      %dma_start3A_51 = arith.constant 0 : i32
      %dma_start3A_52 = tpu.memref_slice %arg10[%arg0, %mul3A_0, %dma_start3A_51] : memref<2x10112x16xf32, #tpu.memory_space<hbm>> -> memref<1x632x16xf32, #tpu.memory_space<hbm>>
      %dma_start3A_53 = tpu.memref_squeeze %dma_start3A_52 : memref<1x632x16xf32, #tpu.memory_space<hbm>> -> memref<632x16xf32, #tpu.memory_space<hbm>>
      %dma_start3A_54 = arith.constant 0 : i32
      %dma_start3A_55 = tpu.memref_slice %arg28[%mul3A_0, %dma_start3A_54] : memref<10112x16xf32, #tpu.memory_space<vmem_shared>> -> memref<632x16xf32, #tpu.memory_space<vmem_shared>>
      tpu.enqueue_dma source(%dma_start3A_55 : memref<632x16xf32, #tpu.memory_space<vmem_shared>>) target(%dma_start3A_53 : memref<632x16xf32, #tpu.memory_space<hbm>>) target_semaphore(%run_scoped3A : memref<!tpu.dma_semaphore, #tpu.memory_space<semaphore_mem>>)
      %dma_wait3A_56 = arith.constant 0 : i32
      %dma_wait3A_57 = tpu.memref_slice %arg10[%arg0, %mul3A_0, %dma_wait3A_56] : memref<2x10112x16xf32, #tpu.memory_space<hbm>> -> memref<1x632x16xf32, #tpu.memory_space<hbm>>
      %dma_wait3A_58 = tpu.memref_squeeze %dma_wait3A_57 : memref<1x632x16xf32, #tpu.memory_space<hbm>> -> memref<632x16xf32, #tpu.memory_space<hbm>>
      %dma_wait3A_59 = arith.constant 0 : i32
      %dma_wait3A_60 = tpu.memref_slice %arg28[%mul3A_0, %dma_wait3A_59] : memref<10112x16xf32, #tpu.memory_space<vmem_shared>> -> memref<632x16xf32, #tpu.memory_space<vmem_shared>>
      tpu.wait_dma2 semaphore(%run_scoped3A : memref<!tpu.dma_semaphore, #tpu.memory_space<semaphore_mem>>) src(%dma_wait3A_60 : memref<632x16xf32, #tpu.memory_space<vmem_shared>>) dst(%dma_wait3A_58 : memref<632x16xf32, #tpu.memory_space<hbm>>)
      tpu.yield
    }) : () -> ()
    return
  }
}

module attributes {stable_mosaic.version = 14 : i64} {
  func.func @_tc1_body(%arg0: i32, %arg1: memref<1000x128xf32, #tpu.memory_space<vmem>>, %arg2: memref<128x128xf32, #tpu.memory_space<vmem>>, %arg3: memref<128x16xf32, #tpu.memory_space<vmem>>, %arg4: memref<128x16xf32, #tpu.memory_space<vmem>>, %arg5: memref<1000x128xf32, #tpu.memory_space<vmem>>, %arg6: memref<1000x16xf32, #tpu.memory_space<vmem>>, %arg7: memref<1000x16xf32, #tpu.memory_space<vmem>>) attributes {dimension_semantics = [#tpu.dimension_semantics<arbitrary>], iteration_bounds = array<i64: 10>, scalar_prefetch = 0 : i64, scratch_operands = 0 : i64, tpu.core_type = #tpu.core_type<tc>, window_params = [{transform_indices = @transform_0, window_bounds = array<i64: 1000, 128>}, {pipeline_mode = #tpu.pipeline_mode<synchronous>, transform_indices = @transform_1, window_bounds = array<i64: 128, 128>}, {pipeline_mode = #tpu.pipeline_mode<synchronous>, transform_indices = @transform_2, window_bounds = array<i64: 128, 16>}, {pipeline_mode = #tpu.pipeline_mode<synchronous>, transform_indices = @transform_3, window_bounds = array<i64: 128, 16>}, {transform_indices = @transform_4, window_bounds = array<i64: 1000, 128>}, {transform_indices = @transform_5, window_bounds = array<i64: 1000, 16>}, {transform_indices = @transform_6, window_bounds = array<i64: 1000, 16>}]} {
    %get3A = arith.constant 0 : index
    %get3A_0 = arith.constant 0 : index
    %get3A_1 = vector.load %arg1[%get3A, %get3A_0] : memref<1000x128xf32, #tpu.memory_space<vmem>>, vector<1000x128xf32>
    %get3A_2 = arith.constant 0 : index
    %get3A_3 = arith.constant 0 : index
    %get3A_4 = vector.load %arg2[%get3A_2, %get3A_3] : memref<128x128xf32, #tpu.memory_space<vmem>>, vector<128x128xf32>
    %dot_general3A = arith.constant dense<0.000000e+00> : vector<1000x128xf32>
    %dot_general3A_5 = tpu.matmul %get3A_1, %get3A_4, %dot_general3A {dimension_numbers = #tpu.dot_dimension_numbers<[1], [0], [0], [1], [0, 0, 1, 1], [], []>, transpose_lhs_hint = false} : vector<1000x128xf32>, vector<128x128xf32>, vector<1000x128xf32> -> vector<1000x128xf32>
    %swap3A = arith.constant 0 : index
    %swap3A_6 = arith.constant 0 : index
    %swap3A_7 = vector.load %arg5[%swap3A, %swap3A_6] : memref<1000x128xf32, #tpu.memory_space<vmem>>, vector<1000x128xf32>
    tpu.vector_store %arg5[%swap3A, %swap3A_6], %dot_general3A_5 {strides = array<i32>} : memref<1000x128xf32, #tpu.memory_space<vmem>>, vector<1000x128xf32>,
    %get3A_8 = arith.constant 0 : index
    %get3A_9 = arith.constant 0 : index
    %get3A_10 = vector.load %arg3[%get3A_8, %get3A_9] : memref<128x16xf32, #tpu.memory_space<vmem>>, vector<128x16xf32>
    %dot_general3A_11 = arith.constant dense<0.000000e+00> : vector<1000x16xf32>
    %dot_general3A_12 = tpu.matmul %dot_general3A_5, %get3A_10, %dot_general3A_11 {dimension_numbers = #tpu.dot_dimension_numbers<[1], [0], [0], [1], [0, 0, 1, 1], [], []>, transpose_lhs_hint = false} : vector<1000x128xf32>, vector<128x16xf32>, vector<1000x16xf32> -> vector<1000x16xf32>
    %swap3A_13 = arith.constant 0 : index
    %swap3A_14 = arith.constant 0 : index
    %swap3A_15 = vector.load %arg6[%swap3A_13, %swap3A_14] : memref<1000x16xf32, #tpu.memory_space<vmem>>, vector<1000x16xf32>
    tpu.vector_store %arg6[%swap3A_13, %swap3A_14], %dot_general3A_12 {strides = array<i32>} : memref<1000x16xf32, #tpu.memory_space<vmem>>, vector<1000x16xf32>,
    %get3A_16 = arith.constant 0 : index
    %get3A_17 = arith.constant 0 : index
    %get3A_18 = vector.load %arg4[%get3A_16, %get3A_17] : memref<128x16xf32, #tpu.memory_space<vmem>>, vector<128x16xf32>
    %dot_general3A_19 = arith.constant dense<0.000000e+00> : vector<1000x16xf32>
    %dot_general3A_20 = tpu.matmul %dot_general3A_5, %get3A_18, %dot_general3A_19 {dimension_numbers = #tpu.dot_dimension_numbers<[1], [0], [0], [1], [0, 0, 1, 1], [], []>, transpose_lhs_hint = false} : vector<1000x128xf32>, vector<128x16xf32>, vector<1000x16xf32> -> vector<1000x16xf32>
    %swap3A_21 = arith.constant 0 : index
    %swap3A_22 = arith.constant 0 : index
    %swap3A_23 = vector.load %arg7[%swap3A_21, %swap3A_22] : memref<1000x16xf32, #tpu.memory_space<vmem>>, vector<1000x16xf32>
    tpu.vector_store %arg7[%swap3A_21, %swap3A_22], %dot_general3A_20 {strides = array<i32>} : memref<1000x16xf32, #tpu.memory_space<vmem>>, vector<1000x16xf32>,
    return
  }
  func.func @transform_0(%arg0: i32) -> (i32, i32) {
    %c0_i32 = arith.constant 0 : i32
    %c0_i32_0 = arith.constant 0 : i32
    return %arg0, %c0_i32 : i32, i32
  }
  func.func @transform_1(%arg0: i32) -> (i32, i32) {
    %c0_i32 = arith.constant 0 : i32
    %c0_i32_0 = arith.constant 0 : i32
    %c0_i32_1 = arith.constant 0 : i32
    return %c0_i32, %c0_i32_0 : i32, i32
  }
  func.func @transform_2(%arg0: i32) -> (i32, i32) {
    %c0_i32 = arith.constant 0 : i32
    %c0_i32_0 = arith.constant 0 : i32
    %c0_i32_1 = arith.constant 0 : i32
    return %c0_i32, %c0_i32_0 : i32, i32
  }
  func.func @transform_3(%arg0: i32) -> (i32, i32) {
    %c0_i32 = arith.constant 0 : i32
    %c0_i32_0 = arith.constant 0 : i32
    %c0_i32_1 = arith.constant 0 : i32
    return %c0_i32, %c0_i32_0 : i32, i32
  }
  func.func @transform_4(%arg0: i32) -> (i32, i32) {
    %c0_i32 = arith.constant 0 : i32
    %c0_i32_0 = arith.constant 0 : i32
    return %arg0, %c0_i32 : i32, i32
  }
  func.func @transform_5(%arg0: i32) -> (i32, i32) {
    %c0_i32 = arith.constant 0 : i32
    %c0_i32_0 = arith.constant 0 : i32
    return %arg0, %c0_i32 : i32, i32
  }
  func.func @transform_6(%arg0: i32) -> (i32, i32) {
    %c0_i32 = arith.constant 0 : i32
    %c0_i32_0 = arith.constant 0 : i32
    return %arg0, %c0_i32 : i32, i32
  }
}

module attributes {stable_mosaic.version = 14 : i64} {
  func.func @_tc2_body(%arg0: i32, %arg1: memref<2x1000x128xf32, #tpu.memory_space<vmem>>, %arg2: memref<2x1000x16xf32, #tpu.memory_space<vmem>>, %arg3: memref<16x128xf32, #tpu.memory_space<vmem>>, %arg4: memref<1x128xf32, #tpu.memory_space<vmem>>, %arg5: memref<128x64xf32, #tpu.memory_space<vmem>>, %arg6: memref<64x16xf32, #tpu.memory_space<vmem>>, %arg7: memref<64x16xf32, #tpu.memory_space<vmem>>, %arg8: memref<1000x64xf32, #tpu.memory_space<vmem>>, %arg9: memref<1000x16xf32, #tpu.memory_space<vmem>>, %arg10: memref<1000x16xf32, #tpu.memory_space<vmem>>) attributes {dimension_semantics = [#tpu.dimension_semantics<arbitrary>], iteration_bounds = array<i64: 10>, scalar_prefetch = 0 : i64, scratch_operands = 0 : i64, tpu.core_type = #tpu.core_type<tc>, window_params = [{transform_indices = @transform_0, window_bounds = array<i64: 2, 1000, 128>}, {transform_indices = @transform_1, window_bounds = array<i64: 2, 1000, 16>}, {pipeline_mode = #tpu.pipeline_mode<synchronous>, transform_indices = @transform_2, window_bounds = array<i64: 16, 128>}, {pipeline_mode = #tpu.pipeline_mode<synchronous>, transform_indices = @transform_3, window_bounds = array<i64: 1, 128>}, {pipeline_mode = #tpu.pipeline_mode<synchronous>, transform_indices = @transform_4, window_bounds = array<i64: 128, 64>}, {pipeline_mode = #tpu.pipeline_mode<synchronous>, transform_indices = @transform_5, window_bounds = array<i64: 64, 16>}, {pipeline_mode = #tpu.pipeline_mode<synchronous>, transform_indices = @transform_6, window_bounds = array<i64: 64, 16>}, {transform_indices = @transform_7, window_bounds = array<i64: 1000, 64>}, {transform_indices = @transform_8, window_bounds = array<i64: 1000, 16>}, {transform_indices = @transform_9, window_bounds = array<i64: 1000, 16>}]} {
    %get3A = arith.constant 0 : index
    %get3A_0 = arith.constant 0 : index
    %get3A_1 = arith.constant 0 : index
    %get3A_2 = vector.load %arg2[%get3A, %get3A_0, %get3A_1] : memref<2x1000x16xf32, #tpu.memory_space<vmem>>, vector<1x1000x16xf32>
    %get3A_3 = vector.shape_cast %get3A_2 : vector<1x1000x16xf32> to vector<1000x16xf32>
    %get3A_4 = arith.constant 1 : index
    %get3A_5 = arith.constant 0 : index
    %get3A_6 = arith.constant 0 : index
    %get3A_7 = vector.load %arg2[%get3A_4, %get3A_5, %get3A_6] : memref<2x1000x16xf32, #tpu.memory_space<vmem>>, vector<1x1000x16xf32>
    %get3A_8 = vector.shape_cast %get3A_7 : vector<1x1000x16xf32> to vector<1000x16xf32>
    %add3A = arith.addf %get3A_3, %get3A_8 : vector<1000x16xf32>
    %get3A_9 = arith.constant 0 : index
    %get3A_10 = arith.constant 0 : index
    %get3A_11 = vector.load %arg3[%get3A_9, %get3A_10] : memref<16x128xf32, #tpu.memory_space<vmem>>, vector<16x128xf32>
    %dot_general3A = arith.constant dense<0.000000e+00> : vector<1000x128xf32>
    %dot_general3A_12 = tpu.matmul %add3A, %get3A_11, %dot_general3A {dimension_numbers = #tpu.dot_dimension_numbers<[1], [0], [0], [1], [0, 0, 1, 1], [], []>, transpose_lhs_hint = false} : vector<1000x16xf32>, vector<16x128xf32>, vector<1000x128xf32> -> vector<1000x128xf32>
    %get3A_13 = arith.constant 0 : index
    %get3A_14 = arith.constant 0 : index
    %get3A_15 = arith.constant 0 : index
    %get3A_16 = vector.load %arg1[%get3A_13, %get3A_14, %get3A_15] : memref<2x1000x128xf32, #tpu.memory_space<vmem>>, vector<1x1000x128xf32>
    %get3A_17 = vector.shape_cast %get3A_16 : vector<1x1000x128xf32> to vector<1000x128xf32>
    %get3A_18 = arith.constant 1 : index
    %get3A_19 = arith.constant 0 : index
    %get3A_20 = arith.constant 0 : index
    %get3A_21 = vector.load %arg1[%get3A_18, %get3A_19, %get3A_20] : memref<2x1000x128xf32, #tpu.memory_space<vmem>>, vector<1x1000x128xf32>
    %get3A_22 = vector.shape_cast %get3A_21 : vector<1x1000x128xf32> to vector<1000x128xf32>
    %add3A_23 = arith.addf %get3A_17, %get3A_22 : vector<1000x128xf32>
    %add3A_24 = arith.constant 1.000000e-16 : f32
    %add3A_25 = vector.broadcast %add3A_24 : f32 to vector<1000x128xf32>
    %add3A_26 = arith.addf %dot_general3A_12, %add3A_25 : vector<1000x128xf32>
    %div3A = arith.divf %add3A_23, %add3A_26 : vector<1000x128xf32>
    %get3A_27 = arith.constant 0 : index
    %get3A_28 = arith.constant 0 : index
    %get3A_29 = vector.load %arg4[%get3A_27, %get3A_28] : memref<1x128xf32, #tpu.memory_space<vmem>>, vector<1x128xf32>
    %add3A_30 = vector.broadcast %get3A_29 : vector<1x128xf32> to vector<1000x128xf32>
    %add3A_31 = arith.addf %div3A, %add3A_30 : vector<1000x128xf32>
    %gt3A = arith.constant 0.000000e+00 : f32
    %gt3A_32 = vector.broadcast %gt3A : f32 to vector<1000x128xf32>
    %gt3A_33 = arith.cmpf ogt, %add3A_31, %gt3A_32 : vector<1000x128xf32>
    %exp3A = math.exp %add3A_31 : vector<1000x128xf32>
    %sub3A = arith.constant 1.000000e+00 : f32
    %sub3A_34 = vector.broadcast %sub3A : f32 to vector<1000x128xf32>
    %sub3A_35 = arith.subf %exp3A, %sub3A_34 : vector<1000x128xf32>
    %select_n3A = arith.select %gt3A_33, %add3A_31, %sub3A_35 : vector<1000x128xi1>, vector<1000x128xf32>
    %get3A_36 = arith.constant 0 : index
    %get3A_37 = arith.constant 0 : index
    %get3A_38 = vector.load %arg5[%get3A_36, %get3A_37] : memref<128x64xf32, #tpu.memory_space<vmem>>, vector<128x64xf32>
    %dot_general3A_39 = arith.constant dense<0.000000e+00> : vector<1000x64xf32>
    %dot_general3A_40 = tpu.matmul %select_n3A, %get3A_38, %dot_general3A_39 {dimension_numbers = #tpu.dot_dimension_numbers<[1], [0], [0], [1], [0, 0, 1, 1], [], []>, transpose_lhs_hint = false} : vector<1000x128xf32>, vector<128x64xf32>, vector<1000x64xf32> -> vector<1000x64xf32>
    %swap3A = arith.constant 0 : index
    %swap3A_41 = arith.constant 0 : index
    %swap3A_42 = vector.load %arg8[%swap3A, %swap3A_41] : memref<1000x64xf32, #tpu.memory_space<vmem>>, vector<1000x64xf32>
    tpu.vector_store %arg8[%swap3A, %swap3A_41], %dot_general3A_40 {strides = array<i32>} : memref<1000x64xf32, #tpu.memory_space<vmem>>, vector<1000x64xf32>,
    %get3A_43 = arith.constant 0 : index
    %get3A_44 = arith.constant 0 : index
    %get3A_45 = vector.load %arg6[%get3A_43, %get3A_44] : memref<64x16xf32, #tpu.memory_space<vmem>>, vector<64x16xf32>
    %dot_general3A_46 = arith.constant dense<0.000000e+00> : vector<1000x16xf32>
    %dot_general3A_47 = tpu.matmul %dot_general3A_40, %get3A_45, %dot_general3A_46 {dimension_numbers = #tpu.dot_dimension_numbers<[1], [0], [0], [1], [0, 0, 1, 1], [], []>, transpose_lhs_hint = false} : vector<1000x64xf32>, vector<64x16xf32>, vector<1000x16xf32> -> vector<1000x16xf32>
    %swap3A_48 = arith.constant 0 : index
    %swap3A_49 = arith.constant 0 : index
    %swap3A_50 = vector.load %arg9[%swap3A_48, %swap3A_49] : memref<1000x16xf32, #tpu.memory_space<vmem>>, vector<1000x16xf32>
    tpu.vector_store %arg9[%swap3A_48, %swap3A_49], %dot_general3A_47 {strides = array<i32>} : memref<1000x16xf32, #tpu.memory_space<vmem>>, vector<1000x16xf32>,
    %get3A_51 = arith.constant 0 : index
    %get3A_52 = arith.constant 0 : index
    %get3A_53 = vector.load %arg7[%get3A_51, %get3A_52] : memref<64x16xf32, #tpu.memory_space<vmem>>, vector<64x16xf32>
    %dot_general3A_54 = arith.constant dense<0.000000e+00> : vector<1000x16xf32>
    %dot_general3A_55 = tpu.matmul %dot_general3A_40, %get3A_53, %dot_general3A_54 {dimension_numbers = #tpu.dot_dimension_numbers<[1], [0], [0], [1], [0, 0, 1, 1], [], []>, transpose_lhs_hint = false} : vector<1000x64xf32>, vector<64x16xf32>, vector<1000x16xf32> -> vector<1000x16xf32>
    %swap3A_56 = arith.constant 0 : index
    %swap3A_57 = arith.constant 0 : index
    %swap3A_58 = vector.load %arg10[%swap3A_56, %swap3A_57] : memref<1000x16xf32, #tpu.memory_space<vmem>>, vector<1000x16xf32>
    tpu.vector_store %arg10[%swap3A_56, %swap3A_57], %dot_general3A_55 {strides = array<i32>} : memref<1000x16xf32, #tpu.memory_space<vmem>>, vector<1000x16xf32>,
    return
  }
  func.func @transform_0(%arg0: i32) -> (i32, i32, i32) {
    %c0_i32 = arith.constant 0 : i32
    %c0_i32_0 = arith.constant 0 : i32
    %c0_i32_1 = arith.constant 0 : i32
    return %c0_i32, %arg0, %c0_i32_0 : i32, i32, i32
  }
  func.func @transform_1(%arg0: i32) -> (i32, i32, i32) {
    %c0_i32 = arith.constant 0 : i32
    %c0_i32_0 = arith.constant 0 : i32
    %c0_i32_1 = arith.constant 0 : i32
    return %c0_i32, %arg0, %c0_i32_0 : i32, i32, i32
  }
  func.func @transform_2(%arg0: i32) -> (i32, i32) {
    %c0_i32 = arith.constant 0 : i32
    %c0_i32_0 = arith.constant 0 : i32
    %c0_i32_1 = arith.constant 0 : i32
    return %c0_i32, %c0_i32_0 : i32, i32
  }
  func.func @transform_3(%arg0: i32) -> (i32, i32) {
    %c0_i32 = arith.constant 0 : i32
    %c0_i32_0 = arith.constant 0 : i32
    %c0_i32_1 = arith.constant 0 : i32
    return %c0_i32, %c0_i32_0 : i32, i32
  }
  func.func @transform_4(%arg0: i32) -> (i32, i32) {
    %c0_i32 = arith.constant 0 : i32
    %c0_i32_0 = arith.constant 0 : i32
    %c0_i32_1 = arith.constant 0 : i32
    return %c0_i32, %c0_i32_0 : i32, i32
  }
  func.func @transform_5(%arg0: i32) -> (i32, i32) {
    %c0_i32 = arith.constant 0 : i32
    %c0_i32_0 = arith.constant 0 : i32
    %c0_i32_1 = arith.constant 0 : i32
    return %c0_i32, %c0_i32_0 : i32, i32
  }
  func.func @transform_6(%arg0: i32) -> (i32, i32) {
    %c0_i32 = arith.constant 0 : i32
    %c0_i32_0 = arith.constant 0 : i32
    %c0_i32_1 = arith.constant 0 : i32
    return %c0_i32, %c0_i32_0 : i32, i32
  }
  func.func @transform_7(%arg0: i32) -> (i32, i32) {
    %c0_i32 = arith.constant 0 : i32
    %c0_i32_0 = arith.constant 0 : i32
    return %arg0, %c0_i32 : i32, i32
  }
  func.func @transform_8(%arg0: i32) -> (i32, i32) {
    %c0_i32 = arith.constant 0 : i32
    %c0_i32_0 = arith.constant 0 : i32
    return %arg0, %c0_i32 : i32, i32
  }
  func.func @transform_9(%arg0: i32) -> (i32, i32) {
    %c0_i32 = arith.constant 0 : i32
    %c0_i32_0 = arith.constant 0 : i32
    return %arg0, %c0_i32 : i32, i32
  }
}

module attributes {stable_mosaic.version = 14 : i64} {
  func.func @_tc3_body(%arg0: i32, %arg1: memref<2x1000x64xf32, #tpu.memory_space<vmem>>, %arg2: memref<2x1000x16xf32, #tpu.memory_space<vmem>>, %arg3: memref<16x64xf32, #tpu.memory_space<vmem>>, %arg4: memref<1x64xf32, #tpu.memory_space<vmem>>, %arg5: memref<1000x64xf32, #tpu.memory_space<vmem>>) attributes {dimension_semantics = [#tpu.dimension_semantics<arbitrary>], iteration_bounds = array<i64: 10>, scalar_prefetch = 0 : i64, scratch_operands = 0 : i64, tpu.core_type = #tpu.core_type<tc>, window_params = [{transform_indices = @transform_0, window_bounds = array<i64: 2, 1000, 64>}, {transform_indices = @transform_1, window_bounds = array<i64: 2, 1000, 16>}, {pipeline_mode = #tpu.pipeline_mode<synchronous>, transform_indices = @transform_2, window_bounds = array<i64: 16, 64>}, {pipeline_mode = #tpu.pipeline_mode<synchronous>, transform_indices = @transform_3, window_bounds = array<i64: 1, 64>}, {transform_indices = @transform_4, window_bounds = array<i64: 1000, 64>}]} {
    %get3A = arith.constant 0 : index
    %get3A_0 = arith.constant 0 : index
    %get3A_1 = arith.constant 0 : index
    %get3A_2 = vector.load %arg2[%get3A, %get3A_0, %get3A_1] : memref<2x1000x16xf32, #tpu.memory_space<vmem>>, vector<1x1000x16xf32>
    %get3A_3 = vector.shape_cast %get3A_2 : vector<1x1000x16xf32> to vector<1000x16xf32>
    %get3A_4 = arith.constant 1 : index
    %get3A_5 = arith.constant 0 : index
    %get3A_6 = arith.constant 0 : index
    %get3A_7 = vector.load %arg2[%get3A_4, %get3A_5, %get3A_6] : memref<2x1000x16xf32, #tpu.memory_space<vmem>>, vector<1x1000x16xf32>
    %get3A_8 = vector.shape_cast %get3A_7 : vector<1x1000x16xf32> to vector<1000x16xf32>
    %add3A = arith.addf %get3A_3, %get3A_8 : vector<1000x16xf32>
    %get3A_9 = arith.constant 0 : index
    %get3A_10 = arith.constant 0 : index
    %get3A_11 = vector.load %arg3[%get3A_9, %get3A_10] : memref<16x64xf32, #tpu.memory_space<vmem>>, vector<16x64xf32>
    %dot_general3A = arith.constant dense<0.000000e+00> : vector<1000x64xf32>
    %dot_general3A_12 = tpu.matmul %add3A, %get3A_11, %dot_general3A {dimension_numbers = #tpu.dot_dimension_numbers<[1], [0], [0], [1], [0, 0, 1, 1], [], []>, transpose_lhs_hint = false} : vector<1000x16xf32>, vector<16x64xf32>, vector<1000x64xf32> -> vector<1000x64xf32>
    %get3A_13 = arith.constant 0 : index
    %get3A_14 = arith.constant 0 : index
    %get3A_15 = arith.constant 0 : index
    %get3A_16 = vector.load %arg1[%get3A_13, %get3A_14, %get3A_15] : memref<2x1000x64xf32, #tpu.memory_space<vmem>>, vector<1x1000x64xf32>
    %get3A_17 = vector.shape_cast %get3A_16 : vector<1x1000x64xf32> to vector<1000x64xf32>
    %get3A_18 = arith.constant 1 : index
    %get3A_19 = arith.constant 0 : index
    %get3A_20 = arith.constant 0 : index
    %get3A_21 = vector.load %arg1[%get3A_18, %get3A_19, %get3A_20] : memref<2x1000x64xf32, #tpu.memory_space<vmem>>, vector<1x1000x64xf32>
    %get3A_22 = vector.shape_cast %get3A_21 : vector<1x1000x64xf32> to vector<1000x64xf32>
    %add3A_23 = arith.addf %get3A_17, %get3A_22 : vector<1000x64xf32>
    %add3A_24 = arith.constant 1.000000e-16 : f32
    %add3A_25 = vector.broadcast %add3A_24 : f32 to vector<1000x64xf32>
    %add3A_26 = arith.addf %dot_general3A_12, %add3A_25 : vector<1000x64xf32>
    %div3A = arith.divf %add3A_23, %add3A_26 : vector<1000x64xf32>
    %get3A_27 = arith.constant 0 : index
    %get3A_28 = arith.constant 0 : index
    %get3A_29 = vector.load %arg4[%get3A_27, %get3A_28] : memref<1x64xf32, #tpu.memory_space<vmem>>, vector<1x64xf32>
    %add3A_30 = vector.broadcast %get3A_29 : vector<1x64xf32> to vector<1000x64xf32>
    %add3A_31 = arith.addf %div3A, %add3A_30 : vector<1000x64xf32>
    %reduce_max3A = arith.constant dense<0xFF800000> : vector<1000xf32>
    %reduce_max3A_32 = vector.multi_reduction <maximumf>, %add3A_31, %reduce_max3A [1] : vector<1000x64xf32> to vector<1000xf32>
    %broadcast_in_dim3A = vector.shape_cast %reduce_max3A_32 : vector<1000xf32> to vector<1000x1xf32>
    %sub3A = vector.broadcast %broadcast_in_dim3A : vector<1000x1xf32> to vector<1000x64xf32>
    %sub3A_33 = arith.subf %add3A_31, %sub3A : vector<1000x64xf32>
    %exp3A = math.exp %sub3A_33 : vector<1000x64xf32>
    %reduce_sum3A = arith.constant dense<0.000000e+00> : vector<1000xf32>
    %reduce_sum3A_34 = vector.multi_reduction <add>, %exp3A, %reduce_sum3A [1] : vector<1000x64xf32> to vector<1000xf32>
    %broadcast_in_dim3A_35 = vector.shape_cast %reduce_sum3A_34 : vector<1000xf32> to vector<1000x1xf32>
    %log3A = math.log %broadcast_in_dim3A_35 : vector<1000x1xf32>
    %sub3A_36 = vector.broadcast %broadcast_in_dim3A : vector<1000x1xf32> to vector<1000x64xf32>
    %sub3A_37 = arith.subf %add3A_31, %sub3A_36 : vector<1000x64xf32>
    %sub3A_38 = vector.broadcast %log3A : vector<1000x1xf32> to vector<1000x64xf32>
    %sub3A_39 = arith.subf %sub3A_37, %sub3A_38 : vector<1000x64xf32>
    %swap3A = arith.constant 0 : index
    %swap3A_40 = arith.constant 0 : index
    %swap3A_41 = vector.load %arg5[%swap3A, %swap3A_40] : memref<1000x64xf32, #tpu.memory_space<vmem>>, vector<1000x64xf32>
    tpu.vector_store %arg5[%swap3A, %swap3A_40], %sub3A_39 {strides = array<i32>} : memref<1000x64xf32, #tpu.memory_space<vmem>>, vector<1000x64xf32>,
    return
  }
  func.func @transform_0(%arg0: i32) -> (i32, i32, i32) {
    %c0_i32 = arith.constant 0 : i32
    %c0_i32_0 = arith.constant 0 : i32
    %c0_i32_1 = arith.constant 0 : i32
    return %c0_i32, %arg0, %c0_i32_0 : i32, i32, i32
  }
  func.func @transform_1(%arg0: i32) -> (i32, i32, i32) {
    %c0_i32 = arith.constant 0 : i32
    %c0_i32_0 = arith.constant 0 : i32
    %c0_i32_1 = arith.constant 0 : i32
    return %c0_i32, %arg0, %c0_i32_0 : i32, i32, i32
  }
  func.func @transform_2(%arg0: i32) -> (i32, i32) {
    %c0_i32 = arith.constant 0 : i32
    %c0_i32_0 = arith.constant 0 : i32
    %c0_i32_1 = arith.constant 0 : i32
    return %c0_i32, %c0_i32_0 : i32, i32
  }
  func.func @transform_3(%arg0: i32) -> (i32, i32) {
    %c0_i32 = arith.constant 0 : i32
    %c0_i32_0 = arith.constant 0 : i32
    %c0_i32_1 = arith.constant 0 : i32
    return %c0_i32, %c0_i32_0 : i32, i32
  }
  func.func @transform_4(%arg0: i32) -> (i32, i32) {
    %c0_i32 = arith.constant 0 : i32
    %c0_i32_0 = arith.constant 0 : i32
    return %arg0, %c0_i32 : i32, i32
  }
}

</mosaic_0001>

<sc_bundles>
// kernel: gat_edge_l1.3.cloned.1.call-start
scs
__scs_entry_jumppad:
0x0: {  	(pc) =	sbr.rel $0x88, $3  }
0x1: {  	(tag) =	ssettag $0x0;
	lr =	simm.s32 $0x1  }
0x2: {  	[smem:$0x3F97] =	sst lr;
	_ =	strace $0xD0000000  }
0x3: {  	_ = 	snop  }
0x4: {  	_ = 	snop  }
0x5: {  	_ = 	snop  }
0x6: {  	_ = 	snop  }
0x7: {  	_ = 	snop  }
__scs_overlays_trampoline_lowered:
0x8: {  	[smem:$0x3FA6] =	sst s0  }
0x9: {  	[smem:$0x3FA7] =	sst s1  }
0xa: {  	[smem:$0x3FA8] =	sst s2  }
0xb: {  	[smem:$0x3FA9] =	sst s3  }
0xc: {  	[smem:$0x3FAA] =	sst s4  }
0xd: {  	[smem:$0x3FAB] =	sst s5  }
0xe: {  	[smem:$0x3FAC] =	sst s6  }
0xf: {  	[smem:$0x3FAD] =	sst s7  }
0x10: {  	[smem:$0x3FAE] =	sst s8  }
0x11: {  	[smem:$0x3FAF] =	sst s9;
	s0 =	simm.s32 @!p0 $0x0  }
0x12: {  	s1 =	sld [smem:$0x3F95];
	s0 =	simm.s32 @p0 $0x1  }
0x13: {  	[smem:$0x3FB0] =	sst s0;
	s0 =	simm.s32 @!p1 $0x0  }
0x14: {  	s2 =	sld [smem:$0x3F94];
	s0 =	simm.s32 @p1 $0x1  }
0x15: {  	[smem:$0x3FB1] =	sst s0;
	s0 =	simm.s32 @!p2 $0x0  }
0x16: {  	s3 =	sld [smem:$0x3FDB];
	s0 =	simm.s32 @p2 $0x1  }
0x17: {  	s4 =	simm.s32 $0x1BF5;
	[smem:$0x3FB3] =	sst s0  }
0x18: {  	s0 =	sld [smem:$0x3F96];
	_ =	swait.ge [sflag:s4], $0x0  }
0x19: {  	s7 =	sld [smem:$0x3F97]  }
0x1a: {  	s8 =	sadd.s32 $0xFFFFE003, lr  }
0x1b: {  	s9 =	sadd.s32 $0xFFFFFEF7, lr;
	s5 =	simm.s32 $0xFFFFFFFF;
	p2 =	slt.u32 s8, $0xFFFFF086  }
0x1c: {  	p1 =	slt.u32 s9, $0xF7A;
	s5 =	simm.s32 @!p2 $0x0  }
0x1d: {  	s5 =	simm.s32 @p1 $0x1;
	p0 =	seq.s32 s7, s2  }
0x1e: {  	s7 =	smul.u32 @!p0 $0xF7A, s2;
	p2 =	seq.s32 @!p0 s5, $0x0  }
0x1f: {  	s9 =	smul.u32 $0xF7A, s1;
	s8 =	simm.s32 @!p0 $0x1BF5;
	p2 =	por !p2, p0  }
0x20: {  	[sflag:s8] =	ssyncset.s32 @!p0 $0xFFFFF086;
	s6 =	sadd.s32 @!p0 s3, s7;
	s7 =	simm.s32 @!p0 $0x108  }
0x21: {  	s3 =	sadd.s32 s3, s9;
	s6 =	sadd.s32 @!p0 $0x88, s6;
	s7 =	simm.s32 @p2 $0x1082  }
0x22: {  	[simem:s7], [sflag:s8] =	dma.local @!p0 [hbm:s6], $0xF7A  }
0x23: {  	s9 =	sor.u32 $0xD0000000, s2;
	s6 =	simm.s32 $0x108;
	_ =	swait.ge @!p0 [sflag:s8], $0x0  }
0x24: {  	s3 =	sadd.s32 $0x88, s3;
	s6 =	simm.s32 @!p1 $0x1082;
	[sflag:s4] =	ssyncset.s32 $0xFFFFF086  }
0x25: {  	[simem:s6], [sflag:s4] =	dma.local [hbm:s3], $0xF7A  }
0x26: {  	[smem:$0x3F97] =	sst s1;
	(tag) =	ssettag s2;
	_ =	strace s9  }
0x27: {  	s1 =	sld [smem:$0x3FA7]  }
0x28: {  	s2 =	sld [smem:$0x3FA8]  }
0x29: {  	s4 =	sld [smem:$0x3FAA]  }
0x2a: {  	p0 =	seq.s32 s5, $0x0;
	s5 =	sld [smem:$0x3FAB]  }
0x2b: {  	s6 =	sld [smem:$0x3FAC]  }
0x2c: {  	s7 =	sld [smem:$0x3FAD]  }
0x2d: {  	s3 =	simm.s32 $0x108;
	s8 =	sld [smem:$0x3FAE]  }
0x2e: {  	s3 =	simm.s32 @!p0 $0x1082;
	s9 =	sld [smem:$0x3FAF]  }
0x2f: {  	lr =	sadd.s32 s0, s3;
	s0 =	sld [smem:$0x3FA6]  }
0x30: {  	s3 =	sld [smem:$0x3FA9]  }
0x31: {  	[smem:$0x3FB2] =	sst s10  }
0x32: {  	s10 =	sld [smem:$0x3FB0];
	_ =	sdelay $0x3  }
0x33: {  	p0 =	seq.s32 s10, $0x1;
	s10 =	sld [smem:$0x3FB2];
	_ =	sdelay $0x3  }
0x34: {  	[smem:$0x3FB2] =	sst s10  }
0x35: {  	s10 =	sld [smem:$0x3FB1];
	_ =	sdelay $0x3  }
0x36: {  	p1 =	seq.s32 s10, $0x1;
	s10 =	sld [smem:$0x3FB2];
	_ =	sdelay $0x3  }
0x37: {  	[smem:$0x3FB2] =	sst s10  }
0x38: {  	s10 =	sld [smem:$0x3FB3]  }
0x39: {  	_ = 	snop;
	(pc) =	sbr.ind lr, $3  }
0x3a: {  	_ = 	snop  }
0x3b: {  	_ = 	snop  }
0x3c: {  	p2 =	seq.s32 s10, $0x1;
	s10 =	sld [smem:$0x3FB2]  }
0x3d: {  	_ =	shalt  }
0x3e: {  	_ =	shalt  }
0x3f: {  	_ =	shalt  }
0x40: {  	_ =	shalt  }
0x41: {  	_ =	shalt  }
0x42: {  	_ =	shalt  }
0x43: {  	_ =	shalt  }
0x44: {  	_ =	shalt  }
0x45: {  	_ =	shalt  }
0x46: {  	_ =	shalt  }
0x47: {  	_ =	shalt  }
0x48: {  	_ =	shalt  }
0x49: {  	_ =	shalt  }
0x4a: {  	_ =	shalt  }
0x4b: {  	_ =	shalt  }
0x4c: {  	_ =	shalt  }
0x4d: {  	_ =	shalt  }
0x4e: {  	_ =	shalt  }
0x4f: {  	_ =	shalt  }
0x50: {  	_ =	shalt  }
0x51: {  	_ =	shalt  }
0x52: {  	_ =	shalt  }
0x53: {  	_ =	shalt  }
0x54: {  	_ =	shalt  }
0x55: {  	_ =	shalt  }
0x56: {  	_ =	shalt  }
0x57: {  	_ =	shalt  }
0x58: {  	_ =	shalt  }
0x59: {  	_ =	shalt  }
0x5a: {  	_ =	shalt  }
0x5b: {  	_ =	shalt  }
0x5c: {  	_ =	shalt  }
0x5d: {  	_ =	shalt  }
0x5e: {  	_ =	shalt  }
0x5f: {  	_ =	shalt  }
0x60: {  	_ =	shalt  }
0x61: {  	_ =	shalt  }
0x62: {  	_ =	shalt  }
0x63: {  	_ =	shalt  }
0x64: {  	_ =	shalt  }
0x65: {  	_ =	shalt  }
0x66: {  	_ =	shalt  }
0x67: {  	_ =	shalt  }
0x68: {  	_ =	shalt  }
0x69: {  	_ =	shalt  }
0x6a: {  	_ =	shalt  }
0x6b: {  	_ =	shalt  }
0x6c: {  	_ =	shalt  }
0x6d: {  	_ =	shalt  }
0x6e: {  	_ =	shalt  }
0x6f: {  	_ =	shalt  }
0x70: {  	_ =	shalt  }
0x71: {  	_ =	shalt  }
0x72: {  	_ =	shalt  }
0x73: {  	_ =	shalt  }
0x74: {  	_ =	shalt  }
0x75: {  	_ =	shalt  }
0x76: {  	_ =	shalt  }
0x77: {  	_ =	shalt  }
0x78: {  	_ =	shalt  }
0x79: {  	_ =	shalt  }
0x7a: {  	_ =	shalt  }
0x7b: {  	_ =	shalt  }
0x7c: {  	_ =	shalt  }
0x7d: {  	_ =	shalt  }
0x7e: {  	_ =	shalt  }
0x7f: {  	_ =	shalt  }
0x80: {  	_ =	shalt  }
0x81: {  	_ =	shalt  }
0x82: {  	_ =	shalt  }
0x83: {  	_ =	shalt  }
0x84: {  	_ =	shalt  }
0x85: {  	_ =	shalt  }
0x86: {  	_ =	shalt  }
0x87: {  	_ =	shalt  }
.Lfunc_end0:
.L_simem_size_0:
called_computation_lowered:
.L_overlay_start_0:
0x88: {  	s2 =	sld [smem:$0x3FD9]  }
0x89: {  	s3 =	sld [smem:$0x3FFE];
	_ =	sdelay $0x1  }
0x8a: {  	s1 =	srdreg.scid  }
0x8b: {  	s0 =	sand.u32 $0x1, s1  }
0x8c: {  	s17 =	sshll.u32 s0, $0xA;
	s2 =	sadd.s32 s3, s2  }
0x8d: {  	s2 =	sadd.s32 s2, s17  }
0x8e: {  	[smem:$0x3FBE] =	sst s2  }
0x8f: {  	_ = 	snop  }
0x90: {  	s2 =	sld [smem:$0x3FD0];
	(tm) =	ssettm $0x1  }
0x91: {  	s18 =	sld [smem:$0x3FFB];
	_ =	sdelay $0x3  }
0x92: {  	_ =	strace s18  }
0x93: {  	s3 =	sld [smem:$0x3FFC];
	_ =	sdelay $0x3  }
0x94: {  	_ =	strace s3  }
0x95: {  	s3 =	sld [smem:$0x3FFD];
	_ =	sdelay $0x3  }
0x96: {  	_ =	strace s3  }
0x97: {  	_ =	strace $0x8FFFFFFF  }
0x98: {  	s19 =	sld [smem:$0x3FDB];
	_ =	sdelay $0x1  }
0x99: {  	s4 =	simm.s32 $_scs_section_size  }
0x9a: {  	s5 =	simm.s32 $_size__tile_overlayer_lowered;
	s6 =	simm.s32 $_tile_overlayer_lowered  }
0x9b: {  	s22 =	simm.s32 $0x1BFF;
	s21 =	sshll.u32 s6, $0x1;
	s3 =	sadd.s32 s4, s19  }
0x9c: {  	s7 =	simm.s32 $0x0;
	s20 =	sshll.u32 s5, $0x1;
	s5 =	sadd.s32 s21, s3  }
0x9d: {  	[timem:s7], [sflag:s22] =	dma.local [hbm:s5], s20  }
0x9e: {  	_ =	swait.ge [sflag:s22], s20  }
0x9f: {  	s4 =	ssub.s32 $0x0, s20;
	[sflag:s22] =	ssyncset.done $0x0  }
0xa0: {  	[sflag:s22] =	ssyncadd.s32 s4;
	_ =	sdelay $0x1  }
0xa1: {  	s23 =	simm.s32 $0x1B8B  }
0xa2: {  	_ =	swait.ge [sflag:s23], $0x1  }
0xa3: {  	[sflag:s23] =	ssyncset.done $0x0  }
0xa4: {  	s25 =	simm.s32 $0x1B8E;
	s24 =	sld [smem:$0x3FFE];
	[sflag:s23] =	ssyncadd.s32 $0xFFFFFFFF  }
0xa5: {  	s26 =	simm.s32 $execute0_lowered;
	[smem:$0x3FD2] =	sst s25  }
0xa6: {  	s5 =	sshll.u32 s26, $0x1;
	_ =	strace $0x80000046;
	[dreg:$0x1] =	wrdreg $0xFFFFFFFF  }
0xa7: {  	s28 =	simm.s32 $_size_execute0_lowered;
	s3 =	sadd.s32 s3, s5;
	[dreg:$0x0] =	wrdreg $0x0  }
0xa8: {  	s5 =	sshll.u32 s28, $0x1;
	[dreg:$0x2] =	wrdreg s3  }
0xa9: {  	[dreg:$0x3] =	wrdreg s5  }
0xaa: {  	[dreg:$0x4] =	wrdreg $0xC0  }
0xab: {  	_ =	task [dreg:s7], $0x5FFFF  }
0xac: {  	[dreg:$0x1] =	wrdreg $0xFFFFFFFF  }
0xad: {  	[dreg:$0x0] =	wrdreg $0x60  }
0xae: {  	[dreg:$0x2] =	wrdreg s24  }
0xaf: {  	[dreg:$0x3] =	wrdreg s2  }
0xb0: {  	[dreg:$0x4] =	wrdreg $0x87000  }
0xb1: {  	[dreg:$0x5] =	wrdreg $0x1C3000  }
0xb2: {  	[dreg:$0x6] =	wrdreg $0x9  }
0xb3: {  	_ =	task.clear_ibuf [dreg:s7], $0x7FFFF;
	_ =	strace $0x90000046  }
0xb4: {  	s29 =	simm.s32 $0x9;
	_ =	strace $0x80000048  }
0xb5: {  	_ =	swait.ge [sflag:s29], $0x1  }
0xb6: {  	[sflag:s29] =	ssyncadd.s32 $0xFFFFFFFF  }
0xb7: {  	_ =	strace $0x90000048  }
0xb8: {  	_ =	sfence  }
0xb9: {  	s30 =	sld [smem:$0x0];
	_ =	sdelay $0x2  }
0xba: {  	s31 =	sshll.u32 s1, $0xD;
	s1 =	sshrl.u32 s1, $0x2  }
0xbb: {  	s3 =	sand.u32 $0x4000, s31;
	s1 =	sadd.s32 s1, s30  }
0xbc: {  	s0 =	sor.u32 s3, s0;
	s1 =	sshll.u32 s1, $0x11  }
0xbd: {  	s0 =	sor.u32 s1, s0  }
0xbe: {  	s0 =	sadd.s32 $0x8F2B, s0  }
0xbf: {  	[sflag:s0] =	ssyncadd.remote.s32 $0x1  }
0xc0: {  	_ =	sfence.sel $0xFFFF  }
0xc1: {  	[dreg:$0x0] =	wrdreg $0xFFFFFFFF;
	(pc) =	sbr.abs _section_cstart, $3  }
0xc2: {  	[dreg:$0x1] =	wrdreg $0xFFFFFFFF  }
0xc3: {  	_ =	task.clear_ibuf [dreg:s7], $0x2FFFF;
	_ =	strace $0x9FFFFFFF  }
0xc4: {  	(tm) =	ssettm $0x7FFFFFFF  }
0xc5: {  	_ =	shalt  }
tec
execute0_lowered:
.L_overlay_start_1:
0x0: {  	(tag) =	ssettag $0x1  }
0x1: {  	s0 =	rddreg [dreg:$0x0]  }
0x2: {  	s1 =	rddreg [dreg:$0x1]  }
0x3: {  	s18 =	rddreg [dreg:$0x2]  }
0x4: {  	s19 =	rddreg [dreg:$0x3]  }
0x5: {  	s3 =	simm.s32 $0x0;
	s14 =	stileid.u32;
	s2 =	srdreg.scid  }
0x6: {  	s29 =	simm.s32 $0x7;
	s31 =	simm.s32 $0x1B00;
	s28 =	simm.s32 $0x180  }
0x7: {  	[smem:$0x7FF] =	sst s3;
	s5 =	sadd.s32 $0x2400, s0;
	s6 =	sadd.s32 $0x2EC00, s0  }
0x8: {  	s7 =	sadd.s32 $0x29C00, s0;
	s8 =	sadd.s32 $0x3E000, s0;
	s4 =	smul.u32 $0x13C00, s14  }
0x9: {  	s2 =	sand.u32 $0x1, s2;
	s9 =	sadd.s32 $0x33C00, s0;
	s10 =	smul.u32 $0x2780, s14  }
0xa: {  	_ =	strace $0x80000047;
	s11 =	sshll.u32 s2, $0x4;
	s13 =	smul.u32 $0x13C000, s2  }
0xb: {  	s15 =	ssub.s32 $0x2, s2;
	s2 =	smul.u32 $0x27800, s2;
	s12 =	sshrl.u32 s4, $0x3  }
0xc: {  	s11 =	sor.u32 s14, s11;
	s24 =	sshrl.u32 s10, $0x3;
	s16 =	sshrl.u32 s15, $0x1  }
0xd: {  	s20 =	sadd.s32 s10, s19;
	s19 =	simm.s32 $0x6;
	s12 =	sadd.s32 s12, s0  }
0xe: {  	s11 =	smul.u32 $0x2880, s11;
	s14 =	sadd.s32 s24, s0;
	s13 =	sadd.s32 s4, s13  }
0xf: {  	s4 =	sadd.s32 s4, s18;
	[dreg:$0xb] =	wrdreg s20;
	s2 =	sadd.s32 s10, s2  }
0x10: {  	s10 =	simm.s32 $0x1;
	s20 =	simm.s32 $0x9;
	s13 =	sshrl.u32 s13, $0x3  }
0x11: {  	[dreg:$0x9] =	wrdreg s4;
	s18 =	sadd.s32 $0x4D400, s12;
	s21 =	sadd.s32 $0x48400, s14  }
0x12: {  	s2 =	sshrl.u32 s2, $0x3;
	s14 =	simm.s32 $0x1E0;
	[dreg:$0xa] =	wrdreg s18  }
0x13: {  	s4 =	simm.s32 $0xB;
	[dreg:$0xc] =	wrdreg s21;
	s22 =	sadd.s32 $0xC0, s11  }
0x14: {  	s12 =	simm.s32 $0x3;
	s23 =	sadd.s32 $0x120, s11;
	[dreg:$0xd] =	wrdreg s22  }
0x15: {  	s17 =	sshrl.u32 s11, $0x3;
	s24 =	sadd.s32 $0x180, s11;
	[dreg:$0xe] =	wrdreg s23  }
0x16: {  	s0 =	sadd.s32 s13, s0;
	s26 =	sadd.s32 s8, s17;
	[dreg:$0xf] =	wrdreg s24  }
0x17: {  	s13 =	ssub.s32 s15, s16;
	s30 =	sadd.s32 s9, s17;
	[dreg:$0x5] =	wrdreg s26  }
0x18: {  	s25 =	sor.u32 $0xC, s17;
	s0 =	sadd.s32 $0x74C00, s0;
	[dreg:$0x6] =	wrdreg s30  }
0x19: {  	s18 =	simm.s32 $0x5;
	s17 =	sadd.s32 s8, s25;
	[dreg:$0x11] =	wrdreg s0  }
0x1a: {  	s24 =	simm.s32 $0x4;
	s15 =	sadd.s32 s9, s25;
	[dreg:$0x7] =	wrdreg s17  }
0x1b: {  	s23 =	simm.s32 $0xA;
	s25 =	sadd.s32 $0x1E0, s11;
	[dreg:$0x8] =	wrdreg s15  }
0x1c: {  	s26 =	sadd.s32 s1, s2;
	s30 =	smax.u32 s13, $0x1;
	[dreg:$0x10] =	wrdreg s25  }
0x1d: {  	s11 =	simm.s32 $0x2;
	s13 =	simm.s32 $0x8;
	[dreg:$0x12] =	wrdreg s26  }
0x1e: {  	s2 =	simm.s32 $0x4B00;
	s0 =	simm.s32 $0x240;
	[dreg:$0x13] =	wrdreg s30  }
0x1f: {  	vm0 =	vmmov $0xff;
	s26 =	simm.s32 $0x60;
	s25 =	simm.s32 $0x2A0;
	s15 =	simm.s32 $0x0  }
.LBB2_1:
0x20: {  	[dreg:$0x14] =	wrdreg s15  }
0x21: {  	s1 =	rddreg [dreg:$0x5]  }
0x22: {  	[tilespmem:s3], [sflag:$0x7] =	stream.linear.gather [hbm4b:s1+s3], $0x60, $0x38;
	[tilespmem:$0x1EA80] =	vst v63  }
0x23: {  	s15 =	rddreg [dreg:$0x6];
	s16 =	simm.s32 $0x180  }
0x24: {  	[tilespmem:s16], [sflag:$0x7] =	stream.linear.gather [hbm4b:s15+s3], $0x60, $0x38;
	[tilespmem:$0x1EA80] =	vst v63  }
0x25: {  	s17 =	rddreg [dreg:$0x7]  }
0x26: {  	[tilespmem:s26], [sflag:$0x8] =	stream.linear.gather [hbm4b:s17+s3], $0x60, $0x38;
	[tilespmem:$0x1EA80] =	vst v63  }
0x27: {  	s21 =	rddreg [dreg:$0x8]  }
0x28: {  	[tilespmem:s14], [sflag:$0x8] =	stream.linear.gather [hbm4b:s21+s3], $0x60, $0x38;
	[tilespmem:$0x1EA80] =	vst v63  }
0x29: {  	_ =	swait.ge [sflag:s29], $0x60  }
0x2a: {  	[sflag:s29] =	ssyncset.done $0x0  }
0x2b: {  	[sflag:s29] =	ssyncadd.s32 $0xFFFFFFA0  }
0x2c: {  	_ =	swait.ge [sflag:s29], $0x60  }
0x2d: {  	[sflag:s29] =	ssyncset.done $0x0  }
0x2e: {  	s22 =	simm.s32 $0x300;
	[sflag:s29] =	ssyncadd.s32 $0xFFFFFFA0  }
0x2f: {  	[tilespmem:s22], [sflag:$0x1] =	stream.indirect.gather [hbm4b:s6+s26], $0x10, s3, s26, $0xb8;
	[tilespmem:$0x1EA80] =	vst v63  }
0x30: {  	s30 =	simm.s32 $0xF00  }
0x31: {  	[tilespmem:s30], [sflag:$0x2] =	stream.indirect.gather [hbm4b:s7+s26], $0x10, s16, s26, $0xb8;
	[tilespmem:$0x1EA80] =	vst v63  }
0x32: {  	s17 =	rddreg [dreg:$0x9];
	s16 =	stileid.u32  }
0x33: {  	s21 =	rddreg [dreg:$0xa];
	s1 =	sshll.u32 s16, $0x6;
	s16 =	sshrl.u32 s17, $0x3  }
0x34: {  	[tilespmem:s31], [sflag:$0x3] =	stream.indirect.gather [hbm4b:s5+s26], $0x80, s3, s26, $0xb8;
	[tilespmem:$0x1EA80] =	vst v63  }
0x35: {  	s15 =	sor.u32 $0x1C0B, s1;
	[dreg:$0x16] =	wrdreg s16  }
0x36: {  	[spmem:s16], [sflag:s15] =	dma.local [hbm:s21], $0x2780  }
0x37: {  	_ =	swait.ge [sflag:s4], $0x2780;
	[dreg:$0x15] =	wrdreg s15  }
0x38: {  	s22 =	rddreg [dreg:$0xb]  }
0x39: {  	[sflag:s4] =	ssyncset.done $0x0;
	s31 =	rddreg [dreg:$0xc];
	s30 =	sshrl.u32 s22, $0x3  }
0x3a: {  	[sflag:s4] =	ssyncadd.s32 $0xFFFFD880;
	[dreg:$0x17] =	wrdreg s30  }
0x3b: {  	[spmem:s30], [sflag:s15] =	dma.local [hbm:s31], $0x4F0  }
0x3c: {  	_ =	swait.ge [sflag:s4], $0x4F0  }
0x3d: {  	[sflag:s4] =	ssyncset.done $0x0  }
0x3e: {  	[sflag:s4] =	ssyncadd.s32 $0xFFFFFB10  }
0x3f: {  	s15 =	simm.s32 $0x0;
	[bflag:$0x0] =	sbarrier.arrive $0xFFFF  }
.LBB2_2:
0x40: {  	_ =	swait.ge [sflag:s10], $0x600  }
0x41: {  	[sflag:s10] =	ssyncset.done $0x0  }
0x42: {  	[sflag:s10] =	ssyncadd.s32 $0xFFFFFA00  }
0x43: {  	_ =	swait.ge [sflag:s11], $0x600  }
0x44: {  	[sflag:s11] =	ssyncset.done $0x0  }
0x45: {  	[sflag:s11] =	ssyncadd.s32 $0xFFFFFA00  }
0x46: {  	_ =	swait.ge [sflag:s12], $0x3000  }
0x47: {  	[sflag:s12] =	ssyncset.done $0x0  }
0x48: {  	[sflag:s12] =	ssyncadd.s32 $0xFFFFD000  }
0x49: {  	_ =	swait.ge [sflag:s13], $0x60  }
0x4a: {  	[sflag:s13] =	ssyncset.done $0x0  }
0x4b: {  	[sflag:s13] =	ssyncadd.s32 $0xFFFFFFA0  }
0x4c: {  	_ =	swait.ge [sflag:s13], $0x60  }
0x4d: {  	s1 =	simm.s32 $0x900;
	[sflag:s13] =	ssyncset.done $0x0  }
0x4e: {  	s30 =	smul.u32 $0x180, s15;
	s17 =	rddreg [dreg:$0xd];
	[sflag:s13] =	ssyncadd.s32 $0xFFFFFFA0  }
0x4f: {  	[tilespmem:s1], [sflag:$0x4] =	stream.indirect.gather [hbm4b:s6+s26], $0x10, s26, s26, $0xb8;
	[tilespmem:$0x1EA80] =	vst v63  }
0x50: {  	s16 =	simm.s32 $0x1500;
	s1 =	sadd.s32 s30, s17  }
0x51: {  	[tilespmem:s16], [sflag:$0x5] =	stream.indirect.gather [hbm4b:s7+s26], $0x10, s14, s26, $0xb8;
	[tilespmem:$0x1EA80] =	vst v63  }
0x52: {  	s1 =	sshrl.u32 s1, $0x3  }
0x53: {  	[tilespmem:s2], [sflag:$0x6] =	stream.indirect.gather [hbm4b:s5+s26], $0x80, s26, s26, $0xb8;
	[tilespmem:$0x1EA80] =	vst v63  }
0x54: {  	s22 =	simm.s32 $0xC0;
	s21 =	sadd.s32 s8, s1  }
0x55: {  	[tilespmem:s22], [sflag:$0x9] =	stream.linear.gather [hbm4b:s21+s3], $0x60, $0x38;
	[tilespmem:$0x1EA80] =	vst v63  }
0x56: {  	s1 =	sadd.s32 s9, s1;
	s16 =	simm.s32 $0x320  }
0x57: {  	[tilespmem:s0], [sflag:$0x9] =	stream.linear.gather [hbm4b:s1+s3], $0x60, $0x38;
	[tilespmem:$0x1EA80] =	vst v63  }
0x58: {  	s17 =	simm.s32 $0xF20;
	v0 =	vld [tilespmem:s16+$0x10]  }
0x59: {  	v1 =	vld [tilespmem:s17+$0x10];
	_ =	sdelay $0x1  }
0x5a: {  	v3 =	vld [tilespmem:s16+$0xFFFFFFF0]  }
0x5b: {  	v4 =	vld [tilespmem:s17+$0xFFFFFFF0]  }
0x5c: {  	v5 =	vld [tilespmem:s16+$0x0]  }
0x5d: {  	v6 =	vld [tilespmem:s17+$0x0];
	v0 =	vadd.f32 v1, v0;
	_ =	sdelay $0x1  }
0x5e: {  	v2 =	vld [tilespmem:s17+$0xFFFFFFE0];
	v7 =	vmul.f32 $2.000000030e-01, v0  }
0x5f: {  	v1 =	vld [tilespmem:s16+$0xFFFFFFE0];
	v3 =	vadd.f32 v4, v3;
	vm1 =	vge.f32 v0, $0.0e+00  }
0x60: {  	v0 =	vsel vm1, v0, v7  }
0x61: {  	v4 =	vadd.f32 v6, v5;
	v5 =	vmul.f32 $2.000000030e-01, v3;
	v0 =	vmul.f32 $1.442695020e+00, v0  }
0x62: {  	vm1 =	vge.f32 v3, $0.0e+00  }
0x63: {  	v3 =	vsel vm1, v3, v5;
	(erf) = vpow2.f32 v0  }
0x64: {  	v1 =	vadd.f32 v2, v1;
	v3 =	vmul.f32 $1.442695020e+00, v3  }
0x65: {  	v2 =	vmul.f32 $2.000000030e-01, v4  }
0x66: {  	vm2 =	vge.f32 v4, $0.0e+00;
	v0 =	vmul.f32 $2.000000030e-01, v1;
	(erf) = vpow2.f32 v3  }
0x67: {  	vm1 =	vge.f32 v1, $0.0e+00;
	v2 =	vsel vm2, v4, v2  }
0x68: {  	v0 =	vsel vm1, v1, v0;
	v1 =	vmul.f32 $1.442695020e+00, v2  }
0x69: {  	v0 =	vmul.f32 $1.442695020e+00, v0  }
0x6a: {  	s22 =	simm.s32 $0x360;
	(erf) = vpow2.f32 v1  }
0x6b: {  	v41 =	vld [tilespmem:s22+$0x10];
	(erf) = vpow2.f32 v0  }
0x6c: {  	s17 =	simm.s32 $0xF60;
	v49 =	vld [tilespmem:s22+$0xFFFFFFF0];
	v4 =	vpop (erf)  }
0x6d: {  	v43 =	vld [tilespmem:s17+$0x10];
	v12 =	vbroadcast v4, $0x0  }
0x6e: {  	s21 =	simm.s32 $0x7B20;
	v46 =	vld [tilespmem:s17+$0xFFFFFFE0];
	v0 =	vnsel vm0, $0x0, v4;
	v13 =	vbroadcast v4, $0x1;
	v15 =	vbroadcast v4, $0x2  }
0x6f: {  	s31 =	simm.s32 $0x1C00;
	v51 =	vld [tilespmem:s17+$0xFFFFFFF0];
	v7 =	vpop (erf);
	v3 =	vbroadcast v4, $0x5;
	v2 =	vbroadcast v4, $0x6;
	[tilespmem:s21+$0x10] =	vst v0  }
0x70: {  	v18 =	vbroadcast v7, $0x0;
	v20 =	vbroadcast v7, $0x1;
	v5 =	vld [tilespmem:s31+$0xF0]  }
0x71: {  	v21 =	vbroadcast v7, $0x2;
	v36 =	vbroadcast v7, $0x3;
	v6 =	vld [tilespmem:s31+$0x80]  }
0x72: {  	v0 =	vnsel vm0, $0x0, v7;
	v37 =	vbroadcast v7, $0x4;
	v39 =	vbroadcast v7, $0x5;
	v8 =	vld [tilespmem:s31+$0x90]  }
0x73: {  	v40 =	vbroadcast v7, $0x6;
	v7 =	vbroadcast v7, $0x7;
	[tilespmem:s21+$0xFFFFFFF0] =	vst v0;
	v10 =	vld [tilespmem:s31+$0xA0];
	v9 =	vpop (erf)  }
0x74: {  	v0 =	vbroadcast v4, $0x3;
	v14 =	vld [tilespmem:s31+$0xFFFFFF80];
	v11 =	vpop (erf);
	v42 =	vbroadcast v9, $0x0  }
0x75: {  	v16 =	vld [tilespmem:s31+$0xFFFFFF90];
	v44 =	vbroadcast v9, $0x1;
	v45 =	vbroadcast v9, $0x2;
	v1 =	vnsel vm0, $0x0, v11  }
0x76: {  	v38 =	vld [tilespmem:s31+$0xFFFFFFA0];
	v47 =	vbroadcast v9, $0x3;
	v48 =	vbroadcast v9, $0x4;
	[tilespmem:s21+$0xFFFFFFE0] =	vst v1  }
0x77: {  	v50 =	vbroadcast v9, $0x5;
	v23 =	vbroadcast v11, $0x0;
	v17 =	vld [tilespmem:s31+$0xFFFFFF00]  }
0x78: {  	v25 =	vbroadcast v11, $0x1;
	v26 =	vbroadcast v11, $0x2;
	v19 =	vld [tilespmem:s31+$0xFFFFFF10]  }
0x79: {  	v29 =	vbroadcast v11, $0x3;
	v31 =	vbroadcast v11, $0x4;
	v22 =	vld [tilespmem:s31+$0xFFFFFF20]  }
0x7a: {  	v32 =	vbroadcast v11, $0x5;
	v34 =	vbroadcast v11, $0x6;
	v24 =	vld [tilespmem:s31+$0xFFFFFF30]  }
0x7b: {  	v11 =	vbroadcast v11, $0x7;
	v1 =	vbroadcast v4, $0x4;
	v27 =	vld [tilespmem:s31+$0xFFFFFF40]  }
0x7c: {  	v4 =	vbroadcast v4, $0x7;
	v30 =	vld [tilespmem:s31+$0xFFFFFF50];
	v6 =	vmul.f32 v12, v6  }
0x7d: {  	v33 =	vld [tilespmem:s31+$0xFFFFFF60];
	v8 =	vmul.f32 v13, v8;
	v10 =	vmul.f32 v15, v10  }
0x7e: {  	v35 =	vld [tilespmem:s31+$0xFFFFFF70];
	v28 =	vmul.f32 v5, v4;
	v4 =	vbroadcast v9, $0x6  }
0x7f: {  	v5 =	vbroadcast v9, $0x7;
	v16 =	vmul.f32 v20, v16;
	v20 =	vld [tilespmem:s22+$0xFFFFFFE0];
	v9 =	vnsel vm0, $0x0, v9  }
0x80: {  	v14 =	vmul.f32 v18, v14;
	[tilespmem:s21+$0x0] =	vst v9;
	v9 =	vadd.f32 v51, v49;
	v17 =	vmul.f32 v23, v17;
	v23 =	vld [tilespmem:s22+$0x0]  }
0x81: {  	v19 =	vmul.f32 v25, v19;
	v25 =	vld [tilespmem:s17+$0x0];
	v24 =	vmul.f32 v24, v29;
	v29 =	vadd.f32 v43, v41  }
0x82: {  	v18 =	vld [tilespmem:s31+$0xFFFFFFB0];
	v21 =	vmul.f32 v21, v38;
	[tilespmem:s31+$0x80] =	vst v6;
	v15 =	vmul.f32 $2.000000030e-01, v9  }
0x83: {  	[tilespmem:s31+$0xFFFFFF80] =	vst v14;
	v22 =	vmul.f32 v26, v22;
	v14 =	vmul.f32 $2.000000030e-01, v29  }
0x84: {  	v61 =	vld [tilespmem:s31+$0xFFFFFFD0];
	[tilespmem:s31+$0xFFFFFF90] =	vst v16;
	v26 =	vmul.f32 v27, v31;
	v27 =	vmul.f32 v30, v32;
	vm1 =	vge.f32 v29, $0.0e+00  }
0x85: {  	v13 =	vld [tilespmem:s31+$0xFFFFFFE0];
	[tilespmem:s31+$0xFFFFFFA0] =	vst v21;
	v31 =	vmul.f32 v33, v34;
	v16 =	vadd.f32 v46, v20;
	v12 =	vsel vm1, v29, v14  }
0x86: {  	v21 =	vld [tilespmem:s31+$0x10];
	v11 =	vmul.f32 v35, v11;
	[tilespmem:s31+$0xFFFFFF10] =	vst v19;
	v14 =	vadd.f32 v25, v23;
	v12 =	vmul.f32 $1.442695020e+00, v12  }
0x87: {  	v30 =	vld [tilespmem:s31+$0xFFFFFFC0];
	[tilespmem:s31+$0xFFFFFF20] =	vst v22;
	v22 =	vmul.f32 v18, v36;
	v19 =	vmul.f32 $2.000000030e-01, v16  }
0x88: {  	v20 =	vld [tilespmem:s31+$0xFFFFFFF0];
	[tilespmem:s31+$0xFFFFFF00] =	vst v17;
	vm1 =	vge.f32 v9, $0.0e+00;
	v17 =	vmul.f32 $2.000000030e-01, v14;
	(erf) = vpow2.f32 v12  }
0x89: {  	[tilespmem:s31+$0xFFFFFF30] =	vst v24;
	v24 =	vld [tilespmem:s31+$0x50];
	vm3 =	vge.f32 v16, $0.0e+00;
	v9 =	vsel vm1, v9, v15;
	vm2 =	vge.f32 v14, $0.0e+00  }
0x8a: {  	[tilespmem:s31+$0x90] =	vst v8;
	v15 =	vsel vm3, v16, v19;
	v16 =	vld [tilespmem:s31+$0x30];
	v9 =	vmul.f32 $1.442695020e+00, v9;
	v14 =	vsel vm2, v14, v17  }
0x8b: {  	[tilespmem:s31+$0xA0] =	vst v10;
	v21 =	vmul.f32 v44, v21;
	v12 =	vld [tilespmem:s31+$0x0];
	v14 =	vmul.f32 $1.442695020e+00, v14  }
0x8c: {  	[tilespmem:s31+$0xF0] =	vst v28;
	v15 =	vmul.f32 $1.442695020e+00, v15;
	(erf) = vpow2.f32 v9;
	v9 =	vld [tilespmem:s31+$0x40]  }
0x8d: {  	[tilespmem:s31+$0xFFFFFF40] =	vst v26;
	v19 =	vmul.f32 v30, v37;
	v17 =	vld [tilespmem:s31+$0x20];
	(erf) = vpow2.f32 v14  }
0x8e: {  	v6 =	vld [tilespmem:s31+$0xB0];
	[tilespmem:s31+$0xFFFFFF50] =	vst v27;
	v23 =	vmul.f32 v61, v39;
	(erf) = vpow2.f32 v15  }
0x8f: {  	v8 =	vld [tilespmem:s31+$0xC0];
	[tilespmem:s31+$0xFFFFFF60] =	vst v31;
	v25 =	vmul.f32 v13, v40;
	v20 =	vmul.f32 v20, v7  }
0x90: {  	[tilespmem:s31+$0xFFFFFF70] =	vst v11;
	v11 =	vld [tilespmem:s31+$0xE0];
	v55 =	vmul.f32 v24, v50;
	v62 =	vmul.f32 v16, v47  }
0x91: {  	[tilespmem:s31+$0xFFFFFFB0] =	vst v22;
	v14 =	vld [tilespmem:s31+$0x60];
	v26 =	vmul.f32 v42, v12;
	v63 =	vmul.f32 v9, v48;
	v31 =	vpop (erf)  }
0x92: {  	s2 =	simm.s32 $0x7B60;
	[tilespmem:s31+$0xFFFFFFC0] =	vst v19;
	v15 =	vld [tilespmem:s31+$0x70];
	v28 =	vmul.f32 v45, v17;
	v7 =	vnsel vm0, $0x0, v31;
	v18 =	vbroadcast v31, $0x0  }
0x93: {  	s21 =	simm.s32 $0x1E00;
	v9 =	vld [tilespmem:s31+$0xD0];
	v16 =	vbroadcast v31, $0x1;
	v17 =	vbroadcast v31, $0x2;
	[tilespmem:s2+$0x10] =	vst v7  }
0x94: {  	[tilespmem:s31+$0xFFFFFFD0] =	vst v23;
	v13 =	vbroadcast v31, $0x3;
	v12 =	vbroadcast v31, $0x4;
	v22 =	vld [tilespmem:s21+$0xF0]  }
0x95: {  	[tilespmem:s31+$0xFFFFFFE0] =	vst v25;
	v10 =	vbroadcast v31, $0x6;
	v19 =	vpop (erf);
	v7 =	vbroadcast v31, $0x5;
	v27 =	vld [tilespmem:s21+$0x80]  }
0x96: {  	[tilespmem:s31+$0x0] =	vst v26;
	v23 =	vnsel vm0, $0x0, v19;
	v35 =	vbroadcast v19, $0x0;
	v33 =	vbroadcast v19, $0x1;
	v29 =	vld [tilespmem:s21+$0x90];
	v57 =	vpop (erf)  }
0x97: {  	v34 =	vbroadcast v19, $0x2;
	v32 =	vbroadcast v19, $0x3;
	[tilespmem:s2+$0xFFFFFFF0] =	vst v23;
	v30 =	vld [tilespmem:s21+$0xA0];
	v24 =	vpop (erf)  }
0x98: {  	[tilespmem:s31+$0x20] =	vst v28;
	v26 =	vbroadcast v19, $0x5;
	v28 =	vbroadcast v19, $0x6;
	v40 =	vld [tilespmem:s21+$0xFFFFFF80];
	v25 =	vnsel vm0, $0x0, v24  }
0x99: {  	v23 =	vbroadcast v31, $0x7;
	v31 =	vbroadcast v19, $0x4;
	v41 =	vld [tilespmem:s21+$0xFFFFFF90];
	[tilespmem:s2+$0xFFFFFFE0] =	vst v25  }
0x9a: {  	[tilespmem:s31+$0x10] =	vst v21;
	v21 =	vbroadcast v57, $0x1;
	v37 =	vbroadcast v57, $0x6;
	v50 =	vld [tilespmem:s21+$0xFFFFFF00]  }
0x9b: {  	v36 =	vbroadcast v57, $0x7;
	v42 =	vbroadcast v24, $0x0;
	v51 =	vld [tilespmem:s21+$0xFFFFFF10]  }
0x9c: {  	v43 =	vbroadcast v24, $0x1;
	v45 =	vbroadcast v24, $0x2;
	v52 =	vld [tilespmem:s21+$0xFFFFFF20]  }
0x9d: {  	[tilespmem:s31+$0xFFFFFFF0] =	vst v20;
	v49 =	vbroadcast v24, $0x3;
	v47 =	vbroadcast v24, $0x4;
	v53 =	vld [tilespmem:s21+$0xFFFFFF30]  }
0x9e: {  	[tilespmem:s31+$0x50] =	vst v55;
	v48 =	vbroadcast v24, $0x5;
	v44 =	vbroadcast v24, $0x6;
	v54 =	vld [tilespmem:s21+$0xFFFFFF40]  }
0x9f: {  	[tilespmem:s31+$0x30] =	vst v62;
	v20 =	vnsel vm0, $0x0, v57;
	v46 =	vbroadcast v24, $0x7;
	v24 =	vbroadcast v57, $0x0;
	v38 =	vld [tilespmem:s21+$0xFFFFFF50]  }
0xa0: {  	[tilespmem:s2+$0x0] =	vst v20;
	v20 =	vbroadcast v57, $0x3;
	v25 =	vmul.f32 v22, v23;
	v39 =	vld [tilespmem:s21+$0xFFFFFF60]  }
0xa1: {  	[tilespmem:s31+$0x40] =	vst v63;
	v22 =	vbroadcast v19, $0x7;
	v23 =	vbroadcast v57, $0x2;
	v56 =	vld [tilespmem:s21+$0xFFFFFF70]  }
0xa2: {  	s1 =	simm.s32 $0x1E00;
	s16 =	simm.s32 $0x4;
	s22 =	simm.s32 $0x3A0;
	v55 =	vld [tilespmem:s21+$0xFFFFFFA0];
	v19 =	vbroadcast v57, $0x5;
	[tilespmem:s21+$0xF0] =	vst v25;
	v25 =	vbroadcast v57, $0x4  }
.LBB2_3:
0xa3: {  	v57 =	vld [tilespmem:s22+$0x10];
	v42 =	vmul.f32 v42, v50;
	v43 =	vmul.f32 v43, v51;
	s17 =	sadd.s32 $0x40, s17  }
0xa4: {  	s16 =	sadd.s32 $0x4, s16;
	v45 =	vmul.f32 v45, v52;
	v49 =	vmul.f32 v53, v49;
	v50 =	vld [tilespmem:s17+$0x10]  }
0xa5: {  	p0 =	slt.u32 s16, $0x5C;
	v38 =	vmul.f32 v38, v48;
	v51 =	vld [tilespmem:s17+$0xFFFFFFE0];
	[tilespmem:s21+$0xFFFFFF00] =	vst v42;
	v42 =	vmul.f32 v54, v47  }
0xa6: {  	v39 =	vmul.f32 v39, v44;
	v47 =	vld [tilespmem:s22+$0xFFFFFFF0];
	[tilespmem:s21+$0xFFFFFF10] =	vst v43;
	v43 =	vmul.f32 v56, v46  }
0xa7: {  	v35 =	vmul.f32 v35, v40;
	v33 =	vmul.f32 v33, v41;
	v44 =	vld [tilespmem:s17+$0xFFFFFFF0];
	[tilespmem:s21+$0xFFFFFF20] =	vst v45  }
0xa8: {  	v14 =	vmul.f32 v14, v4;
	v4 =	vmov v37;
	v34 =	vmul.f32 v34, v55;
	v40 =	vld [tilespmem:s22+$0x0];
	[tilespmem:s21+$0xFFFFFF30] =	vst v49  }
0xa9: {  	v18 =	vmul.f32 v18, v27;
	v15 =	vmul.f32 v15, v5;
	v41 =	vld [tilespmem:s17+$0x0];
	v45 =	vadd.f32 v50, v57;
	[tilespmem:s21+$0xFFFFFF40] =	vst v42  }
0xaa: {  	v16 =	vmul.f32 v16, v29;
	v17 =	vmul.f32 v17, v30;
	v5 =	vmov v36;
	v27 =	vld [tilespmem:s22+$0xFFFFFFE0];
	[tilespmem:s21+$0xFFFFFF50] =	vst v38  }
0xab: {  	v37 =	vmul.f32 v6, v0;
	v0 =	vmov v13;
	v29 =	vmul.f32 $2.000000030e-01, v45;
	[tilespmem:s21+$0xFFFFFF60] =	vst v39;
	v30 =	vld [tilespmem:s21+$0xFFFFFFB0]  }
0xac: {  	v38 =	vmul.f32 v8, v1;
	v1 =	vmovc v12;
	vm1 =	vge.f32 v45, $0.0e+00;
	v6 =	vadd.f32 v44, v47;
	[tilespmem:s21+$0xFFFFFF70] =	vst v43;
	v13 =	vld [tilespmem:s21+$0xFFFFFFC0]  }
0xad: {  	v36 =	vmul.f32 v11, v2;
	v39 =	vmul.f32 v9, v3;
	v8 =	vsel vm1, v45, v29;
	[tilespmem:s21+$0xFFFFFF80] =	vst v35;
	v12 =	vld [tilespmem:s21+$0xFFFFFFD0]  }
0xae: {  	v2 =	vmovc v10;
	v3 =	vmovc v7;
	v9 =	vmul.f32 $2.000000030e-01, v6;
	v11 =	vadd.f32 v41, v40;
	v8 =	vmul.f32 $1.442695020e+00, v8;
	[tilespmem:s21+$0xFFFFFF90] =	vst v33;
	v29 =	vld [tilespmem:s21+$0xFFFFFFE0]  }
0xaf: {  	vm1 =	vge.f32 v6, $0.0e+00;
	v7 =	vadd.f32 v51, v27;
	[tilespmem:s21+$0xFFFFFFA0] =	vst v34;
	v10 =	vld [tilespmem:s21+$0xFFFFFFF0]  }
0xb0: {  	vm2 =	vge.f32 v11, $0.0e+00;
	v27 =	vmul.f32 $2.000000030e-01, v11;
	(erf) = vpow2.f32 v8;
	v8 =	vld [tilespmem:s21+$0x0];
	[tilespmem:s31+$0x60] =	vst v14  }
0xb1: {  	v6 =	vsel vm1, v6, v9;
	vm3 =	vge.f32 v7, $0.0e+00;
	v14 =	vmul.f32 $2.000000030e-01, v7;
	v9 =	vld [tilespmem:s21+$0x10];
	[tilespmem:s31+$0x70] =	vst v15  }
0xb2: {  	v6 =	vmul.f32 $1.442695020e+00, v6;
	v15 =	vmul.f32 v30, v32;
	v11 =	vsel vm2, v11, v27;
	v27 =	vld [tilespmem:s21+$0x20];
	[tilespmem:s21+$0x80] =	vst v18  }
0xb3: {  	v13 =	vmul.f32 v13, v31;
	v7 =	vsel vm3, v7, v14;
	v11 =	vmul.f32 $1.442695020e+00, v11;
	v18 =	vld [tilespmem:s21+$0x30];
	[tilespmem:s21+$0x90] =	vst v16  }
0xb4: {  	v7 =	vmul.f32 $1.442695020e+00, v7;
	(erf) = vpow2.f32 v6;
	[tilespmem:s21+$0xFFFFFFB0] =	vst v15;
	v16 =	vld [tilespmem:s21+$0x40]  }
0xb5: {  	v6 =	vmul.f32 v12, v26;
	(erf) = vpow2.f32 v11;
	[tilespmem:s21+$0xFFFFFFC0] =	vst v13;
	v26 =	vld [tilespmem:s21+$0x50]  }
0xb6: {  	(erf) = vpow2.f32 v7;
	v7 =	vmul.f32 v29, v28;
	v14 =	vld [tilespmem:s21+$0x60];
	[tilespmem:s21+$0xA0] =	vst v17  }
0xb7: {  	v10 =	vmul.f32 v10, v22;
	v11 =	vmul.f32 v24, v8;
	[tilespmem:s21+$0xFFFFFFD0] =	vst v6;
	v15 =	vld [tilespmem:s21+$0x70]  }
0xb8: {  	v21 =	vmul.f32 v21, v9;
	v22 =	vmul.f32 v23, v27;
	[tilespmem:s21+$0xFFFFFFE0] =	vst v7;
	v6 =	vld [tilespmem:s21+$0xB0]  }
0xb9: {  	v20 =	vmul.f32 v18, v20;
	v23 =	vpop (erf);
	[tilespmem:s21+$0xFFFFFFF0] =	vst v10;
	v24 =	vmul.f32 v16, v25;
	v8 =	vld [tilespmem:s21+$0xC0]  }
0xba: {  	s2 =	sadd.s32 $0x40, s2;
	v7 =	vnsel vm0, $0x0, v23;
	v18 =	vbroadcast v23, $0x0;
	v16 =	vbroadcast v23, $0x1;
	[tilespmem:s21+$0x0] =	vst v11;
	v9 =	vld [tilespmem:s21+$0xD0]  }
0xbb: {  	v17 =	vbroadcast v23, $0x2;
	v13 =	vbroadcast v23, $0x3;
	s21 =	sadd.s32 $0x200, s21;
	[tilespmem:s2+$0x10] =	vst v7;
	v11 =	vld [tilespmem:s1+$0xE0]  }
0xbc: {  	v12 =	vbroadcast v23, $0x4;
	v7 =	vbroadcast v23, $0x5;
	v25 =	vld [tilespmem:s21+$0xF0];
	[tilespmem:s1+$0x10] =	vst v21  }
0xbd: {  	v10 =	vbroadcast v23, $0x6;
	v19 =	vmul.f32 v26, v19;
	v27 =	vld [tilespmem:s21+$0x80];
	v21 =	vpop (erf);
	[tilespmem:s1+$0x20] =	vst v22  }
0xbe: {  	v22 =	vnsel vm0, $0x0, v21;
	v35 =	vbroadcast v21, $0x0;
	v33 =	vbroadcast v21, $0x1;
	v29 =	vld [tilespmem:s21+$0x90];
	v57 =	vpop (erf);
	[tilespmem:s1+$0x30] =	vst v20  }
0xbf: {  	v34 =	vbroadcast v21, $0x2;
	[tilespmem:s2+$0xFFFFFFF0] =	vst v22;
	v20 =	vnsel vm0, $0x0, v57;
	v30 =	vld [tilespmem:s21+$0xA0];
	v22 =	vbroadcast v23, $0x7;
	v23 =	vpop (erf)  }
0xc0: {  	v26 =	vnsel vm0, $0x0, v23;
	v42 =	vbroadcast v23, $0x0;
	v43 =	vbroadcast v23, $0x1;
	v40 =	vld [tilespmem:s21+$0xFFFFFF80];
	[tilespmem:s2+$0x0] =	vst v20  }
0xc1: {  	v45 =	vbroadcast v23, $0x2;
	[tilespmem:s2+$0xFFFFFFE0] =	vst v26;
	v41 =	vld [tilespmem:s21+$0xFFFFFF90];
	v20 =	vmul.f32 v25, v22  }
0xc2: {  	v49 =	vbroadcast v23, $0x3;
	v47 =	vbroadcast v23, $0x4;
	v50 =	vld [tilespmem:s21+$0xFFFFFF00];
	[tilespmem:s1+$0x40] =	vst v24  }
0xc3: {  	v48 =	vbroadcast v23, $0x5;
	v44 =	vbroadcast v23, $0x6;
	v51 =	vld [tilespmem:s21+$0xFFFFFF10];
	[tilespmem:s21+$0xF0] =	vst v20  }
0xc4: {  	v32 =	vbroadcast v21, $0x3;
	v46 =	vbroadcast v23, $0x7;
	v52 =	vld [tilespmem:s21+$0xFFFFFF20];
	[tilespmem:s1+$0x50] =	vst v19  }
0xc5: {  	v31 =	vbroadcast v21, $0x4;
	v26 =	vbroadcast v21, $0x5;
	v53 =	vld [tilespmem:s21+$0xFFFFFF30];
	[tilespmem:s31+$0xB0] =	vst v37  }
.Ltmp0:
0xc6: {  	v28 =	vbroadcast v21, $0x6;
	v22 =	vbroadcast v21, $0x7;
	v54 =	vld [tilespmem:s21+$0xFFFFFF40];
	[tilespmem:s31+$0xC0] =	vst v38;
	(pc) =	sbr.rel @p0 .LBB2_3-.Ltmp0, $4  }
0xc7: {  	v21 =	vbroadcast v57, $0x1;
	v24 =	vbroadcast v57, $0x0;
	v38 =	vld [tilespmem:s21+$0xFFFFFF50];
	[tilespmem:s31+$0xD0] =	vst v39  }
0xc8: {  	v23 =	vbroadcast v57, $0x2;
	v20 =	vbroadcast v57, $0x3;
	v39 =	vld [tilespmem:s21+$0xFFFFFF60];
	[tilespmem:s31+$0xE0] =	vst v36;
	s31 =	smov.u32 s1;
	s1 =	smov.u32 s21  }
0xc9: {  	v25 =	vbroadcast v57, $0x4;
	v19 =	vbroadcast v57, $0x5;
	v56 =	vld [tilespmem:s21+$0xFFFFFF70]  }
0xca: {  	s22 =	sadd.s32 $0x40, s22;
	v37 =	vbroadcast v57, $0x6;
	v36 =	vbroadcast v57, $0x7;
	v55 =	vld [tilespmem:s21+$0xFFFFFFA0]  }
0xcb: {  	v42 =	vmul.f32 v42, v50  }
0xcc: {  	v43 =	vmul.f32 v43, v51  }
0xcd: {  	v45 =	vmul.f32 v45, v52;
	[tilespmem:s21+$0xFFFFFF00] =	vst v42  }
0xce: {  	v52 =	vmul.f32 v53, v49;
	[tilespmem:s21+$0xFFFFFF10] =	vst v43  }
0xcf: {  	v53 =	vmul.f32 v54, v47;
	[tilespmem:s21+$0xFFFFFF20] =	vst v45  }
0xd0: {  	v35 =	vmul.f32 v35, v40;
	[tilespmem:s21+$0xFFFFFF30] =	vst v52  }
0xd1: {  	v33 =	vmul.f32 v33, v41;
	[tilespmem:s21+$0xFFFFFF40] =	vst v53  }
0xd2: {  	v4 =	vmul.f32 v14, v4;
	[tilespmem:s21+$0xFFFFFF80] =	vst v35  }
0xd3: {  	v5 =	vmul.f32 v15, v5;
	[tilespmem:s21+$0xFFFFFF90] =	vst v33  }
0xd4: {  	v15 =	vmul.f32 v18, v27;
	[tilespmem:s31+$0x60] =	vst v4  }
0xd5: {  	v0 =	vmul.f32 v6, v0;
	[tilespmem:s31+$0x70] =	vst v5  }
0xd6: {  	v1 =	vmul.f32 v8, v1;
	[tilespmem:s21+$0x80] =	vst v15  }
0xd7: {  	v3 =	vmul.f32 v9, v3;
	[tilespmem:s31+$0xB0] =	vst v0  }
0xd8: {  	v38 =	vmul.f32 v38, v48;
	[tilespmem:s31+$0xC0] =	vst v1  }
0xd9: {  	v39 =	vmul.f32 v39, v44;
	[tilespmem:s31+$0xD0] =	vst v3  }
0xda: {  	v54 =	vld [tilespmem:s21+$0xFFFFFFB0];
	v4 =	vmul.f32 v16, v29;
	[tilespmem:s21+$0xFFFFFF50] =	vst v38  }
0xdb: {  	v57 =	vld [tilespmem:s21+$0xFFFFFFC0];
	v0 =	vmul.f32 v11, v2;
	[tilespmem:s21+$0xFFFFFF60] =	vst v39  }
0xdc: {  	v59 =	vld [tilespmem:s21+$0xFFFFFFD0];
	v58 =	vmul.f32 v56, v46;
	[tilespmem:s21+$0x90] =	vst v4  }
0xdd: {  	v14 =	vld [tilespmem:s21+$0xFFFFFFE0];
	v34 =	vmul.f32 v34, v55;
	[tilespmem:s31+$0xE0] =	vst v0  }
0xde: {  	v16 =	vld [tilespmem:s21+$0xFFFFFFF0];
	v4 =	vmul.f32 v17, v30;
	[tilespmem:s21+$0xFFFFFF70] =	vst v58  }
0xdf: {  	v5 =	vld [tilespmem:s21+$0x0];
	v18 =	vmul.f32 v54, v32;
	[tilespmem:s21+$0xFFFFFFA0] =	vst v34  }
0xe0: {  	v15 =	vld [tilespmem:s21+$0x10];
	v27 =	vmul.f32 v57, v31;
	[tilespmem:s21+$0xA0] =	vst v4  }
0xe1: {  	v17 =	vld [tilespmem:s21+$0x20];
	v26 =	vmul.f32 v59, v26;
	[tilespmem:s21+$0xFFFFFFB0] =	vst v18  }
0xe2: {  	v14 =	vmul.f32 v14, v28;
	v4 =	vld [tilespmem:s21+$0x50];
	[tilespmem:s21+$0xFFFFFFC0] =	vst v27  }
0xe3: {  	v18 =	vld [tilespmem:s21+$0x30];
	[tilespmem:s21+$0xFFFFFFD0] =	vst v26;
	v16 =	vmul.f32 v16, v22  }
0xe4: {  	v27 =	vld [tilespmem:s21+$0x40];
	v5 =	vmul.f32 v24, v5;
	[tilespmem:s21+$0xFFFFFFE0] =	vst v14  }
0xe5: {  	v22 =	vld [tilespmem:s21+$0x60];
	v15 =	vmul.f32 v21, v15;
	[tilespmem:s21+$0xFFFFFFF0] =	vst v16  }
0xe6: {  	v14 =	vld [tilespmem:s21+$0x70];
	v16 =	vmul.f32 v23, v17;
	[tilespmem:s21+$0x0] =	vst v5  }
0xe7: {  	v1 =	vld [tilespmem:s1+$0xE0];
	[tilespmem:s1+$0x10] =	vst v15;
	v4 =	vmul.f32 v4, v19  }
0xe8: {  	v2 =	vld [tilespmem:s21+$0xD0];
	[tilespmem:s1+$0x20] =	vst v16;
	v5 =	vmul.f32 v18, v20  }
0xe9: {  	v15 =	vmul.f32 v27, v25;
	[tilespmem:s1+$0x50] =	vst v4;
	v4 =	vld [tilespmem:s21+$0xC0]  }
0xea: {  	v3 =	vmul.f32 v22, v37;
	[tilespmem:s1+$0x30] =	vst v5;
	v5 =	vld [tilespmem:s21+$0xB0]  }
0xeb: {  	v0 =	vmul.f32 v14, v36;
	[tilespmem:s1+$0x40] =	vst v15  }
0xec: {  	v1 =	vmul.f32 v1, v10;
	[tilespmem:s1+$0x60] =	vst v3  }
0xed: {  	[tilespmem:s1+$0x70] =	vst v0;
	v0 =	vmul.f32 v2, v7  }
0xee: {  	[tilespmem:s1+$0xE0] =	vst v1;
	v3 =	vmul.f32 v4, v12  }
0xef: {  	[tilespmem:s1+$0xD0] =	vst v0;
	v5 =	vmul.f32 v5, v13  }
0xf0: {  	[tilespmem:s1+$0xC0] =	vst v3  }
0xf1: {  	s22 =	rddreg [dreg:$0x3];
	s2 =	simm.s32 $0x7B00;
	s16 =	simm.s32 $0x180;
	[tilespmem:s1+$0xB0] =	vst v5  }
0xf2: {  	[spmem:s22] =	stream.indirect.scatter.add.f32 [tilespmem:s2], [sflag:$0xB], $0x10, s16, s26, $0xb8;
	[tilespmem:$0x1EA80] =	vst v63  }
0xf3: {  	_ =	swait.ge [sflag:s4], $0x600  }
0xf4: {  	[sflag:s4] =	ssyncset.done $0x0  }
0xf5: {  	[sflag:s4] =	ssyncadd.s32 $0xFFFFFA00  }
0xf6: {  	s14 =	simm.s32 $0x1B00;
	s2 =	rddreg [dreg:$0x2]  }
0xf7: {  	[spmem:s2] =	stream.indirect.scatter.add.f32 [tilespmem:s14], [sflag:$0xB], $0x80, s16, s26, $0xb8;
	[tilespmem:$0x1EA80] =	vst v63  }
0xf8: {  	_ =	swait.ge [sflag:s4], $0x3000  }
0xf9: {  	[sflag:s4] =	ssyncset.done $0x0  }
0xfa: {  	[sflag:s4] =	ssyncadd.s32 $0xFFFFD000  }
0xfb: {  	_ =	swait.ge [sflag:s24], $0x600  }
0xfc: {  	[sflag:s24] =	ssyncset.done $0x0  }
0xfd: {  	[sflag:s24] =	ssyncadd.s32 $0xFFFFFA00  }
0xfe: {  	_ =	swait.ge [sflag:s18], $0x600  }
0xff: {  	[sflag:s18] =	ssyncset.done $0x0  }
0x100: {  	[sflag:s18] =	ssyncadd.s32 $0xFFFFFA00  }
0x101: {  	_ =	swait.ge [sflag:s19], $0x3000  }
0x102: {  	[sflag:s19] =	ssyncset.done $0x0  }
0x103: {  	[sflag:s19] =	ssyncadd.s32 $0xFFFFD000  }
0x104: {  	_ =	swait.ge [sflag:s20], $0x60  }
0x105: {  	[sflag:s20] =	ssyncset.done $0x0  }
0x106: {  	[sflag:s20] =	ssyncadd.s32 $0xFFFFFFA0  }
0x107: {  	_ =	swait.ge [sflag:s20], $0x60  }
0x108: {  	s17 =	simm.s32 $0xC0;
	[sflag:s20] =	ssyncset.done $0x0  }
0x109: {  	s16 =	simm.s32 $0x300;
	s22 =	rddreg [dreg:$0xe];
	[sflag:s20] =	ssyncadd.s32 $0xFFFFFFA0  }
0x10a: {  	[tilespmem:s16], [sflag:$0x1] =	stream.indirect.gather [hbm4b:s6+s26], $0x10, s17, s26, $0xb8;
	[tilespmem:$0x1EA80] =	vst v63  }
0x10b: {  	s21 =	simm.s32 $0xF00;
	s1 =	sadd.s32 s30, s22  }
0x10c: {  	[tilespmem:s21], [sflag:$0x2] =	stream.indirect.gather [hbm4b:s7+s26], $0x10, s0, s26, $0xb8;
	[tilespmem:$0x1EA80] =	vst v63  }
0x10d: {  	s1 =	sshrl.u32 s1, $0x3  }
0x10e: {  	[tilespmem:s14], [sflag:$0x3] =	stream.indirect.gather [hbm4b:s5+s26], $0x80, s17, s26, $0xb8;
	[tilespmem:$0x1EA80] =	vst v63  }
0x10f: {  	s0 =	sadd.s32 s8, s1;
	s14 =	simm.s32 $0x120  }
0x110: {  	[tilespmem:s14], [sflag:$0xA] =	stream.linear.gather [hbm4b:s0+s3], $0x60, $0x38;
	[tilespmem:$0x1EA80] =	vst v63  }
0x111: {  	s16 =	simm.s32 $0x920;
	s1 =	sadd.s32 s9, s1  }
0x112: {  	[tilespmem:s25], [sflag:$0xA] =	stream.linear.gather [hbm4b:s1+s3], $0x60, $0x38;
	[tilespmem:$0x1EA80] =	vst v63  }
0x113: {  	s17 =	simm.s32 $0x1520;
	v0 =	vld [tilespmem:s16+$0x10]  }
0x114: {  	v1 =	vld [tilespmem:s17+$0x10]  }
0x115: {  	v3 =	vld [tilespmem:s16+$0xFFFFFFF0]  }
0x116: {  	v4 =	vld [tilespmem:s17+$0xFFFFFFF0]  }
0x117: {  	v5 =	vld [tilespmem:s16+$0x0]  }
0x118: {  	v6 =	vld [tilespmem:s17+$0x0]  }
0x119: {  	v0 =	vadd.f32 v1, v0;
	_ =	sdelay $0x1  }
0x11a: {  	v2 =	vld [tilespmem:s17+$0xFFFFFFE0];
	v3 =	vadd.f32 v4, v3;
	v7 =	vmul.f32 $2.000000030e-01, v0  }
0x11b: {  	v1 =	vld [tilespmem:s16+$0xFFFFFFE0];
	vm1 =	vge.f32 v0, $0.0e+00  }
0x11c: {  	v4 =	vadd.f32 v6, v5;
	v5 =	vmul.f32 $2.000000030e-01, v3;
	v0 =	vsel vm1, v0, v7  }
0x11d: {  	vm1 =	vge.f32 v3, $0.0e+00;
	v0 =	vmul.f32 $1.442695020e+00, v0  }
0x11e: {  	v3 =	vsel vm1, v3, v5  }
0x11f: {  	v3 =	vmul.f32 $1.442695020e+00, v3;
	(erf) = vpow2.f32 v0  }
0x120: {  	v1 =	vadd.f32 v2, v1  }
0x121: {  	v2 =	vmul.f32 $2.000000030e-01, v4;
	(erf) = vpow2.f32 v3  }
0x122: {  	vm2 =	vge.f32 v4, $0.0e+00;
	v0 =	vmul.f32 $2.000000030e-01, v1  }
0x123: {  	vm1 =	vge.f32 v1, $0.0e+00;
	v2 =	vsel vm2, v4, v2  }
0x124: {  	v0 =	vsel vm1, v1, v0;
	v1 =	vmul.f32 $1.442695020e+00, v2  }
0x125: {  	v0 =	vmul.f32 $1.442695020e+00, v0  }
0x126: {  	s22 =	simm.s32 $0x960;
	(erf) = vpow2.f32 v1  }
0x127: {  	v60 =	vld [tilespmem:s22+$0x10];
	(erf) = vpow2.f32 v0  }
0x128: {  	s17 =	simm.s32 $0x1560;
	v57 =	vld [tilespmem:s22+$0xFFFFFFF0];
	v4 =	vpop (erf)  }
0x129: {  	v61 =	vld [tilespmem:s17+$0x10];
	v12 =	vbroadcast v4, $0x0;
	v13 =	vbroadcast v4, $0x1  }
0x12a: {  	s21 =	simm.s32 $0x8120;
	v54 =	vld [tilespmem:s17+$0xFFFFFFE0];
	v0 =	vnsel vm0, $0x0, v4;
	v7 =	vpop (erf);
	v15 =	vbroadcast v4, $0x2;
	v3 =	vbroadcast v4, $0x5  }
0x12b: {  	s31 =	simm.s32 $0x4C00;
	v59 =	vld [tilespmem:s17+$0xFFFFFFF0];
	v2 =	vbroadcast v4, $0x6;
	[tilespmem:s21+$0x10] =	vst v0;
	v18 =	vbroadcast v7, $0x0  }
0x12c: {  	v20 =	vbroadcast v7, $0x1;
	v21 =	vbroadcast v7, $0x2;
	v5 =	vld [tilespmem:s31+$0xF0]  }
0x12d: {  	v36 =	vbroadcast v7, $0x3;
	v37 =	vbroadcast v7, $0x4;
	v6 =	vld [tilespmem:s31+$0x80]  }
0x12e: {  	v0 =	vnsel vm0, $0x0, v7;
	v39 =	vbroadcast v7, $0x5;
	v40 =	vbroadcast v7, $0x6;
	v8 =	vld [tilespmem:s31+$0x90]  }
0x12f: {  	v7 =	vbroadcast v7, $0x7;
	[tilespmem:s21+$0xFFFFFFF0] =	vst v0;
	v10 =	vld [tilespmem:s31+$0xA0];
	v0 =	vbroadcast v4, $0x3;
	v9 =	vpop (erf)  }
0x130: {  	v14 =	vld [tilespmem:s31+$0xFFFFFF80];
	v11 =	vpop (erf);
	v42 =	vbroadcast v9, $0x0;
	v62 =	vbroadcast v9, $0x1  }
0x131: {  	v16 =	vld [tilespmem:s31+$0xFFFFFF90];
	v63 =	vbroadcast v9, $0x2;
	v55 =	vbroadcast v9, $0x3;
	v1 =	vnsel vm0, $0x0, v11  }
0x132: {  	v38 =	vld [tilespmem:s31+$0xFFFFFFA0];
	v56 =	vbroadcast v9, $0x4;
	v58 =	vbroadcast v9, $0x5;
	[tilespmem:s21+$0xFFFFFFE0] =	vst v1  }
0x133: {  	v23 =	vbroadcast v11, $0x0;
	v25 =	vbroadcast v11, $0x1;
	v17 =	vld [tilespmem:s31+$0xFFFFFF00]  }
0x134: {  	v26 =	vbroadcast v11, $0x2;
	v29 =	vbroadcast v11, $0x3;
	v19 =	vld [tilespmem:s31+$0xFFFFFF10]  }
0x135: {  	v31 =	vbroadcast v11, $0x4;
	v32 =	vbroadcast v11, $0x5;
	v22 =	vld [tilespmem:s31+$0xFFFFFF20]  }
0x136: {  	v34 =	vbroadcast v11, $0x6;
	v11 =	vbroadcast v11, $0x7;
	v24 =	vld [tilespmem:s31+$0xFFFFFF30]  }
0x137: {  	v1 =	vbroadcast v4, $0x4;
	v4 =	vbroadcast v4, $0x7;
	v27 =	vld [tilespmem:s31+$0xFFFFFF40]  }
0x138: {  	v30 =	vld [tilespmem:s31+$0xFFFFFF50];
	v6 =	vmul.f32 v12, v6;
	v8 =	vmul.f32 v13, v8  }
0x139: {  	v33 =	vld [tilespmem:s31+$0xFFFFFF60];
	v28 =	vmul.f32 v5, v4;
	v4 =	vbroadcast v9, $0x6  }
0x13a: {  	v5 =	vbroadcast v9, $0x7;
	v16 =	vmul.f32 v20, v16;
	v20 =	vld [tilespmem:s22+$0xFFFFFFE0];
	v9 =	vnsel vm0, $0x0, v9  }
0x13b: {  	v14 =	vmul.f32 v18, v14;
	[tilespmem:s21+$0x0] =	vst v9;
	v9 =	vadd.f32 v59, v57;
	v17 =	vmul.f32 v23, v17;
	v23 =	vld [tilespmem:s22+$0x0]  }
0x13c: {  	v19 =	vmul.f32 v25, v19;
	v25 =	vld [tilespmem:s17+$0x0];
	v24 =	vmul.f32 v24, v29;
	v29 =	vadd.f32 v61, v60  }
0x13d: {  	v35 =	vld [tilespmem:s31+$0xFFFFFF70];
	v10 =	vmul.f32 v15, v10;
	v21 =	vmul.f32 v21, v38;
	[tilespmem:s31+$0x80] =	vst v6  }
0x13e: {  	v13 =	vld [tilespmem:s31+$0xFFFFFFE0];
	[tilespmem:s31+$0xFFFFFF80] =	vst v14;
	v15 =	vmul.f32 $2.000000030e-01, v9;
	v14 =	vmul.f32 $2.000000030e-01, v29  }
0x13f: {  	v18 =	vld [tilespmem:s31+$0xFFFFFFB0];
	[tilespmem:s31+$0xFFFFFF90] =	vst v16;
	v22 =	vmul.f32 v26, v22;
	v26 =	vmul.f32 v27, v31;
	vm1 =	vge.f32 v29, $0.0e+00  }
0x140: {  	[tilespmem:s31+$0xFFFFFFA0] =	vst v21;
	v21 =	vld [tilespmem:s31+$0x10];
	v27 =	vmul.f32 v30, v32;
	v16 =	vadd.f32 v54, v20;
	v12 =	vsel vm1, v29, v14  }
0x141: {  	[tilespmem:s31+$0x90] =	vst v8;
	v30 =	vld [tilespmem:s31+$0xFFFFFFC0];
	v31 =	vmul.f32 v33, v34;
	v14 =	vadd.f32 v25, v23;
	v12 =	vmul.f32 $1.442695020e+00, v12  }
0x142: {  	v60 =	vld [tilespmem:s31+$0xFFFFFFD0];
	[tilespmem:s31+$0xFFFFFF10] =	vst v19;
	vm3 =	vge.f32 v16, $0.0e+00;
	v19 =	vmul.f32 $2.000000030e-01, v16;
	vm1 =	vge.f32 v9, $0.0e+00  }
0x143: {  	v20 =	vld [tilespmem:s31+$0xFFFFFFF0];
	[tilespmem:s31+$0xFFFFFF00] =	vst v17;
	v9 =	vsel vm1, v9, v15;
	v17 =	vmul.f32 $2.000000030e-01, v14;
	(erf) = vpow2.f32 v12  }
0x144: {  	[tilespmem:s31+$0xA0] =	vst v10;
	v15 =	vsel vm3, v16, v19;
	v16 =	vld [tilespmem:s31+$0x30];
	v9 =	vmul.f32 $1.442695020e+00, v9;
	vm2 =	vge.f32 v14, $0.0e+00  }
0x145: {  	v11 =	vmul.f32 v35, v11;
	[tilespmem:s31+$0xFFFFFF20] =	vst v22;
	v22 =	vmul.f32 v18, v36;
	v12 =	vld [tilespmem:s31+$0x0];
	v14 =	vsel vm2, v14, v17  }
0x146: {  	[tilespmem:s31+$0xF0] =	vst v28;
	(erf) = vpow2.f32 v9;
	v9 =	vld [tilespmem:s31+$0x40];
	v14 =	vmul.f32 $1.442695020e+00, v14  }
0x147: {  	[tilespmem:s31+$0xFFFFFF30] =	vst v24;
	v21 =	vmul.f32 v62, v21;
	v15 =	vmul.f32 $1.442695020e+00, v15;
	v17 =	vld [tilespmem:s31+$0x20]  }
0x148: {  	[tilespmem:s31+$0xFFFFFF40] =	vst v26;
	v24 =	vld [tilespmem:s31+$0x50];
	v19 =	vmul.f32 v30, v37;
	(erf) = vpow2.f32 v14  }
0x149: {  	v6 =	vld [tilespmem:s31+$0xB0];
	[tilespmem:s31+$0xFFFFFF50] =	vst v27;
	v23 =	vmul.f32 v60, v39;
	(erf) = vpow2.f32 v15  }
0x14a: {  	v8 =	vld [tilespmem:s31+$0xC0];
	[tilespmem:s31+$0xFFFFFF60] =	vst v31;
	v25 =	vmul.f32 v13, v40;
	v20 =	vmul.f32 v20, v7  }
0x14b: {  	[tilespmem:s31+$0xFFFFFF70] =	vst v11;
	v11 =	vld [tilespmem:s31+$0xE0];
	v61 =	vmul.f32 v16, v55;
	v26 =	vmul.f32 v42, v12  }
0x14c: {  	[tilespmem:s31+$0xFFFFFFB0] =	vst v22;
	v14 =	vld [tilespmem:s31+$0x60];
	v62 =	vmul.f32 v9, v56;
	v28 =	vmul.f32 v63, v17;
	v31 =	vpop (erf)  }
0x14d: {  	s2 =	simm.s32 $0x8160;
	[tilespmem:s31+$0xFFFFFFC0] =	vst v19;
	v15 =	vld [tilespmem:s31+$0x70];
	v63 =	vmul.f32 v24, v58;
	v7 =	vnsel vm0, $0x0, v31;
	v18 =	vbroadcast v31, $0x0  }
0x14e: {  	s21 =	simm.s32 $0x4E00;
	v9 =	vld [tilespmem:s31+$0xD0];
	v16 =	vbroadcast v31, $0x1;
	v17 =	vbroadcast v31, $0x2;
	[tilespmem:s2+$0x10] =	vst v7  }
0x14f: {  	[tilespmem:s31+$0xFFFFFFD0] =	vst v23;
	v13 =	vbroadcast v31, $0x3;
	v12 =	vbroadcast v31, $0x4;
	v22 =	vld [tilespmem:s21+$0xF0]  }
0x150: {  	[tilespmem:s31+$0xFFFFFFE0] =	vst v25;
	v10 =	vbroadcast v31, $0x6;
	v19 =	vpop (erf);
	v7 =	vbroadcast v31, $0x5;
	v27 =	vld [tilespmem:s21+$0x80]  }
0x151: {  	[tilespmem:s31+$0x0] =	vst v26;
	v23 =	vnsel vm0, $0x0, v19;
	v35 =	vbroadcast v19, $0x0;
	v33 =	vbroadcast v19, $0x1;
	v29 =	vld [tilespmem:s21+$0x90];
	v57 =	vpop (erf)  }
0x152: {  	v34 =	vbroadcast v19, $0x2;
	v32 =	vbroadcast v19, $0x3;
	[tilespmem:s2+$0xFFFFFFF0] =	vst v23;
	v30 =	vld [tilespmem:s21+$0xA0];
	v24 =	vpop (erf)  }
0x153: {  	[tilespmem:s31+$0x20] =	vst v28;
	v26 =	vbroadcast v19, $0x5;
	v28 =	vbroadcast v19, $0x6;
	v40 =	vld [tilespmem:s21+$0xFFFFFF80];
	v25 =	vnsel vm0, $0x0, v24  }
0x154: {  	v23 =	vbroadcast v31, $0x7;
	v31 =	vbroadcast v19, $0x4;
	v41 =	vld [tilespmem:s21+$0xFFFFFF90];
	[tilespmem:s2+$0xFFFFFFE0] =	vst v25  }
0x155: {  	[tilespmem:s31+$0x10] =	vst v21;
	v21 =	vbroadcast v57, $0x1;
	v37 =	vbroadcast v57, $0x6;
	v50 =	vld [tilespmem:s21+$0xFFFFFF00]  }
0x156: {  	v36 =	vbroadcast v57, $0x7;
	v42 =	vbroadcast v24, $0x0;
	v51 =	vld [tilespmem:s21+$0xFFFFFF10]  }
0x157: {  	v43 =	vbroadcast v24, $0x1;
	v45 =	vbroadcast v24, $0x2;
	v52 =	vld [tilespmem:s21+$0xFFFFFF20]  }
0x158: {  	[tilespmem:s31+$0xFFFFFFF0] =	vst v20;
	v49 =	vbroadcast v24, $0x3;
	v47 =	vbroadcast v24, $0x4;
	v53 =	vld [tilespmem:s21+$0xFFFFFF30]  }
0x159: {  	[tilespmem:s31+$0x30] =	vst v61;
	v48 =	vbroadcast v24, $0x5;
	v44 =	vbroadcast v24, $0x6;
	v54 =	vld [tilespmem:s21+$0xFFFFFF40]  }
0x15a: {  	[tilespmem:s31+$0x40] =	vst v62;
	v20 =	vnsel vm0, $0x0, v57;
	v46 =	vbroadcast v24, $0x7;
	v24 =	vbroadcast v57, $0x0;
	v38 =	vld [tilespmem:s21+$0xFFFFFF50]  }
0x15b: {  	[tilespmem:s2+$0x0] =	vst v20;
	v20 =	vbroadcast v57, $0x3;
	v25 =	vmul.f32 v22, v23;
	v39 =	vld [tilespmem:s21+$0xFFFFFF60]  }
0x15c: {  	[tilespmem:s31+$0x50] =	vst v63;
	v22 =	vbroadcast v19, $0x7;
	v23 =	vbroadcast v57, $0x2;
	v56 =	vld [tilespmem:s21+$0xFFFFFF70]  }
0x15d: {  	s1 =	simm.s32 $0x4E00;
	s16 =	simm.s32 $0x4;
	s22 =	simm.s32 $0x9A0;
	v55 =	vld [tilespmem:s21+$0xFFFFFFA0];
	v19 =	vbroadcast v57, $0x5;
	[tilespmem:s21+$0xF0] =	vst v25;
	v25 =	vbroadcast v57, $0x4  }
.LBB2_5:
0x15e: {  	v57 =	vld [tilespmem:s22+$0x10];
	v42 =	vmul.f32 v42, v50;
	v43 =	vmul.f32 v43, v51;
	s17 =	sadd.s32 $0x40, s17  }
0x15f: {  	s16 =	sadd.s32 $0x4, s16;
	v45 =	vmul.f32 v45, v52;
	v49 =	vmul.f32 v53, v49;
	v50 =	vld [tilespmem:s17+$0x10]  }
0x160: {  	p0 =	slt.u32 s16, $0x5C;
	v38 =	vmul.f32 v38, v48;
	v51 =	vld [tilespmem:s17+$0xFFFFFFE0];
	[tilespmem:s21+$0xFFFFFF00] =	vst v42;
	v42 =	vmul.f32 v54, v47  }
0x161: {  	v39 =	vmul.f32 v39, v44;
	v47 =	vld [tilespmem:s22+$0xFFFFFFF0];
	[tilespmem:s21+$0xFFFFFF10] =	vst v43;
	v43 =	vmul.f32 v56, v46  }
0x162: {  	v35 =	vmul.f32 v35, v40;
	v33 =	vmul.f32 v33, v41;
	v44 =	vld [tilespmem:s17+$0xFFFFFFF0];
	[tilespmem:s21+$0xFFFFFF20] =	vst v45  }
0x163: {  	v14 =	vmul.f32 v14, v4;
	v4 =	vmov v37;
	v34 =	vmul.f32 v34, v55;
	v40 =	vld [tilespmem:s22+$0x0];
	[tilespmem:s21+$0xFFFFFF30] =	vst v49  }
0x164: {  	v18 =	vmul.f32 v18, v27;
	v15 =	vmul.f32 v15, v5;
	v41 =	vld [tilespmem:s17+$0x0];
	v45 =	vadd.f32 v50, v57;
	[tilespmem:s21+$0xFFFFFF40] =	vst v42  }
0x165: {  	v16 =	vmul.f32 v16, v29;
	v17 =	vmul.f32 v17, v30;
	v5 =	vmov v36;
	v27 =	vld [tilespmem:s22+$0xFFFFFFE0];
	[tilespmem:s21+$0xFFFFFF50] =	vst v38  }
0x166: {  	v37 =	vmul.f32 v6, v0;
	v0 =	vmov v13;
	v29 =	vmul.f32 $2.000000030e-01, v45;
	[tilespmem:s21+$0xFFFFFF60] =	vst v39;
	v30 =	vld [tilespmem:s21+$0xFFFFFFB0]  }
0x167: {  	v38 =	vmul.f32 v8, v1;
	v1 =	vmovc v12;
	vm1 =	vge.f32 v45, $0.0e+00;
	v6 =	vadd.f32 v44, v47;
	[tilespmem:s21+$0xFFFFFF70] =	vst v43;
	v13 =	vld [tilespmem:s21+$0xFFFFFFC0]  }
0x168: {  	v36 =	vmul.f32 v11, v2;
	v39 =	vmul.f32 v9, v3;
	v8 =	vsel vm1, v45, v29;
	[tilespmem:s21+$0xFFFFFF80] =	vst v35;
	v12 =	vld [tilespmem:s21+$0xFFFFFFD0]  }
0x169: {  	v2 =	vmovc v10;
	v3 =	vmovc v7;
	v9 =	vmul.f32 $2.000000030e-01, v6;
	v11 =	vadd.f32 v41, v40;
	v8 =	vmul.f32 $1.442695020e+00, v8;
	[tilespmem:s21+$0xFFFFFF90] =	vst v33;
	v29 =	vld [tilespmem:s21+$0xFFFFFFE0]  }
0x16a: {  	vm1 =	vge.f32 v6, $0.0e+00;
	v7 =	vadd.f32 v51, v27;
	[tilespmem:s21+$0xFFFFFFA0] =	vst v34;
	v10 =	vld [tilespmem:s21+$0xFFFFFFF0]  }
0x16b: {  	vm2 =	vge.f32 v11, $0.0e+00;
	v27 =	vmul.f32 $2.000000030e-01, v11;
	(erf) = vpow2.f32 v8;
	v8 =	vld [tilespmem:s21+$0x0];
	[tilespmem:s31+$0x60] =	vst v14  }
0x16c: {  	v6 =	vsel vm1, v6, v9;
	vm3 =	vge.f32 v7, $0.0e+00;
	v14 =	vmul.f32 $2.000000030e-01, v7;
	v9 =	vld [tilespmem:s21+$0x10];
	[tilespmem:s31+$0x70] =	vst v15  }
0x16d: {  	v6 =	vmul.f32 $1.442695020e+00, v6;
	v15 =	vmul.f32 v30, v32;
	v11 =	vsel vm2, v11, v27;
	v27 =	vld [tilespmem:s21+$0x20];
	[tilespmem:s21+$0x80] =	vst v18  }
0x16e: {  	v13 =	vmul.f32 v13, v31;
	v7 =	vsel vm3, v7, v14;
	v11 =	vmul.f32 $1.442695020e+00, v11;
	v18 =	vld [tilespmem:s21+$0x30];
	[tilespmem:s21+$0x90] =	vst v16  }
0x16f: {  	v7 =	vmul.f32 $1.442695020e+00, v7;
	(erf) = vpow2.f32 v6;
	[tilespmem:s21+$0xFFFFFFB0] =	vst v15;
	v16 =	vld [tilespmem:s21+$0x40]  }
0x170: {  	v6 =	vmul.f32 v12, v26;
	(erf) = vpow2.f32 v11;
	[tilespmem:s21+$0xFFFFFFC0] =	vst v13;
	v26 =	vld [tilespmem:s21+$0x50]  }
0x171: {  	(erf) = vpow2.f32 v7;
	v7 =	vmul.f32 v29, v28;
	v14 =	vld [tilespmem:s21+$0x60];
	[tilespmem:s21+$0xA0] =	vst v17  }
0x172: {  	v10 =	vmul.f32 v10, v22;
	v11 =	vmul.f32 v24, v8;
	[tilespmem:s21+$0xFFFFFFD0] =	vst v6;
	v15 =	vld [tilespmem:s21+$0x70]  }
0x173: {  	v21 =	vmul.f32 v21, v9;
	v22 =	vmul.f32 v23, v27;
	[tilespmem:s21+$0xFFFFFFE0] =	vst v7;
	v6 =	vld [tilespmem:s21+$0xB0]  }
0x174: {  	v20 =	vmul.f32 v18, v20;
	v23 =	vpop (erf);
	[tilespmem:s21+$0xFFFFFFF0] =	vst v10;
	v24 =	vmul.f32 v16, v25;
	v8 =	vld [tilespmem:s21+$0xC0]  }
0x175: {  	s2 =	sadd.s32 $0x40, s2;
	v7 =	vnsel vm0, $0x0, v23;
	v18 =	vbroadcast v23, $0x0;
	v16 =	vbroadcast v23, $0x1;
	[tilespmem:s21+$0x0] =	vst v11;
	v9 =	vld [tilespmem:s21+$0xD0]  }
0x176: {  	v17 =	vbroadcast v23, $0x2;
	v13 =	vbroadcast v23, $0x3;
	s21 =	sadd.s32 $0x200, s21;
	[tilespmem:s2+$0x10] =	vst v7;
	v11 =	vld [tilespmem:s1+$0xE0]  }
0x177: {  	v12 =	vbroadcast v23, $0x4;
	v7 =	vbroadcast v23, $0x5;
	v25 =	vld [tilespmem:s21+$0xF0];
	[tilespmem:s1+$0x10] =	vst v21  }
0x178: {  	v10 =	vbroadcast v23, $0x6;
	v19 =	vmul.f32 v26, v19;
	v27 =	vld [tilespmem:s21+$0x80];
	v21 =	vpop (erf);
	[tilespmem:s1+$0x20] =	vst v22  }
0x179: {  	v22 =	vnsel vm0, $0x0, v21;
	v35 =	vbroadcast v21, $0x0;
	v33 =	vbroadcast v21, $0x1;
	v29 =	vld [tilespmem:s21+$0x90];
	v57 =	vpop (erf);
	[tilespmem:s1+$0x30] =	vst v20  }
0x17a: {  	v34 =	vbroadcast v21, $0x2;
	[tilespmem:s2+$0xFFFFFFF0] =	vst v22;
	v20 =	vnsel vm0, $0x0, v57;
	v30 =	vld [tilespmem:s21+$0xA0];
	v22 =	vbroadcast v23, $0x7;
	v23 =	vpop (erf)  }
0x17b: {  	v26 =	vnsel vm0, $0x0, v23;
	v42 =	vbroadcast v23, $0x0;
	v43 =	vbroadcast v23, $0x1;
	v40 =	vld [tilespmem:s21+$0xFFFFFF80];
	[tilespmem:s2+$0x0] =	vst v20  }
0x17c: {  	v45 =	vbroadcast v23, $0x2;
	[tilespmem:s2+$0xFFFFFFE0] =	vst v26;
	v41 =	vld [tilespmem:s21+$0xFFFFFF90];
	v20 =	vmul.f32 v25, v22  }
0x17d: {  	v49 =	vbroadcast v23, $0x3;
	v47 =	vbroadcast v23, $0x4;
	v50 =	vld [tilespmem:s21+$0xFFFFFF00];
	[tilespmem:s1+$0x40] =	vst v24  }
0x17e: {  	v48 =	vbroadcast v23, $0x5;
	v44 =	vbroadcast v23, $0x6;
	v51 =	vld [tilespmem:s21+$0xFFFFFF10];
	[tilespmem:s21+$0xF0] =	vst v20  }
0x17f: {  	v32 =	vbroadcast v21, $0x3;
	v46 =	vbroadcast v23, $0x7;
	v52 =	vld [tilespmem:s21+$0xFFFFFF20];
	[tilespmem:s1+$0x50] =	vst v19  }
0x180: {  	v31 =	vbroadcast v21, $0x4;
	v26 =	vbroadcast v21, $0x5;
	v53 =	vld [tilespmem:s21+$0xFFFFFF30];
	[tilespmem:s31+$0xB0] =	vst v37  }
.Ltmp1:
0x181: {  	v28 =	vbroadcast v21, $0x6;
	v22 =	vbroadcast v21, $0x7;
	v54 =	vld [tilespmem:s21+$0xFFFFFF40];
	[tilespmem:s31+$0xC0] =	vst v38;
	(pc) =	sbr.rel @p0 .LBB2_5-.Ltmp1, $4  }
0x182: {  	v21 =	vbroadcast v57, $0x1;
	v24 =	vbroadcast v57, $0x0;
	v38 =	vld [tilespmem:s21+$0xFFFFFF50];
	[tilespmem:s31+$0xD0] =	vst v39  }
0x183: {  	v23 =	vbroadcast v57, $0x2;
	v20 =	vbroadcast v57, $0x3;
	v39 =	vld [tilespmem:s21+$0xFFFFFF60];
	[tilespmem:s31+$0xE0] =	vst v36;
	s31 =	smov.u32 s1;
	s1 =	smov.u32 s21  }
0x184: {  	v25 =	vbroadcast v57, $0x4;
	v19 =	vbroadcast v57, $0x5;
	v56 =	vld [tilespmem:s21+$0xFFFFFF70]  }
0x185: {  	s22 =	sadd.s32 $0x40, s22;
	v37 =	vbroadcast v57, $0x6;
	v36 =	vbroadcast v57, $0x7;
	v55 =	vld [tilespmem:s21+$0xFFFFFFA0]  }
0x186: {  	v42 =	vmul.f32 v42, v50  }
0x187: {  	v43 =	vmul.f32 v43, v51  }
0x188: {  	v45 =	vmul.f32 v45, v52;
	[tilespmem:s21+$0xFFFFFF00] =	vst v42  }
0x189: {  	v52 =	vmul.f32 v53, v49;
	[tilespmem:s21+$0xFFFFFF10] =	vst v43  }
0x18a: {  	v53 =	vmul.f32 v54, v47;
	[tilespmem:s21+$0xFFFFFF20] =	vst v45  }
0x18b: {  	v35 =	vmul.f32 v35, v40;
	[tilespmem:s21+$0xFFFFFF30] =	vst v52  }
0x18c: {  	v33 =	vmul.f32 v33, v41;
	[tilespmem:s21+$0xFFFFFF40] =	vst v53  }
0x18d: {  	v4 =	vmul.f32 v14, v4;
	[tilespmem:s21+$0xFFFFFF80] =	vst v35  }
0x18e: {  	v5 =	vmul.f32 v15, v5;
	[tilespmem:s21+$0xFFFFFF90] =	vst v33  }
0x18f: {  	v15 =	vmul.f32 v18, v27;
	[tilespmem:s31+$0x60] =	vst v4  }
0x190: {  	v0 =	vmul.f32 v6, v0;
	[tilespmem:s31+$0x70] =	vst v5  }
0x191: {  	v1 =	vmul.f32 v8, v1;
	[tilespmem:s21+$0x80] =	vst v15  }
0x192: {  	v3 =	vmul.f32 v9, v3;
	[tilespmem:s31+$0xB0] =	vst v0  }
0x193: {  	v38 =	vmul.f32 v38, v48;
	[tilespmem:s31+$0xC0] =	vst v1  }
0x194: {  	v39 =	vmul.f32 v39, v44;
	[tilespmem:s31+$0xD0] =	vst v3  }
0x195: {  	v54 =	vld [tilespmem:s21+$0xFFFFFFB0];
	v4 =	vmul.f32 v16, v29;
	[tilespmem:s21+$0xFFFFFF50] =	vst v38  }
0x196: {  	v57 =	vld [tilespmem:s21+$0xFFFFFFC0];
	v0 =	vmul.f32 v11, v2;
	[tilespmem:s21+$0xFFFFFF60] =	vst v39  }
0x197: {  	v59 =	vld [tilespmem:s21+$0xFFFFFFD0];
	v58 =	vmul.f32 v56, v46;
	[tilespmem:s21+$0x90] =	vst v4  }
0x198: {  	v14 =	vld [tilespmem:s21+$0xFFFFFFE0];
	v34 =	vmul.f32 v34, v55;
	[tilespmem:s31+$0xE0] =	vst v0  }
0x199: {  	v16 =	vld [tilespmem:s21+$0xFFFFFFF0];
	v4 =	vmul.f32 v17, v30;
	[tilespmem:s21+$0xFFFFFF70] =	vst v58  }
0x19a: {  	v5 =	vld [tilespmem:s21+$0x0];
	v18 =	vmul.f32 v54, v32;
	[tilespmem:s21+$0xFFFFFFA0] =	vst v34  }
0x19b: {  	v15 =	vld [tilespmem:s21+$0x10];
	v27 =	vmul.f32 v57, v31;
	[tilespmem:s21+$0xA0] =	vst v4  }
0x19c: {  	v17 =	vld [tilespmem:s21+$0x20];
	v26 =	vmul.f32 v59, v26;
	[tilespmem:s21+$0xFFFFFFB0] =	vst v18  }
0x19d: {  	v14 =	vmul.f32 v14, v28;
	v4 =	vld [tilespmem:s21+$0x50];
	[tilespmem:s21+$0xFFFFFFC0] =	vst v27  }
0x19e: {  	v18 =	vld [tilespmem:s21+$0x30];
	[tilespmem:s21+$0xFFFFFFD0] =	vst v26;
	v16 =	vmul.f32 v16, v22  }
0x19f: {  	v27 =	vld [tilespmem:s21+$0x40];
	v5 =	vmul.f32 v24, v5;
	[tilespmem:s21+$0xFFFFFFE0] =	vst v14  }
0x1a0: {  	v22 =	vld [tilespmem:s21+$0x60];
	v15 =	vmul.f32 v21, v15;
	[tilespmem:s21+$0xFFFFFFF0] =	vst v16  }
0x1a1: {  	v14 =	vld [tilespmem:s21+$0x70];
	v16 =	vmul.f32 v23, v17;
	[tilespmem:s21+$0x0] =	vst v5  }
0x1a2: {  	v1 =	vld [tilespmem:s1+$0xE0];
	[tilespmem:s1+$0x10] =	vst v15;
	v4 =	vmul.f32 v4, v19  }
0x1a3: {  	v2 =	vld [tilespmem:s21+$0xD0];
	[tilespmem:s1+$0x20] =	vst v16;
	v5 =	vmul.f32 v18, v20  }
0x1a4: {  	v15 =	vmul.f32 v27, v25;
	[tilespmem:s1+$0x50] =	vst v4;
	v4 =	vld [tilespmem:s21+$0xC0]  }
0x1a5: {  	v3 =	vmul.f32 v22, v37;
	[tilespmem:s1+$0x30] =	vst v5;
	v5 =	vld [tilespmem:s21+$0xB0]  }
0x1a6: {  	v0 =	vmul.f32 v14, v36;
	[tilespmem:s1+$0x40] =	vst v15  }
0x1a7: {  	v1 =	vmul.f32 v1, v10;
	[tilespmem:s1+$0x60] =	vst v3  }
0x1a8: {  	[tilespmem:s1+$0x70] =	vst v0;
	v0 =	vmul.f32 v2, v7  }
0x1a9: {  	[tilespmem:s1+$0xE0] =	vst v1;
	v3 =	vmul.f32 v4, v12  }
0x1aa: {  	[tilespmem:s1+$0xD0] =	vst v0;
	v5 =	vmul.f32 v5, v13  }
0x1ab: {  	[tilespmem:s1+$0xC0] =	vst v3  }
0x1ac: {  	s22 =	rddreg [dreg:$0x3];
	s16 =	simm.s32 $0x1E0;
	s0 =	simm.s32 $0x8100;
	[tilespmem:s1+$0xB0] =	vst v5  }
0x1ad: {  	[spmem:s22] =	stream.indirect.scatter.add.f32 [tilespmem:s0], [sflag:$0xB], $0x10, s16, s26, $0xb8;
	[tilespmem:$0x1EA80] =	vst v63  }
0x1ae: {  	_ =	swait.ge [sflag:s4], $0x600  }
0x1af: {  	[sflag:s4] =	ssyncset.done $0x0  }
0x1b0: {  	[sflag:s4] =	ssyncadd.s32 $0xFFFFFA00  }
0x1b1: {  	s2 =	simm.s32 $0x4B00;
	s0 =	rddreg [dreg:$0x2]  }
0x1b2: {  	[spmem:s0] =	stream.indirect.scatter.add.f32 [tilespmem:s2], [sflag:$0xB], $0x80, s16, s26, $0xb8;
	[tilespmem:$0x1EA80] =	vst v63  }
0x1b3: {  	_ =	swait.ge [sflag:s4], $0x3000  }
0x1b4: {  	[sflag:s4] =	ssyncset.done $0x0  }
0x1b5: {  	[sflag:s4] =	ssyncadd.s32 $0xFFFFD000  }
0x1b6: {  	_ =	swait.ge [sflag:s10], $0x600  }
0x1b7: {  	[sflag:s10] =	ssyncset.done $0x0  }
0x1b8: {  	[sflag:s10] =	ssyncadd.s32 $0xFFFFFA00  }
0x1b9: {  	_ =	swait.ge [sflag:s11], $0x600  }
0x1ba: {  	[sflag:s11] =	ssyncset.done $0x0  }
0x1bb: {  	[sflag:s11] =	ssyncadd.s32 $0xFFFFFA00  }
0x1bc: {  	_ =	swait.ge [sflag:s12], $0x3000  }
0x1bd: {  	[sflag:s12] =	ssyncset.done $0x0  }
0x1be: {  	[sflag:s12] =	ssyncadd.s32 $0xFFFFD000  }
0x1bf: {  	_ =	swait.ge [sflag:s23], $0x60  }
0x1c0: {  	[sflag:s23] =	ssyncset.done $0x0  }
0x1c1: {  	[sflag:s23] =	ssyncadd.s32 $0xFFFFFFA0  }
0x1c2: {  	_ =	swait.ge [sflag:s23], $0x60  }
0x1c3: {  	[sflag:s23] =	ssyncset.done $0x0  }
0x1c4: {  	s17 =	simm.s32 $0x900;
	s21 =	simm.s32 $0x120;
	[sflag:s23] =	ssyncadd.s32 $0xFFFFFFA0  }
0x1c5: {  	[tilespmem:s17], [sflag:$0x4] =	stream.indirect.gather [hbm4b:s6+s26], $0x10, s21, s26, $0xb8;
	[tilespmem:$0x1EA80] =	vst v63  }
0x1c6: {  	s22 =	simm.s32 $0x1500  }
0x1c7: {  	[tilespmem:s22], [sflag:$0x5] =	stream.indirect.gather [hbm4b:s7+s26], $0x10, s25, s26, $0xb8;
	[tilespmem:$0x1EA80] =	vst v63  }
0x1c8: {  	_ = 	snop  }
0x1c9: {  	[tilespmem:s2], [sflag:$0x6] =	stream.indirect.gather [hbm4b:s5+s26], $0x80, s21, s26, $0xb8;
	[tilespmem:$0x1EA80] =	vst v63  }
0x1ca: {  	s2 =	rddreg [dreg:$0xf]  }
0x1cb: {  	s1 =	sadd.s32 s30, s2  }
0x1cc: {  	s1 =	sshrl.u32 s1, $0x3  }
0x1cd: {  	s16 =	sadd.s32 s8, s1  }
0x1ce: {  	[tilespmem:s3], [sflag:$0x7] =	stream.linear.gather [hbm4b:s16+s3], $0x60, $0x38;
	[tilespmem:$0x1EA80] =	vst v63  }
0x1cf: {  	s17 =	simm.s32 $0x320;
	s1 =	sadd.s32 s9, s1  }
0x1d0: {  	[tilespmem:s28], [sflag:$0x7] =	stream.linear.gather [hbm4b:s1+s3], $0x60, $0x38;
	[tilespmem:$0x1EA80] =	vst v63  }
0x1d1: {  	s21 =	simm.s32 $0xF20;
	v0 =	vld [tilespmem:s17+$0x10]  }
0x1d2: {  	v1 =	vld [tilespmem:s21+$0x10]  }
0x1d3: {  	v3 =	vld [tilespmem:s17+$0xFFFFFFF0]  }
0x1d4: {  	v4 =	vld [tilespmem:s21+$0xFFFFFFF0]  }
0x1d5: {  	v5 =	vld [tilespmem:s17+$0x0]  }
0x1d6: {  	v6 =	vld [tilespmem:s21+$0x0]  }
0x1d7: {  	v0 =	vadd.f32 v1, v0;
	_ =	sdelay $0x1  }
0x1d8: {  	v2 =	vld [tilespmem:s21+$0xFFFFFFE0];
	v3 =	vadd.f32 v4, v3;
	v7 =	vmul.f32 $2.000000030e-01, v0  }
0x1d9: {  	v1 =	vld [tilespmem:s17+$0xFFFFFFE0];
	vm1 =	vge.f32 v0, $0.0e+00  }
0x1da: {  	v4 =	vadd.f32 v6, v5;
	v5 =	vmul.f32 $2.000000030e-01, v3;
	v0 =	vsel vm1, v0, v7  }
0x1db: {  	vm1 =	vge.f32 v3, $0.0e+00;
	v0 =	vmul.f32 $1.442695020e+00, v0  }
0x1dc: {  	v3 =	vsel vm1, v3, v5  }
0x1dd: {  	v3 =	vmul.f32 $1.442695020e+00, v3;
	(erf) = vpow2.f32 v0  }
0x1de: {  	v1 =	vadd.f32 v2, v1  }
0x1df: {  	v2 =	vmul.f32 $2.000000030e-01, v4;
	(erf) = vpow2.f32 v3  }
0x1e0: {  	vm2 =	vge.f32 v4, $0.0e+00;
	v0 =	vmul.f32 $2.000000030e-01, v1  }
0x1e1: {  	vm1 =	vge.f32 v1, $0.0e+00;
	v2 =	vsel vm2, v4, v2  }
0x1e2: {  	v0 =	vsel vm1, v1, v0;
	v1 =	vmul.f32 $1.442695020e+00, v2  }
0x1e3: {  	v0 =	vmul.f32 $1.442695020e+00, v0  }
0x1e4: {  	s25 =	simm.s32 $0x360;
	(erf) = vpow2.f32 v1  }
0x1e5: {  	v60 =	vld [tilespmem:s25+$0x10];
	(erf) = vpow2.f32 v0  }
0x1e6: {  	v57 =	vld [tilespmem:s25+$0xFFFFFFF0];
	s17 =	simm.s32 $0xF60;
	v4 =	vpop (erf)  }
0x1e7: {  	v61 =	vld [tilespmem:s17+$0x10];
	v12 =	vbroadcast v4, $0x0;
	v13 =	vbroadcast v4, $0x1  }
0x1e8: {  	s22 =	simm.s32 $0x7B20;
	v54 =	vld [tilespmem:s17+$0xFFFFFFE0];
	v0 =	vnsel vm0, $0x0, v4;
	v7 =	vpop (erf);
	v15 =	vbroadcast v4, $0x2;
	v3 =	vbroadcast v4, $0x5  }
0x1e9: {  	s31 =	simm.s32 $0x1C00;
	v59 =	vld [tilespmem:s17+$0xFFFFFFF0];
	v2 =	vbroadcast v4, $0x6;
	[tilespmem:s22+$0x10] =	vst v0;
	v18 =	vbroadcast v7, $0x0  }
0x1ea: {  	v20 =	vbroadcast v7, $0x1;
	v21 =	vbroadcast v7, $0x2;
	v5 =	vld [tilespmem:s31+$0xF0]  }
0x1eb: {  	v36 =	vbroadcast v7, $0x3;
	v37 =	vbroadcast v7, $0x4;
	v6 =	vld [tilespmem:s31+$0x80]  }
0x1ec: {  	v0 =	vnsel vm0, $0x0, v7;
	v39 =	vbroadcast v7, $0x5;
	v40 =	vbroadcast v7, $0x6;
	v8 =	vld [tilespmem:s31+$0x90]  }
0x1ed: {  	v7 =	vbroadcast v7, $0x7;
	[tilespmem:s22+$0xFFFFFFF0] =	vst v0;
	v10 =	vld [tilespmem:s31+$0xA0];
	v0 =	vbroadcast v4, $0x3;
	v9 =	vpop (erf)  }
0x1ee: {  	v14 =	vld [tilespmem:s31+$0xFFFFFF80];
	v11 =	vpop (erf);
	v42 =	vbroadcast v9, $0x0;
	v62 =	vbroadcast v9, $0x1  }
0x1ef: {  	v16 =	vld [tilespmem:s31+$0xFFFFFF90];
	v63 =	vbroadcast v9, $0x2;
	v55 =	vbroadcast v9, $0x3;
	v1 =	vnsel vm0, $0x0, v11  }
0x1f0: {  	v38 =	vld [tilespmem:s31+$0xFFFFFFA0];
	v56 =	vbroadcast v9, $0x4;
	v58 =	vbroadcast v9, $0x5;
	[tilespmem:s22+$0xFFFFFFE0] =	vst v1  }
0x1f1: {  	v23 =	vbroadcast v11, $0x0;
	v25 =	vbroadcast v11, $0x1;
	v17 =	vld [tilespmem:s31+$0xFFFFFF00]  }
0x1f2: {  	v26 =	vbroadcast v11, $0x2;
	v29 =	vbroadcast v11, $0x3;
	v19 =	vld [tilespmem:s31+$0xFFFFFF10]  }
0x1f3: {  	v31 =	vbroadcast v11, $0x4;
	v32 =	vbroadcast v11, $0x5;
	v22 =	vld [tilespmem:s31+$0xFFFFFF20]  }
0x1f4: {  	v34 =	vbroadcast v11, $0x6;
	v11 =	vbroadcast v11, $0x7;
	v24 =	vld [tilespmem:s31+$0xFFFFFF30]  }
0x1f5: {  	v1 =	vbroadcast v4, $0x4;
	v4 =	vbroadcast v4, $0x7;
	v27 =	vld [tilespmem:s31+$0xFFFFFF40]  }
0x1f6: {  	v30 =	vld [tilespmem:s31+$0xFFFFFF50];
	v6 =	vmul.f32 v12, v6;
	v8 =	vmul.f32 v13, v8  }
0x1f7: {  	v33 =	vld [tilespmem:s31+$0xFFFFFF60];
	v28 =	vmul.f32 v5, v4;
	v4 =	vbroadcast v9, $0x6  }
0x1f8: {  	v5 =	vbroadcast v9, $0x7;
	v16 =	vmul.f32 v20, v16;
	v20 =	vld [tilespmem:s25+$0xFFFFFFE0];
	v9 =	vnsel vm0, $0x0, v9  }
0x1f9: {  	v14 =	vmul.f32 v18, v14;
	[tilespmem:s22+$0x0] =	vst v9;
	v9 =	vadd.f32 v59, v57;
	v17 =	vmul.f32 v23, v17;
	v23 =	vld [tilespmem:s25+$0x0]  }
0x1fa: {  	v19 =	vmul.f32 v25, v19;
	v25 =	vld [tilespmem:s17+$0x0];
	v24 =	vmul.f32 v24, v29;
	v29 =	vadd.f32 v61, v60  }
0x1fb: {  	v35 =	vld [tilespmem:s31+$0xFFFFFF70];
	v10 =	vmul.f32 v15, v10;
	v21 =	vmul.f32 v21, v38;
	[tilespmem:s31+$0x80] =	vst v6  }
0x1fc: {  	v13 =	vld [tilespmem:s31+$0xFFFFFFE0];
	[tilespmem:s31+$0xFFFFFF80] =	vst v14;
	v15 =	vmul.f32 $2.000000030e-01, v9;
	v14 =	vmul.f32 $2.000000030e-01, v29  }
0x1fd: {  	v18 =	vld [tilespmem:s31+$0xFFFFFFB0];
	[tilespmem:s31+$0xFFFFFF90] =	vst v16;
	v22 =	vmul.f32 v26, v22;
	v26 =	vmul.f32 v27, v31;
	vm1 =	vge.f32 v29, $0.0e+00  }
0x1fe: {  	[tilespmem:s31+$0xFFFFFFA0] =	vst v21;
	v21 =	vld [tilespmem:s31+$0x10];
	v27 =	vmul.f32 v30, v32;
	v16 =	vadd.f32 v54, v20;
	v12 =	vsel vm1, v29, v14  }
0x1ff: {  	[tilespmem:s31+$0x90] =	vst v8;
	v30 =	vld [tilespmem:s31+$0xFFFFFFC0];
	v31 =	vmul.f32 v33, v34;
	v14 =	vadd.f32 v25, v23;
	v12 =	vmul.f32 $1.442695020e+00, v12  }
0x200: {  	v60 =	vld [tilespmem:s31+$0xFFFFFFD0];
	[tilespmem:s31+$0xFFFFFF10] =	vst v19;
	vm3 =	vge.f32 v16, $0.0e+00;
	v19 =	vmul.f32 $2.000000030e-01, v16;
	vm1 =	vge.f32 v9, $0.0e+00  }
0x201: {  	v20 =	vld [tilespmem:s31+$0xFFFFFFF0];
	[tilespmem:s31+$0xFFFFFF00] =	vst v17;
	v9 =	vsel vm1, v9, v15;
	v17 =	vmul.f32 $2.000000030e-01, v14;
	(erf) = vpow2.f32 v12  }
0x202: {  	[tilespmem:s31+$0xA0] =	vst v10;
	v15 =	vsel vm3, v16, v19;
	v16 =	vld [tilespmem:s31+$0x30];
	v9 =	vmul.f32 $1.442695020e+00, v9;
	vm2 =	vge.f32 v14, $0.0e+00  }
0x203: {  	v11 =	vmul.f32 v35, v11;
	[tilespmem:s31+$0xFFFFFF20] =	vst v22;
	v22 =	vmul.f32 v18, v36;
	v12 =	vld [tilespmem:s31+$0x0];
	v14 =	vsel vm2, v14, v17  }
0x204: {  	[tilespmem:s31+$0xF0] =	vst v28;
	(erf) = vpow2.f32 v9;
	v9 =	vld [tilespmem:s31+$0x40];
	v14 =	vmul.f32 $1.442695020e+00, v14  }
0x205: {  	[tilespmem:s31+$0xFFFFFF30] =	vst v24;
	v21 =	vmul.f32 v62, v21;
	v15 =	vmul.f32 $1.442695020e+00, v15;
	v17 =	vld [tilespmem:s31+$0x20]  }
0x206: {  	[tilespmem:s31+$0xFFFFFF40] =	vst v26;
	v24 =	vld [tilespmem:s31+$0x50];
	v19 =	vmul.f32 v30, v37;
	(erf) = vpow2.f32 v14  }
0x207: {  	v6 =	vld [tilespmem:s31+$0xB0];
	[tilespmem:s31+$0xFFFFFF50] =	vst v27;
	v23 =	vmul.f32 v60, v39;
	(erf) = vpow2.f32 v15  }
0x208: {  	v8 =	vld [tilespmem:s31+$0xC0];
	[tilespmem:s31+$0xFFFFFF60] =	vst v31;
	v25 =	vmul.f32 v13, v40;
	v20 =	vmul.f32 v20, v7  }
0x209: {  	[tilespmem:s31+$0xFFFFFF70] =	vst v11;
	v11 =	vld [tilespmem:s31+$0xE0];
	v61 =	vmul.f32 v16, v55;
	v26 =	vmul.f32 v42, v12  }
0x20a: {  	[tilespmem:s31+$0xFFFFFFB0] =	vst v22;
	v14 =	vld [tilespmem:s31+$0x60];
	v62 =	vmul.f32 v9, v56;
	v28 =	vmul.f32 v63, v17;
	v31 =	vpop (erf)  }
0x20b: {  	s2 =	simm.s32 $0x7B60;
	[tilespmem:s31+$0xFFFFFFC0] =	vst v19;
	v15 =	vld [tilespmem:s31+$0x70];
	v63 =	vmul.f32 v24, v58;
	v7 =	vnsel vm0, $0x0, v31;
	v18 =	vbroadcast v31, $0x0  }
0x20c: {  	s21 =	simm.s32 $0x1E00;
	v9 =	vld [tilespmem:s31+$0xD0];
	v16 =	vbroadcast v31, $0x1;
	v17 =	vbroadcast v31, $0x2;
	[tilespmem:s2+$0x10] =	vst v7  }
0x20d: {  	[tilespmem:s31+$0xFFFFFFD0] =	vst v23;
	v13 =	vbroadcast v31, $0x3;
	v12 =	vbroadcast v31, $0x4;
	v22 =	vld [tilespmem:s21+$0xF0]  }
0x20e: {  	[tilespmem:s31+$0xFFFFFFE0] =	vst v25;
	v10 =	vbroadcast v31, $0x6;
	v19 =	vpop (erf);
	v7 =	vbroadcast v31, $0x5;
	v27 =	vld [tilespmem:s21+$0x80]  }
0x20f: {  	[tilespmem:s31+$0x0] =	vst v26;
	v23 =	vnsel vm0, $0x0, v19;
	v35 =	vbroadcast v19, $0x0;
	v33 =	vbroadcast v19, $0x1;
	v29 =	vld [tilespmem:s21+$0x90];
	v57 =	vpop (erf)  }
0x210: {  	v34 =	vbroadcast v19, $0x2;
	v32 =	vbroadcast v19, $0x3;
	[tilespmem:s2+$0xFFFFFFF0] =	vst v23;
	v30 =	vld [tilespmem:s21+$0xA0];
	v24 =	vpop (erf)  }
0x211: {  	[tilespmem:s31+$0x20] =	vst v28;
	v26 =	vbroadcast v19, $0x5;
	v28 =	vbroadcast v19, $0x6;
	v40 =	vld [tilespmem:s21+$0xFFFFFF80];
	v25 =	vnsel vm0, $0x0, v24  }
0x212: {  	v23 =	vbroadcast v31, $0x7;
	v31 =	vbroadcast v19, $0x4;
	v41 =	vld [tilespmem:s21+$0xFFFFFF90];
	[tilespmem:s2+$0xFFFFFFE0] =	vst v25  }
0x213: {  	[tilespmem:s31+$0x10] =	vst v21;
	v21 =	vbroadcast v57, $0x1;
	v37 =	vbroadcast v57, $0x6;
	v50 =	vld [tilespmem:s21+$0xFFFFFF00]  }
0x214: {  	v36 =	vbroadcast v57, $0x7;
	v42 =	vbroadcast v24, $0x0;
	v51 =	vld [tilespmem:s21+$0xFFFFFF10]  }
0x215: {  	v43 =	vbroadcast v24, $0x1;
	v45 =	vbroadcast v24, $0x2;
	v52 =	vld [tilespmem:s21+$0xFFFFFF20]  }
0x216: {  	[tilespmem:s31+$0xFFFFFFF0] =	vst v20;
	v49 =	vbroadcast v24, $0x3;
	v47 =	vbroadcast v24, $0x4;
	v53 =	vld [tilespmem:s21+$0xFFFFFF30]  }
0x217: {  	[tilespmem:s31+$0x30] =	vst v61;
	v48 =	vbroadcast v24, $0x5;
	v44 =	vbroadcast v24, $0x6;
	v54 =	vld [tilespmem:s21+$0xFFFFFF40]  }
0x218: {  	[tilespmem:s31+$0x40] =	vst v62;
	v20 =	vnsel vm0, $0x0, v57;
	v46 =	vbroadcast v24, $0x7;
	v24 =	vbroadcast v57, $0x0;
	v38 =	vld [tilespmem:s21+$0xFFFFFF50]  }
0x219: {  	[tilespmem:s2+$0x0] =	vst v20;
	v20 =	vbroadcast v57, $0x3;
	v25 =	vmul.f32 v22, v23;
	v39 =	vld [tilespmem:s21+$0xFFFFFF60]  }
0x21a: {  	s14 =	simm.s32 $0x1E0;
	[tilespmem:s31+$0x50] =	vst v63;
	v22 =	vbroadcast v19, $0x7;
	v23 =	vbroadcast v57, $0x2;
	v56 =	vld [tilespmem:s21+$0xFFFFFF70]  }
0x21b: {  	s16 =	simm.s32 $0x4;
	s1 =	simm.s32 $0x1E00;
	s22 =	simm.s32 $0x3A0;
	v55 =	vld [tilespmem:s21+$0xFFFFFFA0];
	v19 =	vbroadcast v57, $0x5;
	[tilespmem:s21+$0xF0] =	vst v25;
	v25 =	vbroadcast v57, $0x4  }
.LBB2_7:
0x21c: {  	v57 =	vld [tilespmem:s22+$0x10];
	v42 =	vmul.f32 v42, v50;
	v43 =	vmul.f32 v43, v51;
	s17 =	sadd.s32 $0x40, s17  }
0x21d: {  	s16 =	sadd.s32 $0x4, s16;
	v45 =	vmul.f32 v45, v52;
	v49 =	vmul.f32 v53, v49;
	v50 =	vld [tilespmem:s17+$0x10]  }
0x21e: {  	p0 =	slt.u32 s16, $0x5C;
	v38 =	vmul.f32 v38, v48;
	v51 =	vld [tilespmem:s17+$0xFFFFFFE0];
	[tilespmem:s21+$0xFFFFFF00] =	vst v42;
	v42 =	vmul.f32 v54, v47  }
0x21f: {  	v39 =	vmul.f32 v39, v44;
	v47 =	vld [tilespmem:s22+$0xFFFFFFF0];
	[tilespmem:s21+$0xFFFFFF10] =	vst v43;
	v43 =	vmul.f32 v56, v46  }
0x220: {  	v35 =	vmul.f32 v35, v40;
	v33 =	vmul.f32 v33, v41;
	v44 =	vld [tilespmem:s17+$0xFFFFFFF0];
	[tilespmem:s21+$0xFFFFFF20] =	vst v45  }
0x221: {  	v14 =	vmul.f32 v14, v4;
	v4 =	vmov v37;
	v34 =	vmul.f32 v34, v55;
	v40 =	vld [tilespmem:s22+$0x0];
	[tilespmem:s21+$0xFFFFFF30] =	vst v49  }
0x222: {  	v18 =	vmul.f32 v18, v27;
	v15 =	vmul.f32 v15, v5;
	v41 =	vld [tilespmem:s17+$0x0];
	v45 =	vadd.f32 v50, v57;
	[tilespmem:s21+$0xFFFFFF40] =	vst v42  }
0x223: {  	v16 =	vmul.f32 v16, v29;
	v17 =	vmul.f32 v17, v30;
	v5 =	vmov v36;
	v27 =	vld [tilespmem:s22+$0xFFFFFFE0];
	[tilespmem:s21+$0xFFFFFF50] =	vst v38  }
0x224: {  	v37 =	vmul.f32 v6, v0;
	v0 =	vmov v13;
	v29 =	vmul.f32 $2.000000030e-01, v45;
	[tilespmem:s21+$0xFFFFFF60] =	vst v39;
	v30 =	vld [tilespmem:s21+$0xFFFFFFB0]  }
0x225: {  	v38 =	vmul.f32 v8, v1;
	v1 =	vmovc v12;
	vm1 =	vge.f32 v45, $0.0e+00;
	v6 =	vadd.f32 v44, v47;
	[tilespmem:s21+$0xFFFFFF70] =	vst v43;
	v13 =	vld [tilespmem:s21+$0xFFFFFFC0]  }
0x226: {  	v36 =	vmul.f32 v11, v2;
	v39 =	vmul.f32 v9, v3;
	v8 =	vsel vm1, v45, v29;
	[tilespmem:s21+$0xFFFFFF80] =	vst v35;
	v12 =	vld [tilespmem:s21+$0xFFFFFFD0]  }
0x227: {  	v2 =	vmovc v10;
	v3 =	vmovc v7;
	v9 =	vmul.f32 $2.000000030e-01, v6;
	v11 =	vadd.f32 v41, v40;
	v8 =	vmul.f32 $1.442695020e+00, v8;
	[tilespmem:s21+$0xFFFFFF90] =	vst v33;
	v29 =	vld [tilespmem:s21+$0xFFFFFFE0]  }
0x228: {  	vm1 =	vge.f32 v6, $0.0e+00;
	v7 =	vadd.f32 v51, v27;
	[tilespmem:s21+$0xFFFFFFA0] =	vst v34;
	v10 =	vld [tilespmem:s21+$0xFFFFFFF0]  }
0x229: {  	vm2 =	vge.f32 v11, $0.0e+00;
	v27 =	vmul.f32 $2.000000030e-01, v11;
	(erf) = vpow2.f32 v8;
	v8 =	vld [tilespmem:s21+$0x0];
	[tilespmem:s31+$0x60] =	vst v14  }
0x22a: {  	v6 =	vsel vm1, v6, v9;
	vm3 =	vge.f32 v7, $0.0e+00;
	v14 =	vmul.f32 $2.000000030e-01, v7;
	v9 =	vld [tilespmem:s21+$0x10];
	[tilespmem:s31+$0x70] =	vst v15  }
0x22b: {  	v6 =	vmul.f32 $1.442695020e+00, v6;
	v15 =	vmul.f32 v30, v32;
	v11 =	vsel vm2, v11, v27;
	v27 =	vld [tilespmem:s21+$0x20];
	[tilespmem:s21+$0x80] =	vst v18  }
0x22c: {  	v13 =	vmul.f32 v13, v31;
	v7 =	vsel vm3, v7, v14;
	v11 =	vmul.f32 $1.442695020e+00, v11;
	v18 =	vld [tilespmem:s21+$0x30];
	[tilespmem:s21+$0x90] =	vst v16  }
0x22d: {  	v7 =	vmul.f32 $1.442695020e+00, v7;
	(erf) = vpow2.f32 v6;
	[tilespmem:s21+$0xFFFFFFB0] =	vst v15;
	v16 =	vld [tilespmem:s21+$0x40]  }
0x22e: {  	v6 =	vmul.f32 v12, v26;
	(erf) = vpow2.f32 v11;
	[tilespmem:s21+$0xFFFFFFC0] =	vst v13;
	v26 =	vld [tilespmem:s21+$0x50]  }
0x22f: {  	(erf) = vpow2.f32 v7;
	v7 =	vmul.f32 v29, v28;
	v14 =	vld [tilespmem:s21+$0x60];
	[tilespmem:s21+$0xA0] =	vst v17  }
0x230: {  	v10 =	vmul.f32 v10, v22;
	v11 =	vmul.f32 v24, v8;
	[tilespmem:s21+$0xFFFFFFD0] =	vst v6;
	v15 =	vld [tilespmem:s21+$0x70]  }
0x231: {  	v21 =	vmul.f32 v21, v9;
	v22 =	vmul.f32 v23, v27;
	[tilespmem:s21+$0xFFFFFFE0] =	vst v7;
	v6 =	vld [tilespmem:s21+$0xB0]  }
0x232: {  	v20 =	vmul.f32 v18, v20;
	v23 =	vpop (erf);
	[tilespmem:s21+$0xFFFFFFF0] =	vst v10;
	v24 =	vmul.f32 v16, v25;
	v8 =	vld [tilespmem:s21+$0xC0]  }
0x233: {  	s2 =	sadd.s32 $0x40, s2;
	v7 =	vnsel vm0, $0x0, v23;
	v18 =	vbroadcast v23, $0x0;
	v16 =	vbroadcast v23, $0x1;
	[tilespmem:s21+$0x0] =	vst v11;
	v9 =	vld [tilespmem:s21+$0xD0]  }
0x234: {  	v17 =	vbroadcast v23, $0x2;
	v13 =	vbroadcast v23, $0x3;
	s21 =	sadd.s32 $0x200, s21;
	[tilespmem:s2+$0x10] =	vst v7;
	v11 =	vld [tilespmem:s1+$0xE0]  }
0x235: {  	v12 =	vbroadcast v23, $0x4;
	v7 =	vbroadcast v23, $0x5;
	v25 =	vld [tilespmem:s21+$0xF0];
	[tilespmem:s1+$0x10] =	vst v21  }
0x236: {  	v10 =	vbroadcast v23, $0x6;
	v19 =	vmul.f32 v26, v19;
	v27 =	vld [tilespmem:s21+$0x80];
	v21 =	vpop (erf);
	[tilespmem:s1+$0x20] =	vst v22  }
0x237: {  	v22 =	vnsel vm0, $0x0, v21;
	v35 =	vbroadcast v21, $0x0;
	v33 =	vbroadcast v21, $0x1;
	v29 =	vld [tilespmem:s21+$0x90];
	v57 =	vpop (erf);
	[tilespmem:s1+$0x30] =	vst v20  }
0x238: {  	v34 =	vbroadcast v21, $0x2;
	[tilespmem:s2+$0xFFFFFFF0] =	vst v22;
	v20 =	vnsel vm0, $0x0, v57;
	v30 =	vld [tilespmem:s21+$0xA0];
	v22 =	vbroadcast v23, $0x7;
	v23 =	vpop (erf)  }
0x239: {  	v26 =	vnsel vm0, $0x0, v23;
	v42 =	vbroadcast v23, $0x0;
	v43 =	vbroadcast v23, $0x1;
	v40 =	vld [tilespmem:s21+$0xFFFFFF80];
	[tilespmem:s2+$0x0] =	vst v20  }
0x23a: {  	v45 =	vbroadcast v23, $0x2;
	[tilespmem:s2+$0xFFFFFFE0] =	vst v26;
	v41 =	vld [tilespmem:s21+$0xFFFFFF90];
	v20 =	vmul.f32 v25, v22  }
0x23b: {  	v49 =	vbroadcast v23, $0x3;
	v47 =	vbroadcast v23, $0x4;
	v50 =	vld [tilespmem:s21+$0xFFFFFF00];
	[tilespmem:s1+$0x40] =	vst v24  }
0x23c: {  	v48 =	vbroadcast v23, $0x5;
	v44 =	vbroadcast v23, $0x6;
	v51 =	vld [tilespmem:s21+$0xFFFFFF10];
	[tilespmem:s21+$0xF0] =	vst v20  }
0x23d: {  	v32 =	vbroadcast v21, $0x3;
	v46 =	vbroadcast v23, $0x7;
	v52 =	vld [tilespmem:s21+$0xFFFFFF20];
	[tilespmem:s1+$0x50] =	vst v19  }
0x23e: {  	v31 =	vbroadcast v21, $0x4;
	v26 =	vbroadcast v21, $0x5;
	v53 =	vld [tilespmem:s21+$0xFFFFFF30];
	[tilespmem:s31+$0xB0] =	vst v37  }
.Ltmp2:
0x23f: {  	v28 =	vbroadcast v21, $0x6;
	v22 =	vbroadcast v21, $0x7;
	v54 =	vld [tilespmem:s21+$0xFFFFFF40];
	[tilespmem:s31+$0xC0] =	vst v38;
	(pc) =	sbr.rel @p0 .LBB2_7-.Ltmp2, $4  }
0x240: {  	v21 =	vbroadcast v57, $0x1;
	v24 =	vbroadcast v57, $0x0;
	v38 =	vld [tilespmem:s21+$0xFFFFFF50];
	[tilespmem:s31+$0xD0] =	vst v39  }
0x241: {  	v23 =	vbroadcast v57, $0x2;
	v20 =	vbroadcast v57, $0x3;
	v39 =	vld [tilespmem:s21+$0xFFFFFF60];
	[tilespmem:s31+$0xE0] =	vst v36;
	s31 =	smov.u32 s1;
	s1 =	smov.u32 s21  }
0x242: {  	v25 =	vbroadcast v57, $0x4;
	v19 =	vbroadcast v57, $0x5;
	v56 =	vld [tilespmem:s21+$0xFFFFFF70]  }
0x243: {  	s22 =	sadd.s32 $0x40, s22;
	v37 =	vbroadcast v57, $0x6;
	v36 =	vbroadcast v57, $0x7;
	v55 =	vld [tilespmem:s21+$0xFFFFFFA0]  }
0x244: {  	v42 =	vmul.f32 v42, v50  }
0x245: {  	v43 =	vmul.f32 v43, v51  }
0x246: {  	v45 =	vmul.f32 v45, v52;
	[tilespmem:s21+$0xFFFFFF00] =	vst v42  }
0x247: {  	v52 =	vmul.f32 v53, v49;
	[tilespmem:s21+$0xFFFFFF10] =	vst v43  }
0x248: {  	v53 =	vmul.f32 v54, v47;
	[tilespmem:s21+$0xFFFFFF20] =	vst v45  }
0x249: {  	v35 =	vmul.f32 v35, v40;
	[tilespmem:s21+$0xFFFFFF30] =	vst v52  }
0x24a: {  	v33 =	vmul.f32 v33, v41;
	[tilespmem:s21+$0xFFFFFF40] =	vst v53  }
0x24b: {  	v4 =	vmul.f32 v14, v4;
	[tilespmem:s21+$0xFFFFFF80] =	vst v35  }
0x24c: {  	v5 =	vmul.f32 v15, v5;
	[tilespmem:s21+$0xFFFFFF90] =	vst v33  }
0x24d: {  	v15 =	vmul.f32 v18, v27;
	[tilespmem:s31+$0x60] =	vst v4  }
0x24e: {  	v0 =	vmul.f32 v6, v0;
	[tilespmem:s31+$0x70] =	vst v5  }
0x24f: {  	v1 =	vmul.f32 v8, v1;
	[tilespmem:s21+$0x80] =	vst v15  }
0x250: {  	v3 =	vmul.f32 v9, v3;
	[tilespmem:s31+$0xB0] =	vst v0  }
0x251: {  	v38 =	vmul.f32 v38, v48;
	[tilespmem:s31+$0xC0] =	vst v1  }
0x252: {  	v39 =	vmul.f32 v39, v44;
	[tilespmem:s31+$0xD0] =	vst v3  }
0x253: {  	v54 =	vld [tilespmem:s21+$0xFFFFFFB0];
	v4 =	vmul.f32 v16, v29;
	[tilespmem:s21+$0xFFFFFF50] =	vst v38  }
0x254: {  	v57 =	vld [tilespmem:s21+$0xFFFFFFC0];
	v0 =	vmul.f32 v11, v2;
	[tilespmem:s21+$0xFFFFFF60] =	vst v39  }
0x255: {  	v59 =	vld [tilespmem:s21+$0xFFFFFFD0];
	v58 =	vmul.f32 v56, v46;
	[tilespmem:s21+$0x90] =	vst v4  }
0x256: {  	v14 =	vld [tilespmem:s21+$0xFFFFFFE0];
	v34 =	vmul.f32 v34, v55;
	[tilespmem:s31+$0xE0] =	vst v0  }
0x257: {  	v16 =	vld [tilespmem:s21+$0xFFFFFFF0];
	v4 =	vmul.f32 v17, v30;
	[tilespmem:s21+$0xFFFFFF70] =	vst v58  }
0x258: {  	v5 =	vld [tilespmem:s21+$0x0];
	v18 =	vmul.f32 v54, v32;
	[tilespmem:s21+$0xFFFFFFA0] =	vst v34  }
0x259: {  	v15 =	vld [tilespmem:s21+$0x10];
	v27 =	vmul.f32 v57, v31;
	[tilespmem:s21+$0xA0] =	vst v4  }
0x25a: {  	v17 =	vld [tilespmem:s21+$0x20];
	v26 =	vmul.f32 v59, v26;
	[tilespmem:s21+$0xFFFFFFB0] =	vst v18  }
0x25b: {  	v14 =	vmul.f32 v14, v28;
	v4 =	vld [tilespmem:s21+$0x50];
	[tilespmem:s21+$0xFFFFFFC0] =	vst v27  }
0x25c: {  	v18 =	vld [tilespmem:s21+$0x30];
	[tilespmem:s21+$0xFFFFFFD0] =	vst v26;
	v16 =	vmul.f32 v16, v22  }
0x25d: {  	v27 =	vld [tilespmem:s21+$0x40];
	v5 =	vmul.f32 v24, v5;
	[tilespmem:s21+$0xFFFFFFE0] =	vst v14  }
0x25e: {  	v22 =	vld [tilespmem:s21+$0x60];
	v15 =	vmul.f32 v21, v15;
	[tilespmem:s21+$0xFFFFFFF0] =	vst v16  }
0x25f: {  	v14 =	vld [tilespmem:s21+$0x70];
	v16 =	vmul.f32 v23, v17;
	[tilespmem:s21+$0x0] =	vst v5  }
0x260: {  	v1 =	vld [tilespmem:s1+$0xE0];
	[tilespmem:s1+$0x10] =	vst v15;
	v4 =	vmul.f32 v4, v19  }
0x261: {  	v2 =	vld [tilespmem:s21+$0xD0];
	[tilespmem:s1+$0x20] =	vst v16;
	v5 =	vmul.f32 v18, v20  }
0x262: {  	v15 =	vmul.f32 v27, v25;
	[tilespmem:s1+$0x50] =	vst v4;
	v4 =	vld [tilespmem:s21+$0xC0]  }
0x263: {  	v3 =	vmul.f32 v22, v37;
	[tilespmem:s1+$0x30] =	vst v5;
	v5 =	vld [tilespmem:s21+$0xB0]  }
0x264: {  	v0 =	vmul.f32 v14, v36;
	[tilespmem:s1+$0x40] =	vst v15  }
0x265: {  	v1 =	vmul.f32 v1, v10;
	[tilespmem:s1+$0x60] =	vst v3  }
0x266: {  	[tilespmem:s1+$0x70] =	vst v0;
	v0 =	vmul.f32 v2, v7  }
0x267: {  	[tilespmem:s1+$0xE0] =	vst v1;
	v3 =	vmul.f32 v4, v12  }
0x268: {  	[tilespmem:s1+$0xD0] =	vst v0;
	v5 =	vmul.f32 v5, v13  }
0x269: {  	[tilespmem:s1+$0xC0] =	vst v3  }
0x26a: {  	s17 =	rddreg [dreg:$0x3];
	s2 =	simm.s32 $0x240;
	s0 =	simm.s32 $0x7B00;
	[tilespmem:s1+$0xB0] =	vst v5  }
0x26b: {  	[spmem:s17] =	stream.indirect.scatter.add.f32 [tilespmem:s0], [sflag:$0xB], $0x10, s2, s26, $0xb8;
	[tilespmem:$0x1EA80] =	vst v63  }
0x26c: {  	_ =	swait.ge [sflag:s4], $0x600  }
0x26d: {  	[sflag:s4] =	ssyncset.done $0x0  }
0x26e: {  	[sflag:s4] =	ssyncadd.s32 $0xFFFFFA00  }
0x26f: {  	s16 =	simm.s32 $0x1B00;
	s21 =	rddreg [dreg:$0x2]  }
0x270: {  	[spmem:s21] =	stream.indirect.scatter.add.f32 [tilespmem:s16], [sflag:$0xB], $0x80, s2, s26, $0xb8;
	[tilespmem:$0x1EA80] =	vst v63  }
0x271: {  	_ =	swait.ge [sflag:s4], $0x3000  }
0x272: {  	[sflag:s4] =	ssyncset.done $0x0  }
0x273: {  	[sflag:s4] =	ssyncadd.s32 $0xFFFFD000  }
0x274: {  	_ =	swait.ge [sflag:s24], $0x600  }
0x275: {  	[sflag:s24] =	ssyncset.done $0x0  }
0x276: {  	[sflag:s24] =	ssyncadd.s32 $0xFFFFFA00  }
0x277: {  	_ =	swait.ge [sflag:s18], $0x600  }
0x278: {  	[sflag:s18] =	ssyncset.done $0x0  }
0x279: {  	[sflag:s18] =	ssyncadd.s32 $0xFFFFFA00  }
0x27a: {  	_ =	swait.ge [sflag:s19], $0x3000  }
0x27b: {  	[sflag:s19] =	ssyncset.done $0x0  }
0x27c: {  	[sflag:s19] =	ssyncadd.s32 $0xFFFFD000  }
0x27d: {  	_ =	swait.ge [sflag:s29], $0x60  }
0x27e: {  	[sflag:s29] =	ssyncset.done $0x0  }
0x27f: {  	[sflag:s29] =	ssyncadd.s32 $0xFFFFFFA0  }
0x280: {  	_ =	swait.ge [sflag:s29], $0x60  }
0x281: {  	[sflag:s29] =	ssyncset.done $0x0  }
0x282: {  	s22 =	simm.s32 $0x300;
	s2 =	rddreg [dreg:$0x10];
	[sflag:s29] =	ssyncadd.s32 $0xFFFFFFA0  }
0x283: {  	[tilespmem:s22], [sflag:$0x1] =	stream.indirect.gather [hbm4b:s6+s26], $0x10, s3, s26, $0xb8;
	[tilespmem:$0x1EA80] =	vst v63  }
0x284: {  	s25 =	simm.s32 $0xF00;
	s1 =	sadd.s32 s30, s2  }
0x285: {  	[tilespmem:s25], [sflag:$0x2] =	stream.indirect.gather [hbm4b:s7+s26], $0x10, s28, s26, $0xb8;
	[tilespmem:$0x1EA80] =	vst v63  }
0x286: {  	s1 =	sshrl.u32 s1, $0x3  }
0x287: {  	[tilespmem:s16], [sflag:$0x3] =	stream.indirect.gather [hbm4b:s5+s26], $0x80, s3, s26, $0xb8;
	[tilespmem:$0x1EA80] =	vst v63  }
0x288: {  	s16 =	sadd.s32 s8, s1  }
0x289: {  	[tilespmem:s26], [sflag:$0x8] =	stream.linear.gather [hbm4b:s16+s3], $0x60, $0x38;
	[tilespmem:$0x1EA80] =	vst v63  }
0x28a: {  	s17 =	simm.s32 $0x920;
	s1 =	sadd.s32 s9, s1  }
0x28b: {  	[tilespmem:s14], [sflag:$0x8] =	stream.linear.gather [hbm4b:s1+s3], $0x60, $0x38;
	[tilespmem:$0x1EA80] =	vst v63  }
0x28c: {  	s21 =	simm.s32 $0x1520;
	v0 =	vld [tilespmem:s17+$0x10]  }
0x28d: {  	v1 =	vld [tilespmem:s21+$0x10]  }
0x28e: {  	v3 =	vld [tilespmem:s17+$0xFFFFFFF0]  }
0x28f: {  	v4 =	vld [tilespmem:s21+$0xFFFFFFF0]  }
0x290: {  	v5 =	vld [tilespmem:s17+$0x0]  }
0x291: {  	v6 =	vld [tilespmem:s21+$0x0]  }
0x292: {  	v0 =	vadd.f32 v1, v0;
	_ =	sdelay $0x1  }
0x293: {  	v2 =	vld [tilespmem:s21+$0xFFFFFFE0];
	v3 =	vadd.f32 v4, v3;
	v7 =	vmul.f32 $2.000000030e-01, v0  }
0x294: {  	v1 =	vld [tilespmem:s17+$0xFFFFFFE0];
	vm1 =	vge.f32 v0, $0.0e+00  }
0x295: {  	v4 =	vadd.f32 v6, v5;
	v5 =	vmul.f32 $2.000000030e-01, v3;
	v0 =	vsel vm1, v0, v7  }
0x296: {  	vm1 =	vge.f32 v3, $0.0e+00;
	v0 =	vmul.f32 $1.442695020e+00, v0  }
0x297: {  	v3 =	vsel vm1, v3, v5  }
0x298: {  	v3 =	vmul.f32 $1.442695020e+00, v3;
	(erf) = vpow2.f32 v0  }
0x299: {  	v1 =	vadd.f32 v2, v1  }
0x29a: {  	v2 =	vmul.f32 $2.000000030e-01, v4;
	(erf) = vpow2.f32 v3  }
0x29b: {  	vm2 =	vge.f32 v4, $0.0e+00;
	v0 =	vmul.f32 $2.000000030e-01, v1  }
0x29c: {  	vm1 =	vge.f32 v1, $0.0e+00;
	v2 =	vsel vm2, v4, v2  }
0x29d: {  	v0 =	vsel vm1, v1, v0;
	v1 =	vmul.f32 $1.442695020e+00, v2  }
0x29e: {  	v0 =	vmul.f32 $1.442695020e+00, v0  }
0x29f: {  	s25 =	simm.s32 $0x960;
	(erf) = vpow2.f32 v1  }
0x2a0: {  	v60 =	vld [tilespmem:s25+$0x10];
	(erf) = vpow2.f32 v0  }
0x2a1: {  	v57 =	vld [tilespmem:s25+$0xFFFFFFF0];
	s17 =	simm.s32 $0x1560;
	v4 =	vpop (erf)  }
0x2a2: {  	v61 =	vld [tilespmem:s17+$0x10];
	v12 =	vbroadcast v4, $0x0;
	v13 =	vbroadcast v4, $0x1  }
0x2a3: {  	s22 =	simm.s32 $0x8120;
	v54 =	vld [tilespmem:s17+$0xFFFFFFE0];
	v0 =	vnsel vm0, $0x0, v4;
	v7 =	vpop (erf);
	v15 =	vbroadcast v4, $0x2;
	v3 =	vbroadcast v4, $0x5  }
0x2a4: {  	s30 =	simm.s32 $0x4C00;
	v59 =	vld [tilespmem:s17+$0xFFFFFFF0];
	v2 =	vbroadcast v4, $0x6;
	[tilespmem:s22+$0x10] =	vst v0;
	v18 =	vbroadcast v7, $0x0  }
0x2a5: {  	v20 =	vbroadcast v7, $0x1;
	v21 =	vbroadcast v7, $0x2;
	v5 =	vld [tilespmem:s30+$0xF0]  }
0x2a6: {  	v36 =	vbroadcast v7, $0x3;
	v37 =	vbroadcast v7, $0x4;
	v6 =	vld [tilespmem:s30+$0x80]  }
0x2a7: {  	v0 =	vnsel vm0, $0x0, v7;
	v39 =	vbroadcast v7, $0x5;
	v40 =	vbroadcast v7, $0x6;
	v8 =	vld [tilespmem:s30+$0x90]  }
0x2a8: {  	v7 =	vbroadcast v7, $0x7;
	[tilespmem:s22+$0xFFFFFFF0] =	vst v0;
	v10 =	vld [tilespmem:s30+$0xA0];
	v0 =	vbroadcast v4, $0x3;
	v9 =	vpop (erf)  }
0x2a9: {  	v14 =	vld [tilespmem:s30+$0xFFFFFF80];
	v11 =	vpop (erf);
	v42 =	vbroadcast v9, $0x0;
	v62 =	vbroadcast v9, $0x1  }
0x2aa: {  	v16 =	vld [tilespmem:s30+$0xFFFFFF90];
	v63 =	vbroadcast v9, $0x2;
	v55 =	vbroadcast v9, $0x3;
	v1 =	vnsel vm0, $0x0, v11  }
0x2ab: {  	v38 =	vld [tilespmem:s30+$0xFFFFFFA0];
	v56 =	vbroadcast v9, $0x4;
	v58 =	vbroadcast v9, $0x5;
	[tilespmem:s22+$0xFFFFFFE0] =	vst v1  }
0x2ac: {  	v23 =	vbroadcast v11, $0x0;
	v25 =	vbroadcast v11, $0x1;
	v17 =	vld [tilespmem:s30+$0xFFFFFF00]  }
0x2ad: {  	v26 =	vbroadcast v11, $0x2;
	v29 =	vbroadcast v11, $0x3;
	v19 =	vld [tilespmem:s30+$0xFFFFFF10]  }
0x2ae: {  	v31 =	vbroadcast v11, $0x4;
	v32 =	vbroadcast v11, $0x5;
	v22 =	vld [tilespmem:s30+$0xFFFFFF20]  }
0x2af: {  	v34 =	vbroadcast v11, $0x6;
	v11 =	vbroadcast v11, $0x7;
	v24 =	vld [tilespmem:s30+$0xFFFFFF30]  }
0x2b0: {  	v1 =	vbroadcast v4, $0x4;
	v4 =	vbroadcast v4, $0x7;
	v27 =	vld [tilespmem:s30+$0xFFFFFF40]  }
0x2b1: {  	v30 =	vld [tilespmem:s30+$0xFFFFFF50];
	v6 =	vmul.f32 v12, v6;
	v8 =	vmul.f32 v13, v8  }
0x2b2: {  	v33 =	vld [tilespmem:s30+$0xFFFFFF60];
	v28 =	vmul.f32 v5, v4;
	v4 =	vbroadcast v9, $0x6  }
0x2b3: {  	v5 =	vbroadcast v9, $0x7;
	v16 =	vmul.f32 v20, v16;
	v20 =	vld [tilespmem:s25+$0xFFFFFFE0];
	v9 =	vnsel vm0, $0x0, v9  }
0x2b4: {  	v14 =	vmul.f32 v18, v14;
	[tilespmem:s22+$0x0] =	vst v9;
	v9 =	vadd.f32 v59, v57;
	v17 =	vmul.f32 v23, v17;
	v23 =	vld [tilespmem:s25+$0x0]  }
0x2b5: {  	v19 =	vmul.f32 v25, v19;
	v25 =	vld [tilespmem:s17+$0x0];
	v24 =	vmul.f32 v24, v29;
	v29 =	vadd.f32 v61, v60  }
0x2b6: {  	v35 =	vld [tilespmem:s30+$0xFFFFFF70];
	v10 =	vmul.f32 v15, v10;
	v21 =	vmul.f32 v21, v38;
	[tilespmem:s30+$0x80] =	vst v6  }
0x2b7: {  	v13 =	vld [tilespmem:s30+$0xFFFFFFE0];
	[tilespmem:s30+$0xFFFFFF80] =	vst v14;
	v15 =	vmul.f32 $2.000000030e-01, v9;
	v14 =	vmul.f32 $2.000000030e-01, v29  }
0x2b8: {  	v18 =	vld [tilespmem:s30+$0xFFFFFFB0];
	[tilespmem:s30+$0xFFFFFF90] =	vst v16;
	v22 =	vmul.f32 v26, v22;
	v26 =	vmul.f32 v27, v31;
	vm1 =	vge.f32 v29, $0.0e+00  }
0x2b9: {  	[tilespmem:s30+$0xFFFFFFA0] =	vst v21;
	v21 =	vld [tilespmem:s30+$0x10];
	v27 =	vmul.f32 v30, v32;
	v16 =	vadd.f32 v54, v20;
	v12 =	vsel vm1, v29, v14  }
0x2ba: {  	[tilespmem:s30+$0x90] =	vst v8;
	v30 =	vld [tilespmem:s30+$0xFFFFFFC0];
	v31 =	vmul.f32 v33, v34;
	v14 =	vadd.f32 v25, v23;
	v12 =	vmul.f32 $1.442695020e+00, v12  }
0x2bb: {  	v60 =	vld [tilespmem:s30+$0xFFFFFFD0];
	[tilespmem:s30+$0xFFFFFF10] =	vst v19;
	vm3 =	vge.f32 v16, $0.0e+00;
	v19 =	vmul.f32 $2.000000030e-01, v16;
	vm1 =	vge.f32 v9, $0.0e+00  }
0x2bc: {  	v20 =	vld [tilespmem:s30+$0xFFFFFFF0];
	[tilespmem:s30+$0xFFFFFF00] =	vst v17;
	v9 =	vsel vm1, v9, v15;
	v17 =	vmul.f32 $2.000000030e-01, v14;
	(erf) = vpow2.f32 v12  }
0x2bd: {  	[tilespmem:s30+$0xA0] =	vst v10;
	v15 =	vsel vm3, v16, v19;
	v16 =	vld [tilespmem:s30+$0x30];
	v9 =	vmul.f32 $1.442695020e+00, v9;
	vm2 =	vge.f32 v14, $0.0e+00  }
0x2be: {  	v11 =	vmul.f32 v35, v11;
	[tilespmem:s30+$0xFFFFFF20] =	vst v22;
	v22 =	vmul.f32 v18, v36;
	v12 =	vld [tilespmem:s30+$0x0];
	v14 =	vsel vm2, v14, v17  }
0x2bf: {  	[tilespmem:s30+$0xF0] =	vst v28;
	(erf) = vpow2.f32 v9;
	v9 =	vld [tilespmem:s30+$0x40];
	v14 =	vmul.f32 $1.442695020e+00, v14  }
0x2c0: {  	[tilespmem:s30+$0xFFFFFF30] =	vst v24;
	v21 =	vmul.f32 v62, v21;
	v15 =	vmul.f32 $1.442695020e+00, v15;
	v17 =	vld [tilespmem:s30+$0x20]  }
0x2c1: {  	[tilespmem:s30+$0xFFFFFF40] =	vst v26;
	v24 =	vld [tilespmem:s30+$0x50];
	v19 =	vmul.f32 v30, v37;
	(erf) = vpow2.f32 v14  }
0x2c2: {  	v6 =	vld [tilespmem:s30+$0xB0];
	[tilespmem:s30+$0xFFFFFF50] =	vst v27;
	v23 =	vmul.f32 v60, v39;
	(erf) = vpow2.f32 v15  }
0x2c3: {  	v8 =	vld [tilespmem:s30+$0xC0];
	[tilespmem:s30+$0xFFFFFF60] =	vst v31;
	v25 =	vmul.f32 v13, v40;
	v20 =	vmul.f32 v20, v7  }
0x2c4: {  	[tilespmem:s30+$0xFFFFFF70] =	vst v11;
	v11 =	vld [tilespmem:s30+$0xE0];
	v61 =	vmul.f32 v16, v55;
	v26 =	vmul.f32 v42, v12  }
0x2c5: {  	[tilespmem:s30+$0xFFFFFFB0] =	vst v22;
	v14 =	vld [tilespmem:s30+$0x60];
	v62 =	vmul.f32 v9, v56;
	v28 =	vmul.f32 v63, v17;
	v31 =	vpop (erf)  }
0x2c6: {  	s2 =	simm.s32 $0x8160;
	[tilespmem:s30+$0xFFFFFFC0] =	vst v19;
	v15 =	vld [tilespmem:s30+$0x70];
	v63 =	vmul.f32 v24, v58;
	v7 =	vnsel vm0, $0x0, v31;
	v18 =	vbroadcast v31, $0x0  }
0x2c7: {  	s21 =	simm.s32 $0x4E00;
	v9 =	vld [tilespmem:s30+$0xD0];
	v16 =	vbroadcast v31, $0x1;
	v17 =	vbroadcast v31, $0x2;
	[tilespmem:s2+$0x10] =	vst v7  }
0x2c8: {  	[tilespmem:s30+$0xFFFFFFD0] =	vst v23;
	v13 =	vbroadcast v31, $0x3;
	v12 =	vbroadcast v31, $0x4;
	v22 =	vld [tilespmem:s21+$0xF0]  }
0x2c9: {  	[tilespmem:s30+$0xFFFFFFE0] =	vst v25;
	v10 =	vbroadcast v31, $0x6;
	v19 =	vpop (erf);
	v7 =	vbroadcast v31, $0x5;
	v27 =	vld [tilespmem:s21+$0x80]  }
0x2ca: {  	[tilespmem:s30+$0x0] =	vst v26;
	v23 =	vnsel vm0, $0x0, v19;
	v35 =	vbroadcast v19, $0x0;
	v33 =	vbroadcast v19, $0x1;
	v29 =	vld [tilespmem:s21+$0x90];
	v57 =	vpop (erf)  }
0x2cb: {  	v34 =	vbroadcast v19, $0x2;
	v32 =	vbroadcast v19, $0x3;
	[tilespmem:s2+$0xFFFFFFF0] =	vst v23;
	v30 =	vld [tilespmem:s21+$0xA0];
	v24 =	vpop (erf)  }
0x2cc: {  	[tilespmem:s30+$0x20] =	vst v28;
	v26 =	vbroadcast v19, $0x5;
	v28 =	vbroadcast v19, $0x6;
	v40 =	vld [tilespmem:s21+$0xFFFFFF80];
	v25 =	vnsel vm0, $0x0, v24  }
0x2cd: {  	v23 =	vbroadcast v31, $0x7;
	v31 =	vbroadcast v19, $0x4;
	v41 =	vld [tilespmem:s21+$0xFFFFFF90];
	[tilespmem:s2+$0xFFFFFFE0] =	vst v25  }
0x2ce: {  	[tilespmem:s30+$0x10] =	vst v21;
	v21 =	vbroadcast v57, $0x1;
	v37 =	vbroadcast v57, $0x6;
	v50 =	vld [tilespmem:s21+$0xFFFFFF00]  }
0x2cf: {  	v36 =	vbroadcast v57, $0x7;
	v42 =	vbroadcast v24, $0x0;
	v51 =	vld [tilespmem:s21+$0xFFFFFF10]  }
0x2d0: {  	v43 =	vbroadcast v24, $0x1;
	v45 =	vbroadcast v24, $0x2;
	v52 =	vld [tilespmem:s21+$0xFFFFFF20]  }
0x2d1: {  	[tilespmem:s30+$0xFFFFFFF0] =	vst v20;
	v49 =	vbroadcast v24, $0x3;
	v47 =	vbroadcast v24, $0x4;
	v53 =	vld [tilespmem:s21+$0xFFFFFF30]  }
0x2d2: {  	[tilespmem:s30+$0x30] =	vst v61;
	v48 =	vbroadcast v24, $0x5;
	v44 =	vbroadcast v24, $0x6;
	v54 =	vld [tilespmem:s21+$0xFFFFFF40]  }
0x2d3: {  	[tilespmem:s30+$0x40] =	vst v62;
	v20 =	vnsel vm0, $0x0, v57;
	v46 =	vbroadcast v24, $0x7;
	v24 =	vbroadcast v57, $0x0;
	v38 =	vld [tilespmem:s21+$0xFFFFFF50]  }
0x2d4: {  	[tilespmem:s2+$0x0] =	vst v20;
	v20 =	vbroadcast v57, $0x3;
	v25 =	vmul.f32 v22, v23;
	v39 =	vld [tilespmem:s21+$0xFFFFFF60]  }
0x2d5: {  	s31 =	simm.s32 $0x1B00;
	s0 =	simm.s32 $0x240;
	[tilespmem:s30+$0x50] =	vst v63;
	v22 =	vbroadcast v19, $0x7;
	v23 =	vbroadcast v57, $0x2;
	v56 =	vld [tilespmem:s21+$0xFFFFFF70]  }
0x2d6: {  	s16 =	simm.s32 $0x4;
	s1 =	simm.s32 $0x4E00;
	s22 =	simm.s32 $0x9A0;
	v55 =	vld [tilespmem:s21+$0xFFFFFFA0];
	v19 =	vbroadcast v57, $0x5;
	[tilespmem:s21+$0xF0] =	vst v25;
	v25 =	vbroadcast v57, $0x4  }
.LBB2_9:
0x2d7: {  	v57 =	vld [tilespmem:s22+$0x10];
	v42 =	vmul.f32 v42, v50;
	v43 =	vmul.f32 v43, v51;
	s17 =	sadd.s32 $0x40, s17  }
0x2d8: {  	s16 =	sadd.s32 $0x4, s16;
	v45 =	vmul.f32 v45, v52;
	v49 =	vmul.f32 v53, v49;
	v50 =	vld [tilespmem:s17+$0x10]  }
0x2d9: {  	p0 =	slt.u32 s16, $0x5C;
	v38 =	vmul.f32 v38, v48;
	v51 =	vld [tilespmem:s17+$0xFFFFFFE0];
	[tilespmem:s21+$0xFFFFFF00] =	vst v42;
	v42 =	vmul.f32 v54, v47  }
0x2da: {  	v39 =	vmul.f32 v39, v44;
	v47 =	vld [tilespmem:s22+$0xFFFFFFF0];
	[tilespmem:s21+$0xFFFFFF10] =	vst v43;
	v43 =	vmul.f32 v56, v46  }
0x2db: {  	v35 =	vmul.f32 v35, v40;
	v33 =	vmul.f32 v33, v41;
	v44 =	vld [tilespmem:s17+$0xFFFFFFF0];
	[tilespmem:s21+$0xFFFFFF20] =	vst v45  }
0x2dc: {  	v14 =	vmul.f32 v14, v4;
	v4 =	vmov v37;
	v34 =	vmul.f32 v34, v55;
	v40 =	vld [tilespmem:s22+$0x0];
	[tilespmem:s21+$0xFFFFFF30] =	vst v49  }
0x2dd: {  	v18 =	vmul.f32 v18, v27;
	v15 =	vmul.f32 v15, v5;
	v41 =	vld [tilespmem:s17+$0x0];
	v45 =	vadd.f32 v50, v57;
	[tilespmem:s21+$0xFFFFFF40] =	vst v42  }
0x2de: {  	v16 =	vmul.f32 v16, v29;
	v17 =	vmul.f32 v17, v30;
	v5 =	vmov v36;
	v27 =	vld [tilespmem:s22+$0xFFFFFFE0];
	[tilespmem:s21+$0xFFFFFF50] =	vst v38  }
0x2df: {  	v37 =	vmul.f32 v6, v0;
	v0 =	vmov v13;
	v29 =	vmul.f32 $2.000000030e-01, v45;
	[tilespmem:s21+$0xFFFFFF60] =	vst v39;
	v30 =	vld [tilespmem:s21+$0xFFFFFFB0]  }
0x2e0: {  	v38 =	vmul.f32 v8, v1;
	v1 =	vmovc v12;
	vm1 =	vge.f32 v45, $0.0e+00;
	v6 =	vadd.f32 v44, v47;
	[tilespmem:s21+$0xFFFFFF70] =	vst v43;
	v13 =	vld [tilespmem:s21+$0xFFFFFFC0]  }
0x2e1: {  	v36 =	vmul.f32 v11, v2;
	v39 =	vmul.f32 v9, v3;
	v8 =	vsel vm1, v45, v29;
	[tilespmem:s21+$0xFFFFFF80] =	vst v35;
	v12 =	vld [tilespmem:s21+$0xFFFFFFD0]  }
0x2e2: {  	v2 =	vmovc v10;
	v3 =	vmovc v7;
	v9 =	vmul.f32 $2.000000030e-01, v6;
	v11 =	vadd.f32 v41, v40;
	v8 =	vmul.f32 $1.442695020e+00, v8;
	[tilespmem:s21+$0xFFFFFF90] =	vst v33;
	v29 =	vld [tilespmem:s21+$0xFFFFFFE0]  }
0x2e3: {  	vm1 =	vge.f32 v6, $0.0e+00;
	v7 =	vadd.f32 v51, v27;
	[tilespmem:s21+$0xFFFFFFA0] =	vst v34;
	v10 =	vld [tilespmem:s21+$0xFFFFFFF0]  }
0x2e4: {  	vm2 =	vge.f32 v11, $0.0e+00;
	v27 =	vmul.f32 $2.000000030e-01, v11;
	(erf) = vpow2.f32 v8;
	v8 =	vld [tilespmem:s21+$0x0];
	[tilespmem:s30+$0x60] =	vst v14  }
0x2e5: {  	v6 =	vsel vm1, v6, v9;
	vm3 =	vge.f32 v7, $0.0e+00;
	v14 =	vmul.f32 $2.000000030e-01, v7;
	v9 =	vld [tilespmem:s21+$0x10];
	[tilespmem:s30+$0x70] =	vst v15  }
0x2e6: {  	v6 =	vmul.f32 $1.442695020e+00, v6;
	v15 =	vmul.f32 v30, v32;
	v11 =	vsel vm2, v11, v27;
	v27 =	vld [tilespmem:s21+$0x20];
	[tilespmem:s21+$0x80] =	vst v18  }
0x2e7: {  	v13 =	vmul.f32 v13, v31;
	v7 =	vsel vm3, v7, v14;
	v11 =	vmul.f32 $1.442695020e+00, v11;
	v18 =	vld [tilespmem:s21+$0x30];
	[tilespmem:s21+$0x90] =	vst v16  }
0x2e8: {  	v7 =	vmul.f32 $1.442695020e+00, v7;
	(erf) = vpow2.f32 v6;
	[tilespmem:s21+$0xFFFFFFB0] =	vst v15;
	v16 =	vld [tilespmem:s21+$0x40]  }
0x2e9: {  	v6 =	vmul.f32 v12, v26;
	(erf) = vpow2.f32 v11;
	[tilespmem:s21+$0xFFFFFFC0] =	vst v13;
	v26 =	vld [tilespmem:s21+$0x50]  }
0x2ea: {  	(erf) = vpow2.f32 v7;
	v7 =	vmul.f32 v29, v28;
	v14 =	vld [tilespmem:s21+$0x60];
	[tilespmem:s21+$0xA0] =	vst v17  }
0x2eb: {  	v10 =	vmul.f32 v10, v22;
	v11 =	vmul.f32 v24, v8;
	[tilespmem:s21+$0xFFFFFFD0] =	vst v6;
	v15 =	vld [tilespmem:s21+$0x70]  }
0x2ec: {  	v21 =	vmul.f32 v21, v9;
	v22 =	vmul.f32 v23, v27;
	[tilespmem:s21+$0xFFFFFFE0] =	vst v7;
	v6 =	vld [tilespmem:s21+$0xB0]  }
0x2ed: {  	v20 =	vmul.f32 v18, v20;
	v23 =	vpop (erf);
	[tilespmem:s21+$0xFFFFFFF0] =	vst v10;
	v24 =	vmul.f32 v16, v25;
	v8 =	vld [tilespmem:s21+$0xC0]  }
0x2ee: {  	s2 =	sadd.s32 $0x40, s2;
	v7 =	vnsel vm0, $0x0, v23;
	v18 =	vbroadcast v23, $0x0;
	v16 =	vbroadcast v23, $0x1;
	[tilespmem:s21+$0x0] =	vst v11;
	v9 =	vld [tilespmem:s21+$0xD0]  }
0x2ef: {  	v17 =	vbroadcast v23, $0x2;
	v13 =	vbroadcast v23, $0x3;
	s21 =	sadd.s32 $0x200, s21;
	[tilespmem:s2+$0x10] =	vst v7;
	v11 =	vld [tilespmem:s1+$0xE0]  }
0x2f0: {  	v12 =	vbroadcast v23, $0x4;
	v7 =	vbroadcast v23, $0x5;
	v25 =	vld [tilespmem:s21+$0xF0];
	[tilespmem:s1+$0x10] =	vst v21  }
0x2f1: {  	v10 =	vbroadcast v23, $0x6;
	v19 =	vmul.f32 v26, v19;
	v27 =	vld [tilespmem:s21+$0x80];
	v21 =	vpop (erf);
	[tilespmem:s1+$0x20] =	vst v22  }
0x2f2: {  	v22 =	vnsel vm0, $0x0, v21;
	v35 =	vbroadcast v21, $0x0;
	v33 =	vbroadcast v21, $0x1;
	v29 =	vld [tilespmem:s21+$0x90];
	v57 =	vpop (erf);
	[tilespmem:s1+$0x30] =	vst v20  }
0x2f3: {  	v34 =	vbroadcast v21, $0x2;
	[tilespmem:s2+$0xFFFFFFF0] =	vst v22;
	v20 =	vnsel vm0, $0x0, v57;
	v30 =	vld [tilespmem:s21+$0xA0];
	v22 =	vbroadcast v23, $0x7;
	v23 =	vpop (erf)  }
0x2f4: {  	v26 =	vnsel vm0, $0x0, v23;
	v42 =	vbroadcast v23, $0x0;
	v43 =	vbroadcast v23, $0x1;
	v40 =	vld [tilespmem:s21+$0xFFFFFF80];
	[tilespmem:s2+$0x0] =	vst v20  }
0x2f5: {  	v45 =	vbroadcast v23, $0x2;
	[tilespmem:s2+$0xFFFFFFE0] =	vst v26;
	v41 =	vld [tilespmem:s21+$0xFFFFFF90];
	v20 =	vmul.f32 v25, v22  }
0x2f6: {  	v49 =	vbroadcast v23, $0x3;
	v47 =	vbroadcast v23, $0x4;
	v50 =	vld [tilespmem:s21+$0xFFFFFF00];
	[tilespmem:s1+$0x40] =	vst v24  }
0x2f7: {  	v48 =	vbroadcast v23, $0x5;
	v44 =	vbroadcast v23, $0x6;
	v51 =	vld [tilespmem:s21+$0xFFFFFF10];
	[tilespmem:s21+$0xF0] =	vst v20  }
0x2f8: {  	v32 =	vbroadcast v21, $0x3;
	v46 =	vbroadcast v23, $0x7;
	v52 =	vld [tilespmem:s21+$0xFFFFFF20];
	[tilespmem:s1+$0x50] =	vst v19  }
0x2f9: {  	v31 =	vbroadcast v21, $0x4;
	v26 =	vbroadcast v21, $0x5;
	v53 =	vld [tilespmem:s21+$0xFFFFFF30];
	[tilespmem:s30+$0xB0] =	vst v37  }
.Ltmp3:
0x2fa: {  	v28 =	vbroadcast v21, $0x6;
	v22 =	vbroadcast v21, $0x7;
	v54 =	vld [tilespmem:s21+$0xFFFFFF40];
	[tilespmem:s30+$0xC0] =	vst v38;
	(pc) =	sbr.rel @p0 .LBB2_9-.Ltmp3, $4  }
0x2fb: {  	v21 =	vbroadcast v57, $0x1;
	v24 =	vbroadcast v57, $0x0;
	v38 =	vld [tilespmem:s21+$0xFFFFFF50];
	[tilespmem:s30+$0xD0] =	vst v39  }
0x2fc: {  	v23 =	vbroadcast v57, $0x2;
	v20 =	vbroadcast v57, $0x3;
	v39 =	vld [tilespmem:s21+$0xFFFFFF60];
	[tilespmem:s30+$0xE0] =	vst v36;
	s30 =	smov.u32 s1;
	s1 =	smov.u32 s21  }
0x2fd: {  	v25 =	vbroadcast v57, $0x4;
	v19 =	vbroadcast v57, $0x5;
	v56 =	vld [tilespmem:s21+$0xFFFFFF70]  }
0x2fe: {  	s22 =	sadd.s32 $0x40, s22;
	v37 =	vbroadcast v57, $0x6;
	v36 =	vbroadcast v57, $0x7;
	v55 =	vld [tilespmem:s21+$0xFFFFFFA0]  }
0x2ff: {  	v42 =	vmul.f32 v42, v50  }
0x300: {  	v43 =	vmul.f32 v43, v51  }
0x301: {  	v45 =	vmul.f32 v45, v52;
	[tilespmem:s21+$0xFFFFFF00] =	vst v42  }
0x302: {  	v57 =	vmul.f32 v53, v49;
	[tilespmem:s21+$0xFFFFFF10] =	vst v43  }
0x303: {  	v58 =	vmul.f32 v54, v47;
	[tilespmem:s21+$0xFFFFFF20] =	vst v45  }
0x304: {  	v35 =	vmul.f32 v35, v40;
	[tilespmem:s21+$0xFFFFFF30] =	vst v57  }
0x305: {  	v33 =	vmul.f32 v33, v41;
	[tilespmem:s21+$0xFFFFFF40] =	vst v58  }
0x306: {  	v4 =	vmul.f32 v14, v4;
	[tilespmem:s21+$0xFFFFFF80] =	vst v35  }
0x307: {  	v5 =	vmul.f32 v15, v5;
	[tilespmem:s21+$0xFFFFFF90] =	vst v33  }
0x308: {  	v0 =	vmul.f32 v6, v0;
	[tilespmem:s30+$0x60] =	vst v4  }
0x309: {  	v1 =	vmul.f32 v8, v1;
	[tilespmem:s30+$0x70] =	vst v5  }
0x30a: {  	v3 =	vmul.f32 v9, v3;
	[tilespmem:s30+$0xB0] =	vst v0  }
0x30b: {  	v38 =	vmul.f32 v38, v48;
	[tilespmem:s30+$0xC0] =	vst v1  }
0x30c: {  	v39 =	vmul.f32 v39, v44;
	[tilespmem:s30+$0xD0] =	vst v3  }
0x30d: {  	v59 =	vld [tilespmem:s21+$0xFFFFFFB0];
	v33 =	vmul.f32 v18, v27;
	[tilespmem:s21+$0xFFFFFF50] =	vst v38  }
0x30e: {  	v60 =	vld [tilespmem:s21+$0xFFFFFFC0];
	v45 =	vmul.f32 v17, v30;
	[tilespmem:s21+$0xFFFFFF60] =	vst v39  }
0x30f: {  	v62 =	vld [tilespmem:s21+$0xFFFFFFD0];
	v57 =	vmul.f32 v11, v2;
	[tilespmem:s21+$0x80] =	vst v33  }
0x310: {  	v63 =	vld [tilespmem:s21+$0xFFFFFFE0];
	v61 =	vmul.f32 v56, v46;
	[tilespmem:s21+$0xA0] =	vst v45  }
0x311: {  	v41 =	vld [tilespmem:s21+$0x0];
	v34 =	vmul.f32 v34, v55;
	[tilespmem:s30+$0xE0] =	vst v57  }
0x312: {  	v47 =	vld [tilespmem:s21+$0x30];
	[tilespmem:s21+$0xFFFFFF70] =	vst v61;
	v42 =	vmul.f32 v59, v32  }
0x313: {  	v49 =	vld [tilespmem:s21+$0x50];
	v44 =	vmul.f32 v60, v31;
	[tilespmem:s21+$0xFFFFFFA0] =	vst v34  }
0x314: {  	v48 =	vld [tilespmem:s21+$0x40];
	v26 =	vmul.f32 v62, v26;
	[tilespmem:s21+$0xFFFFFFB0] =	vst v42  }
0x315: {  	v50 =	vld [tilespmem:s21+$0x60];
	v14 =	vmul.f32 v63, v28;
	[tilespmem:s21+$0xFFFFFFC0] =	vst v44  }
0x316: {  	v51 =	vld [tilespmem:s21+$0x70];
	v5 =	vmul.f32 v24, v41;
	[tilespmem:s21+$0xFFFFFFD0] =	vst v26  }
0x317: {  	v35 =	vld [tilespmem:s21+$0xFFFFFFF0];
	v34 =	vmul.f32 v16, v29;
	[tilespmem:s21+$0xFFFFFFE0] =	vst v14  }
0x318: {  	v43 =	vld [tilespmem:s21+$0x10];
	v53 =	vmul.f32 v47, v20;
	[tilespmem:s21+$0x0] =	vst v5  }
0x319: {  	v58 =	vld [tilespmem:s21+$0xD0];
	v54 =	vmul.f32 v48, v25;
	[tilespmem:s21+$0x90] =	vst v34  }
0x31a: {  	v46 =	vld [tilespmem:s21+$0x20];
	v4 =	vmul.f32 v49, v19;
	[tilespmem:s1+$0x30] =	vst v53  }
0x31b: {  	v60 =	vmul.f32 v50, v37;
	[tilespmem:s1+$0x40] =	vst v54  }
0x31c: {  	v56 =	vld [tilespmem:s21+$0xC0];
	v61 =	vmul.f32 v51, v36;
	[tilespmem:s1+$0x50] =	vst v4  }
0x31d: {  	v55 =	vld [tilespmem:s21+$0xB0];
	v16 =	vmul.f32 v35, v22;
	[tilespmem:s1+$0x60] =	vst v60  }
0x31e: {  	v15 =	vmul.f32 v21, v43;
	[tilespmem:s1+$0x70] =	vst v61;
	v59 =	vld [tilespmem:s1+$0xE0]  }
0x31f: {  	v63 =	vmul.f32 v58, v7;
	[tilespmem:s21+$0xFFFFFFF0] =	vst v16  }
0x320: {  	v52 =	vmul.f32 v23, v46;
	[tilespmem:s1+$0x10] =	vst v15  }
0x321: {  	v62 =	vmul.f32 v56, v12;
	[tilespmem:s1+$0xD0] =	vst v63  }
0x322: {  	v5 =	vmul.f32 v55, v13;
	[tilespmem:s1+$0x20] =	vst v52  }
0x323: {  	[tilespmem:s1+$0xC0] =	vst v62;
	v1 =	vmul.f32 v59, v10  }
0x324: {  	[tilespmem:s1+$0xB0] =	vst v5  }
0x325: {  	s25 =	rddreg [dreg:$0x3];
	s16 =	simm.s32 $0x2A0;
	s2 =	simm.s32 $0x8100;
	[tilespmem:s1+$0xE0] =	vst v1  }
0x326: {  	[spmem:s25] =	stream.indirect.scatter.add.f32 [tilespmem:s2], [sflag:$0xB], $0x10, s16, s26, $0xb8;
	[tilespmem:$0x1EA80] =	vst v63  }
0x327: {  	_ =	swait.ge [sflag:s4], $0x600  }
0x328: {  	s15 =	sadd.s32 $0x1, s15;
	[sflag:s4] =	ssyncset.done $0x0  }
0x329: {  	p0 =	sne.s32 s15, $0x1B;
	[sflag:s4] =	ssyncadd.s32 $0xFFFFFA00  }
.Ltmp4:
0x32a: {  	s2 =	simm.s32 $0x4B00;
	s30 =	rddreg [dreg:$0x2];
	(pc) =	sbr.rel @p0 .LBB2_2-.Ltmp4, $4  }
0x32b: {  	[spmem:s30] =	stream.indirect.scatter.add.f32 [tilespmem:s2], [sflag:$0xB], $0x80, s16, s26, $0xb8;
	[tilespmem:$0x1EA80] =	vst v63  }
0x32c: {  	_ =	swait.ge [sflag:s4], $0x3000  }
0x32d: {  	[sflag:s4] =	ssyncset.done $0x0  }
0x32e: {  	s25 =	simm.s32 $0x2A0;
	[sflag:s4] =	ssyncadd.s32 $0xFFFFD000  }
0x32f: {  	_ =	swait.ge [sflag:s10], $0x600  }
0x330: {  	[sflag:s10] =	ssyncset.done $0x0  }
0x331: {  	[sflag:s10] =	ssyncadd.s32 $0xFFFFFA00  }
0x332: {  	_ =	swait.ge [sflag:s11], $0x600  }
0x333: {  	[sflag:s11] =	ssyncset.done $0x0  }
0x334: {  	[sflag:s11] =	ssyncadd.s32 $0xFFFFFA00  }
0x335: {  	_ =	swait.ge [sflag:s12], $0x3000  }
0x336: {  	[sflag:s12] =	ssyncset.done $0x0  }
0x337: {  	[sflag:s12] =	ssyncadd.s32 $0xFFFFD000  }
0x338: {  	_ =	swait.ge [sflag:s13], $0x60  }
0x339: {  	[sflag:s13] =	ssyncset.done $0x0  }
0x33a: {  	[sflag:s13] =	ssyncadd.s32 $0xFFFFFFA0  }
0x33b: {  	_ =	swait.ge [sflag:s13], $0x60  }
0x33c: {  	[sflag:s13] =	ssyncset.done $0x0  }
0x33d: {  	[sflag:s13] =	ssyncadd.s32 $0xFFFFFFA0  }
0x33e: {  	[bflag:$0x0] =	sbarrier.arrive $0xFFFF  }
0x33f: {  	s1 =	rddreg [dreg:$0x11]  }
0x340: {  	s15 =	rddreg [dreg:$0x15]  }
0x341: {  	s16 =	rddreg [dreg:$0x16]  }
0x342: {  	[hbm:s1], [sflag:s15] =	dma.local [spmem:s16], $0x2780  }
0x343: {  	_ =	swait.ge [sflag:s4], $0x2780  }
0x344: {  	[sflag:s4] =	ssyncset.done $0x0;
	s17 =	rddreg [dreg:$0x12]  }
0x345: {  	s21 =	rddreg [dreg:$0x17];
	[sflag:s4] =	ssyncadd.s32 $0xFFFFD880  }
0x346: {  	[hbm:s17], [sflag:s15] =	dma.local [spmem:s21], $0x4F0  }
0x347: {  	_ =	swait.ge [sflag:s4], $0x4F0  }
0x348: {  	s22 =	rddreg [dreg:$0x14]  }
0x349: {  	s30 =	rddreg [dreg:$0x13];
	s15 =	sadd.s32 $0x1, s22  }
0x34a: {  	p0 =	sne.s32 s15, s30  }
.Ltmp5:
0x34b: {  	_ = 	snop;
	(pc) =	sbr.rel @p0 .LBB2_1-.Ltmp5, $3  }
0x34c: {  	_ =	sdelay $0x1  }
0x34d: {  	[sflag:s4] =	ssyncset.done $0x0  }
0x34e: {  	[sflag:s4] =	ssyncadd.s32 $0xFFFFFB10  }
0x34f: {  	_ =	sfence.sel $0x180000  }
0x350: {  	[bflag:$0x0] =	sbarrier.arrive $0xFFFF  }
0x351: {  	_ =	strace $0x90000047  }
0x352: {  	s0 =	stileid.u32;
	[bflag:$0x2] =	sbarrier.arrive $0xFFFF  }
0x353: {  	p0 =	sne.s32 s0, $0x0;
	s0 =	rddreg [dreg:$0x4]  }
0x354: {  	s0 =	sadd.s32 @!p0 $0x100000, s0  }
0x355: {  	[sflag:s0] =	ssyncadd.tile.s32 @!p0 $0x1;
	_ =	shalt  }
.Lfunc_end2:
_tile_overlayer_lowered:
.L_overlay_start_2:
0x356: {  	(tag) =	ssettag $0x2  }
0x357: {  	s0 =	rddreg [dreg:$0x0];
	s2 =	stileid.u32  }
0x358: {  	s1 =	rddreg [dreg:$0x1];
	p0 =	sne.s32 s2, $0x0  }
0x359: {  	s3 =	rddreg [dreg:$0x2];
	[bflag:$0x3] =	sbarrier.arrive $0xFFFF;
	s2 =	simm.s32 @!p0 $0x1C0B  }
0x35a: {  	[timem:s3], [sflag:s2] =	dma.local @!p0 [hbm:s0], s1  }
0x35b: {  	s0 =	simm.s32 @!p0 $0xB  }
0x35c: {  	_ =	swait.ge @!p0 [sflag:s0], s1  }
0x35d: {  	s1 =	ssub.s32 @!p0 $0x0, s1;
	[sflag:s0] =	ssyncset.done @!p0 $0x0  }
0x35e: {  	[sflag:s0] =	ssyncadd.s32 @!p0 s1  }
0x35f: {  	[bflag:$0x3] =	sbarrier.arrive $0xFFFF  }
0x360: {  	_ =	shalt  }

// kernel: gat_edge_l2.3.cloned.1.call-start
scs
__scs_entry_jumppad:
0x0: {  	(pc) =	sbr.rel $0x88, $3  }
0x1: {  	(tag) =	ssettag $0x0;
	lr =	simm.s32 $0x1  }
0x2: {  	[smem:$0x3F97] =	sst lr;
	_ =	strace $0xD0000000  }
0x3: {  	_ = 	snop  }
0x4: {  	_ = 	snop  }
0x5: {  	_ = 	snop  }
0x6: {  	_ = 	snop  }
0x7: {  	_ = 	snop  }
__scs_overlays_trampoline_lowered:
0x8: {  	[smem:$0x3FA6] =	sst s0  }
0x9: {  	[smem:$0x3FA7] =	sst s1  }
0xa: {  	[smem:$0x3FA8] =	sst s2  }
0xb: {  	[smem:$0x3FA9] =	sst s3  }
0xc: {  	[smem:$0x3FAA] =	sst s4  }
0xd: {  	[smem:$0x3FAB] =	sst s5  }
0xe: {  	[smem:$0x3FAC] =	sst s6  }
0xf: {  	[smem:$0x3FAD] =	sst s7  }
0x10: {  	[smem:$0x3FAE] =	sst s8  }
0x11: {  	[smem:$0x3FAF] =	sst s9;
	s0 =	simm.s32 @!p0 $0x0  }
0x12: {  	s1 =	sld [smem:$0x3F95];
	s0 =	simm.s32 @p0 $0x1  }
0x13: {  	[smem:$0x3FB0] =	sst s0;
	s0 =	simm.s32 @!p1 $0x0  }
0x14: {  	s2 =	sld [smem:$0x3F94];
	s0 =	simm.s32 @p1 $0x1  }
0x15: {  	[smem:$0x3FB1] =	sst s0;
	s0 =	simm.s32 @!p2 $0x0  }
0x16: {  	s3 =	sld [smem:$0x3FDB];
	s0 =	simm.s32 @p2 $0x1  }
0x17: {  	s4 =	simm.s32 $0x1BF5;
	[smem:$0x3FB3] =	sst s0  }
0x18: {  	s0 =	sld [smem:$0x3F96];
	_ =	swait.ge [sflag:s4], $0x0  }
0x19: {  	s7 =	sld [smem:$0x3F97]  }
0x1a: {  	s8 =	sadd.s32 $0xFFFFE003, lr  }
0x1b: {  	s9 =	sadd.s32 $0xFFFFFEF7, lr;
	s5 =	simm.s32 $0xFFFFFFFF;
	p2 =	slt.u32 s8, $0xFFFFF086  }
0x1c: {  	p1 =	slt.u32 s9, $0xF7A;
	s5 =	simm.s32 @!p2 $0x0  }
0x1d: {  	s5 =	simm.s32 @p1 $0x1;
	p0 =	seq.s32 s7, s2  }
0x1e: {  	s7 =	smul.u32 @!p0 $0xF7A, s2;
	p2 =	seq.s32 @!p0 s5, $0x0  }
0x1f: {  	s9 =	smul.u32 $0xF7A, s1;
	s8 =	simm.s32 @!p0 $0x1BF5;
	p2 =	por !p2, p0  }
0x20: {  	[sflag:s8] =	ssyncset.s32 @!p0 $0xFFFFF086;
	s6 =	sadd.s32 @!p0 s3, s7;
	s7 =	simm.s32 @!p0 $0x108  }
0x21: {  	s3 =	sadd.s32 s3, s9;
	s6 =	sadd.s32 @!p0 $0x88, s6;
	s7 =	simm.s32 @p2 $0x1082  }
0x22: {  	[simem:s7], [sflag:s8] =	dma.local @!p0 [hbm:s6], $0xF7A  }
0x23: {  	s9 =	sor.u32 $0xD0000000, s2;
	s6 =	simm.s32 $0x108;
	_ =	swait.ge @!p0 [sflag:s8], $0x0  }
0x24: {  	s3 =	sadd.s32 $0x88, s3;
	s6 =	simm.s32 @!p1 $0x1082;
	[sflag:s4] =	ssyncset.s32 $0xFFFFF086  }
0x25: {  	[simem:s6], [sflag:s4] =	dma.local [hbm:s3], $0xF7A  }
0x26: {  	[smem:$0x3F97] =	sst s1;
	(tag) =	ssettag s2;
	_ =	strace s9  }
0x27: {  	s1 =	sld [smem:$0x3FA7]  }
0x28: {  	s2 =	sld [smem:$0x3FA8]  }
0x29: {  	s4 =	sld [smem:$0x3FAA]  }
0x2a: {  	p0 =	seq.s32 s5, $0x0;
	s5 =	sld [smem:$0x3FAB]  }
0x2b: {  	s6 =	sld [smem:$0x3FAC]  }
0x2c: {  	s7 =	sld [smem:$0x3FAD]  }
0x2d: {  	s3 =	simm.s32 $0x108;
	s8 =	sld [smem:$0x3FAE]  }
0x2e: {  	s3 =	simm.s32 @!p0 $0x1082;
	s9 =	sld [smem:$0x3FAF]  }
0x2f: {  	lr =	sadd.s32 s0, s3;
	s0 =	sld [smem:$0x3FA6]  }
0x30: {  	s3 =	sld [smem:$0x3FA9]  }
0x31: {  	[smem:$0x3FB2] =	sst s10  }
0x32: {  	s10 =	sld [smem:$0x3FB0];
	_ =	sdelay $0x3  }
0x33: {  	p0 =	seq.s32 s10, $0x1;
	s10 =	sld [smem:$0x3FB2];
	_ =	sdelay $0x3  }
0x34: {  	[smem:$0x3FB2] =	sst s10  }
0x35: {  	s10 =	sld [smem:$0x3FB1];
	_ =	sdelay $0x3  }
0x36: {  	p1 =	seq.s32 s10, $0x1;
	s10 =	sld [smem:$0x3FB2];
	_ =	sdelay $0x3  }
0x37: {  	[smem:$0x3FB2] =	sst s10  }
0x38: {  	s10 =	sld [smem:$0x3FB3]  }
0x39: {  	_ = 	snop;
	(pc) =	sbr.ind lr, $3  }
0x3a: {  	_ = 	snop  }
0x3b: {  	_ = 	snop  }
0x3c: {  	p2 =	seq.s32 s10, $0x1;
	s10 =	sld [smem:$0x3FB2]  }
0x3d: {  	_ =	shalt  }
0x3e: {  	_ =	shalt  }
0x3f: {  	_ =	shalt  }
0x40: {  	_ =	shalt  }
0x41: {  	_ =	shalt  }
0x42: {  	_ =	shalt  }
0x43: {  	_ =	shalt  }
0x44: {  	_ =	shalt  }
0x45: {  	_ =	shalt  }
0x46: {  	_ =	shalt  }
0x47: {  	_ =	shalt  }
0x48: {  	_ =	shalt  }
0x49: {  	_ =	shalt  }
0x4a: {  	_ =	shalt  }
0x4b: {  	_ =	shalt  }
0x4c: {  	_ =	shalt  }
0x4d: {  	_ =	shalt  }
0x4e: {  	_ =	shalt  }
0x4f: {  	_ =	shalt  }
0x50: {  	_ =	shalt  }
0x51: {  	_ =	shalt  }
0x52: {  	_ =	shalt  }
0x53: {  	_ =	shalt  }
0x54: {  	_ =	shalt  }
0x55: {  	_ =	shalt  }
0x56: {  	_ =	shalt  }
0x57: {  	_ =	shalt  }
0x58: {  	_ =	shalt  }
0x59: {  	_ =	shalt  }
0x5a: {  	_ =	shalt  }
0x5b: {  	_ =	shalt  }
0x5c: {  	_ =	shalt  }
0x5d: {  	_ =	shalt  }
0x5e: {  	_ =	shalt  }
0x5f: {  	_ =	shalt  }
0x60: {  	_ =	shalt  }
0x61: {  	_ =	shalt  }
0x62: {  	_ =	shalt  }
0x63: {  	_ =	shalt  }
0x64: {  	_ =	shalt  }
0x65: {  	_ =	shalt  }
0x66: {  	_ =	shalt  }
0x67: {  	_ =	shalt  }
0x68: {  	_ =	shalt  }
0x69: {  	_ =	shalt  }
0x6a: {  	_ =	shalt  }
0x6b: {  	_ =	shalt  }
0x6c: {  	_ =	shalt  }
0x6d: {  	_ =	shalt  }
0x6e: {  	_ =	shalt  }
0x6f: {  	_ =	shalt  }
0x70: {  	_ =	shalt  }
0x71: {  	_ =	shalt  }
0x72: {  	_ =	shalt  }
0x73: {  	_ =	shalt  }
0x74: {  	_ =	shalt  }
0x75: {  	_ =	shalt  }
0x76: {  	_ =	shalt  }
0x77: {  	_ =	shalt  }
0x78: {  	_ =	shalt  }
0x79: {  	_ =	shalt  }
0x7a: {  	_ =	shalt  }
0x7b: {  	_ =	shalt  }
0x7c: {  	_ =	shalt  }
0x7d: {  	_ =	shalt  }
0x7e: {  	_ =	shalt  }
0x7f: {  	_ =	shalt  }
0x80: {  	_ =	shalt  }
0x81: {  	_ =	shalt  }
0x82: {  	_ =	shalt  }
0x83: {  	_ =	shalt  }
0x84: {  	_ =	shalt  }
0x85: {  	_ =	shalt  }
0x86: {  	_ =	shalt  }
0x87: {  	_ =	shalt  }
.Lfunc_end0:
.L_simem_size_0:
called_computation.1_lowered:
.L_overlay_start_0:
0x88: {  	s2 =	sld [smem:$0x3FD9]  }
0x89: {  	s3 =	sld [smem:$0x3FFE];
	_ =	sdelay $0x1  }
0x8a: {  	s1 =	srdreg.scid  }
0x8b: {  	s0 =	sand.u32 $0x1, s1  }
0x8c: {  	s17 =	sshll.u32 s0, $0xA;
	s2 =	sadd.s32 s3, s2  }
0x8d: {  	s2 =	sadd.s32 s2, s17  }
0x8e: {  	[smem:$0x3FBE] =	sst s2  }
0x8f: {  	_ = 	snop  }
0x90: {  	s2 =	sld [smem:$0x3FD0];
	(tm) =	ssettm $0x1  }
0x91: {  	s18 =	sld [smem:$0x3FFB];
	_ =	sdelay $0x3  }
0x92: {  	_ =	strace s18  }
0x93: {  	s3 =	sld [smem:$0x3FFC];
	_ =	sdelay $0x3  }
0x94: {  	_ =	strace s3  }
0x95: {  	s3 =	sld [smem:$0x3FFD];
	_ =	sdelay $0x3  }
0x96: {  	_ =	strace s3  }
0x97: {  	_ =	strace $0x8FFFFFFF  }
0x98: {  	s19 =	sld [smem:$0x3FDB];
	_ =	sdelay $0x1  }
0x99: {  	s4 =	simm.s32 $_scs_section_size  }
0x9a: {  	s5 =	simm.s32 $_size__tile_overlayer_lowered;
	s6 =	simm.s32 $_tile_overlayer_lowered  }
0x9b: {  	s22 =	simm.s32 $0x1BFF;
	s21 =	sshll.u32 s6, $0x1;
	s3 =	sadd.s32 s4, s19  }
0x9c: {  	s7 =	simm.s32 $0x0;
	s20 =	sshll.u32 s5, $0x1;
	s5 =	sadd.s32 s21, s3  }
0x9d: {  	[timem:s7], [sflag:s22] =	dma.local [hbm:s5], s20  }
0x9e: {  	_ =	swait.ge [sflag:s22], s20  }
0x9f: {  	s4 =	ssub.s32 $0x0, s20;
	[sflag:s22] =	ssyncset.done $0x0  }
0xa0: {  	[sflag:s22] =	ssyncadd.s32 s4;
	_ =	sdelay $0x1  }
0xa1: {  	s23 =	simm.s32 $0x1B8B  }
0xa2: {  	_ =	swait.ge [sflag:s23], $0x1  }
0xa3: {  	[sflag:s23] =	ssyncset.done $0x0  }
0xa4: {  	s25 =	simm.s32 $0x1B8E;
	s24 =	sld [smem:$0x3FFE];
	[sflag:s23] =	ssyncadd.s32 $0xFFFFFFFF  }
0xa5: {  	s26 =	simm.s32 $execute0_lowered;
	[smem:$0x3FD2] =	sst s25  }
0xa6: {  	s5 =	sshll.u32 s26, $0x1;
	_ =	strace $0x80000049;
	[dreg:$0x1] =	wrdreg $0xFFFFFFFF  }
0xa7: {  	s28 =	simm.s32 $_size_execute0_lowered;
	s3 =	sadd.s32 s3, s5;
	[dreg:$0x0] =	wrdreg $0x0  }
0xa8: {  	s5 =	sshll.u32 s28, $0x1;
	[dreg:$0x2] =	wrdreg s3  }
0xa9: {  	[dreg:$0x3] =	wrdreg s5  }
0xaa: {  	[dreg:$0x4] =	wrdreg $0xC0  }
0xab: {  	_ =	task [dreg:s7], $0x5FFFF  }
0xac: {  	[dreg:$0x1] =	wrdreg $0xFFFFFFFF  }
0xad: {  	[dreg:$0x0] =	wrdreg $0x60  }
0xae: {  	[dreg:$0x2] =	wrdreg s2  }
0xaf: {  	[dreg:$0x3] =	wrdreg s24  }
0xb0: {  	[dreg:$0x4] =	wrdreg $0x57000  }
0xb1: {  	[dreg:$0x5] =	wrdreg $0xF5000  }
0xb2: {  	[dreg:$0x6] =	wrdreg $0x9  }
0xb3: {  	_ =	task.clear_ibuf [dreg:s7], $0x7FFFF;
	_ =	strace $0x90000049  }
0xb4: {  	s29 =	simm.s32 $0x9;
	_ =	strace $0x8000004B  }
0xb5: {  	_ =	swait.ge [sflag:s29], $0x1  }
0xb6: {  	[sflag:s29] =	ssyncadd.s32 $0xFFFFFFFF  }
0xb7: {  	_ =	strace $0x9000004B  }
0xb8: {  	_ =	sfence  }
0xb9: {  	s30 =	sld [smem:$0x0];
	_ =	sdelay $0x2  }
0xba: {  	s31 =	sshll.u32 s1, $0xD;
	s1 =	sshrl.u32 s1, $0x2  }
0xbb: {  	s3 =	sand.u32 $0x4000, s31;
	s1 =	sadd.s32 s1, s30  }
0xbc: {  	s0 =	sor.u32 s3, s0;
	s1 =	sshll.u32 s1, $0x11  }
0xbd: {  	s0 =	sor.u32 s1, s0  }
0xbe: {  	s0 =	sadd.s32 $0x8F2B, s0  }
0xbf: {  	[sflag:s0] =	ssyncadd.remote.s32 $0x1  }
0xc0: {  	_ =	sfence.sel $0xFFFF  }
0xc1: {  	[dreg:$0x0] =	wrdreg $0xFFFFFFFF;
	(pc) =	sbr.abs _section_cstart, $3  }
0xc2: {  	[dreg:$0x1] =	wrdreg $0xFFFFFFFF  }
0xc3: {  	_ =	task.clear_ibuf [dreg:s7], $0x2FFFF;
	_ =	strace $0x9FFFFFFF  }
0xc4: {  	(tm) =	ssettm $0x7FFFFFFF  }
0xc5: {  	_ =	shalt  }
tec
execute0_lowered:
.L_overlay_start_1:
0x0: {  	(tag) =	ssettag $0x1  }
0x1: {  	s0 =	rddreg [dreg:$0x1]  }
0x2: {  	s16 =	rddreg [dreg:$0x2]  }
0x3: {  	s17 =	rddreg [dreg:$0x3];
	s5 =	simm.s32 $0x0;
	s14 =	stileid.u32  }
0x4: {  	s2 =	srdreg.scid;
	s29 =	simm.s32 $0x7;
	s31 =	simm.s32 $0x1B00  }
0x5: {  	s28 =	simm.s32 $0x120;
	[smem:$0x7FF] =	sst s5;
	s6 =	sadd.s32 $0x7400, s0  }
0x6: {  	s7 =	sadd.s32 $0x2400, s0;
	s1 =	smul.u32 $0x9E00, s14;
	s8 =	sadd.s32 $0x3E000, s0  }
0x7: {  	s3 =	smul.u32 $0x2780, s14;
	s2 =	sand.u32 $0x1, s2;
	s9 =	sadd.s32 $0x33C00, s0  }
0x8: {  	_ =	strace $0x8000004A;
	s10 =	smul.u32 $0x9E000, s2;
	s12 =	sshll.u32 s2, $0x4  }
0x9: {  	s13 =	smul.u32 $0x27800, s2;
	s2 =	ssub.s32 $0x2, s2;
	s4 =	sshrl.u32 s1, $0x3  }
0xa: {  	s11 =	sshrl.u32 s3, $0x3;
	s12 =	sor.u32 s14, s12;
	s25 =	sshrl.u32 s2, $0x1  }
0xb: {  	s20 =	sadd.s32 s3, s17;
	s14 =	simm.s32 $0x2A0;
	s4 =	sadd.s32 s4, s0  }
0xc: {  	s10 =	sadd.s32 s1, s10;
	s11 =	sadd.s32 s11, s0;
	s12 =	smul.u32 $0x2880, s12  }
0xd: {  	s13 =	sadd.s32 s3, s13;
	s2 =	ssub.s32 s2, s25;
	s1 =	sadd.s32 s1, s16  }
0xe: {  	[dreg:$0xb] =	wrdreg s20;
	s16 =	simm.s32 $0xC0;
	s20 =	simm.s32 $0x9  }
0xf: {  	s3 =	simm.s32 $0x0;
	s10 =	sshrl.u32 s10, $0x3;
	s13 =	sshrl.u32 s13, $0x3  }
0x10: {  	[dreg:$0x9] =	wrdreg s1;
	s19 =	sadd.s32 $0xC400, s4;
	s21 =	sadd.s32 $0x48400, s11  }
0x11: {  	s4 =	simm.s32 $0xB;
	s11 =	simm.s32 $0x2;
	[dreg:$0xa] =	wrdreg s19  }
0x12: {  	s10 =	sadd.s32 s10, s0;
	[dreg:$0xc] =	wrdreg s21;
	s22 =	sadd.s32 $0xC0, s12  }
0x13: {  	s15 =	sshrl.u32 s12, $0x3;
	s23 =	sadd.s32 $0x120, s12;
	[dreg:$0xd] =	wrdreg s22  }
0x14: {  	s0 =	sadd.s32 s13, s0;
	s24 =	sadd.s32 $0x180, s12;
	[dreg:$0xe] =	wrdreg s23  }
0x15: {  	s25 =	sadd.s32 $0x1E0, s12;
	s12 =	simm.s32 $0x3;
	[dreg:$0xf] =	wrdreg s24  }
0x16: {  	s19 =	simm.s32 $0x6;
	s30 =	sadd.s32 s8, s15;
	[dreg:$0x10] =	wrdreg s25  }
0x17: {  	s26 =	sor.u32 $0xC, s15;
	s15 =	sadd.s32 s9, s15;
	[dreg:$0x5] =	wrdreg s30  }
0x18: {  	s0 =	sadd.s32 $0x20000, s0;
	s25 =	simm.s32 $0x180;
	[dreg:$0x6] =	wrdreg s15  }
0x19: {  	s22 =	simm.s32 $0x1E0;
	s18 =	sadd.s32 s8, s26;
	[dreg:$0x12] =	wrdreg s0  }
0x1a: {  	s24 =	simm.s32 $0x4;
	s13 =	sadd.s32 s9, s26;
	[dreg:$0x7] =	wrdreg s18  }
0x1b: {  	s23 =	simm.s32 $0xA;
	s26 =	sadd.s32 $0x4D400, s10;
	[dreg:$0x8] =	wrdreg s13  }
0x1c: {  	s30 =	smax.u32 s2, $0x1;
	s10 =	simm.s32 $0x1;
	[dreg:$0x11] =	wrdreg s26  }
0x1d: {  	s2 =	simm.s32 $0x3300;
	s0 =	simm.s32 $0x240;
	[dreg:$0x13] =	wrdreg s30  }
0x1e: {  	vm0 =	vmmov $0x1;
	s26 =	simm.s32 $0x60;
	s13 =	simm.s32 $0x8;
	s18 =	simm.s32 $0x5  }
.LBB2_1:
0x1f: {  	[dreg:$0x14] =	wrdreg s3  }
0x20: {  	s1 =	rddreg [dreg:$0x5]  }
0x21: {  	[tilespmem:s5], [sflag:$0x7] =	stream.linear.gather [hbm4b:s1+s5], $0x60, $0x38;
	[tilespmem:$0x11C80] =	vst v63  }
0x22: {  	s30 =	rddreg [dreg:$0x6]  }
0x23: {  	[tilespmem:s25], [sflag:$0x7] =	stream.linear.gather [hbm4b:s30+s5], $0x60, $0x38;
	[tilespmem:$0x11C80] =	vst v63  }
0x24: {  	s3 =	rddreg [dreg:$0x7]  }
0x25: {  	[tilespmem:s26], [sflag:$0x8] =	stream.linear.gather [hbm4b:s3+s5], $0x60, $0x38;
	[tilespmem:$0x11C80] =	vst v63  }
0x26: {  	s15 =	rddreg [dreg:$0x8]  }
0x27: {  	[tilespmem:s22], [sflag:$0x8] =	stream.linear.gather [hbm4b:s15+s5], $0x60, $0x38;
	[tilespmem:$0x11C80] =	vst v63  }
0x28: {  	_ =	swait.ge [sflag:s29], $0x60  }
0x29: {  	[sflag:s29] =	ssyncset.done $0x0  }
0x2a: {  	[sflag:s29] =	ssyncadd.s32 $0xFFFFFFA0  }
0x2b: {  	_ =	swait.ge [sflag:s29], $0x60  }
0x2c: {  	[sflag:s29] =	ssyncset.done $0x0  }
0x2d: {  	s17 =	simm.s32 $0x300;
	s15 =	rddreg [dreg:$0x9];
	[sflag:s29] =	ssyncadd.s32 $0xFFFFFFA0  }
0x2e: {  	[tilespmem:s17], [sflag:$0x1] =	stream.indirect.gather [hbm4b:s6+s26], $0x10, s5, s26, $0xb8;
	[tilespmem:$0x11C80] =	vst v63  }
0x2f: {  	s21 =	simm.s32 $0xF00;
	s3 =	stileid.u32;
	s30 =	rddreg [dreg:$0x0]  }
0x30: {  	s1 =	sshll.u32 s3, $0x6;
	s15 =	sshrl.u32 s15, $0x3;
	s17 =	rddreg [dreg:$0xa]  }
0x31: {  	[tilespmem:s21], [sflag:$0x2] =	stream.indirect.gather [hbm4b:s7+s26], $0x10, s25, s26, $0xb8;
	[tilespmem:$0x11C80] =	vst v63  }
0x32: {  	s3 =	sor.u32 $0x1C0B, s1;
	[dreg:$0x16] =	wrdreg s15  }
0x33: {  	[tilespmem:s31], [sflag:$0x3] =	stream.indirect.gather [hbm4b:s30+s26], $0x40, s5, s26, $0xb8;
	[tilespmem:$0x11C80] =	vst v63  }
0x34: {  	[spmem:s15], [sflag:s3] =	dma.local [hbm:s17], $0x13C0  }
0x35: {  	_ =	swait.ge [sflag:s4], $0x13C0;
	[dreg:$0x15] =	wrdreg s3  }
0x36: {  	s21 =	rddreg [dreg:$0xb]  }
0x37: {  	[sflag:s4] =	ssyncset.done $0x0;
	s31 =	rddreg [dreg:$0xc];
	s30 =	sshrl.u32 s21, $0x3  }
0x38: {  	[sflag:s4] =	ssyncadd.s32 $0xFFFFEC40;
	[dreg:$0x17] =	wrdreg s30  }
0x39: {  	[spmem:s30], [sflag:s3] =	dma.local [hbm:s31], $0x4F0  }
0x3a: {  	_ =	swait.ge [sflag:s4], $0x4F0  }
0x3b: {  	[sflag:s4] =	ssyncset.done $0x0  }
0x3c: {  	[sflag:s4] =	ssyncadd.s32 $0xFFFFFB10  }
0x3d: {  	s15 =	simm.s32 $0x0;
	[bflag:$0x0] =	sbarrier.arrive $0xFFFF  }
.LBB2_2:
0x3e: {  	_ =	swait.ge [sflag:s10], $0x600  }
0x3f: {  	[sflag:s10] =	ssyncset.done $0x0  }
0x40: {  	[sflag:s10] =	ssyncadd.s32 $0xFFFFFA00  }
0x41: {  	_ =	swait.ge [sflag:s11], $0x600  }
0x42: {  	[sflag:s11] =	ssyncset.done $0x0  }
0x43: {  	[sflag:s11] =	ssyncadd.s32 $0xFFFFFA00  }
0x44: {  	_ =	swait.ge [sflag:s12], $0x1800  }
0x45: {  	[sflag:s12] =	ssyncset.done $0x0  }
0x46: {  	[sflag:s12] =	ssyncadd.s32 $0xFFFFE800  }
0x47: {  	_ =	swait.ge [sflag:s13], $0x60  }
0x48: {  	[sflag:s13] =	ssyncset.done $0x0  }
0x49: {  	[sflag:s13] =	ssyncadd.s32 $0xFFFFFFA0  }
0x4a: {  	_ =	swait.ge [sflag:s13], $0x60  }
0x4b: {  	[sflag:s13] =	ssyncset.done $0x0  }
0x4c: {  	s1 =	simm.s32 $0x900;
	[sflag:s13] =	ssyncadd.s32 $0xFFFFFFA0  }
0x4d: {  	[tilespmem:s1], [sflag:$0x4] =	stream.indirect.gather [hbm4b:s6+s26], $0x10, s26, s26, $0xb8;
	[tilespmem:$0x11C80] =	vst v63  }
0x4e: {  	s21 =	simm.s32 $0x1500  }
0x4f: {  	[tilespmem:s21], [sflag:$0x5] =	stream.indirect.gather [hbm4b:s7+s26], $0x10, s22, s26, $0xb8;
	[tilespmem:$0x11C80] =	vst v63  }
0x50: {  	s30 =	smul.u32 $0x180, s15;
	s22 =	rddreg [dreg:$0x0]  }
0x51: {  	[tilespmem:s2], [sflag:$0x6] =	stream.indirect.gather [hbm4b:s22+s26], $0x40, s26, s26, $0xb8;
	[tilespmem:$0x11C80] =	vst v63  }
0x52: {  	s2 =	rddreg [dreg:$0xd]  }
0x53: {  	s1 =	sadd.s32 s30, s2  }
0x54: {  	s1 =	sshrl.u32 s1, $0x3  }
0x55: {  	s3 =	sadd.s32 s8, s1  }
0x56: {  	[tilespmem:s16], [sflag:$0x9] =	stream.linear.gather [hbm4b:s3+s5], $0x60, $0x38;
	[tilespmem:$0x11C80] =	vst v63  }
0x57: {  	s17 =	simm.s32 $0x320;
	s1 =	sadd.s32 s9, s1  }
0x58: {  	[tilespmem:s0], [sflag:$0x9] =	stream.linear.gather [hbm4b:s1+s5], $0x60, $0x38;
	[tilespmem:$0x11C80] =	vst v63  }
0x59: {  	s21 =	simm.s32 $0xF20;
	v0 =	vld [tilespmem:s17+$0x10]  }
0x5a: {  	v1 =	vld [tilespmem:s21+$0x10]  }
0x5b: {  	v2 =	vld [tilespmem:s21+$0xFFFFFFE0]  }
0x5c: {  	v3 =	vld [tilespmem:s17+$0xFFFFFFF0]  }
0x5d: {  	v4 =	vld [tilespmem:s21+$0xFFFFFFF0]  }
0x5e: {  	v5 =	vld [tilespmem:s17+$0x0]  }
0x5f: {  	v0 =	vadd.f32 v1, v0;
	v1 =	vld [tilespmem:s21+$0x0]  }
0x60: {  	v6 =	vld [tilespmem:s17+$0xFFFFFFE0]  }
0x61: {  	v7 =	vmul.f32 $2.000000030e-01, v0  }
0x62: {  	vm1 =	vge.f32 v0, $0.0e+00  }
0x63: {  	v3 =	vadd.f32 v4, v3;
	v0 =	vsel vm1, v0, v7  }
0x64: {  	v0 =	vmul.f32 $1.442695020e+00, v0;
	v1 =	vadd.f32 v1, v5  }
0x65: {  	v2 =	vadd.f32 v2, v6;
	v4 =	vmul.f32 $2.000000030e-01, v3  }
0x66: {  	vm1 =	vge.f32 v3, $0.0e+00;
	(erf) = vpow2.f32 v0;
	v0 =	vmul.f32 $2.000000030e-01, v1  }
0x67: {  	v5 =	vmul.f32 $2.000000030e-01, v2;
	v3 =	vsel vm1, v3, v4;
	vm2 =	vge.f32 v1, $0.0e+00  }
0x68: {  	vm1 =	vge.f32 v2, $0.0e+00;
	v3 =	vmul.f32 $1.442695020e+00, v3;
	v0 =	vsel vm2, v1, v0  }
0x69: {  	v1 =	vsel vm1, v2, v5;
	v0 =	vmul.f32 $1.442695020e+00, v0  }
0x6a: {  	(erf) = vpow2.f32 v3;
	v1 =	vmul.f32 $1.442695020e+00, v1  }
0x6b: {  	(erf) = vpow2.f32 v0  }
0x6c: {  	s21 =	simm.s32 $0xF60;
	(erf) = vpow2.f32 v1  }
0x6d: {  	s22 =	simm.s32 $0x360;
	v3 =	vld [tilespmem:s21+$0x10]  }
0x6e: {  	v1 =	vld [tilespmem:s22+$0x10]  }
0x6f: {  	v10 =	vld [tilespmem:s22+$0x0]  }
0x70: {  	v12 =	vld [tilespmem:s21+$0x0]  }
0x71: {  	v6 =	vld [tilespmem:s22+$0xFFFFFFF0]  }
0x72: {  	v8 =	vld [tilespmem:s21+$0xFFFFFFF0];
	v0 =	vpop (erf)  }
0x73: {  	v5 =	vpop (erf);
	v3 =	vadd.f32 v3, v1  }
0x74: {  	s31 =	simm.s32 $0x4B20;
	v2 =	vnsel vm0, $0x0, v0;
	v7 =	vpop (erf)  }
0x75: {  	s17 =	simm.s32 $0x1B80;
	v4 =	vld [tilespmem:s21+$0xFFFFFFE0];
	v10 =	vadd.f32 v12, v10;
	[tilespmem:s31+$0x10] =	vst v2;
	v13 =	vnsel vm0, $0x0, v5;
	v15 =	vmul.f32 $2.000000030e-01, v3;
	v9 =	vpop (erf)  }
0x76: {  	v2 =	vld [tilespmem:s17+$0x70];
	[tilespmem:s31+$0xFFFFFFF0] =	vst v13;
	vm1 =	vge.f32 v3, $0.0e+00;
	v11 =	vnsel vm0, $0x0, v9  }
0x77: {  	v6 =	vadd.f32 v8, v6;
	v3 =	vsel vm1, v3, v15;
	v15 =	vmul.f32 $2.000000030e-01, v10;
	[tilespmem:s31+$0xFFFFFFE0] =	vst v11;
	v11 =	vld [tilespmem:s22+$0xFFFFFFE0]  }
0x78: {  	vm2 =	vge.f32 v10, $0.0e+00;
	v14 =	vbroadcast v5, $0x0;
	v17 =	vld [tilespmem:s17+$0xFFFFFFD0];
	v5 =	vnsel vm0, $0x0, v7  }
0x79: {  	v13 =	vmul.f32 $2.000000030e-01, v6;
	v3 =	vmul.f32 $1.442695020e+00, v3;
	[tilespmem:s31+$0x0] =	vst v5;
	v5 =	vsel vm2, v10, v15;
	v15 =	vld [tilespmem:s17+$0xFFFFFFF0]  }
0x7a: {  	vm1 =	vge.f32 v6, $0.0e+00;
	v16 =	vld [tilespmem:s17+$0xFFFFFF80]  }
0x7b: {  	v0 =	vbroadcast v0, $0x0;
	v8 =	vld [tilespmem:s17+$0xFFFFFFA0];
	(erf) = vpow2.f32 v3;
	v3 =	vsel vm1, v6, v13  }
0x7c: {  	v1 =	vbroadcast v7, $0x0;
	v7 =	vld [tilespmem:s17+$0xFFFFFF90];
	v3 =	vmul.f32 $1.442695020e+00, v3;
	v4 =	vadd.f32 v4, v11  }
0x7d: {  	v9 =	vbroadcast v9, $0x0;
	v12 =	vld [tilespmem:s17+$0xFFFFFFB0];
	v5 =	vmul.f32 $1.442695020e+00, v5  }
0x7e: {  	(erf) = vpow2.f32 v3;
	v11 =	vld [tilespmem:s17+$0xFFFFFFC0];
	v6 =	vmul.f32 $2.000000030e-01, v4  }
0x7f: {  	v2 =	vmul.f32 v2, v0;
	v13 =	vld [tilespmem:s17+$0xFFFFFFE0];
	(erf) = vpow2.f32 v5;
	vm3 =	vge.f32 v4, $0.0e+00  }
0x80: {  	v63 =	vld [tilespmem:s17+$0x10];
	v10 =	vmul.f32 v9, v16;
	v5 =	vmul.f32 v9, v8;
	v4 =	vsel vm3, v4, v6  }
0x81: {  	[tilespmem:s17+$0x70] =	vst v2;
	v6 =	vmul.f32 v9, v7;
	v7 =	vld [tilespmem:s17+$0x0];
	v2 =	vmul.f32 $1.442695020e+00, v4  }
0x82: {  	v3 =	vld [tilespmem:s17+$0x20];
	[tilespmem:s17+$0xFFFFFF80] =	vst v10  }
0x83: {  	[tilespmem:s17+$0xFFFFFFA0] =	vst v5;
	v4 =	vld [tilespmem:s17+$0x30];
	v10 =	vmul.f32 v14, v11;
	(erf) = vpow2.f32 v2  }
0x84: {  	v5 =	vld [tilespmem:s17+$0x40];
	v11 =	vmul.f32 v14, v13;
	[tilespmem:s17+$0xFFFFFF90] =	vst v6;
	v2 =	vmul.f32 v12, v9  }
0x85: {  	v6 =	vld [tilespmem:s17+$0x50];
	v12 =	vmul.f32 v14, v17;
	v9 =	vmul.f32 v15, v14;
	[tilespmem:s17+$0xFFFFFFC0] =	vst v10  }
0x86: {  	s2 =	simm.s32 $0x1B80;
	s3 =	simm.s32 $0x4;
	s1 =	simm.s32 $0x3A0;
	v8 =	vpop (erf);
	[tilespmem:s17+$0xFFFFFFB0] =	vst v2;
	v10 =	vmul.f32 v1, v7;
	v2 =	vmul.f32 v1, v63;
	v7 =	vld [tilespmem:s17+$0x60]  }
.LBB2_3:
0x87: {  	v13 =	vld [tilespmem:s1+$0x10];
	v14 =	vnsel vm0, $0x0, v8;
	s21 =	sadd.s32 $0x40, s21;
	[tilespmem:s17+$0xFFFFFFD0] =	vst v12;
	v3 =	vmul.f32 v1, v3;
	s31 =	sadd.s32 $0x40, s31  }
0x88: {  	s17 =	sadd.s32 $0x100, s17;
	v12 =	vld [tilespmem:s21+$0x10];
	[tilespmem:s31+$0x10] =	vst v14;
	v4 =	vmul.f32 v4, v1  }
0x89: {  	s3 =	sadd.s32 $0x4, s3;
	v14 =	vld [tilespmem:s17+$0x70];
	[tilespmem:s2+$0xFFFFFFE0] =	vst v11;
	v5 =	vmul.f32 v0, v5  }
0x8a: {  	p0 =	slt.u32 s3, $0x5C;
	v11 =	vld [tilespmem:s21+$0xFFFFFFE0];
	v1 =	vpop (erf);
	[tilespmem:s2+$0xFFFFFFF0] =	vst v9;
	v6 =	vmul.f32 v0, v6  }
0x8b: {  	v9 =	vld [tilespmem:s1+$0xFFFFFFF0];
	v15 =	vnsel vm0, $0x0, v1;
	v16 =	vbroadcast v1, $0x0;
	v1 =	vpop (erf);
	[tilespmem:s2+$0x0] =	vst v10;
	v7 =	vmul.f32 v0, v7  }
0x8c: {  	v0 =	vbroadcast v8, $0x0;
	v10 =	vld [tilespmem:s21+$0xFFFFFFF0];
	[tilespmem:s31+$0xFFFFFFF0] =	vst v15;
	v15 =	vnsel vm0, $0x0, v1;
	v1 =	vbroadcast v1, $0x0;
	v8 =	vpop (erf)  }
0x8d: {  	v17 =	vld [tilespmem:s1+$0x0];
	v18 =	vnsel vm0, $0x0, v8;
	v8 =	vbroadcast v8, $0x0;
	[tilespmem:s31+$0x0] =	vst v15  }
0x8e: {  	v12 =	vadd.f32 v12, v13;
	v15 =	vld [tilespmem:s21+$0x0];
	[tilespmem:s31+$0xFFFFFFE0] =	vst v18;
	v13 =	vmul.f32 v14, v0  }
0x8f: {  	v14 =	vld [tilespmem:s1+$0xFFFFFFE0];
	[tilespmem:s2+$0x10] =	vst v2  }
0x90: {  	v2 =	vmul.f32 $2.000000030e-01, v12;
	v18 =	vld [tilespmem:s17+$0xFFFFFF80];
	[tilespmem:s17+$0x70] =	vst v13  }
0x91: {  	vm1 =	vge.f32 v12, $0.0e+00;
	v9 =	vadd.f32 v10, v9;
	v10 =	vld [tilespmem:s17+$0xFFFFFF90];
	[tilespmem:s2+$0x20] =	vst v3  }
0x92: {  	v2 =	vsel vm1, v12, v2;
	v3 =	vld [tilespmem:s17+$0xFFFFFFA0];
	[tilespmem:s2+$0x30] =	vst v4  }
0x93: {  	v2 =	vmul.f32 $1.442695020e+00, v2;
	v4 =	vmul.f32 $2.000000030e-01, v9;
	v12 =	vadd.f32 v15, v17;
	v13 =	vld [tilespmem:s17+$0xFFFFFFB0];
	[tilespmem:s2+$0x40] =	vst v5  }
0x94: {  	vm1 =	vge.f32 v9, $0.0e+00;
	v5 =	vadd.f32 v11, v14;
	v11 =	vld [tilespmem:s17+$0xFFFFFFC0];
	[tilespmem:s2+$0x50] =	vst v6  }
0x95: {  	vm2 =	vge.f32 v12, $0.0e+00;
	v6 =	vmul.f32 $2.000000030e-01, v12;
	(erf) = vpow2.f32 v2;
	v2 =	vld [tilespmem:s17+$0xFFFFFFD0];
	[tilespmem:s2+$0x60] =	vst v7;
	s2 =	smov.u32 s17  }
0x96: {  	v4 =	vsel vm1, v9, v4;
	vm3 =	vge.f32 v5, $0.0e+00;
	v7 =	vmul.f32 $2.000000030e-01, v5;
	v9 =	vld [tilespmem:s17+$0xFFFFFFE0]  }
0x97: {  	v4 =	vmul.f32 $1.442695020e+00, v4;
	v6 =	vsel vm2, v12, v6;
	v12 =	vmul.f32 v8, v18;
	v14 =	vld [tilespmem:s17+$0xFFFFFFF0]  }
0x98: {  	v5 =	vsel vm3, v5, v7;
	v6 =	vmul.f32 $1.442695020e+00, v6;
	v7 =	vmul.f32 v8, v10;
	v10 =	vld [tilespmem:s17+$0x0]  }
0x99: {  	v5 =	vmul.f32 $1.442695020e+00, v5;
	(erf) = vpow2.f32 v4;
	[tilespmem:s17+$0xFFFFFF80] =	vst v12;
	v15 =	vld [tilespmem:s17+$0x10]  }
.Ltmp0:
0x9a: {  	(erf) = vpow2.f32 v6;
	[tilespmem:s17+$0xFFFFFF90] =	vst v7;
	v6 =	vmul.f32 v8, v3;
	v3 =	vld [tilespmem:s17+$0x20];
	(pc) =	sbr.rel @p0 .LBB2_3-.Ltmp0, $4  }
0x9b: {  	v7 =	vmul.f32 v13, v8;
	(erf) = vpow2.f32 v5;
	v4 =	vld [tilespmem:s17+$0x30]  }
0x9c: {  	v13 =	vmul.f32 v16, v11;
	v12 =	vmul.f32 v16, v2;
	[tilespmem:s17+$0xFFFFFFA0] =	vst v6;
	v5 =	vld [tilespmem:s17+$0x40]  }
0x9d: {  	v11 =	vmul.f32 v16, v9;
	v9 =	vmul.f32 v14, v16;
	[tilespmem:s17+$0xFFFFFFB0] =	vst v7;
	v6 =	vld [tilespmem:s17+$0x50]  }
0x9e: {  	s1 =	sadd.s32 $0x40, s1;
	v10 =	vmul.f32 v1, v10;
	v8 =	vpop (erf);
	[tilespmem:s17+$0xFFFFFFC0] =	vst v13;
	v2 =	vmul.f32 v1, v15;
	v7 =	vld [tilespmem:s17+$0x60]  }
0x9f: {  	v13 =	vnsel vm0, $0x0, v8;
	[tilespmem:s17+$0xFFFFFFD0] =	vst v12;
	s3 =	sadd.s32 $0x40, s31  }
0xa0: {  	[tilespmem:s3+$0x10] =	vst v13  }
0xa1: {  	[tilespmem:s2+$0xFFFFFFE0] =	vst v11  }
0xa2: {  	[tilespmem:s2+$0xFFFFFFF0] =	vst v9  }
0xa3: {  	s1 =	sadd.s32 $0x100, s17;
	[tilespmem:s2+$0x0] =	vst v10;
	v11 =	vpop (erf)  }
0xa4: {  	[tilespmem:s2+$0x10] =	vst v2;
	v12 =	vld [tilespmem:s1+$0x70];
	v6 =	vmul.f32 v0, v6;
	v9 =	vnsel vm0, $0x0, v11;
	v13 =	vpop (erf)  }
0xa5: {  	[tilespmem:s3+$0xFFFFFFF0] =	vst v9;
	v10 =	vpop (erf)  }
0xa6: {  	v3 =	vmul.f32 v1, v3;
	[tilespmem:s2+$0x50] =	vst v6;
	v14 =	vnsel vm0, $0x0, v10  }
0xa7: {  	v8 =	vbroadcast v8, $0x0;
	v6 =	vld [tilespmem:s1+$0xFFFFFFD0];
	[tilespmem:s3+$0xFFFFFFE0] =	vst v14  }
0xa8: {  	v1 =	vmul.f32 v4, v1;
	[tilespmem:s2+$0x20] =	vst v3;
	v9 =	vnsel vm0, $0x0, v13;
	v2 =	vld [tilespmem:s1+$0xFFFFFF80]  }
0xa9: {  	v5 =	vmul.f32 v0, v5;
	[tilespmem:s3+$0x0] =	vst v9;
	v9 =	vmul.f32 v12, v8;
	v4 =	vld [tilespmem:s1+$0xFFFFFF90]  }
0xaa: {  	[tilespmem:s2+$0x30] =	vst v1;
	v0 =	vmul.f32 v0, v7;
	v7 =	vbroadcast v11, $0x0;
	v3 =	vld [tilespmem:s1+$0xFFFFFFA0]  }
0xab: {  	v1 =	vld [tilespmem:s1+$0xFFFFFFB0];
	[tilespmem:s1+$0x70] =	vst v9;
	v9 =	vbroadcast v10, $0x0  }
0xac: {  	[tilespmem:s2+$0x40] =	vst v5;
	v5 =	vld [tilespmem:s1+$0xFFFFFFC0];
	v6 =	vmul.f32 v7, v6  }
0xad: {  	[tilespmem:s2+$0x60] =	vst v0;
	v0 =	vld [tilespmem:s1+$0xFFFFFFE0];
	v2 =	vmul.f32 v9, v2  }
0xae: {  	v10 =	vld [tilespmem:s1+$0xFFFFFFF0];
	v4 =	vmul.f32 v9, v4;
	[tilespmem:s1+$0xFFFFFFD0] =	vst v6  }
0xaf: {  	[tilespmem:s1+$0xFFFFFF80] =	vst v2;
	v2 =	vmul.f32 v9, v3;
	v3 =	vld [tilespmem:s1+$0x0]  }
0xb0: {  	v1 =	vmul.f32 v1, v9;
	[tilespmem:s1+$0xFFFFFF90] =	vst v4;
	v4 =	vld [tilespmem:s1+$0x10]  }
0xb1: {  	[tilespmem:s1+$0xFFFFFFA0] =	vst v2;
	v2 =	vmul.f32 v7, v5;
	v5 =	vld [tilespmem:s1+$0x20]  }
0xb2: {  	v0 =	vmul.f32 v7, v0;
	[tilespmem:s1+$0xFFFFFFB0] =	vst v1;
	v1 =	vbroadcast v13, $0x0;
	v9 =	vld [tilespmem:s1+$0x30]  }
0xb3: {  	v7 =	vmul.f32 v10, v7;
	[tilespmem:s1+$0xFFFFFFC0] =	vst v2;
	v2 =	vld [tilespmem:s1+$0x40]  }
0xb4: {  	v6 =	vld [tilespmem:s1+$0x50];
	[tilespmem:s1+$0xFFFFFFE0] =	vst v0;
	v3 =	vmul.f32 v1, v3  }
0xb5: {  	[tilespmem:s1+$0xFFFFFFF0] =	vst v7;
	v0 =	vmul.f32 v1, v4;
	v4 =	vld [tilespmem:s1+$0x60]  }
0xb6: {  	v5 =	vmul.f32 v1, v5;
	[tilespmem:s1+$0x0] =	vst v3  }
0xb7: {  	v1 =	vmul.f32 v9, v1;
	[tilespmem:s1+$0x10] =	vst v0  }
0xb8: {  	v0 =	vmul.f32 v8, v2;
	[tilespmem:s1+$0x20] =	vst v5  }
0xb9: {  	v2 =	vmul.f32 v8, v6;
	[tilespmem:s1+$0x30] =	vst v1  }
0xba: {  	v1 =	vmul.f32 v8, v4;
	[tilespmem:s1+$0x40] =	vst v0  }
0xbb: {  	[tilespmem:s1+$0x50] =	vst v2  }
0xbc: {  	s17 =	rddreg [dreg:$0x3];
	s21 =	simm.s32 $0x4B00;
	[tilespmem:s1+$0x60] =	vst v1  }
0xbd: {  	[spmem:s17] =	stream.indirect.scatter.add.f32 [tilespmem:s21], [sflag:$0xB], $0x10, s25, s26, $0xb8;
	[tilespmem:$0x11C80] =	vst v63  }
0xbe: {  	_ =	swait.ge [sflag:s4], $0x600  }
0xbf: {  	[sflag:s4] =	ssyncset.done $0x0  }
0xc0: {  	[sflag:s4] =	ssyncadd.s32 $0xFFFFFA00  }
0xc1: {  	s2 =	simm.s32 $0x1B00;
	s22 =	rddreg [dreg:$0x2]  }
0xc2: {  	[spmem:s22] =	stream.indirect.scatter.add.f32 [tilespmem:s2], [sflag:$0xB], $0x40, s25, s26, $0xb8;
	[tilespmem:$0x11C80] =	vst v63  }
0xc3: {  	_ =	swait.ge [sflag:s4], $0x1800  }
0xc4: {  	[sflag:s4] =	ssyncset.done $0x0  }
0xc5: {  	[sflag:s4] =	ssyncadd.s32 $0xFFFFE800  }
0xc6: {  	_ =	swait.ge [sflag:s24], $0x600  }
0xc7: {  	[sflag:s24] =	ssyncset.done $0x0  }
0xc8: {  	[sflag:s24] =	ssyncadd.s32 $0xFFFFFA00  }
0xc9: {  	_ =	swait.ge [sflag:s18], $0x600  }
0xca: {  	[sflag:s18] =	ssyncset.done $0x0  }
0xcb: {  	[sflag:s18] =	ssyncadd.s32 $0xFFFFFA00  }
0xcc: {  	_ =	swait.ge [sflag:s19], $0x1800  }
0xcd: {  	[sflag:s19] =	ssyncset.done $0x0  }
0xce: {  	[sflag:s19] =	ssyncadd.s32 $0xFFFFE800  }
0xcf: {  	_ =	swait.ge [sflag:s20], $0x60  }
0xd0: {  	[sflag:s20] =	ssyncset.done $0x0  }
0xd1: {  	[sflag:s20] =	ssyncadd.s32 $0xFFFFFFA0  }
0xd2: {  	_ =	swait.ge [sflag:s20], $0x60  }
0xd3: {  	s17 =	simm.s32 $0x300;
	[sflag:s20] =	ssyncset.done $0x0  }
0xd4: {  	s21 =	simm.s32 $0xC0;
	s3 =	rddreg [dreg:$0xe];
	[sflag:s20] =	ssyncadd.s32 $0xFFFFFFA0  }
0xd5: {  	[tilespmem:s17], [sflag:$0x1] =	stream.indirect.gather [hbm4b:s6+s26], $0x10, s21, s26, $0xb8;
	[tilespmem:$0x11C80] =	vst v63  }
0xd6: {  	s22 =	simm.s32 $0xF00;
	s1 =	sadd.s32 s30, s3  }
0xd7: {  	[tilespmem:s22], [sflag:$0x2] =	stream.indirect.gather [hbm4b:s7+s26], $0x10, s0, s26, $0xb8;
	[tilespmem:$0x11C80] =	vst v63  }
0xd8: {  	s1 =	sshrl.u32 s1, $0x3;
	s0 =	rddreg [dreg:$0x0]  }
0xd9: {  	[tilespmem:s2], [sflag:$0x3] =	stream.indirect.gather [hbm4b:s0+s26], $0x40, s21, s26, $0xb8;
	[tilespmem:$0x11C80] =	vst v63  }
0xda: {  	s17 =	sadd.s32 s8, s1  }
0xdb: {  	[tilespmem:s28], [sflag:$0xA] =	stream.linear.gather [hbm4b:s17+s5], $0x60, $0x38;
	[tilespmem:$0x11C80] =	vst v63  }
0xdc: {  	s1 =	sadd.s32 s9, s1;
	s21 =	simm.s32 $0x920  }
0xdd: {  	[tilespmem:s14], [sflag:$0xA] =	stream.linear.gather [hbm4b:s1+s5], $0x60, $0x38;
	[tilespmem:$0x11C80] =	vst v63  }
0xde: {  	s22 =	simm.s32 $0x1520;
	v0 =	vld [tilespmem:s21+$0x10]  }
0xdf: {  	v1 =	vld [tilespmem:s22+$0x10]  }
0xe0: {  	v2 =	vld [tilespmem:s22+$0xFFFFFFE0]  }
0xe1: {  	v3 =	vld [tilespmem:s21+$0xFFFFFFF0]  }
0xe2: {  	v4 =	vld [tilespmem:s22+$0xFFFFFFF0]  }
0xe3: {  	v5 =	vld [tilespmem:s21+$0x0]  }
0xe4: {  	v0 =	vadd.f32 v1, v0;
	v1 =	vld [tilespmem:s22+$0x0]  }
0xe5: {  	v6 =	vld [tilespmem:s21+$0xFFFFFFE0]  }
0xe6: {  	v7 =	vmul.f32 $2.000000030e-01, v0  }
0xe7: {  	vm1 =	vge.f32 v0, $0.0e+00  }
0xe8: {  	v3 =	vadd.f32 v4, v3;
	v0 =	vsel vm1, v0, v7  }
0xe9: {  	v0 =	vmul.f32 $1.442695020e+00, v0;
	v1 =	vadd.f32 v1, v5  }
0xea: {  	v2 =	vadd.f32 v2, v6;
	v4 =	vmul.f32 $2.000000030e-01, v3  }
0xeb: {  	vm1 =	vge.f32 v3, $0.0e+00;
	(erf) = vpow2.f32 v0;
	v0 =	vmul.f32 $2.000000030e-01, v1  }
0xec: {  	v5 =	vmul.f32 $2.000000030e-01, v2;
	v3 =	vsel vm1, v3, v4;
	vm2 =	vge.f32 v1, $0.0e+00  }
0xed: {  	vm1 =	vge.f32 v2, $0.0e+00;
	v3 =	vmul.f32 $1.442695020e+00, v3;
	v0 =	vsel vm2, v1, v0  }
0xee: {  	v1 =	vsel vm1, v2, v5;
	v0 =	vmul.f32 $1.442695020e+00, v0  }
0xef: {  	(erf) = vpow2.f32 v3;
	v1 =	vmul.f32 $1.442695020e+00, v1  }
0xf0: {  	(erf) = vpow2.f32 v0  }
0xf1: {  	s21 =	simm.s32 $0x1560;
	(erf) = vpow2.f32 v1  }
0xf2: {  	s28 =	simm.s32 $0x960;
	v3 =	vld [tilespmem:s21+$0x10]  }
0xf3: {  	v1 =	vld [tilespmem:s28+$0x10]  }
0xf4: {  	v10 =	vld [tilespmem:s28+$0x0]  }
0xf5: {  	v12 =	vld [tilespmem:s21+$0x0]  }
0xf6: {  	v8 =	vld [tilespmem:s21+$0xFFFFFFF0]  }
0xf7: {  	v6 =	vld [tilespmem:s28+$0xFFFFFFF0];
	v0 =	vpop (erf)  }
0xf8: {  	v5 =	vpop (erf);
	v3 =	vadd.f32 v3, v1  }
0xf9: {  	s31 =	simm.s32 $0x5120;
	v2 =	vnsel vm0, $0x0, v0;
	v7 =	vpop (erf)  }
0xfa: {  	s17 =	simm.s32 $0x3380;
	v10 =	vadd.f32 v12, v10;
	v4 =	vld [tilespmem:s21+$0xFFFFFFE0];
	[tilespmem:s31+$0x10] =	vst v2;
	v13 =	vnsel vm0, $0x0, v5;
	v15 =	vmul.f32 $2.000000030e-01, v3;
	v9 =	vpop (erf)  }
0xfb: {  	v2 =	vld [tilespmem:s17+$0x70];
	[tilespmem:s31+$0xFFFFFFF0] =	vst v13;
	vm1 =	vge.f32 v3, $0.0e+00;
	v11 =	vnsel vm0, $0x0, v9  }
0xfc: {  	v6 =	vadd.f32 v8, v6;
	v3 =	vsel vm1, v3, v15;
	v15 =	vmul.f32 $2.000000030e-01, v10;
	[tilespmem:s31+$0xFFFFFFE0] =	vst v11;
	v11 =	vld [tilespmem:s28+$0xFFFFFFE0]  }
0xfd: {  	vm2 =	vge.f32 v10, $0.0e+00;
	v14 =	vbroadcast v5, $0x0;
	v17 =	vld [tilespmem:s17+$0xFFFFFFD0];
	v5 =	vnsel vm0, $0x0, v7  }
0xfe: {  	v13 =	vmul.f32 $2.000000030e-01, v6;
	v3 =	vmul.f32 $1.442695020e+00, v3;
	[tilespmem:s31+$0x0] =	vst v5;
	v5 =	vsel vm2, v10, v15;
	v15 =	vld [tilespmem:s17+$0xFFFFFFF0]  }
0xff: {  	vm1 =	vge.f32 v6, $0.0e+00;
	v16 =	vld [tilespmem:s17+$0xFFFFFF80]  }
0x100: {  	v0 =	vbroadcast v0, $0x0;
	v8 =	vld [tilespmem:s17+$0xFFFFFFA0];
	(erf) = vpow2.f32 v3;
	v3 =	vsel vm1, v6, v13  }
0x101: {  	v1 =	vbroadcast v7, $0x0;
	v7 =	vld [tilespmem:s17+$0xFFFFFF90];
	v3 =	vmul.f32 $1.442695020e+00, v3;
	v4 =	vadd.f32 v4, v11  }
0x102: {  	v9 =	vbroadcast v9, $0x0;
	v12 =	vld [tilespmem:s17+$0xFFFFFFB0];
	v5 =	vmul.f32 $1.442695020e+00, v5  }
0x103: {  	(erf) = vpow2.f32 v3;
	v11 =	vld [tilespmem:s17+$0xFFFFFFC0];
	v6 =	vmul.f32 $2.000000030e-01, v4  }
0x104: {  	v2 =	vmul.f32 v2, v0;
	v13 =	vld [tilespmem:s17+$0xFFFFFFE0];
	(erf) = vpow2.f32 v5;
	vm3 =	vge.f32 v4, $0.0e+00  }
0x105: {  	v63 =	vld [tilespmem:s17+$0x10];
	v10 =	vmul.f32 v9, v16;
	v5 =	vmul.f32 v9, v8;
	v4 =	vsel vm3, v4, v6  }
0x106: {  	[tilespmem:s17+$0x70] =	vst v2;
	v6 =	vmul.f32 v9, v7;
	v7 =	vld [tilespmem:s17+$0x0];
	v2 =	vmul.f32 $1.442695020e+00, v4  }
0x107: {  	v3 =	vld [tilespmem:s17+$0x20];
	[tilespmem:s17+$0xFFFFFF80] =	vst v10  }
0x108: {  	[tilespmem:s17+$0xFFFFFFA0] =	vst v5;
	v4 =	vld [tilespmem:s17+$0x30];
	v10 =	vmul.f32 v14, v11;
	(erf) = vpow2.f32 v2  }
0x109: {  	v5 =	vld [tilespmem:s17+$0x40];
	v11 =	vmul.f32 v14, v13;
	[tilespmem:s17+$0xFFFFFF90] =	vst v6;
	v2 =	vmul.f32 v12, v9  }
0x10a: {  	s16 =	simm.s32 $0xC0;
	v6 =	vld [tilespmem:s17+$0x50];
	v12 =	vmul.f32 v14, v17;
	v9 =	vmul.f32 v15, v14;
	[tilespmem:s17+$0xFFFFFFC0] =	vst v10  }
0x10b: {  	s3 =	simm.s32 $0x4;
	s2 =	simm.s32 $0x3380;
	s1 =	simm.s32 $0x9A0;
	v8 =	vpop (erf);
	[tilespmem:s17+$0xFFFFFFB0] =	vst v2;
	v10 =	vmul.f32 v1, v7;
	v2 =	vmul.f32 v1, v63;
	v7 =	vld [tilespmem:s17+$0x60]  }
.LBB2_5:
0x10c: {  	v13 =	vld [tilespmem:s1+$0x10];
	v14 =	vnsel vm0, $0x0, v8;
	s21 =	sadd.s32 $0x40, s21;
	[tilespmem:s17+$0xFFFFFFD0] =	vst v12;
	v3 =	vmul.f32 v1, v3;
	s31 =	sadd.s32 $0x40, s31  }
0x10d: {  	s17 =	sadd.s32 $0x100, s17;
	v12 =	vld [tilespmem:s21+$0x10];
	[tilespmem:s31+$0x10] =	vst v14;
	v4 =	vmul.f32 v4, v1  }
0x10e: {  	s3 =	sadd.s32 $0x4, s3;
	v14 =	vld [tilespmem:s17+$0x70];
	[tilespmem:s2+$0xFFFFFFE0] =	vst v11;
	v5 =	vmul.f32 v0, v5  }
0x10f: {  	p0 =	slt.u32 s3, $0x5C;
	v11 =	vld [tilespmem:s21+$0xFFFFFFE0];
	v1 =	vpop (erf);
	[tilespmem:s2+$0xFFFFFFF0] =	vst v9;
	v6 =	vmul.f32 v0, v6  }
0x110: {  	v9 =	vld [tilespmem:s1+$0xFFFFFFF0];
	v15 =	vnsel vm0, $0x0, v1;
	v16 =	vbroadcast v1, $0x0;
	v1 =	vpop (erf);
	[tilespmem:s2+$0x0] =	vst v10;
	v7 =	vmul.f32 v0, v7  }
0x111: {  	v0 =	vbroadcast v8, $0x0;
	v10 =	vld [tilespmem:s21+$0xFFFFFFF0];
	[tilespmem:s31+$0xFFFFFFF0] =	vst v15;
	v15 =	vnsel vm0, $0x0, v1;
	v1 =	vbroadcast v1, $0x0;
	v8 =	vpop (erf)  }
0x112: {  	v17 =	vld [tilespmem:s1+$0x0];
	v18 =	vnsel vm0, $0x0, v8;
	v8 =	vbroadcast v8, $0x0;
	[tilespmem:s31+$0x0] =	vst v15  }
0x113: {  	v12 =	vadd.f32 v12, v13;
	v15 =	vld [tilespmem:s21+$0x0];
	[tilespmem:s31+$0xFFFFFFE0] =	vst v18;
	v13 =	vmul.f32 v14, v0  }
0x114: {  	v14 =	vld [tilespmem:s1+$0xFFFFFFE0];
	[tilespmem:s2+$0x10] =	vst v2  }
0x115: {  	v2 =	vmul.f32 $2.000000030e-01, v12;
	v18 =	vld [tilespmem:s17+$0xFFFFFF80];
	[tilespmem:s17+$0x70] =	vst v13  }
0x116: {  	vm1 =	vge.f32 v12, $0.0e+00;
	v9 =	vadd.f32 v10, v9;
	v10 =	vld [tilespmem:s17+$0xFFFFFF90];
	[tilespmem:s2+$0x20] =	vst v3  }
0x117: {  	v2 =	vsel vm1, v12, v2;
	v3 =	vld [tilespmem:s17+$0xFFFFFFA0];
	[tilespmem:s2+$0x30] =	vst v4  }
0x118: {  	v2 =	vmul.f32 $1.442695020e+00, v2;
	v4 =	vmul.f32 $2.000000030e-01, v9;
	v12 =	vadd.f32 v15, v17;
	v13 =	vld [tilespmem:s17+$0xFFFFFFB0];
	[tilespmem:s2+$0x40] =	vst v5  }
0x119: {  	vm1 =	vge.f32 v9, $0.0e+00;
	v5 =	vadd.f32 v11, v14;
	v11 =	vld [tilespmem:s17+$0xFFFFFFC0];
	[tilespmem:s2+$0x50] =	vst v6  }
0x11a: {  	vm2 =	vge.f32 v12, $0.0e+00;
	v6 =	vmul.f32 $2.000000030e-01, v12;
	(erf) = vpow2.f32 v2;
	v2 =	vld [tilespmem:s17+$0xFFFFFFD0];
	[tilespmem:s2+$0x60] =	vst v7;
	s2 =	smov.u32 s17  }
0x11b: {  	v4 =	vsel vm1, v9, v4;
	vm3 =	vge.f32 v5, $0.0e+00;
	v7 =	vmul.f32 $2.000000030e-01, v5;
	v9 =	vld [tilespmem:s17+$0xFFFFFFE0]  }
0x11c: {  	v4 =	vmul.f32 $1.442695020e+00, v4;
	v6 =	vsel vm2, v12, v6;
	v12 =	vmul.f32 v8, v18;
	v14 =	vld [tilespmem:s17+$0xFFFFFFF0]  }
0x11d: {  	v5 =	vsel vm3, v5, v7;
	v6 =	vmul.f32 $1.442695020e+00, v6;
	v7 =	vmul.f32 v8, v10;
	v10 =	vld [tilespmem:s17+$0x0]  }
0x11e: {  	v5 =	vmul.f32 $1.442695020e+00, v5;
	(erf) = vpow2.f32 v4;
	[tilespmem:s17+$0xFFFFFF80] =	vst v12;
	v15 =	vld [tilespmem:s17+$0x10]  }
.Ltmp1:
0x11f: {  	(erf) = vpow2.f32 v6;
	[tilespmem:s17+$0xFFFFFF90] =	vst v7;
	v6 =	vmul.f32 v8, v3;
	v3 =	vld [tilespmem:s17+$0x20];
	(pc) =	sbr.rel @p0 .LBB2_5-.Ltmp1, $4  }
0x120: {  	v7 =	vmul.f32 v13, v8;
	(erf) = vpow2.f32 v5;
	v4 =	vld [tilespmem:s17+$0x30]  }
0x121: {  	v13 =	vmul.f32 v16, v11;
	v12 =	vmul.f32 v16, v2;
	[tilespmem:s17+$0xFFFFFFA0] =	vst v6;
	v5 =	vld [tilespmem:s17+$0x40]  }
0x122: {  	v11 =	vmul.f32 v16, v9;
	v9 =	vmul.f32 v14, v16;
	[tilespmem:s17+$0xFFFFFFB0] =	vst v7;
	v6 =	vld [tilespmem:s17+$0x50]  }
0x123: {  	s1 =	sadd.s32 $0x40, s1;
	v10 =	vmul.f32 v1, v10;
	v8 =	vpop (erf);
	[tilespmem:s17+$0xFFFFFFC0] =	vst v13;
	v2 =	vmul.f32 v1, v15;
	v7 =	vld [tilespmem:s17+$0x60]  }
0x124: {  	v13 =	vnsel vm0, $0x0, v8;
	[tilespmem:s17+$0xFFFFFFD0] =	vst v12;
	s3 =	sadd.s32 $0x40, s31  }
0x125: {  	[tilespmem:s3+$0x10] =	vst v13  }
0x126: {  	[tilespmem:s2+$0xFFFFFFE0] =	vst v11  }
0x127: {  	[tilespmem:s2+$0xFFFFFFF0] =	vst v9  }
0x128: {  	s1 =	sadd.s32 $0x100, s17;
	[tilespmem:s2+$0x0] =	vst v10;
	v11 =	vpop (erf)  }
0x129: {  	[tilespmem:s2+$0x10] =	vst v2;
	v12 =	vld [tilespmem:s1+$0x70];
	v6 =	vmul.f32 v0, v6;
	v9 =	vnsel vm0, $0x0, v11;
	v13 =	vpop (erf)  }
0x12a: {  	[tilespmem:s3+$0xFFFFFFF0] =	vst v9;
	v10 =	vpop (erf)  }
0x12b: {  	v3 =	vmul.f32 v1, v3;
	[tilespmem:s2+$0x50] =	vst v6;
	v14 =	vnsel vm0, $0x0, v10  }
0x12c: {  	v8 =	vbroadcast v8, $0x0;
	v6 =	vld [tilespmem:s1+$0xFFFFFFD0];
	[tilespmem:s3+$0xFFFFFFE0] =	vst v14  }
0x12d: {  	v1 =	vmul.f32 v4, v1;
	[tilespmem:s2+$0x20] =	vst v3;
	v9 =	vnsel vm0, $0x0, v13;
	v2 =	vld [tilespmem:s1+$0xFFFFFF80]  }
0x12e: {  	v5 =	vmul.f32 v0, v5;
	[tilespmem:s3+$0x0] =	vst v9;
	v9 =	vmul.f32 v12, v8;
	v4 =	vld [tilespmem:s1+$0xFFFFFF90]  }
0x12f: {  	[tilespmem:s2+$0x30] =	vst v1;
	v0 =	vmul.f32 v0, v7;
	v7 =	vbroadcast v11, $0x0;
	v3 =	vld [tilespmem:s1+$0xFFFFFFA0]  }
0x130: {  	v1 =	vld [tilespmem:s1+$0xFFFFFFB0];
	[tilespmem:s1+$0x70] =	vst v9;
	v9 =	vbroadcast v10, $0x0  }
0x131: {  	[tilespmem:s2+$0x40] =	vst v5;
	v5 =	vld [tilespmem:s1+$0xFFFFFFC0];
	v6 =	vmul.f32 v7, v6  }
0x132: {  	[tilespmem:s2+$0x60] =	vst v0;
	v0 =	vld [tilespmem:s1+$0xFFFFFFE0];
	v2 =	vmul.f32 v9, v2  }
0x133: {  	v10 =	vld [tilespmem:s1+$0xFFFFFFF0];
	v4 =	vmul.f32 v9, v4;
	[tilespmem:s1+$0xFFFFFFD0] =	vst v6  }
0x134: {  	[tilespmem:s1+$0xFFFFFF80] =	vst v2;
	v2 =	vmul.f32 v9, v3;
	v3 =	vld [tilespmem:s1+$0x0]  }
0x135: {  	v1 =	vmul.f32 v1, v9;
	[tilespmem:s1+$0xFFFFFF90] =	vst v4;
	v4 =	vld [tilespmem:s1+$0x10]  }
0x136: {  	[tilespmem:s1+$0xFFFFFFA0] =	vst v2;
	v2 =	vmul.f32 v7, v5;
	v5 =	vld [tilespmem:s1+$0x20]  }
0x137: {  	v0 =	vmul.f32 v7, v0;
	[tilespmem:s1+$0xFFFFFFB0] =	vst v1;
	v1 =	vbroadcast v13, $0x0;
	v9 =	vld [tilespmem:s1+$0x30]  }
0x138: {  	v7 =	vmul.f32 v10, v7;
	[tilespmem:s1+$0xFFFFFFC0] =	vst v2;
	v2 =	vld [tilespmem:s1+$0x40]  }
0x139: {  	v6 =	vld [tilespmem:s1+$0x50];
	[tilespmem:s1+$0xFFFFFFE0] =	vst v0;
	v3 =	vmul.f32 v1, v3  }
0x13a: {  	[tilespmem:s1+$0xFFFFFFF0] =	vst v7;
	v0 =	vmul.f32 v1, v4;
	v4 =	vld [tilespmem:s1+$0x60]  }
0x13b: {  	v5 =	vmul.f32 v1, v5;
	[tilespmem:s1+$0x0] =	vst v3  }
0x13c: {  	v1 =	vmul.f32 v9, v1;
	[tilespmem:s1+$0x10] =	vst v0  }
0x13d: {  	v0 =	vmul.f32 v8, v2;
	[tilespmem:s1+$0x20] =	vst v5  }
0x13e: {  	v2 =	vmul.f32 v8, v6;
	[tilespmem:s1+$0x30] =	vst v1  }
0x13f: {  	v1 =	vmul.f32 v8, v4;
	[tilespmem:s1+$0x40] =	vst v0  }
0x140: {  	[tilespmem:s1+$0x50] =	vst v2  }
0x141: {  	s17 =	rddreg [dreg:$0x3];
	s21 =	simm.s32 $0x1E0;
	s0 =	simm.s32 $0x5100;
	[tilespmem:s1+$0x60] =	vst v1  }
0x142: {  	[spmem:s17] =	stream.indirect.scatter.add.f32 [tilespmem:s0], [sflag:$0xB], $0x10, s21, s26, $0xb8;
	[tilespmem:$0x11C80] =	vst v63  }
0x143: {  	_ =	swait.ge [sflag:s4], $0x600  }
0x144: {  	[sflag:s4] =	ssyncset.done $0x0  }
0x145: {  	[sflag:s4] =	ssyncadd.s32 $0xFFFFFA00  }
0x146: {  	s2 =	simm.s32 $0x3300;
	s0 =	rddreg [dreg:$0x2]  }
0x147: {  	[spmem:s0] =	stream.indirect.scatter.add.f32 [tilespmem:s2], [sflag:$0xB], $0x40, s21, s26, $0xb8;
	[tilespmem:$0x11C80] =	vst v63  }
0x148: {  	_ =	swait.ge [sflag:s4], $0x1800  }
0x149: {  	[sflag:s4] =	ssyncset.done $0x0  }
0x14a: {  	[sflag:s4] =	ssyncadd.s32 $0xFFFFE800  }
0x14b: {  	_ =	swait.ge [sflag:s10], $0x600  }
0x14c: {  	[sflag:s10] =	ssyncset.done $0x0  }
0x14d: {  	[sflag:s10] =	ssyncadd.s32 $0xFFFFFA00  }
0x14e: {  	_ =	swait.ge [sflag:s11], $0x600  }
0x14f: {  	[sflag:s11] =	ssyncset.done $0x0  }
0x150: {  	[sflag:s11] =	ssyncadd.s32 $0xFFFFFA00  }
0x151: {  	_ =	swait.ge [sflag:s12], $0x1800  }
0x152: {  	[sflag:s12] =	ssyncset.done $0x0  }
0x153: {  	[sflag:s12] =	ssyncadd.s32 $0xFFFFE800  }
0x154: {  	_ =	swait.ge [sflag:s23], $0x60  }
0x155: {  	[sflag:s23] =	ssyncset.done $0x0  }
0x156: {  	[sflag:s23] =	ssyncadd.s32 $0xFFFFFFA0  }
0x157: {  	_ =	swait.ge [sflag:s23], $0x60  }
0x158: {  	[sflag:s23] =	ssyncset.done $0x0  }
0x159: {  	s3 =	simm.s32 $0x900;
	s17 =	simm.s32 $0x120;
	[sflag:s23] =	ssyncadd.s32 $0xFFFFFFA0  }
0x15a: {  	[tilespmem:s3], [sflag:$0x4] =	stream.indirect.gather [hbm4b:s6+s26], $0x10, s17, s26, $0xb8;
	[tilespmem:$0x11C80] =	vst v63  }
0x15b: {  	s3 =	rddreg [dreg:$0xf]  }
0x15c: {  	s21 =	simm.s32 $0x1500;
	s1 =	sadd.s32 s30, s3  }
0x15d: {  	[tilespmem:s21], [sflag:$0x5] =	stream.indirect.gather [hbm4b:s7+s26], $0x10, s14, s26, $0xb8;
	[tilespmem:$0x11C80] =	vst v63  }
0x15e: {  	s0 =	rddreg [dreg:$0x0];
	s1 =	sshrl.u32 s1, $0x3  }
0x15f: {  	[tilespmem:s2], [sflag:$0x6] =	stream.indirect.gather [hbm4b:s0+s26], $0x40, s17, s26, $0xb8;
	[tilespmem:$0x11C80] =	vst v63  }
0x160: {  	s17 =	sadd.s32 s8, s1  }
0x161: {  	[tilespmem:s5], [sflag:$0x7] =	stream.linear.gather [hbm4b:s17+s5], $0x60, $0x38;
	[tilespmem:$0x11C80] =	vst v63  }
0x162: {  	s21 =	simm.s32 $0x320;
	s1 =	sadd.s32 s9, s1  }
0x163: {  	[tilespmem:s25], [sflag:$0x7] =	stream.linear.gather [hbm4b:s1+s5], $0x60, $0x38;
	[tilespmem:$0x11C80] =	vst v63  }
0x164: {  	s0 =	simm.s32 $0xF20;
	v0 =	vld [tilespmem:s21+$0x10]  }
0x165: {  	v1 =	vld [tilespmem:s0+$0x10]  }
0x166: {  	v2 =	vld [tilespmem:s0+$0xFFFFFFE0]  }
0x167: {  	v3 =	vld [tilespmem:s21+$0xFFFFFFF0]  }
0x168: {  	v4 =	vld [tilespmem:s0+$0xFFFFFFF0]  }
0x169: {  	v5 =	vld [tilespmem:s21+$0x0]  }
0x16a: {  	v0 =	vadd.f32 v1, v0;
	v1 =	vld [tilespmem:s0+$0x0]  }
0x16b: {  	v6 =	vld [tilespmem:s21+$0xFFFFFFE0]  }
0x16c: {  	v7 =	vmul.f32 $2.000000030e-01, v0  }
0x16d: {  	vm1 =	vge.f32 v0, $0.0e+00  }
0x16e: {  	v3 =	vadd.f32 v4, v3;
	v0 =	vsel vm1, v0, v7  }
0x16f: {  	v0 =	vmul.f32 $1.442695020e+00, v0;
	v1 =	vadd.f32 v1, v5  }
0x170: {  	v2 =	vadd.f32 v2, v6;
	v4 =	vmul.f32 $2.000000030e-01, v3  }
0x171: {  	vm1 =	vge.f32 v3, $0.0e+00;
	(erf) = vpow2.f32 v0;
	v0 =	vmul.f32 $2.000000030e-01, v1  }
0x172: {  	v5 =	vmul.f32 $2.000000030e-01, v2;
	v3 =	vsel vm1, v3, v4;
	vm2 =	vge.f32 v1, $0.0e+00  }
0x173: {  	vm1 =	vge.f32 v2, $0.0e+00;
	v3 =	vmul.f32 $1.442695020e+00, v3;
	v0 =	vsel vm2, v1, v0  }
0x174: {  	v1 =	vsel vm1, v2, v5;
	v0 =	vmul.f32 $1.442695020e+00, v0  }
0x175: {  	(erf) = vpow2.f32 v3;
	v1 =	vmul.f32 $1.442695020e+00, v1  }
0x176: {  	(erf) = vpow2.f32 v0  }
0x177: {  	s21 =	simm.s32 $0xF60;
	(erf) = vpow2.f32 v1  }
0x178: {  	s3 =	simm.s32 $0x360;
	v3 =	vld [tilespmem:s21+$0x10]  }
0x179: {  	v1 =	vld [tilespmem:s3+$0x10]  }
0x17a: {  	v10 =	vld [tilespmem:s3+$0x0]  }
0x17b: {  	v12 =	vld [tilespmem:s21+$0x0]  }
0x17c: {  	v8 =	vld [tilespmem:s21+$0xFFFFFFF0]  }
0x17d: {  	v6 =	vld [tilespmem:s3+$0xFFFFFFF0];
	v0 =	vpop (erf)  }
0x17e: {  	v5 =	vpop (erf);
	v3 =	vadd.f32 v3, v1  }
0x17f: {  	s31 =	simm.s32 $0x4B20;
	v2 =	vnsel vm0, $0x0, v0;
	v7 =	vpop (erf)  }
0x180: {  	s17 =	simm.s32 $0x1B80;
	v10 =	vadd.f32 v12, v10;
	v4 =	vld [tilespmem:s21+$0xFFFFFFE0];
	[tilespmem:s31+$0x10] =	vst v2;
	v13 =	vnsel vm0, $0x0, v5;
	v15 =	vmul.f32 $2.000000030e-01, v3;
	v9 =	vpop (erf)  }
0x181: {  	v2 =	vld [tilespmem:s17+$0x70];
	[tilespmem:s31+$0xFFFFFFF0] =	vst v13;
	vm1 =	vge.f32 v3, $0.0e+00;
	v11 =	vnsel vm0, $0x0, v9  }
0x182: {  	v6 =	vadd.f32 v8, v6;
	v3 =	vsel vm1, v3, v15;
	v15 =	vmul.f32 $2.000000030e-01, v10;
	[tilespmem:s31+$0xFFFFFFE0] =	vst v11;
	v11 =	vld [tilespmem:s3+$0xFFFFFFE0]  }
0x183: {  	vm2 =	vge.f32 v10, $0.0e+00;
	v14 =	vbroadcast v5, $0x0;
	v17 =	vld [tilespmem:s17+$0xFFFFFFD0];
	v5 =	vnsel vm0, $0x0, v7  }
0x184: {  	v13 =	vmul.f32 $2.000000030e-01, v6;
	v3 =	vmul.f32 $1.442695020e+00, v3;
	[tilespmem:s31+$0x0] =	vst v5;
	v5 =	vsel vm2, v10, v15;
	v15 =	vld [tilespmem:s17+$0xFFFFFFF0]  }
0x185: {  	vm1 =	vge.f32 v6, $0.0e+00;
	v16 =	vld [tilespmem:s17+$0xFFFFFF80]  }
0x186: {  	v0 =	vbroadcast v0, $0x0;
	v8 =	vld [tilespmem:s17+$0xFFFFFFA0];
	(erf) = vpow2.f32 v3;
	v3 =	vsel vm1, v6, v13  }
0x187: {  	v1 =	vbroadcast v7, $0x0;
	v7 =	vld [tilespmem:s17+$0xFFFFFF90];
	v3 =	vmul.f32 $1.442695020e+00, v3;
	v4 =	vadd.f32 v4, v11  }
0x188: {  	v9 =	vbroadcast v9, $0x0;
	v12 =	vld [tilespmem:s17+$0xFFFFFFB0];
	v5 =	vmul.f32 $1.442695020e+00, v5  }
0x189: {  	(erf) = vpow2.f32 v3;
	v11 =	vld [tilespmem:s17+$0xFFFFFFC0];
	v6 =	vmul.f32 $2.000000030e-01, v4  }
0x18a: {  	v2 =	vmul.f32 v2, v0;
	v13 =	vld [tilespmem:s17+$0xFFFFFFE0];
	(erf) = vpow2.f32 v5;
	vm3 =	vge.f32 v4, $0.0e+00  }
0x18b: {  	v63 =	vld [tilespmem:s17+$0x10];
	v10 =	vmul.f32 v9, v16;
	v5 =	vmul.f32 v9, v8;
	v4 =	vsel vm3, v4, v6  }
0x18c: {  	[tilespmem:s17+$0x70] =	vst v2;
	v6 =	vmul.f32 v9, v7;
	v7 =	vld [tilespmem:s17+$0x0];
	v2 =	vmul.f32 $1.442695020e+00, v4  }
0x18d: {  	v3 =	vld [tilespmem:s17+$0x20];
	[tilespmem:s17+$0xFFFFFF80] =	vst v10  }
0x18e: {  	[tilespmem:s17+$0xFFFFFFA0] =	vst v5;
	v4 =	vld [tilespmem:s17+$0x30];
	v10 =	vmul.f32 v14, v11;
	(erf) = vpow2.f32 v2  }
0x18f: {  	v5 =	vld [tilespmem:s17+$0x40];
	v11 =	vmul.f32 v14, v13;
	[tilespmem:s17+$0xFFFFFF90] =	vst v6;
	v2 =	vmul.f32 v12, v9  }
0x190: {  	s22 =	simm.s32 $0x1E0;
	s28 =	simm.s32 $0x120;
	v6 =	vld [tilespmem:s17+$0x50];
	v12 =	vmul.f32 v14, v17;
	v9 =	vmul.f32 v15, v14;
	[tilespmem:s17+$0xFFFFFFC0] =	vst v10  }
0x191: {  	s2 =	simm.s32 $0x1B80;
	s1 =	simm.s32 $0x3A0;
	s3 =	simm.s32 $0x4;
	v8 =	vpop (erf);
	[tilespmem:s17+$0xFFFFFFB0] =	vst v2;
	v10 =	vmul.f32 v1, v7;
	v2 =	vmul.f32 v1, v63;
	v7 =	vld [tilespmem:s17+$0x60]  }
.LBB2_7:
0x192: {  	v13 =	vld [tilespmem:s1+$0x10];
	v14 =	vnsel vm0, $0x0, v8;
	s21 =	sadd.s32 $0x40, s21;
	[tilespmem:s17+$0xFFFFFFD0] =	vst v12;
	v3 =	vmul.f32 v1, v3;
	s31 =	sadd.s32 $0x40, s31  }
0x193: {  	s17 =	sadd.s32 $0x100, s17;
	v12 =	vld [tilespmem:s21+$0x10];
	[tilespmem:s31+$0x10] =	vst v14;
	v4 =	vmul.f32 v4, v1  }
0x194: {  	s3 =	sadd.s32 $0x4, s3;
	v14 =	vld [tilespmem:s17+$0x70];
	[tilespmem:s2+$0xFFFFFFE0] =	vst v11;
	v5 =	vmul.f32 v0, v5  }
0x195: {  	p0 =	slt.u32 s3, $0x5C;
	v11 =	vld [tilespmem:s21+$0xFFFFFFE0];
	v1 =	vpop (erf);
	[tilespmem:s2+$0xFFFFFFF0] =	vst v9;
	v6 =	vmul.f32 v0, v6  }
0x196: {  	v9 =	vld [tilespmem:s1+$0xFFFFFFF0];
	v15 =	vnsel vm0, $0x0, v1;
	v16 =	vbroadcast v1, $0x0;
	v1 =	vpop (erf);
	[tilespmem:s2+$0x0] =	vst v10;
	v7 =	vmul.f32 v0, v7  }
0x197: {  	v0 =	vbroadcast v8, $0x0;
	v10 =	vld [tilespmem:s21+$0xFFFFFFF0];
	[tilespmem:s31+$0xFFFFFFF0] =	vst v15;
	v15 =	vnsel vm0, $0x0, v1;
	v1 =	vbroadcast v1, $0x0;
	v8 =	vpop (erf)  }
0x198: {  	v17 =	vld [tilespmem:s1+$0x0];
	v18 =	vnsel vm0, $0x0, v8;
	v8 =	vbroadcast v8, $0x0;
	[tilespmem:s31+$0x0] =	vst v15  }
0x199: {  	v12 =	vadd.f32 v12, v13;
	v15 =	vld [tilespmem:s21+$0x0];
	[tilespmem:s31+$0xFFFFFFE0] =	vst v18;
	v13 =	vmul.f32 v14, v0  }
0x19a: {  	v14 =	vld [tilespmem:s1+$0xFFFFFFE0];
	[tilespmem:s2+$0x10] =	vst v2  }
0x19b: {  	v2 =	vmul.f32 $2.000000030e-01, v12;
	v18 =	vld [tilespmem:s17+$0xFFFFFF80];
	[tilespmem:s17+$0x70] =	vst v13  }
0x19c: {  	vm1 =	vge.f32 v12, $0.0e+00;
	v9 =	vadd.f32 v10, v9;
	v10 =	vld [tilespmem:s17+$0xFFFFFF90];
	[tilespmem:s2+$0x20] =	vst v3  }
0x19d: {  	v2 =	vsel vm1, v12, v2;
	v3 =	vld [tilespmem:s17+$0xFFFFFFA0];
	[tilespmem:s2+$0x30] =	vst v4  }
0x19e: {  	v2 =	vmul.f32 $1.442695020e+00, v2;
	v4 =	vmul.f32 $2.000000030e-01, v9;
	v12 =	vadd.f32 v15, v17;
	v13 =	vld [tilespmem:s17+$0xFFFFFFB0];
	[tilespmem:s2+$0x40] =	vst v5  }
0x19f: {  	vm1 =	vge.f32 v9, $0.0e+00;
	v5 =	vadd.f32 v11, v14;
	v11 =	vld [tilespmem:s17+$0xFFFFFFC0];
	[tilespmem:s2+$0x50] =	vst v6  }
0x1a0: {  	vm2 =	vge.f32 v12, $0.0e+00;
	v6 =	vmul.f32 $2.000000030e-01, v12;
	(erf) = vpow2.f32 v2;
	v2 =	vld [tilespmem:s17+$0xFFFFFFD0];
	[tilespmem:s2+$0x60] =	vst v7;
	s2 =	smov.u32 s17  }
0x1a1: {  	v4 =	vsel vm1, v9, v4;
	vm3 =	vge.f32 v5, $0.0e+00;
	v7 =	vmul.f32 $2.000000030e-01, v5;
	v9 =	vld [tilespmem:s17+$0xFFFFFFE0]  }
0x1a2: {  	v4 =	vmul.f32 $1.442695020e+00, v4;
	v6 =	vsel vm2, v12, v6;
	v12 =	vmul.f32 v8, v18;
	v14 =	vld [tilespmem:s17+$0xFFFFFFF0]  }
0x1a3: {  	v5 =	vsel vm3, v5, v7;
	v6 =	vmul.f32 $1.442695020e+00, v6;
	v7 =	vmul.f32 v8, v10;
	v10 =	vld [tilespmem:s17+$0x0]  }
0x1a4: {  	v5 =	vmul.f32 $1.442695020e+00, v5;
	(erf) = vpow2.f32 v4;
	[tilespmem:s17+$0xFFFFFF80] =	vst v12;
	v15 =	vld [tilespmem:s17+$0x10]  }
.Ltmp2:
0x1a5: {  	(erf) = vpow2.f32 v6;
	[tilespmem:s17+$0xFFFFFF90] =	vst v7;
	v6 =	vmul.f32 v8, v3;
	v3 =	vld [tilespmem:s17+$0x20];
	(pc) =	sbr.rel @p0 .LBB2_7-.Ltmp2, $4  }
0x1a6: {  	v7 =	vmul.f32 v13, v8;
	(erf) = vpow2.f32 v5;
	v4 =	vld [tilespmem:s17+$0x30]  }
0x1a7: {  	v13 =	vmul.f32 v16, v11;
	v12 =	vmul.f32 v16, v2;
	[tilespmem:s17+$0xFFFFFFA0] =	vst v6;
	v5 =	vld [tilespmem:s17+$0x40]  }
0x1a8: {  	v11 =	vmul.f32 v16, v9;
	v9 =	vmul.f32 v14, v16;
	[tilespmem:s17+$0xFFFFFFB0] =	vst v7;
	v6 =	vld [tilespmem:s17+$0x50]  }
0x1a9: {  	s1 =	sadd.s32 $0x40, s1;
	v10 =	vmul.f32 v1, v10;
	v8 =	vpop (erf);
	[tilespmem:s17+$0xFFFFFFC0] =	vst v13;
	v2 =	vmul.f32 v1, v15;
	v7 =	vld [tilespmem:s17+$0x60]  }
0x1aa: {  	v13 =	vnsel vm0, $0x0, v8;
	[tilespmem:s17+$0xFFFFFFD0] =	vst v12;
	s3 =	sadd.s32 $0x40, s31  }
0x1ab: {  	[tilespmem:s3+$0x10] =	vst v13  }
0x1ac: {  	[tilespmem:s2+$0xFFFFFFE0] =	vst v11  }
0x1ad: {  	[tilespmem:s2+$0xFFFFFFF0] =	vst v9  }
0x1ae: {  	s1 =	sadd.s32 $0x100, s17;
	[tilespmem:s2+$0x0] =	vst v10;
	v11 =	vpop (erf)  }
0x1af: {  	[tilespmem:s2+$0x10] =	vst v2;
	v12 =	vld [tilespmem:s1+$0x70];
	v6 =	vmul.f32 v0, v6;
	v9 =	vnsel vm0, $0x0, v11;
	v13 =	vpop (erf)  }
0x1b0: {  	[tilespmem:s3+$0xFFFFFFF0] =	vst v9;
	v10 =	vpop (erf)  }
0x1b1: {  	v3 =	vmul.f32 v1, v3;
	[tilespmem:s2+$0x50] =	vst v6;
	v14 =	vnsel vm0, $0x0, v10  }
0x1b2: {  	v8 =	vbroadcast v8, $0x0;
	v6 =	vld [tilespmem:s1+$0xFFFFFFD0];
	[tilespmem:s3+$0xFFFFFFE0] =	vst v14  }
0x1b3: {  	v1 =	vmul.f32 v4, v1;
	[tilespmem:s2+$0x20] =	vst v3;
	v9 =	vnsel vm0, $0x0, v13;
	v2 =	vld [tilespmem:s1+$0xFFFFFF80]  }
0x1b4: {  	v5 =	vmul.f32 v0, v5;
	[tilespmem:s3+$0x0] =	vst v9;
	v9 =	vmul.f32 v12, v8;
	v4 =	vld [tilespmem:s1+$0xFFFFFF90]  }
0x1b5: {  	[tilespmem:s2+$0x30] =	vst v1;
	v0 =	vmul.f32 v0, v7;
	v7 =	vbroadcast v11, $0x0;
	v3 =	vld [tilespmem:s1+$0xFFFFFFA0]  }
0x1b6: {  	v1 =	vld [tilespmem:s1+$0xFFFFFFB0];
	[tilespmem:s1+$0x70] =	vst v9;
	v9 =	vbroadcast v10, $0x0  }
0x1b7: {  	[tilespmem:s2+$0x40] =	vst v5;
	v5 =	vld [tilespmem:s1+$0xFFFFFFC0];
	v6 =	vmul.f32 v7, v6  }
0x1b8: {  	[tilespmem:s2+$0x60] =	vst v0;
	v0 =	vld [tilespmem:s1+$0xFFFFFFE0];
	v2 =	vmul.f32 v9, v2  }
0x1b9: {  	v10 =	vld [tilespmem:s1+$0xFFFFFFF0];
	v4 =	vmul.f32 v9, v4;
	[tilespmem:s1+$0xFFFFFFD0] =	vst v6  }
0x1ba: {  	[tilespmem:s1+$0xFFFFFF80] =	vst v2;
	v2 =	vmul.f32 v9, v3;
	v3 =	vld [tilespmem:s1+$0x0]  }
0x1bb: {  	v1 =	vmul.f32 v1, v9;
	[tilespmem:s1+$0xFFFFFF90] =	vst v4;
	v4 =	vld [tilespmem:s1+$0x10]  }
0x1bc: {  	[tilespmem:s1+$0xFFFFFFA0] =	vst v2;
	v2 =	vmul.f32 v7, v5;
	v5 =	vld [tilespmem:s1+$0x20]  }
0x1bd: {  	v0 =	vmul.f32 v7, v0;
	[tilespmem:s1+$0xFFFFFFB0] =	vst v1;
	v1 =	vbroadcast v13, $0x0;
	v9 =	vld [tilespmem:s1+$0x30]  }
0x1be: {  	v7 =	vmul.f32 v10, v7;
	[tilespmem:s1+$0xFFFFFFC0] =	vst v2;
	v2 =	vld [tilespmem:s1+$0x40]  }
0x1bf: {  	v6 =	vld [tilespmem:s1+$0x50];
	[tilespmem:s1+$0xFFFFFFE0] =	vst v0;
	v3 =	vmul.f32 v1, v3  }
0x1c0: {  	[tilespmem:s1+$0xFFFFFFF0] =	vst v7;
	v0 =	vmul.f32 v1, v4;
	v4 =	vld [tilespmem:s1+$0x60]  }
0x1c1: {  	v5 =	vmul.f32 v1, v5;
	[tilespmem:s1+$0x0] =	vst v3  }
0x1c2: {  	v1 =	vmul.f32 v9, v1;
	[tilespmem:s1+$0x10] =	vst v0  }
0x1c3: {  	v0 =	vmul.f32 v8, v2;
	[tilespmem:s1+$0x20] =	vst v5  }
0x1c4: {  	v2 =	vmul.f32 v8, v6;
	[tilespmem:s1+$0x30] =	vst v1  }
0x1c5: {  	v1 =	vmul.f32 v8, v4;
	[tilespmem:s1+$0x40] =	vst v0  }
0x1c6: {  	[tilespmem:s1+$0x50] =	vst v2  }
0x1c7: {  	s17 =	simm.s32 $0x240;
	s2 =	rddreg [dreg:$0x3];
	s3 =	simm.s32 $0x4B00;
	[tilespmem:s1+$0x60] =	vst v1  }
0x1c8: {  	[spmem:s2] =	stream.indirect.scatter.add.f32 [tilespmem:s3], [sflag:$0xB], $0x10, s17, s26, $0xb8;
	[tilespmem:$0x11C80] =	vst v63  }
0x1c9: {  	_ =	swait.ge [sflag:s4], $0x600  }
0x1ca: {  	[sflag:s4] =	ssyncset.done $0x0  }
0x1cb: {  	[sflag:s4] =	ssyncadd.s32 $0xFFFFFA00  }
0x1cc: {  	s2 =	simm.s32 $0x1B00;
	s21 =	rddreg [dreg:$0x2]  }
0x1cd: {  	[spmem:s21] =	stream.indirect.scatter.add.f32 [tilespmem:s2], [sflag:$0xB], $0x40, s17, s26, $0xb8;
	[tilespmem:$0x11C80] =	vst v63  }
0x1ce: {  	_ =	swait.ge [sflag:s4], $0x1800  }
0x1cf: {  	[sflag:s4] =	ssyncset.done $0x0  }
0x1d0: {  	[sflag:s4] =	ssyncadd.s32 $0xFFFFE800  }
0x1d1: {  	_ =	swait.ge [sflag:s24], $0x600  }
0x1d2: {  	[sflag:s24] =	ssyncset.done $0x0  }
0x1d3: {  	[sflag:s24] =	ssyncadd.s32 $0xFFFFFA00  }
0x1d4: {  	_ =	swait.ge [sflag:s18], $0x600  }
0x1d5: {  	[sflag:s18] =	ssyncset.done $0x0  }
0x1d6: {  	[sflag:s18] =	ssyncadd.s32 $0xFFFFFA00  }
0x1d7: {  	_ =	swait.ge [sflag:s19], $0x1800  }
0x1d8: {  	[sflag:s19] =	ssyncset.done $0x0  }
0x1d9: {  	[sflag:s19] =	ssyncadd.s32 $0xFFFFE800  }
0x1da: {  	_ =	swait.ge [sflag:s29], $0x60  }
0x1db: {  	[sflag:s29] =	ssyncset.done $0x0  }
0x1dc: {  	[sflag:s29] =	ssyncadd.s32 $0xFFFFFFA0  }
0x1dd: {  	_ =	swait.ge [sflag:s29], $0x60  }
0x1de: {  	[sflag:s29] =	ssyncset.done $0x0  }
0x1df: {  	s3 =	simm.s32 $0x300;
	[sflag:s29] =	ssyncadd.s32 $0xFFFFFFA0  }
0x1e0: {  	[tilespmem:s3], [sflag:$0x1] =	stream.indirect.gather [hbm4b:s6+s26], $0x10, s5, s26, $0xb8;
	[tilespmem:$0x11C80] =	vst v63  }
0x1e1: {  	s17 =	simm.s32 $0xF00  }
0x1e2: {  	[tilespmem:s17], [sflag:$0x2] =	stream.indirect.gather [hbm4b:s7+s26], $0x10, s25, s26, $0xb8;
	[tilespmem:$0x11C80] =	vst v63  }
0x1e3: {  	s21 =	rddreg [dreg:$0x0]  }
0x1e4: {  	[tilespmem:s2], [sflag:$0x3] =	stream.indirect.gather [hbm4b:s21+s26], $0x40, s5, s26, $0xb8;
	[tilespmem:$0x11C80] =	vst v63  }
0x1e5: {  	s2 =	rddreg [dreg:$0x10]  }
0x1e6: {  	s1 =	sadd.s32 s30, s2  }
0x1e7: {  	s1 =	sshrl.u32 s1, $0x3  }
0x1e8: {  	s3 =	sadd.s32 s8, s1  }
0x1e9: {  	[tilespmem:s26], [sflag:$0x8] =	stream.linear.gather [hbm4b:s3+s5], $0x60, $0x38;
	[tilespmem:$0x11C80] =	vst v63  }
0x1ea: {  	s17 =	simm.s32 $0x920;
	s1 =	sadd.s32 s9, s1  }
0x1eb: {  	[tilespmem:s22], [sflag:$0x8] =	stream.linear.gather [hbm4b:s1+s5], $0x60, $0x38;
	[tilespmem:$0x11C80] =	vst v63  }
0x1ec: {  	s21 =	simm.s32 $0x1520;
	v0 =	vld [tilespmem:s17+$0x10]  }
0x1ed: {  	v1 =	vld [tilespmem:s21+$0x10]  }
0x1ee: {  	v2 =	vld [tilespmem:s21+$0xFFFFFFE0]  }
0x1ef: {  	v3 =	vld [tilespmem:s17+$0xFFFFFFF0]  }
0x1f0: {  	v4 =	vld [tilespmem:s21+$0xFFFFFFF0]  }
0x1f1: {  	v5 =	vld [tilespmem:s17+$0x0]  }
0x1f2: {  	v0 =	vadd.f32 v1, v0;
	v1 =	vld [tilespmem:s21+$0x0]  }
0x1f3: {  	v6 =	vld [tilespmem:s17+$0xFFFFFFE0]  }
0x1f4: {  	v7 =	vmul.f32 $2.000000030e-01, v0  }
0x1f5: {  	vm1 =	vge.f32 v0, $0.0e+00  }
0x1f6: {  	v3 =	vadd.f32 v4, v3;
	v0 =	vsel vm1, v0, v7  }
0x1f7: {  	v0 =	vmul.f32 $1.442695020e+00, v0;
	v1 =	vadd.f32 v1, v5  }
0x1f8: {  	v2 =	vadd.f32 v2, v6;
	v4 =	vmul.f32 $2.000000030e-01, v3  }
0x1f9: {  	vm1 =	vge.f32 v3, $0.0e+00;
	(erf) = vpow2.f32 v0;
	v0 =	vmul.f32 $2.000000030e-01, v1  }
0x1fa: {  	v5 =	vmul.f32 $2.000000030e-01, v2;
	v3 =	vsel vm1, v3, v4;
	vm2 =	vge.f32 v1, $0.0e+00  }
0x1fb: {  	vm1 =	vge.f32 v2, $0.0e+00;
	v3 =	vmul.f32 $1.442695020e+00, v3;
	v0 =	vsel vm2, v1, v0  }
0x1fc: {  	v1 =	vsel vm1, v2, v5;
	v0 =	vmul.f32 $1.442695020e+00, v0  }
0x1fd: {  	(erf) = vpow2.f32 v3;
	v1 =	vmul.f32 $1.442695020e+00, v1  }
0x1fe: {  	(erf) = vpow2.f32 v0  }
0x1ff: {  	s21 =	simm.s32 $0x1560;
	(erf) = vpow2.f32 v1  }
0x200: {  	s3 =	simm.s32 $0x960;
	v3 =	vld [tilespmem:s21+$0x10]  }
0x201: {  	v1 =	vld [tilespmem:s3+$0x10]  }
0x202: {  	v10 =	vld [tilespmem:s3+$0x0]  }
0x203: {  	v12 =	vld [tilespmem:s21+$0x0]  }
0x204: {  	v6 =	vld [tilespmem:s3+$0xFFFFFFF0]  }
0x205: {  	v8 =	vld [tilespmem:s21+$0xFFFFFFF0];
	v0 =	vpop (erf)  }
0x206: {  	v5 =	vpop (erf);
	v3 =	vadd.f32 v3, v1  }
0x207: {  	s30 =	simm.s32 $0x5120;
	v2 =	vnsel vm0, $0x0, v0;
	v7 =	vpop (erf)  }
0x208: {  	s17 =	simm.s32 $0x3380;
	v4 =	vld [tilespmem:s21+$0xFFFFFFE0];
	v10 =	vadd.f32 v12, v10;
	[tilespmem:s30+$0x10] =	vst v2;
	v13 =	vnsel vm0, $0x0, v5;
	v15 =	vmul.f32 $2.000000030e-01, v3;
	v9 =	vpop (erf)  }
0x209: {  	v2 =	vld [tilespmem:s17+$0x70];
	[tilespmem:s30+$0xFFFFFFF0] =	vst v13;
	vm1 =	vge.f32 v3, $0.0e+00;
	v11 =	vnsel vm0, $0x0, v9  }
0x20a: {  	v6 =	vadd.f32 v8, v6;
	v3 =	vsel vm1, v3, v15;
	v15 =	vmul.f32 $2.000000030e-01, v10;
	[tilespmem:s30+$0xFFFFFFE0] =	vst v11;
	v11 =	vld [tilespmem:s3+$0xFFFFFFE0]  }
0x20b: {  	vm2 =	vge.f32 v10, $0.0e+00;
	v14 =	vbroadcast v5, $0x0;
	v17 =	vld [tilespmem:s17+$0xFFFFFFD0];
	v5 =	vnsel vm0, $0x0, v7  }
0x20c: {  	v13 =	vmul.f32 $2.000000030e-01, v6;
	v3 =	vmul.f32 $1.442695020e+00, v3;
	[tilespmem:s30+$0x0] =	vst v5;
	v5 =	vsel vm2, v10, v15;
	v15 =	vld [tilespmem:s17+$0xFFFFFFF0]  }
0x20d: {  	vm1 =	vge.f32 v6, $0.0e+00;
	v16 =	vld [tilespmem:s17+$0xFFFFFF80]  }
0x20e: {  	v0 =	vbroadcast v0, $0x0;
	v8 =	vld [tilespmem:s17+$0xFFFFFFA0];
	(erf) = vpow2.f32 v3;
	v3 =	vsel vm1, v6, v13  }
0x20f: {  	v1 =	vbroadcast v7, $0x0;
	v7 =	vld [tilespmem:s17+$0xFFFFFF90];
	v3 =	vmul.f32 $1.442695020e+00, v3;
	v4 =	vadd.f32 v4, v11  }
0x210: {  	v9 =	vbroadcast v9, $0x0;
	v12 =	vld [tilespmem:s17+$0xFFFFFFB0];
	v5 =	vmul.f32 $1.442695020e+00, v5  }
0x211: {  	(erf) = vpow2.f32 v3;
	v11 =	vld [tilespmem:s17+$0xFFFFFFC0];
	v6 =	vmul.f32 $2.000000030e-01, v4  }
0x212: {  	v2 =	vmul.f32 v2, v0;
	v13 =	vld [tilespmem:s17+$0xFFFFFFE0];
	(erf) = vpow2.f32 v5;
	vm3 =	vge.f32 v4, $0.0e+00  }
0x213: {  	v63 =	vld [tilespmem:s17+$0x10];
	v10 =	vmul.f32 v9, v16;
	v5 =	vmul.f32 v9, v8;
	v4 =	vsel vm3, v4, v6  }
0x214: {  	[tilespmem:s17+$0x70] =	vst v2;
	v6 =	vmul.f32 v9, v7;
	v7 =	vld [tilespmem:s17+$0x0];
	v2 =	vmul.f32 $1.442695020e+00, v4  }
0x215: {  	v3 =	vld [tilespmem:s17+$0x20];
	[tilespmem:s17+$0xFFFFFF80] =	vst v10  }
0x216: {  	[tilespmem:s17+$0xFFFFFFA0] =	vst v5;
	v4 =	vld [tilespmem:s17+$0x30];
	v10 =	vmul.f32 v14, v11;
	(erf) = vpow2.f32 v2  }
0x217: {  	v5 =	vld [tilespmem:s17+$0x40];
	v11 =	vmul.f32 v14, v13;
	[tilespmem:s17+$0xFFFFFF90] =	vst v6;
	v2 =	vmul.f32 v12, v9  }
0x218: {  	s0 =	simm.s32 $0x240;
	s31 =	simm.s32 $0x1B00;
	v6 =	vld [tilespmem:s17+$0x50];
	v12 =	vmul.f32 v14, v17;
	v9 =	vmul.f32 v15, v14;
	[tilespmem:s17+$0xFFFFFFC0] =	vst v10  }
0x219: {  	s2 =	simm.s32 $0x3380;
	s1 =	simm.s32 $0x9A0;
	s3 =	simm.s32 $0x4;
	v8 =	vpop (erf);
	[tilespmem:s17+$0xFFFFFFB0] =	vst v2;
	v10 =	vmul.f32 v1, v7;
	v2 =	vmul.f32 v1, v63;
	v7 =	vld [tilespmem:s17+$0x60]  }
.LBB2_9:
0x21a: {  	v13 =	vld [tilespmem:s1+$0x10];
	v14 =	vnsel vm0, $0x0, v8;
	s21 =	sadd.s32 $0x40, s21;
	[tilespmem:s17+$0xFFFFFFD0] =	vst v12;
	v3 =	vmul.f32 v1, v3;
	s30 =	sadd.s32 $0x40, s30  }
0x21b: {  	s17 =	sadd.s32 $0x100, s17;
	v12 =	vld [tilespmem:s21+$0x10];
	[tilespmem:s30+$0x10] =	vst v14;
	v4 =	vmul.f32 v4, v1  }
0x21c: {  	s3 =	sadd.s32 $0x4, s3;
	v14 =	vld [tilespmem:s17+$0x70];
	[tilespmem:s2+$0xFFFFFFE0] =	vst v11;
	v5 =	vmul.f32 v0, v5  }
0x21d: {  	p0 =	slt.u32 s3, $0x5C;
	v11 =	vld [tilespmem:s21+$0xFFFFFFE0];
	v1 =	vpop (erf);
	[tilespmem:s2+$0xFFFFFFF0] =	vst v9;
	v6 =	vmul.f32 v0, v6  }
0x21e: {  	v9 =	vld [tilespmem:s1+$0xFFFFFFF0];
	v15 =	vnsel vm0, $0x0, v1;
	v16 =	vbroadcast v1, $0x0;
	v1 =	vpop (erf);
	[tilespmem:s2+$0x0] =	vst v10;
	v7 =	vmul.f32 v0, v7  }
0x21f: {  	v0 =	vbroadcast v8, $0x0;
	v10 =	vld [tilespmem:s21+$0xFFFFFFF0];
	[tilespmem:s30+$0xFFFFFFF0] =	vst v15;
	v15 =	vnsel vm0, $0x0, v1;
	v1 =	vbroadcast v1, $0x0;
	v8 =	vpop (erf)  }
0x220: {  	v17 =	vld [tilespmem:s1+$0x0];
	v18 =	vnsel vm0, $0x0, v8;
	v8 =	vbroadcast v8, $0x0;
	[tilespmem:s30+$0x0] =	vst v15  }
0x221: {  	v12 =	vadd.f32 v12, v13;
	v15 =	vld [tilespmem:s21+$0x0];
	[tilespmem:s30+$0xFFFFFFE0] =	vst v18;
	v13 =	vmul.f32 v14, v0  }
0x222: {  	v14 =	vld [tilespmem:s1+$0xFFFFFFE0];
	[tilespmem:s2+$0x10] =	vst v2  }
0x223: {  	v2 =	vmul.f32 $2.000000030e-01, v12;
	v18 =	vld [tilespmem:s17+$0xFFFFFF80];
	[tilespmem:s17+$0x70] =	vst v13  }
0x224: {  	vm1 =	vge.f32 v12, $0.0e+00;
	v9 =	vadd.f32 v10, v9;
	v10 =	vld [tilespmem:s17+$0xFFFFFF90];
	[tilespmem:s2+$0x20] =	vst v3  }
0x225: {  	v2 =	vsel vm1, v12, v2;
	v3 =	vld [tilespmem:s17+$0xFFFFFFA0];
	[tilespmem:s2+$0x30] =	vst v4  }
0x226: {  	v2 =	vmul.f32 $1.442695020e+00, v2;
	v4 =	vmul.f32 $2.000000030e-01, v9;
	v12 =	vadd.f32 v15, v17;
	v13 =	vld [tilespmem:s17+$0xFFFFFFB0];
	[tilespmem:s2+$0x40] =	vst v5  }
0x227: {  	vm1 =	vge.f32 v9, $0.0e+00;
	v5 =	vadd.f32 v11, v14;
	v11 =	vld [tilespmem:s17+$0xFFFFFFC0];
	[tilespmem:s2+$0x50] =	vst v6  }
0x228: {  	vm2 =	vge.f32 v12, $0.0e+00;
	v6 =	vmul.f32 $2.000000030e-01, v12;
	(erf) = vpow2.f32 v2;
	v2 =	vld [tilespmem:s17+$0xFFFFFFD0];
	[tilespmem:s2+$0x60] =	vst v7;
	s2 =	smov.u32 s17  }
0x229: {  	v4 =	vsel vm1, v9, v4;
	vm3 =	vge.f32 v5, $0.0e+00;
	v7 =	vmul.f32 $2.000000030e-01, v5;
	v9 =	vld [tilespmem:s17+$0xFFFFFFE0]  }
0x22a: {  	v4 =	vmul.f32 $1.442695020e+00, v4;
	v6 =	vsel vm2, v12, v6;
	v12 =	vmul.f32 v8, v18;
	v14 =	vld [tilespmem:s17+$0xFFFFFFF0]  }
0x22b: {  	v5 =	vsel vm3, v5, v7;
	v6 =	vmul.f32 $1.442695020e+00, v6;
	v7 =	vmul.f32 v8, v10;
	v10 =	vld [tilespmem:s17+$0x0]  }
0x22c: {  	v5 =	vmul.f32 $1.442695020e+00, v5;
	(erf) = vpow2.f32 v4;
	[tilespmem:s17+$0xFFFFFF80] =	vst v12;
	v15 =	vld [tilespmem:s17+$0x10]  }
.Ltmp3:
0x22d: {  	(erf) = vpow2.f32 v6;
	[tilespmem:s17+$0xFFFFFF90] =	vst v7;
	v6 =	vmul.f32 v8, v3;
	v3 =	vld [tilespmem:s17+$0x20];
	(pc) =	sbr.rel @p0 .LBB2_9-.Ltmp3, $4  }
0x22e: {  	v7 =	vmul.f32 v13, v8;
	(erf) = vpow2.f32 v5;
	v4 =	vld [tilespmem:s17+$0x30]  }
0x22f: {  	v13 =	vmul.f32 v16, v11;
	v12 =	vmul.f32 v16, v2;
	[tilespmem:s17+$0xFFFFFFA0] =	vst v6;
	v5 =	vld [tilespmem:s17+$0x40]  }
0x230: {  	v11 =	vmul.f32 v16, v9;
	v9 =	vmul.f32 v14, v16;
	[tilespmem:s17+$0xFFFFFFB0] =	vst v7;
	v6 =	vld [tilespmem:s17+$0x50]  }
0x231: {  	s1 =	sadd.s32 $0x40, s1;
	v10 =	vmul.f32 v1, v10;
	v8 =	vpop (erf);
	[tilespmem:s17+$0xFFFFFFC0] =	vst v13;
	v2 =	vmul.f32 v1, v15;
	v7 =	vld [tilespmem:s17+$0x60]  }
0x232: {  	v13 =	vnsel vm0, $0x0, v8;
	[tilespmem:s17+$0xFFFFFFD0] =	vst v12;
	s3 =	sadd.s32 $0x40, s30  }
0x233: {  	[tilespmem:s3+$0x10] =	vst v13  }
0x234: {  	[tilespmem:s2+$0xFFFFFFE0] =	vst v11  }
0x235: {  	[tilespmem:s2+$0xFFFFFFF0] =	vst v9  }
0x236: {  	v3 =	vmul.f32 v1, v3;
	[tilespmem:s2+$0x0] =	vst v10  }
0x237: {  	[tilespmem:s2+$0x10] =	vst v2;
	v39 =	vmul.f32 v4, v1  }
0x238: {  	s1 =	sadd.s32 $0x100, s17;
	v5 =	vmul.f32 v0, v5;
	[tilespmem:s2+$0x20] =	vst v3  }
0x239: {  	v29 =	vld [tilespmem:s1+$0x70];
	v30 =	vpop (erf);
	[tilespmem:s2+$0x30] =	vst v39  }
0x23a: {  	v57 =	vld [tilespmem:s1+$0x40];
	v6 =	vmul.f32 v0, v6;
	v31 =	vnsel vm0, $0x0, v30;
	[tilespmem:s2+$0x40] =	vst v5  }
0x23b: {  	v58 =	vld [tilespmem:s1+$0x50];
	v32 =	vpop (erf);
	[tilespmem:s3+$0xFFFFFFF0] =	vst v31  }
0x23c: {  	v34 =	vbroadcast v8, $0x0;
	v60 =	vld [tilespmem:s1+$0x60];
	v44 =	vmul.f32 v0, v7;
	v33 =	vnsel vm0, $0x0, v32;
	[tilespmem:s2+$0x50] =	vst v6  }
0x23d: {  	v35 =	vpop (erf);
	[tilespmem:s3+$0x0] =	vst v33;
	v45 =	vld [tilespmem:s1+$0xFFFFFFC0]  }
0x23e: {  	v36 =	vnsel vm0, $0x0, v35;
	v46 =	vld [tilespmem:s1+$0xFFFFFFD0];
	[tilespmem:s2+$0x60] =	vst v44;
	v37 =	vmul.f32 v29, v34  }
0x23f: {  	v47 =	vld [tilespmem:s1+$0xFFFFFFE0];
	[tilespmem:s3+$0xFFFFFFE0] =	vst v36;
	v61 =	vmul.f32 v34, v57  }
0x240: {  	v48 =	vbroadcast v30, $0x0;
	v49 =	vld [tilespmem:s1+$0xFFFFFFF0];
	v62 =	vmul.f32 v34, v58;
	[tilespmem:s1+$0x70] =	vst v37  }
0x241: {  	v51 =	vld [tilespmem:s1+$0x0];
	v63 =	vmul.f32 v34, v60;
	[tilespmem:s1+$0x40] =	vst v61  }
0x242: {  	v52 =	vld [tilespmem:s1+$0x10];
	[tilespmem:s1+$0x50] =	vst v62;
	v53 =	vmul.f32 v48, v45  }
0x243: {  	v54 =	vld [tilespmem:s1+$0x20];
	[tilespmem:s1+$0x60] =	vst v63;
	v6 =	vmul.f32 v48, v46  }
0x244: {  	v55 =	vbroadcast v32, $0x0;
	v38 =	vld [tilespmem:s1+$0xFFFFFF80];
	v0 =	vmul.f32 v48, v47;
	[tilespmem:s1+$0xFFFFFFC0] =	vst v53  }
0x245: {  	v40 =	vld [tilespmem:s1+$0xFFFFFF90];
	v7 =	vmul.f32 v49, v48;
	[tilespmem:s1+$0xFFFFFFD0] =	vst v6  }
0x246: {  	v43 =	vld [tilespmem:s1+$0xFFFFFFB0];
	v3 =	vmul.f32 v55, v51;
	[tilespmem:s1+$0xFFFFFFE0] =	vst v0  }
0x247: {  	v42 =	vbroadcast v35, $0x0;
	v41 =	vld [tilespmem:s1+$0xFFFFFFA0];
	v59 =	vmul.f32 v55, v52;
	[tilespmem:s1+$0xFFFFFFF0] =	vst v7  }
0x248: {  	v56 =	vld [tilespmem:s1+$0x30];
	v5 =	vmul.f32 v55, v54;
	[tilespmem:s1+$0x0] =	vst v3  }
0x249: {  	v2 =	vmul.f32 v42, v38;
	[tilespmem:s1+$0x10] =	vst v59  }
0x24a: {  	v4 =	vmul.f32 v42, v40;
	[tilespmem:s1+$0x20] =	vst v5  }
0x24b: {  	v1 =	vmul.f32 v43, v42;
	[tilespmem:s1+$0xFFFFFF80] =	vst v2  }
0x24c: {  	v50 =	vmul.f32 v42, v41;
	[tilespmem:s1+$0xFFFFFF90] =	vst v4  }
0x24d: {  	[tilespmem:s1+$0xFFFFFFB0] =	vst v1;
	v1 =	vmul.f32 v56, v55  }
0x24e: {  	[tilespmem:s1+$0xFFFFFFA0] =	vst v50  }
0x24f: {  	s17 =	rddreg [dreg:$0x3];
	s21 =	simm.s32 $0x5100;
	[tilespmem:s1+$0x30] =	vst v1  }
0x250: {  	[spmem:s17] =	stream.indirect.scatter.add.f32 [tilespmem:s21], [sflag:$0xB], $0x10, s14, s26, $0xb8;
	[tilespmem:$0x11C80] =	vst v63  }
0x251: {  	_ =	swait.ge [sflag:s4], $0x600  }
0x252: {  	s15 =	sadd.s32 $0x1, s15;
	[sflag:s4] =	ssyncset.done $0x0  }
0x253: {  	p0 =	sne.s32 s15, $0x1B;
	[sflag:s4] =	ssyncadd.s32 $0xFFFFFA00  }
.Ltmp4:
0x254: {  	s2 =	simm.s32 $0x3300;
	s30 =	rddreg [dreg:$0x2];
	(pc) =	sbr.rel @p0 .LBB2_2-.Ltmp4, $4  }
0x255: {  	[spmem:s30] =	stream.indirect.scatter.add.f32 [tilespmem:s2], [sflag:$0xB], $0x40, s14, s26, $0xb8;
	[tilespmem:$0x11C80] =	vst v63  }
0x256: {  	_ =	swait.ge [sflag:s4], $0x1800  }
0x257: {  	[sflag:s4] =	ssyncset.done $0x0  }
0x258: {  	[sflag:s4] =	ssyncadd.s32 $0xFFFFE800  }
0x259: {  	_ =	swait.ge [sflag:s10], $0x600  }
0x25a: {  	[sflag:s10] =	ssyncset.done $0x0  }
0x25b: {  	[sflag:s10] =	ssyncadd.s32 $0xFFFFFA00  }
0x25c: {  	_ =	swait.ge [sflag:s11], $0x600  }
0x25d: {  	[sflag:s11] =	ssyncset.done $0x0  }
0x25e: {  	[sflag:s11] =	ssyncadd.s32 $0xFFFFFA00  }
0x25f: {  	_ =	swait.ge [sflag:s12], $0x1800  }
0x260: {  	[sflag:s12] =	ssyncset.done $0x0  }
0x261: {  	[sflag:s12] =	ssyncadd.s32 $0xFFFFE800  }
0x262: {  	_ =	swait.ge [sflag:s13], $0x60  }
0x263: {  	[sflag:s13] =	ssyncset.done $0x0  }
0x264: {  	[sflag:s13] =	ssyncadd.s32 $0xFFFFFFA0  }
0x265: {  	_ =	swait.ge [sflag:s13], $0x60  }
0x266: {  	[sflag:s13] =	ssyncset.done $0x0  }
0x267: {  	[sflag:s13] =	ssyncadd.s32 $0xFFFFFFA0  }
0x268: {  	[bflag:$0x0] =	sbarrier.arrive $0xFFFF  }
0x269: {  	s1 =	rddreg [dreg:$0x11]  }
0x26a: {  	s3 =	rddreg [dreg:$0x15]  }
0x26b: {  	s15 =	rddreg [dreg:$0x16]  }
0x26c: {  	[hbm:s1], [sflag:s3] =	dma.local [spmem:s15], $0x13C0  }
0x26d: {  	_ =	swait.ge [sflag:s4], $0x13C0  }
0x26e: {  	[sflag:s4] =	ssyncset.done $0x0;
	s15 =	rddreg [dreg:$0x12]  }
0x26f: {  	s17 =	rddreg [dreg:$0x17];
	[sflag:s4] =	ssyncadd.s32 $0xFFFFEC40  }
0x270: {  	[hbm:s15], [sflag:s3] =	dma.local [spmem:s17], $0x4F0  }
0x271: {  	_ =	swait.ge [sflag:s4], $0x4F0  }
0x272: {  	s21 =	rddreg [dreg:$0x14]  }
0x273: {  	s30 =	rddreg [dreg:$0x13];
	s3 =	sadd.s32 $0x1, s21  }
0x274: {  	p0 =	sne.s32 s3, s30  }
.Ltmp5:
0x275: {  	_ = 	snop;
	(pc) =	sbr.rel @p0 .LBB2_1-.Ltmp5, $3  }
0x276: {  	_ =	sdelay $0x1  }
0x277: {  	[sflag:s4] =	ssyncset.done $0x0  }
0x278: {  	[sflag:s4] =	ssyncadd.s32 $0xFFFFFB10  }
0x279: {  	_ =	sfence.sel $0x180000  }
0x27a: {  	[bflag:$0x0] =	sbarrier.arrive $0xFFFF  }
0x27b: {  	_ =	strace $0x9000004A  }
0x27c: {  	s0 =	stileid.u32;
	[bflag:$0x2] =	sbarrier.arrive $0xFFFF  }
0x27d: {  	p0 =	sne.s32 s0, $0x0;
	s0 =	rddreg [dreg:$0x4]  }
0x27e: {  	s0 =	sadd.s32 @!p0 $0x100000, s0  }
0x27f: {  	[sflag:s0] =	ssyncadd.tile.s32 @!p0 $0x1;
	_ =	shalt  }
.Lfunc_end2:
_tile_overlayer_lowered:
.L_overlay_start_2:
0x280: {  	(tag) =	ssettag $0x2  }
0x281: {  	s0 =	rddreg [dreg:$0x0];
	s2 =	stileid.u32  }
0x282: {  	s1 =	rddreg [dreg:$0x1];
	p0 =	sne.s32 s2, $0x0  }
0x283: {  	s3 =	rddreg [dreg:$0x2];
	[bflag:$0x3] =	sbarrier.arrive $0xFFFF;
	s2 =	simm.s32 @!p0 $0x1C0B  }
0x284: {  	[timem:s3], [sflag:s2] =	dma.local @!p0 [hbm:s0], s1  }
0x285: {  	s0 =	simm.s32 @!p0 $0xB  }
0x286: {  	_ =	swait.ge @!p0 [sflag:s0], s1  }
0x287: {  	s1 =	ssub.s32 @!p0 $0x0, s1;
	[sflag:s0] =	ssyncset.done @!p0 $0x0  }
0x288: {  	[sflag:s0] =	ssyncadd.s32 @!p0 s1  }
0x289: {  	[bflag:$0x3] =	sbarrier.arrive $0xFFFF  }
0x28a: {  	_ =	shalt  }

</sc_bundles>
